<compile_context>
chip_gen: v7x
topology: tpu7x:2x2x1
jax: 0.10.2.dev20260603
libtpu: 0.0.44.dev20260713+nightly
codegen_flags: <defaults>
</compile_context>

<pallas_src>
import jax
import jax.numpy as jnp
from jax import lax
from jax.experimental import pallas as pl
from jax.experimental.pallas import tpu as pltpu
from jax.experimental.pallas import tpu_sc as plsc

M_PAD = 10240
K = 16
C_IN = 256
C_PE = 32
C_MID = 16
C_OUT = 256
ROWS = M_PAD * K
TM = 256
TROWS = TM * K
GRID = M_PAD // TM

_NSLICE = 4
SM = M_PAD // _NSLICE
SROWS = SM * K
SGRID = SM // TM

_NW = 32
_PER_W = SROWS // _NW
_PTS_W = SM // _NW
_CH = 128
_NSUP = _PER_W // _CH


def _sc_body(feat_tbl, xyz_tbl, dxyz_flat, idx_hbm,
             out_feat, out_lx,
             idx_all, f_a, f_b, xg_a, xg_b, dxt,
             sf_a, sf_b, sg_a, sg_b, sw_a, sw_b, sx_a, sx_b):
    f32 = jnp.float32
    wid = lax.axis_index("s") * 2 + lax.axis_index("c")
    rbase = pl.multiple_of(wid * _PER_W, _PER_W)

    pltpu.sync_copy(idx_hbm.at[pl.ds(rbase, _PER_W)], idx_all)
    pltpu.sync_copy(dxyz_flat.at[pl.ds(pl.multiple_of(wid * _PTS_W * 16,
                                                      _PTS_W * 16),
                                       _PTS_W * 16)], dxt)

    def issue_gathers(su, fbuf, xbuf, fsem, xsem):
        sl = idx_all.at[pl.ds(su * _CH, _CH)]
        hf = pltpu.async_copy(feat_tbl.at[sl], fbuf, fsem)
        hx = pltpu.async_copy(xyz_tbl.at[sl], xbuf, xsem)
        return hf, hx

    def lx_compute(su, xbuf):
        def rows8(r2, carry):
            for u in range(8):
                r = r2 * 8 + u
                p = su * 8 + (r >> 4)
                v = xbuf[r, pl.ds(0, 16)]
                d = dxt[pl.ds(p * 16, 16)]
                xbuf[r, pl.ds(0, 16)] = v - d
            return carry

        lax.fori_loop(0, _CH // 8, rows8, 0)

    def super_out(su, fbuf, xbuf, fsem, xsem):
        off = pl.multiple_of(rbase + su * _CH, _CH)
        wf = pltpu.async_copy(fbuf, out_feat.at[pl.ds(off, _CH)], fsem)
        wx = pltpu.async_copy(xbuf, out_lx.at[pl.ds(off, _CH)], xsem)
        return wf, wx

    def body(j, carry):
        su0 = 2 * j
        su1 = 2 * j + 1
        gf_a, gx_a = issue_gathers(su0, f_a, xg_a, sf_a, sg_a)
        gf_b, gx_b = issue_gathers(su1, f_b, xg_b, sf_b, sg_b)

        gf_a.wait()
        gx_a.wait()
        wf_a = pltpu.async_copy(
            f_a, out_feat.at[pl.ds(pl.multiple_of(rbase + su0 * _CH, _CH), _CH)],
            sw_a)
        lx_compute(su0, xg_a)
        wx_a = pltpu.async_copy(
            xg_a, out_lx.at[pl.ds(pl.multiple_of(rbase + su0 * _CH, _CH), _CH)],
            sx_a)

        gf_b.wait()
        gx_b.wait()
        wf_b = pltpu.async_copy(
            f_b, out_feat.at[pl.ds(pl.multiple_of(rbase + su1 * _CH, _CH), _CH)],
            sw_b)
        lx_compute(su1, xg_b)
        wx_b = pltpu.async_copy(
            xg_b, out_lx.at[pl.ds(pl.multiple_of(rbase + su1 * _CH, _CH), _CH)],
            sx_b)

        wf_a.wait()
        wx_a.wait()
        wf_b.wait()
        wx_b.wait()
        return carry

    lax.fori_loop(0, _NSUP // 2, body, 0)


def _sc_gather(feat_tbl, xyz_tbl, dxyz_flat, idx):
    f32 = jnp.float32
    sc_call = pl.kernel(
        _sc_body,
        out_type=[
            jax.ShapeDtypeStruct((SROWS, C_IN // 2), jnp.int32),
            jax.ShapeDtypeStruct((SROWS, 128), f32),
        ],
        mesh=plsc.VectorSubcoreMesh(core_axis_name="c", subcore_axis_name="s",
                                    num_cores=2),
        scratch_types=[
            pltpu.VMEM((_PER_W,), jnp.int32),
            pltpu.VMEM((_CH, C_IN // 2), jnp.int32),
            pltpu.VMEM((_CH, C_IN // 2), jnp.int32),
            pltpu.VMEM((_CH, 128), f32),
            pltpu.VMEM((_CH, 128), f32),
            pltpu.VMEM((_PTS_W * 16,), f32),
            pltpu.SemaphoreType.DMA,
            pltpu.SemaphoreType.DMA,
            pltpu.SemaphoreType.DMA,
            pltpu.SemaphoreType.DMA,
            pltpu.SemaphoreType.DMA,
            pltpu.SemaphoreType.DMA,
            pltpu.SemaphoreType.DMA,
            pltpu.SemaphoreType.DMA,
        ],
    )
    return sc_call(feat_tbl, xyz_tbl, dxyz_flat, idx)


def _tc_body(gf_ref, lx_ref,  df_ref,
             wpe1_ref, bpe1_ref, wpe2_ref, bpe2_ref,
             wn1_ref, bn1_ref, wn2_ref, bn2_ref, wn3_ref, bn3_ref,
             wps_ref, wpp_ref, lb_ref,
             out_ref, lxo_ref):
    f32 = jnp.float32
    lx8 = lx_ref[...][:, :8]
    lxo_ref[...] = lx8

    def dot(a, b):
        return jnp.dot(a, b, preferred_element_type=f32)

    h = jnp.maximum(dot(lx8, wpe1_ref[...]) + bpe1_ref[...], 0.0)
    fpe = jnp.maximum(dot(h, wpe2_ref[...]) + bpe2_ref[...], 0.0)
    w1 = jnp.maximum(dot(lx8, wn1_ref[...]) + bn1_ref[...], 0.0)
    w2 = jnp.maximum(dot(w1, wn2_ref[...]) + bn2_ref[...], 0.0)
    wgt = jnp.maximum(dot(w2, wn3_ref[...]) + bn3_ref[...], 0.0)

    wgtT = wgt.T
    NP = 16
    NG = TM // NP
    GR = NP * K
    col = lax.broadcasted_iota(jnp.int32, (NP, GR), 1)
    rowp = lax.broadcasted_iota(jnp.int32, (NP, GR), 0)
    maskp = (col // K == rowp).astype(f32)

    x = gf_ref[...]
    gf_lo = lax.bitcast_convert_type(x << 16, f32)
    gf_hi = lax.bitcast_convert_type(x & jnp.int32(-65536), f32)
    gf2 = jnp.concatenate([gf_lo, gf_hi], axis=1)
    r2s = []
    r2p = []
    for g in range(NG):
        o3 = (wgtT[:, None, g * GR:(g + 1) * GR] * maskp[None, :, :])
        o3r = o3.reshape(GR, GR)
        r2s.append(dot(o3r, gf2[g * GR:(g + 1) * GR, :]))
        r2p.append(dot(o3r, fpe[g * GR:(g + 1) * GR, :]))

    acc = jnp.zeros((TM, C_OUT), f32)
    for mid in range(C_MID):
        gm_s = jnp.concatenate(
            [r[mid * NP:(mid + 1) * NP, :] for r in r2s], axis=0)
        gm_p = jnp.concatenate(
            [r[mid * NP:(mid + 1) * NP, :] for r in r2p], axis=0)
        acc = acc + dot(gm_s, wps_ref[mid]) + dot(gm_p, wpp_ref[mid])
    out_ref[...] = jnp.maximum(acc + lb_ref[...], 0.0) + df_ref[...]


def _tc_call(gf, lx2d, df, wpe1, bpe1, wpe2, bpe2,
             wn1, bn1, wn2, bn2, wn3, bn3, wps, wpp, lb):
    const2 = lambda i: (0, 0)
    row = lambda i: (i, 0)
    return pl.pallas_call(
        _tc_body,
        grid=(SGRID,),
        in_specs=[
            pl.BlockSpec((TROWS, C_IN // 2), row),
            pl.BlockSpec((TROWS, 128), row),
            pl.BlockSpec((TM, C_OUT), row),
            pl.BlockSpec((8, 64), const2),
            pl.BlockSpec((1, 64), const2),
            pl.BlockSpec((64, 32), const2),
            pl.BlockSpec((1, 32), const2),
            pl.BlockSpec((8, 8), const2),
            pl.BlockSpec((1, 8), const2),
            pl.BlockSpec((8, 8), const2),
            pl.BlockSpec((1, 8), const2),
            pl.BlockSpec((8, 16), const2),
            pl.BlockSpec((1, 16), const2),
            pl.BlockSpec((C_MID, C_IN, C_OUT), lambda i: (0, 0, 0)),
            pl.BlockSpec((C_MID, C_PE, C_OUT), lambda i: (0, 0, 0)),
            pl.BlockSpec((1, C_OUT), const2),
        ],
        out_specs=[pl.BlockSpec((TM, C_OUT), row),
                   pl.BlockSpec((TROWS, 8), row)],
        out_shape=[jax.ShapeDtypeStruct((SM, C_OUT), jnp.float32),
                   jax.ShapeDtypeStruct((SROWS, 8), jnp.float32)],
    )(gf, lx2d, df, wpe1, bpe1, wpe2, bpe2,
      wn1, bn1, wn2, bn2, wn3, bn3, wps, wpp, lb)


def kernel(sparse_xyz, sparse_feats, nei_inds, sparse_xyz_norm, dense_xyz,
           dense_xyz_norm, dense_feats, pe_W1, pe_b1, pe_W2, pe_b2,
           wn_W1, wn_b1, wn_W2, wn_b2, wn_W3, wn_b3, lin_W, lin_b):
    B, M, Kk = nei_inds.shape
    f32 = jnp.float32

    fbits = jax.lax.bitcast_convert_type(
        sparse_feats[0].astype(jnp.bfloat16), jnp.uint16)
    lo = fbits[:, :C_IN // 2].astype(jnp.uint32)
    hi = fbits[:, C_IN // 2:].astype(jnp.uint32) << 16
    feat_tbl = jax.lax.bitcast_convert_type(lo | hi, jnp.int32)
    xyz_tbl = jnp.pad(sparse_xyz[0].astype(f32), ((0, 0), (0, 125)))
    dxyz_flat = jnp.pad(dense_xyz[0].astype(f32),
                        ((0, M_PAD - M), (0, 13))).reshape(-1)
    idx = nei_inds[0].astype(jnp.int32).reshape(-1)
    idx = jnp.pad(idx, (0, ROWS - idx.shape[0]))

    df = jnp.pad(dense_feats[0].astype(f32), ((0, M_PAD - M), (0, 0)))

    wp = lin_W.reshape(C_IN + C_PE, C_MID, C_OUT).transpose(1, 0, 2)
    wps = wp[:, :C_IN, :]
    wpp = wp[:, C_IN:, :]
    wpe1 = jnp.pad(pe_W1, ((0, 5), (0, 0)))
    wn1 = jnp.pad(wn_W1, ((0, 5), (0, 0)))

    outs = []
    lxs = []
    for s in range(_NSLICE):
        idx_s = lax.slice(idx, (s * SROWS,), ((s + 1) * SROWS,))
        dxyz_s = lax.slice(dxyz_flat, (s * SM * 16,), ((s + 1) * SM * 16,))
        df_s = lax.slice(df, (s * SM, 0), ((s + 1) * SM, C_OUT))
        if s >= 2:
            idx_s, _ = lax.optimization_barrier((idx_s, outs[s - 2]))
        gfeat_s, lx2d_s = _sc_gather(feat_tbl, xyz_tbl, dxyz_s, idx_s)
        o_s, lxo_s = _tc_call(
            gfeat_s, lx2d_s, df_s,
            wpe1, pe_b1.reshape(1, -1), pe_W2, pe_b2.reshape(1, -1),
            wn1, wn_b1.reshape(1, -1), wn_W2, wn_b2.reshape(1, -1),
            wn_W3, wn_b3.reshape(1, -1), wps, wpp, lin_b.reshape(1, -1))
        outs.append(o_s)
        lxs.append(lxo_s)

    out1 = jnp.concatenate(outs, axis=0)
    new_feat = out1[:M][None]
    lxs[0], _ = lax.optimization_barrier((lxs[0], out1))
    lx2d = jnp.concatenate(lxs, axis=0)
    localized = lx2d[:M * K, :3].reshape(1, M, K, 3)
    return new_feat, localized

# --- scband reference (transcript-rebuilt; emitter-appended) ---
"""Pipeline reference for scband-point-conv-transpose-pe-20255065768449 (READ-ONLY COPY).

The authoritative reference and input builder live on the scoring server;
editing this copy changes nothing except your own understanding.
"""

import jax, jax.numpy as jnp
import numpy as np


def _index_points(points, idx):
    # points: [B, N, C], idx: [B, M, K] -> [B, M, K, C]
    return jax.vmap(lambda p, i: jnp.take(p, i, axis=0))(points, idx)


def setup_inputs(seed: int = 0) -> dict:
    key = jax.random.key(seed)
    ks = jax.random.split(key, 16)
    B, N, M, K = 1, 2500, 10000, 16
    C_in, C_out = 256, 256
    C_pe = min(C_out // 4, 32)  # 32
    C_mid = 16                  # weightnet[-1]
    inp = {}
    inp['sparse_xyz'] = jax.random.normal(ks[0], (B, N, 3), dtype=jnp.float32)
    inp['sparse_feats'] = jax.random.normal(ks[1], (B, N, C_in), dtype=jnp.float32)
    inp['nei_inds'] = jax.random.randint(ks[2], (B, M, K), 0, N)
    inp['sparse_xyz_norm'] = jax.random.normal(ks[3], (B, N, 3), dtype=jnp.float32)
    inp['dense_xyz'] = jax.random.normal(ks[4], (B, M, 3), dtype=jnp.float32)
    inp['dense_xyz_norm'] = jax.random.normal(ks[5], (B, M, 3), dtype=jnp.float32)
    inp['dense_feats'] = jax.random.normal(ks[6], (B, M, C_out), dtype=jnp.float32)

    def lin(k, i, o):
        return jax.random.normal(k, (i, o), dtype=jnp.float32) * (1.0 / np.sqrt(i))

    # pe_convs = WeightNet(3, 32, hidden_unit=[64]) -> Linear_BN(3,64), Linear_BN(64,32)
    inp['pe_W1'] = lin(ks[7], 3, C_out // 4); inp['pe_b1'] = jnp.zeros((C_out // 4,), jnp.float32)
    inp['pe_W2'] = lin(ks[8], C_out // 4, C_pe); inp['pe_b2'] = jnp.zeros((C_pe,), jnp.float32)
    # weightnet = WeightNet(3, 16, hidden_unit=[8, 8])
    inp['wn_W1'] = lin(ks[9], 3, 8); inp['wn_b1'] = jnp.zeros((8,), jnp.float32)
    inp['wn_W2'] = lin(ks[10], 8, 8); inp['wn_b2'] = jnp.zeros((8,), jnp.float32)
    inp['wn_W3'] = lin(ks[11], 8, C_mid); inp['wn_b3'] = jnp.zeros((C_mid,), jnp.float32)
    # final linear: (32 + in_channel) * 16 -> out_channel
    inp['lin_W'] = lin(ks[12], (C_pe + C_in) * C_mid, C_out); inp['lin_b'] = jnp.zeros((C_out,), jnp.float32)
    return inp


def reference(sparse_xyz, sparse_feats, nei_inds, sparse_xyz_norm, dense_xyz, dense_xyz_norm, dense_feats,
              pe_W1, pe_b1, pe_W2, pe_b2, wn_W1, wn_b1, wn_W2, wn_b2, wn_W3, wn_b3, lin_W, lin_b):
    B, M, K = nei_inds.shape
    gathered_xyz = _index_points(sparse_xyz, nei_inds)            # [B, M, K, 3]
    localized_xyz = gathered_xyz - dense_xyz[:, :, None, :]       # [B, M, K, 3]
    gathered_norm = _index_points(sparse_xyz_norm, nei_inds)      # [B, M, K, 3] (unused, USE_VI=False)
    # pe_convs (WeightNet: Linear_BN + ReLU per layer; BN folded, eval mode)
    h = jax.nn.relu(localized_xyz @ pe_W1 + pe_b1)
    feat_pe = jax.nn.relu(h @ pe_W2 + pe_b2)                      # [B, M, K, 32]
    # USE_VI = False -> weightNetInput = localized_xyz
    weightNetInput = localized_xyz
    # gather features and concat with positional encoding (non-CUDA path)
    gathered_feat = _index_points(sparse_feats, nei_inds)         # [B, M, K, C_in]
    gathered_feat = jnp.concatenate([gathered_feat, feat_pe], axis=-1)  # [B, M, K, C_in+32]
    # weightnet on relative coordinates
    w = jax.nn.relu(weightNetInput @ wn_W1 + wn_b1)
    w = jax.nn.relu(w @ wn_W2 + wn_b2)
    weights = jax.nn.relu(w @ wn_W3 + wn_b3)                      # [B, M, K, 16]
    # PointConv: feat^T @ weights, flatten, linear
    new_feat = jnp.matmul(jnp.swapaxes(gathered_feat, 2, 3), weights)   # [B, M, C_in+32, 16]
    new_feat = new_feat.reshape(B, M, -1)
    new_feat = new_feat @ lin_W + lin_b
    new_feat = jax.nn.relu(new_feat)
    # shortcut from dense features; drop_path/dropout are identity (rates = 0)
    new_feat = new_feat + dense_feats
    return new_feat, weightNetInput

if __name__ == "__main__":
    import jax
    _d = setup_inputs()
    print(jax.jit(kernel)(*tuple(_d.values())))

</pallas_src>

<mosaic_0001>
#map = affine_map<(d0, d1) -> (0, 0)>
#map1 = affine_map<(d0, d1) -> (0)>
module attributes {stable_mosaic.version = 14 : i64} {
  func.func @_sc_body(%arg0: i32, %arg1: i32, %arg2: memref<2500x128xi32, #tpu.memory_space<hbm>>, %arg3: memref<2500x128xf32, #tpu.memory_space<hbm>>, %arg4: memref<40960xf32, #tpu.memory_space<hbm>>, %arg5: memref<40960xi32, #tpu.memory_space<hbm>>, %arg6: memref<40960x128xi32, #tpu.memory_space<hbm>>, %arg7: memref<40960x128xf32, #tpu.memory_space<hbm>>, %arg8: memref<1280xi32, #tpu.memory_space<vmem>>, %arg9: memref<128x128xi32, #tpu.memory_space<vmem>>, %arg10: memref<128x128xi32, #tpu.memory_space<vmem>>, %arg11: memref<128x128xf32, #tpu.memory_space<vmem>>, %arg12: memref<128x128xf32, #tpu.memory_space<vmem>>, %arg13: memref<1280xf32, #tpu.memory_space<vmem>>, %arg14: memref<!tpu.dma_semaphore, #tpu.memory_space<semaphore_mem>>, %arg15: memref<!tpu.dma_semaphore, #tpu.memory_space<semaphore_mem>>, %arg16: memref<!tpu.dma_semaphore, #tpu.memory_space<semaphore_mem>>, %arg17: memref<!tpu.dma_semaphore, #tpu.memory_space<semaphore_mem>>, %arg18: memref<!tpu.dma_semaphore, #tpu.memory_space<semaphore_mem>>, %arg19: memref<!tpu.dma_semaphore, #tpu.memory_space<semaphore_mem>>, %arg20: memref<!tpu.dma_semaphore, #tpu.memory_space<semaphore_mem>>, %arg21: memref<!tpu.dma_semaphore, #tpu.memory_space<semaphore_mem>>) attributes {dimension_semantics = [#tpu.dimension_semantics<core_parallel>, #tpu.dimension_semantics<subcore_parallel>], iteration_bounds = array<i64: 2, 16>, scalar_prefetch = 0 : i64, scratch_operands = 14 : i64, tpu.core_type = #tpu.core_type<sc_vector_subcore>, window_params = [{transform_indices = #map}, {transform_indices = #map}, {transform_indices = #map1}, {transform_indices = #map1}, {transform_indices = #map}, {transform_indices = #map}]} {
    %mul3A = arith.constant 2 : i32
    %mul3A_0 = arith.muli %arg1, %mul3A : i32
    %add3A = arith.addi %mul3A_0, %arg0 : i32
    %mul3A_1 = arith.constant 1280 : i32
    %mul3A_2 = arith.muli %add3A, %mul3A_1 : i32
    %multiple_of3A = tpu.assume_multiple %mul3A_2, 1280 : i32
    "tpu.region"() ({
      %run_scoped3A = tpu.sem_alloc : memref<!tpu.dma_semaphore, #tpu.memory_space<semaphore_mem>>
      %dma_start3A = tpu.memref_slice %arg5[%multiple_of3A] : memref<40960xi32, #tpu.memory_space<hbm>> -> memref<1280xi32, #tpu.memory_space<hbm>>
      %dma_start3A_13 = tpu.memref_slice %arg5[%multiple_of3A] : memref<40960xi32, #tpu.memory_space<hbm>> -> memref<1280xi32, #tpu.memory_space<hbm>>
      tpu.enqueue_dma source(%dma_start3A_13 : memref<1280xi32, #tpu.memory_space<hbm>>) target(%arg8 : memref<1280xi32, #tpu.memory_space<vmem>>) target_semaphore(%run_scoped3A : memref<!tpu.dma_semaphore, #tpu.memory_space<semaphore_mem>>)
      %dma_wait3A = tpu.memref_slice %arg5[%multiple_of3A] : memref<40960xi32, #tpu.memory_space<hbm>> -> memref<1280xi32, #tpu.memory_space<hbm>>
      %dma_wait3A_14 = tpu.memref_slice %arg5[%multiple_of3A] : memref<40960xi32, #tpu.memory_space<hbm>> -> memref<1280xi32, #tpu.memory_space<hbm>>
      tpu.wait_dma2 semaphore(%run_scoped3A : memref<!tpu.dma_semaphore, #tpu.memory_space<semaphore_mem>>) src(%dma_wait3A_14 : memref<1280xi32, #tpu.memory_space<hbm>>) dst(%arg8 : memref<1280xi32, #tpu.memory_space<vmem>>)
      tpu.yield
    }) : () -> ()
    %mul3A_3 = arith.constant 80 : i32
    %mul3A_4 = arith.muli %add3A, %mul3A_3 : i32
    %mul3A_5 = arith.constant 16 : i32
    %mul3A_6 = arith.muli %mul3A_4, %mul3A_5 : i32
    %multiple_of3A_7 = tpu.assume_multiple %mul3A_6, 1280 : i32
    "tpu.region"() ({
      %run_scoped3A = tpu.sem_alloc : memref<!tpu.dma_semaphore, #tpu.memory_space<semaphore_mem>>
      %dma_start3A = tpu.memref_slice %arg4[%multiple_of3A_7] : memref<40960xf32, #tpu.memory_space<hbm>> -> memref<1280xf32, #tpu.memory_space<hbm>>
      %dma_start3A_13 = tpu.memref_slice %arg4[%multiple_of3A_7] : memref<40960xf32, #tpu.memory_space<hbm>> -> memref<1280xf32, #tpu.memory_space<hbm>>
      tpu.enqueue_dma source(%dma_start3A_13 : memref<1280xf32, #tpu.memory_space<hbm>>) target(%arg13 : memref<1280xf32, #tpu.memory_space<vmem>>) target_semaphore(%run_scoped3A : memref<!tpu.dma_semaphore, #tpu.memory_space<semaphore_mem>>)
      %dma_wait3A = tpu.memref_slice %arg4[%multiple_of3A_7] : memref<40960xf32, #tpu.memory_space<hbm>> -> memref<1280xf32, #tpu.memory_space<hbm>>
      %dma_wait3A_14 = tpu.memref_slice %arg4[%multiple_of3A_7] : memref<40960xf32, #tpu.memory_space<hbm>> -> memref<1280xf32, #tpu.memory_space<hbm>>
      tpu.wait_dma2 semaphore(%run_scoped3A : memref<!tpu.dma_semaphore, #tpu.memory_space<semaphore_mem>>) src(%dma_wait3A_14 : memref<1280xf32, #tpu.memory_space<hbm>>) dst(%arg13 : memref<1280xf32, #tpu.memory_space<vmem>>)
      tpu.yield
    }) : () -> ()
    %scan3A = arith.constant 0 : i32
    %scan3A_8 = arith.constant 0 : i32
    %scan3A_9 = arith.constant 5 : i32
    %scan3A_10 = arith.addi %scan3A_8, %scan3A_9 : i32
    %scan3A_11 = arith.constant 1 : i32
    scf.for %scan3A_13 = %scan3A_8 to %scan3A_10 step %scan3A_11  : i32 {
      %mul3A_14 = arith.constant 2 : i32
      %mul3A_15 = arith.muli %mul3A_14, %scan3A_13 : i32
      %mul3A_16 = arith.constant 2 : i32
      %mul3A_17 = arith.muli %mul3A_16, %scan3A_13 : i32
      %add3A_18 = arith.constant 1 : i32
      %add3A_19 = arith.addi %mul3A_17, %add3A_18 : i32
      %mul3A_20 = arith.constant 128 : i32
      %mul3A_21 = arith.muli %mul3A_15, %mul3A_20 : i32
      %dma_start3A = tpu.memref_slice %arg8[%mul3A_21] : memref<1280xi32, #tpu.memory_space<vmem>> -> memref<128xi32, #tpu.memory_space<vmem>>
      %dma_start3A_22 = arith.constant 0 : i32
      %dma_start3A_23 = arith.constant 0 : i32
      %dma_start3A_24 = tpu.memref_slice %arg2[%dma_start3A_22, %dma_start3A_23] : memref<2500x128xi32, #tpu.memory_space<hbm>> -> memref<2500x128xi32, #tpu.memory_space<hbm>>
      tpu.enqueue_indirect_dma source(%dma_start3A_24 : memref<2500x128xi32, #tpu.memory_space<hbm>>) target(%arg9 : memref<128x128xi32, #tpu.memory_space<vmem>>) offsets(%dma_start3A : memref<128xi32, #tpu.memory_space<vmem>>) semaphore(%arg14 : memref<!tpu.dma_semaphore, #tpu.memory_space<semaphore_mem>>)
      %dma_start3A_25 = tpu.memref_slice %arg8[%mul3A_21] : memref<1280xi32, #tpu.memory_space<vmem>> -> memref<128xi32, #tpu.memory_space<vmem>>
      %dma_start3A_26 = arith.constant 0 : i32
      %dma_start3A_27 = arith.constant 0 : i32
      %dma_start3A_28 = tpu.memref_slice %arg3[%dma_start3A_26, %dma_start3A_27] : memref<2500x128xf32, #tpu.memory_space<hbm>> -> memref<2500x128xf32, #tpu.memory_space<hbm>>
      tpu.enqueue_indirect_dma source(%dma_start3A_28 : memref<2500x128xf32, #tpu.memory_space<hbm>>) target(%arg11 : memref<128x128xf32, #tpu.memory_space<vmem>>) offsets(%dma_start3A_25 : memref<128xi32, #tpu.memory_space<vmem>>) semaphore(%arg16 : memref<!tpu.dma_semaphore, #tpu.memory_space<semaphore_mem>>)
      %mul3A_29 = arith.constant 128 : i32
      %mul3A_30 = arith.muli %add3A_19, %mul3A_29 : i32
      %dma_start3A_31 = tpu.memref_slice %arg8[%mul3A_30] : memref<1280xi32, #tpu.memory_space<vmem>> -> memref<128xi32, #tpu.memory_space<vmem>>
      %dma_start3A_32 = arith.constant 0 : i32
      %dma_start3A_33 = arith.constant 0 : i32
      %dma_start3A_34 = tpu.memref_slice %arg2[%dma_start3A_32, %dma_start3A_33] : memref<2500x128xi32, #tpu.memory_space<hbm>> -> memref<2500x128xi32, #tpu.memory_space<hbm>>
      tpu.enqueue_indirect_dma source(%dma_start3A_34 : memref<2500x128xi32, #tpu.memory_space<hbm>>) target(%arg10 : memref<128x128xi32, #tpu.memory_space<vmem>>) offsets(%dma_start3A_31 : memref<128xi32, #tpu.memory_space<vmem>>) semaphore(%arg15 : memref<!tpu.dma_semaphore, #tpu.memory_space<semaphore_mem>>)
      %dma_start3A_35 = tpu.memref_slice %arg8[%mul3A_30] : memref<1280xi32, #tpu.memory_space<vmem>> -> memref<128xi32, #tpu.memory_space<vmem>>
      %dma_start3A_36 = arith.constant 0 : i32
      %dma_start3A_37 = arith.constant 0 : i32
      %dma_start3A_38 = tpu.memref_slice %arg3[%dma_start3A_36, %dma_start3A_37] : memref<2500x128xf32, #tpu.memory_space<hbm>> -> memref<2500x128xf32, #tpu.memory_space<hbm>>
      tpu.enqueue_indirect_dma source(%dma_start3A_38 : memref<2500x128xf32, #tpu.memory_space<hbm>>) target(%arg12 : memref<128x128xf32, #tpu.memory_space<vmem>>) offsets(%dma_start3A_35 : memref<128xi32, #tpu.memory_space<vmem>>) semaphore(%arg17 : memref<!tpu.dma_semaphore, #tpu.memory_space<semaphore_mem>>)
      %dma_wait3A = tpu.memref_slice %arg8[%mul3A_21] : memref<1280xi32, #tpu.memory_space<vmem>> -> memref<128xi32, #tpu.memory_space<vmem>>
      %dma_wait3A_39 = arith.constant 0 : i32
      %dma_wait3A_40 = arith.constant 0 : i32
      %dma_wait3A_41 = tpu.memref_slice %arg2[%dma_wait3A_39, %dma_wait3A_40] : memref<2500x128xi32, #tpu.memory_space<hbm>> -> memref<2500x128xi32, #tpu.memory_space<hbm>>
      tpu.wait_indirect_dma semaphore(%arg14 : memref<!tpu.dma_semaphore, #tpu.memory_space<semaphore_mem>>) src(%dma_wait3A_41 : memref<2500x128xi32, #tpu.memory_space<hbm>>) dst(%arg9 : memref<128x128xi32, #tpu.memory_space<vmem>>)
      %dma_wait3A_42 = tpu.memref_slice %arg8[%mul3A_21] : memref<1280xi32, #tpu.memory_space<vmem>> -> memref<128xi32, #tpu.memory_space<vmem>>
      %dma_wait3A_43 = arith.constant 0 : i32
      %dma_wait3A_44 = arith.constant 0 : i32
      %dma_wait3A_45 = tpu.memref_slice %arg3[%dma_wait3A_43, %dma_wait3A_44] : memref<2500x128xf32, #tpu.memory_space<hbm>> -> memref<2500x128xf32, #tpu.memory_space<hbm>>
      tpu.wait_indirect_dma semaphore(%arg16 : memref<!tpu.dma_semaphore, #tpu.memory_space<semaphore_mem>>) src(%dma_wait3A_45 : memref<2500x128xf32, #tpu.memory_space<hbm>>) dst(%arg11 : memref<128x128xf32, #tpu.memory_space<vmem>>)
      %mul3A_46 = arith.constant 128 : i32
      %mul3A_47 = arith.muli %mul3A_15, %mul3A_46 : i32
      %add3A_48 = arith.addi %multiple_of3A, %mul3A_47 : i32
      %multiple_of3A_49 = tpu.assume_multiple %add3A_48, 128 : i32
      %dma_start3A_50 = arith.constant 0 : i32
      %dma_start3A_51 = tpu.memref_slice %arg6[%multiple_of3A_49, %dma_start3A_50] : memref<40960x128xi32, #tpu.memory_space<hbm>> -> memref<128x128xi32, #tpu.memory_space<hbm>>
      %dma_start3A_52 = arith.constant 0 : i32
      %dma_start3A_53 = tpu.memref_slice %arg6[%multiple_of3A_49, %dma_start3A_52] : memref<40960x128xi32, #tpu.memory_space<hbm>> -> memref<128x128xi32, #tpu.memory_space<hbm>>
      tpu.enqueue_dma source(%arg9 : memref<128x128xi32, #tpu.memory_space<vmem>>) target(%dma_start3A_53 : memref<128x128xi32, #tpu.memory_space<hbm>>) target_semaphore(%arg18 : memref<!tpu.dma_semaphore, #tpu.memory_space<semaphore_mem>>)
      %scan3A_54 = arith.constant 0 : i32
      %scan3A_55 = arith.constant 0 : i32
      %scan3A_56 = arith.constant 16 : i32
      %scan3A_57 = arith.addi %scan3A_55, %scan3A_56 : i32
      %scan3A_58 = arith.constant 1 : i32
      scf.for %scan3A_114 = %scan3A_55 to %scan3A_57 step %scan3A_58  : i32 {
        %mul3A_115 = arith.constant 8 : i32
        %mul3A_116 = arith.muli %scan3A_114, %mul3A_115 : i32
        %add3A_117 = arith.constant 0 : i32
        %add3A_118 = arith.addi %mul3A_116, %add3A_117 : i32
        %mul3A_119 = arith.constant 8 : i32
        %mul3A_120 = arith.muli %mul3A_15, %mul3A_119 : i32
        %shift_right_arithmetic3A = arith.constant 4 : i32
        %shift_right_arithmetic3A_121 = arith.shrsi %add3A_118, %shift_right_arithmetic3A : i32
        %add3A_122 = arith.addi %mul3A_120, %shift_right_arithmetic3A_121 : i32
        %get3A = arith.index_cast %add3A_118 : i32 to index
        %get3A_123 = arith.constant 0 : index
        %get3A_124 = tpu.vector_load %arg11[%get3A, %get3A_123] {strides = array<i32>} : memref<128x128xf32, #tpu.memory_space<vmem>>, vector<1x16xf32>,
        %get3A_125 = vector.shape_cast %get3A_124 : vector<1x16xf32> to vector<16xf32>
        %mul3A_126 = arith.constant 16 : i32
        %mul3A_127 = arith.muli %add3A_122, %mul3A_126 : i32
        %get3A_128 = arith.index_cast %mul3A_127 : i32 to index
        %get3A_129 = tpu.vector_load %arg13[%get3A_128] {strides = array<i32>} : memref<1280xf32, #tpu.memory_space<vmem>>, vector<16xf32>,
        %get3A_130 = vector.shape_cast %get3A_129 : vector<16xf32> to vector<16xf32>
        %sub3A = arith.subf %get3A_125, %get3A_130 : vector<16xf32>
        %swap3A = arith.index_cast %add3A_118 : i32 to index
        %swap3A_131 = arith.constant 0 : index
        %swap3A_132 = tpu.vector_load %arg11[%swap3A, %swap3A_131] {strides = array<i32>} : memref<128x128xf32, #tpu.memory_space<vmem>>, vector<1x16xf32>,
        %swap3A_133 = vector.shape_cast %swap3A_132 : vector<1x16xf32> to vector<16xf32>
        %swap3A_134 = vector.shape_cast %sub3A : vector<16xf32> to vector<1x16xf32>
        tpu.vector_store %arg11[%swap3A, %swap3A_131], %swap3A_134 {strides = array<i32>} : memref<128x128xf32, #tpu.memory_space<vmem>>, vector<1x16xf32>,
        %mul3A_135 = arith.constant 8 : i32
        %mul3A_136 = arith.muli %scan3A_114, %mul3A_135 : i32
        %add3A_137 = arith.constant 1 : i32
        %add3A_138 = arith.addi %mul3A_136, %add3A_137 : i32
        %mul3A_139 = arith.constant 8 : i32
        %mul3A_140 = arith.muli %mul3A_15, %mul3A_139 : i32
        %shift_right_arithmetic3A_141 = arith.constant 4 : i32
        %shift_right_arithmetic3A_142 = arith.shrsi %add3A_138, %shift_right_arithmetic3A_141 : i32
        %add3A_143 = arith.addi %mul3A_140, %shift_right_arithmetic3A_142 : i32
        %get3A_144 = arith.index_cast %add3A_138 : i32 to index
        %get3A_145 = arith.constant 0 : index
        %get3A_146 = tpu.vector_load %arg11[%get3A_144, %get3A_145] {strides = array<i32>} : memref<128x128xf32, #tpu.memory_space<vmem>>, vector<1x16xf32>,
        %get3A_147 = vector.shape_cast %get3A_146 : vector<1x16xf32> to vector<16xf32>
        %mul3A_148 = arith.constant 16 : i32
        %mul3A_149 = arith.muli %add3A_143, %mul3A_148 : i32
        %get3A_150 = arith.index_cast %mul3A_149 : i32 to index
        %get3A_151 = tpu.vector_load %arg13[%get3A_150] {strides = array<i32>} : memref<1280xf32, #tpu.memory_space<vmem>>, vector<16xf32>,
        %get3A_152 = vector.shape_cast %get3A_151 : vector<16xf32> to vector<16xf32>
        %sub3A_153 = arith.subf %get3A_147, %get3A_152 : vector<16xf32>
        %swap3A_154 = arith.index_cast %add3A_138 : i32 to index
        %swap3A_155 = arith.constant 0 : index
        %swap3A_156 = tpu.vector_load %arg11[%swap3A_154, %swap3A_155] {strides = array<i32>} : memref<128x128xf32, #tpu.memory_space<vmem>>, vector<1x16xf32>,
        %swap3A_157 = vector.shape_cast %swap3A_156 : vector<1x16xf32> to vector<16xf32>
        %swap3A_158 = vector.shape_cast %sub3A_153 : vector<16xf32> to vector<1x16xf32>
        tpu.vector_store %arg11[%swap3A_154, %swap3A_155], %swap3A_158 {strides = array<i32>} : memref<128x128xf32, #tpu.memory_space<vmem>>, vector<1x16xf32>,
        %mul3A_159 = arith.constant 8 : i32
        %mul3A_160 = arith.muli %scan3A_114, %mul3A_159 : i32
        %add3A_161 = arith.constant 2 : i32
        %add3A_162 = arith.addi %mul3A_160, %add3A_161 : i32
        %mul3A_163 = arith.constant 8 : i32
        %mul3A_164 = arith.muli %mul3A_15, %mul3A_163 : i32
        %shift_right_arithmetic3A_165 = arith.constant 4 : i32
        %shift_right_arithmetic3A_166 = arith.shrsi %add3A_162, %shift_right_arithmetic3A_165 : i32
        %add3A_167 = arith.addi %mul3A_164, %shift_right_arithmetic3A_166 : i32
        %get3A_168 = arith.index_cast %add3A_162 : i32 to index
        %get3A_169 = arith.constant 0 : index
        %get3A_170 = tpu.vector_load %arg11[%get3A_168, %get3A_169] {strides = array<i32>} : memref<128x128xf32, #tpu.memory_space<vmem>>, vector<1x16xf32>,
        %get3A_171 = vector.shape_cast %get3A_170 : vector<1x16xf32> to vector<16xf32>
        %mul3A_172 = arith.constant 16 : i32
        %mul3A_173 = arith.muli %add3A_167, %mul3A_172 : i32
        %get3A_174 = arith.index_cast %mul3A_173 : i32 to index
        %get3A_175 = tpu.vector_load %arg13[%get3A_174] {strides = array<i32>} : memref<1280xf32, #tpu.memory_space<vmem>>, vector<16xf32>,
        %get3A_176 = vector.shape_cast %get3A_175 : vector<16xf32> to vector<16xf32>
        %sub3A_177 = arith.subf %get3A_171, %get3A_176 : vector<16xf32>
        %swap3A_178 = arith.index_cast %add3A_162 : i32 to index
        %swap3A_179 = arith.constant 0 : index
        %swap3A_180 = tpu.vector_load %arg11[%swap3A_178, %swap3A_179] {strides = array<i32>} : memref<128x128xf32, #tpu.memory_space<vmem>>, vector<1x16xf32>,
        %swap3A_181 = vector.shape_cast %swap3A_180 : vector<1x16xf32> to vector<16xf32>
        %swap3A_182 = vector.shape_cast %sub3A_177 : vector<16xf32> to vector<1x16xf32>
        tpu.vector_store %arg11[%swap3A_178, %swap3A_179], %swap3A_182 {strides = array<i32>} : memref<128x128xf32, #tpu.memory_space<vmem>>, vector<1x16xf32>,
        %mul3A_183 = arith.constant 8 : i32
        %mul3A_184 = arith.muli %scan3A_114, %mul3A_183 : i32
        %add3A_185 = arith.constant 3 : i32
        %add3A_186 = arith.addi %mul3A_184, %add3A_185 : i32
        %mul3A_187 = arith.constant 8 : i32
        %mul3A_188 = arith.muli %mul3A_15, %mul3A_187 : i32
        %shift_right_arithmetic3A_189 = arith.constant 4 : i32
        %shift_right_arithmetic3A_190 = arith.shrsi %add3A_186, %shift_right_arithmetic3A_189 : i32
        %add3A_191 = arith.addi %mul3A_188, %shift_right_arithmetic3A_190 : i32
        %get3A_192 = arith.index_cast %add3A_186 : i32 to index
        %get3A_193 = arith.constant 0 : index
        %get3A_194 = tpu.vector_load %arg11[%get3A_192, %get3A_193] {strides = array<i32>} : memref<128x128xf32, #tpu.memory_space<vmem>>, vector<1x16xf32>,
        %get3A_195 = vector.shape_cast %get3A_194 : vector<1x16xf32> to vector<16xf32>
        %mul3A_196 = arith.constant 16 : i32
        %mul3A_197 = arith.muli %add3A_191, %mul3A_196 : i32
        %get3A_198 = arith.index_cast %mul3A_197 : i32 to index
        %get3A_199 = tpu.vector_load %arg13[%get3A_198] {strides = array<i32>} : memref<1280xf32, #tpu.memory_space<vmem>>, vector<16xf32>,
        %get3A_200 = vector.shape_cast %get3A_199 : vector<16xf32> to vector<16xf32>
        %sub3A_201 = arith.subf %get3A_195, %get3A_200 : vector<16xf32>
        %swap3A_202 = arith.index_cast %add3A_186 : i32 to index
        %swap3A_203 = arith.constant 0 : index
        %swap3A_204 = tpu.vector_load %arg11[%swap3A_202, %swap3A_203] {strides = array<i32>} : memref<128x128xf32, #tpu.memory_space<vmem>>, vector<1x16xf32>,
        %swap3A_205 = vector.shape_cast %swap3A_204 : vector<1x16xf32> to vector<16xf32>
        %swap3A_206 = vector.shape_cast %sub3A_201 : vector<16xf32> to vector<1x16xf32>
        tpu.vector_store %arg11[%swap3A_202, %swap3A_203], %swap3A_206 {strides = array<i32>} : memref<128x128xf32, #tpu.memory_space<vmem>>, vector<1x16xf32>,
        %mul3A_207 = arith.constant 8 : i32
        %mul3A_208 = arith.muli %scan3A_114, %mul3A_207 : i32
        %add3A_209 = arith.constant 4 : i32
        %add3A_210 = arith.addi %mul3A_208, %add3A_209 : i32
        %mul3A_211 = arith.constant 8 : i32
        %mul3A_212 = arith.muli %mul3A_15, %mul3A_211 : i32
        %shift_right_arithmetic3A_213 = arith.constant 4 : i32
        %shift_right_arithmetic3A_214 = arith.shrsi %add3A_210, %shift_right_arithmetic3A_213 : i32
        %add3A_215 = arith.addi %mul3A_212, %shift_right_arithmetic3A_214 : i32
        %get3A_216 = arith.index_cast %add3A_210 : i32 to index
        %get3A_217 = arith.constant 0 : index
        %get3A_218 = tpu.vector_load %arg11[%get3A_216, %get3A_217] {strides = array<i32>} : memref<128x128xf32, #tpu.memory_space<vmem>>, vector<1x16xf32>,
        %get3A_219 = vector.shape_cast %get3A_218 : vector<1x16xf32> to vector<16xf32>
        %mul3A_220 = arith.constant 16 : i32
        %mul3A_221 = arith.muli %add3A_215, %mul3A_220 : i32
        %get3A_222 = arith.index_cast %mul3A_221 : i32 to index
        %get3A_223 = tpu.vector_load %arg13[%get3A_222] {strides = array<i32>} : memref<1280xf32, #tpu.memory_space<vmem>>, vector<16xf32>,
        %get3A_224 = vector.shape_cast %get3A_223 : vector<16xf32> to vector<16xf32>
        %sub3A_225 = arith.subf %get3A_219, %get3A_224 : vector<16xf32>
        %swap3A_226 = arith.index_cast %add3A_210 : i32 to index
        %swap3A_227 = arith.constant 0 : index
        %swap3A_228 = tpu.vector_load %arg11[%swap3A_226, %swap3A_227] {strides = array<i32>} : memref<128x128xf32, #tpu.memory_space<vmem>>, vector<1x16xf32>,
        %swap3A_229 = vector.shape_cast %swap3A_228 : vector<1x16xf32> to vector<16xf32>
        %swap3A_230 = vector.shape_cast %sub3A_225 : vector<16xf32> to vector<1x16xf32>
        tpu.vector_store %arg11[%swap3A_226, %swap3A_227], %swap3A_230 {strides = array<i32>} : memref<128x128xf32, #tpu.memory_space<vmem>>, vector<1x16xf32>,
        %mul3A_231 = arith.constant 8 : i32
        %mul3A_232 = arith.muli %scan3A_114, %mul3A_231 : i32
        %add3A_233 = arith.constant 5 : i32
        %add3A_234 = arith.addi %mul3A_232, %add3A_233 : i32
        %mul3A_235 = arith.constant 8 : i32
        %mul3A_236 = arith.muli %mul3A_15, %mul3A_235 : i32
        %shift_right_arithmetic3A_237 = arith.constant 4 : i32
        %shift_right_arithmetic3A_238 = arith.shrsi %add3A_234, %shift_right_arithmetic3A_237 : i32
        %add3A_239 = arith.addi %mul3A_236, %shift_right_arithmetic3A_238 : i32
        %get3A_240 = arith.index_cast %add3A_234 : i32 to index
        %get3A_241 = arith.constant 0 : index
        %get3A_242 = tpu.vector_load %arg11[%get3A_240, %get3A_241] {strides = array<i32>} : memref<128x128xf32, #tpu.memory_space<vmem>>, vector<1x16xf32>,
        %get3A_243 = vector.shape_cast %get3A_242 : vector<1x16xf32> to vector<16xf32>
        %mul3A_244 = arith.constant 16 : i32
        %mul3A_245 = arith.muli %add3A_239, %mul3A_244 : i32
        %get3A_246 = arith.index_cast %mul3A_245 : i32 to index
        %get3A_247 = tpu.vector_load %arg13[%get3A_246] {strides = array<i32>} : memref<1280xf32, #tpu.memory_space<vmem>>, vector<16xf32>,
        %get3A_248 = vector.shape_cast %get3A_247 : vector<16xf32> to vector<16xf32>
        %sub3A_249 = arith.subf %get3A_243, %get3A_248 : vector<16xf32>
        %swap3A_250 = arith.index_cast %add3A_234 : i32 to index
        %swap3A_251 = arith.constant 0 : index
        %swap3A_252 = tpu.vector_load %arg11[%swap3A_250, %swap3A_251] {strides = array<i32>} : memref<128x128xf32, #tpu.memory_space<vmem>>, vector<1x16xf32>,
        %swap3A_253 = vector.shape_cast %swap3A_252 : vector<1x16xf32> to vector<16xf32>
        %swap3A_254 = vector.shape_cast %sub3A_249 : vector<16xf32> to vector<1x16xf32>
        tpu.vector_store %arg11[%swap3A_250, %swap3A_251], %swap3A_254 {strides = array<i32>} : memref<128x128xf32, #tpu.memory_space<vmem>>, vector<1x16xf32>,
        %mul3A_255 = arith.constant 8 : i32
        %mul3A_256 = arith.muli %scan3A_114, %mul3A_255 : i32
        %add3A_257 = arith.constant 6 : i32
        %add3A_258 = arith.addi %mul3A_256, %add3A_257 : i32
        %mul3A_259 = arith.constant 8 : i32
        %mul3A_260 = arith.muli %mul3A_15, %mul3A_259 : i32
        %shift_right_arithmetic3A_261 = arith.constant 4 : i32
        %shift_right_arithmetic3A_262 = arith.shrsi %add3A_258, %shift_right_arithmetic3A_261 : i32
        %add3A_263 = arith.addi %mul3A_260, %shift_right_arithmetic3A_262 : i32
        %get3A_264 = arith.index_cast %add3A_258 : i32 to index
        %get3A_265 = arith.constant 0 : index
        %get3A_266 = tpu.vector_load %arg11[%get3A_264, %get3A_265] {strides = array<i32>} : memref<128x128xf32, #tpu.memory_space<vmem>>, vector<1x16xf32>,
        %get3A_267 = vector.shape_cast %get3A_266 : vector<1x16xf32> to vector<16xf32>
        %mul3A_268 = arith.constant 16 : i32
        %mul3A_269 = arith.muli %add3A_263, %mul3A_268 : i32
        %get3A_270 = arith.index_cast %mul3A_269 : i32 to index
        %get3A_271 = tpu.vector_load %arg13[%get3A_270] {strides = array<i32>} : memref<1280xf32, #tpu.memory_space<vmem>>, vector<16xf32>,
        %get3A_272 = vector.shape_cast %get3A_271 : vector<16xf32> to vector<16xf32>
        %sub3A_273 = arith.subf %get3A_267, %get3A_272 : vector<16xf32>
        %swap3A_274 = arith.index_cast %add3A_258 : i32 to index
        %swap3A_275 = arith.constant 0 : index
        %swap3A_276 = tpu.vector_load %arg11[%swap3A_274, %swap3A_275] {strides = array<i32>} : memref<128x128xf32, #tpu.memory_space<vmem>>, vector<1x16xf32>,
        %swap3A_277 = vector.shape_cast %swap3A_276 : vector<1x16xf32> to vector<16xf32>
        %swap3A_278 = vector.shape_cast %sub3A_273 : vector<16xf32> to vector<1x16xf32>
        tpu.vector_store %arg11[%swap3A_274, %swap3A_275], %swap3A_278 {strides = array<i32>} : memref<128x128xf32, #tpu.memory_space<vmem>>, vector<1x16xf32>,
        %mul3A_279 = arith.constant 8 : i32
        %mul3A_280 = arith.muli %scan3A_114, %mul3A_279 : i32
        %add3A_281 = arith.constant 7 : i32
        %add3A_282 = arith.addi %mul3A_280, %add3A_281 : i32
        %mul3A_283 = arith.constant 8 : i32
        %mul3A_284 = arith.muli %mul3A_15, %mul3A_283 : i32
        %shift_right_arithmetic3A_285 = arith.constant 4 : i32
        %shift_right_arithmetic3A_286 = arith.shrsi %add3A_282, %shift_right_arithmetic3A_285 : i32
        %add3A_287 = arith.addi %mul3A_284, %shift_right_arithmetic3A_286 : i32
        %get3A_288 = arith.index_cast %add3A_282 : i32 to index
        %get3A_289 = arith.constant 0 : index
        %get3A_290 = tpu.vector_load %arg11[%get3A_288, %get3A_289] {strides = array<i32>} : memref<128x128xf32, #tpu.memory_space<vmem>>, vector<1x16xf32>,
        %get3A_291 = vector.shape_cast %get3A_290 : vector<1x16xf32> to vector<16xf32>
        %mul3A_292 = arith.constant 16 : i32
        %mul3A_293 = arith.muli %add3A_287, %mul3A_292 : i32
        %get3A_294 = arith.index_cast %mul3A_293 : i32 to index
        %get3A_295 = tpu.vector_load %arg13[%get3A_294] {strides = array<i32>} : memref<1280xf32, #tpu.memory_space<vmem>>, vector<16xf32>,
        %get3A_296 = vector.shape_cast %get3A_295 : vector<16xf32> to vector<16xf32>
        %sub3A_297 = arith.subf %get3A_291, %get3A_296 : vector<16xf32>
        %swap3A_298 = arith.index_cast %add3A_282 : i32 to index
        %swap3A_299 = arith.constant 0 : index
        %swap3A_300 = tpu.vector_load %arg11[%swap3A_298, %swap3A_299] {strides = array<i32>} : memref<128x128xf32, #tpu.memory_space<vmem>>, vector<1x16xf32>,
        %swap3A_301 = vector.shape_cast %swap3A_300 : vector<1x16xf32> to vector<16xf32>
        %swap3A_302 = vector.shape_cast %sub3A_297 : vector<16xf32> to vector<1x16xf32>
        tpu.vector_store %arg11[%swap3A_298, %swap3A_299], %swap3A_302 {strides = array<i32>} : memref<128x128xf32, #tpu.memory_space<vmem>>, vector<1x16xf32>,
      }
      %scan3A_59 = arith.constant 16 : i32
      %mul3A_60 = arith.constant 128 : i32
      %mul3A_61 = arith.muli %mul3A_15, %mul3A_60 : i32
      %add3A_62 = arith.addi %multiple_of3A, %mul3A_61 : i32
      %multiple_of3A_63 = tpu.assume_multiple %add3A_62, 128 : i32
      %dma_start3A_64 = arith.constant 0 : i32
      %dma_start3A_65 = tpu.memref_slice %arg7[%multiple_of3A_63, %dma_start3A_64] : memref<40960x128xf32, #tpu.memory_space<hbm>> -> memref<128x128xf32, #tpu.memory_space<hbm>>
      %dma_start3A_66 = arith.constant 0 : i32
      %dma_start3A_67 = tpu.memref_slice %arg7[%multiple_of3A_63, %dma_start3A_66] : memref<40960x128xf32, #tpu.memory_space<hbm>> -> memref<128x128xf32, #tpu.memory_space<hbm>>
      tpu.enqueue_dma source(%arg11 : memref<128x128xf32, #tpu.memory_space<vmem>>) target(%dma_start3A_67 : memref<128x128xf32, #tpu.memory_space<hbm>>) target_semaphore(%arg20 : memref<!tpu.dma_semaphore, #tpu.memory_space<semaphore_mem>>)
      %dma_wait3A_68 = tpu.memref_slice %arg8[%mul3A_30] : memref<1280xi32, #tpu.memory_space<vmem>> -> memref<128xi32, #tpu.memory_space<vmem>>
      %dma_wait3A_69 = arith.constant 0 : i32
      %dma_wait3A_70 = arith.constant 0 : i32
      %dma_wait3A_71 = tpu.memref_slice %arg2[%dma_wait3A_69, %dma_wait3A_70] : memref<2500x128xi32, #tpu.memory_space<hbm>> -> memref<2500x128xi32, #tpu.memory_space<hbm>>
      tpu.wait_indirect_dma semaphore(%arg15 : memref<!tpu.dma_semaphore, #tpu.memory_space<semaphore_mem>>) src(%dma_wait3A_71 : memref<2500x128xi32, #tpu.memory_space<hbm>>) dst(%arg10 : memref<128x128xi32, #tpu.memory_space<vmem>>)
      %dma_wait3A_72 = tpu.memref_slice %arg8[%mul3A_30] : memref<1280xi32, #tpu.memory_space<vmem>> -> memref<128xi32, #tpu.memory_space<vmem>>
      %dma_wait3A_73 = arith.constant 0 : i32
      %dma_wait3A_74 = arith.constant 0 : i32
      %dma_wait3A_75 = tpu.memref_slice %arg3[%dma_wait3A_73, %dma_wait3A_74] : memref<2500x128xf32, #tpu.memory_space<hbm>> -> memref<2500x128xf32, #tpu.memory_space<hbm>>
      tpu.wait_indirect_dma semaphore(%arg17 : memref<!tpu.dma_semaphore, #tpu.memory_space<semaphore_mem>>) src(%dma_wait3A_75 : memref<2500x128xf32, #tpu.memory_space<hbm>>) dst(%arg12 : memref<128x128xf32, #tpu.memory_space<vmem>>)
      %mul3A_76 = arith.constant 128 : i32
      %mul3A_77 = arith.muli %add3A_19, %mul3A_76 : i32
      %add3A_78 = arith.addi %multiple_of3A, %mul3A_77 : i32
      %multiple_of3A_79 = tpu.assume_multiple %add3A_78, 128 : i32
      %dma_start3A_80 = arith.constant 0 : i32
      %dma_start3A_81 = tpu.memref_slice %arg6[%multiple_of3A_79, %dma_start3A_80] : memref<40960x128xi32, #tpu.memory_space<hbm>> -> memref<128x128xi32, #tpu.memory_space<hbm>>
      %dma_start3A_82 = arith.constant 0 : i32
      %dma_start3A_83 = tpu.memref_slice %arg6[%multiple_of3A_79, %dma_start3A_82] : memref<40960x128xi32, #tpu.memory_space<hbm>> -> memref<128x128xi32, #tpu.memory_space<hbm>>
      tpu.enqueue_dma source(%arg10 : memref<128x128xi32, #tpu.memory_space<vmem>>) target(%dma_start3A_83 : memref<128x128xi32, #tpu.memory_space<hbm>>) target_semaphore(%arg19 : memref<!tpu.dma_semaphore, #tpu.memory_space<semaphore_mem>>)
      %scan3A_84 = arith.constant 0 : i32
      %scan3A_85 = arith.constant 0 : i32
      %scan3A_86 = arith.constant 16 : i32
      %scan3A_87 = arith.addi %scan3A_85, %scan3A_86 : i32
      %scan3A_88 = arith.constant 1 : i32
      scf.for %scan3A_114 = %scan3A_85 to %scan3A_87 step %scan3A_88  : i32 {
        %mul3A_115 = arith.constant 8 : i32
        %mul3A_116 = arith.muli %scan3A_114, %mul3A_115 : i32
        %add3A_117 = arith.constant 0 : i32
        %add3A_118 = arith.addi %mul3A_116, %add3A_117 : i32
        %mul3A_119 = arith.constant 8 : i32
        %mul3A_120 = arith.muli %add3A_19, %mul3A_119 : i32
        %shift_right_arithmetic3A = arith.constant 4 : i32
        %shift_right_arithmetic3A_121 = arith.shrsi %add3A_118, %shift_right_arithmetic3A : i32
        %add3A_122 = arith.addi %mul3A_120, %shift_right_arithmetic3A_121 : i32
        %get3A = arith.index_cast %add3A_118 : i32 to index
        %get3A_123 = arith.constant 0 : index
        %get3A_124 = tpu.vector_load %arg12[%get3A, %get3A_123] {strides = array<i32>} : memref<128x128xf32, #tpu.memory_space<vmem>>, vector<1x16xf32>,
        %get3A_125 = vector.shape_cast %get3A_124 : vector<1x16xf32> to vector<16xf32>
        %mul3A_126 = arith.constant 16 : i32
        %mul3A_127 = arith.muli %add3A_122, %mul3A_126 : i32
        %get3A_128 = arith.index_cast %mul3A_127 : i32 to index
        %get3A_129 = tpu.vector_load %arg13[%get3A_128] {strides = array<i32>} : memref<1280xf32, #tpu.memory_space<vmem>>, vector<16xf32>,
        %get3A_130 = vector.shape_cast %get3A_129 : vector<16xf32> to vector<16xf32>
        %sub3A = arith.subf %get3A_125, %get3A_130 : vector<16xf32>
        %swap3A = arith.index_cast %add3A_118 : i32 to index
        %swap3A_131 = arith.constant 0 : index
        %swap3A_132 = tpu.vector_load %arg12[%swap3A, %swap3A_131] {strides = array<i32>} : memref<128x128xf32, #tpu.memory_space<vmem>>, vector<1x16xf32>,
        %swap3A_133 = vector.shape_cast %swap3A_132 : vector<1x16xf32> to vector<16xf32>
        %swap3A_134 = vector.shape_cast %sub3A : vector<16xf32> to vector<1x16xf32>
        tpu.vector_store %arg12[%swap3A, %swap3A_131], %swap3A_134 {strides = array<i32>} : memref<128x128xf32, #tpu.memory_space<vmem>>, vector<1x16xf32>,
        %mul3A_135 = arith.constant 8 : i32
        %mul3A_136 = arith.muli %scan3A_114, %mul3A_135 : i32
        %add3A_137 = arith.constant 1 : i32
        %add3A_138 = arith.addi %mul3A_136, %add3A_137 : i32
        %mul3A_139 = arith.constant 8 : i32
        %mul3A_140 = arith.muli %add3A_19, %mul3A_139 : i32
        %shift_right_arithmetic3A_141 = arith.constant 4 : i32
        %shift_right_arithmetic3A_142 = arith.shrsi %add3A_138, %shift_right_arithmetic3A_141 : i32
        %add3A_143 = arith.addi %mul3A_140, %shift_right_arithmetic3A_142 : i32
        %get3A_144 = arith.index_cast %add3A_138 : i32 to index
        %get3A_145 = arith.constant 0 : index
        %get3A_146 = tpu.vector_load %arg12[%get3A_144, %get3A_145] {strides = array<i32>} : memref<128x128xf32, #tpu.memory_space<vmem>>, vector<1x16xf32>,
        %get3A_147 = vector.shape_cast %get3A_146 : vector<1x16xf32> to vector<16xf32>
        %mul3A_148 = arith.constant 16 : i32
        %mul3A_149 = arith.muli %add3A_143, %mul3A_148 : i32
        %get3A_150 = arith.index_cast %mul3A_149 : i32 to index
        %get3A_151 = tpu.vector_load %arg13[%get3A_150] {strides = array<i32>} : memref<1280xf32, #tpu.memory_space<vmem>>, vector<16xf32>,
        %get3A_152 = vector.shape_cast %get3A_151 : vector<16xf32> to vector<16xf32>
        %sub3A_153 = arith.subf %get3A_147, %get3A_152 : vector<16xf32>
        %swap3A_154 = arith.index_cast %add3A_138 : i32 to index
        %swap3A_155 = arith.constant 0 : index
        %swap3A_156 = tpu.vector_load %arg12[%swap3A_154, %swap3A_155] {strides = array<i32>} : memref<128x128xf32, #tpu.memory_space<vmem>>, vector<1x16xf32>,
        %swap3A_157 = vector.shape_cast %swap3A_156 : vector<1x16xf32> to vector<16xf32>
        %swap3A_158 = vector.shape_cast %sub3A_153 : vector<16xf32> to vector<1x16xf32>
        tpu.vector_store %arg12[%swap3A_154, %swap3A_155], %swap3A_158 {strides = array<i32>} : memref<128x128xf32, #tpu.memory_space<vmem>>, vector<1x16xf32>,
        %mul3A_159 = arith.constant 8 : i32
        %mul3A_160 = arith.muli %scan3A_114, %mul3A_159 : i32
        %add3A_161 = arith.constant 2 : i32
        %add3A_162 = arith.addi %mul3A_160, %add3A_161 : i32
        %mul3A_163 = arith.constant 8 : i32
        %mul3A_164 = arith.muli %add3A_19, %mul3A_163 : i32
        %shift_right_arithmetic3A_165 = arith.constant 4 : i32
        %shift_right_arithmetic3A_166 = arith.shrsi %add3A_162, %shift_right_arithmetic3A_165 : i32
        %add3A_167 = arith.addi %mul3A_164, %shift_right_arithmetic3A_166 : i32
        %get3A_168 = arith.index_cast %add3A_162 : i32 to index
        %get3A_169 = arith.constant 0 : index
        %get3A_170 = tpu.vector_load %arg12[%get3A_168, %get3A_169] {strides = array<i32>} : memref<128x128xf32, #tpu.memory_space<vmem>>, vector<1x16xf32>,
        %get3A_171 = vector.shape_cast %get3A_170 : vector<1x16xf32> to vector<16xf32>
        %mul3A_172 = arith.constant 16 : i32
        %mul3A_173 = arith.muli %add3A_167, %mul3A_172 : i32
        %get3A_174 = arith.index_cast %mul3A_173 : i32 to index
        %get3A_175 = tpu.vector_load %arg13[%get3A_174] {strides = array<i32>} : memref<1280xf32, #tpu.memory_space<vmem>>, vector<16xf32>,
        %get3A_176 = vector.shape_cast %get3A_175 : vector<16xf32> to vector<16xf32>
        %sub3A_177 = arith.subf %get3A_171, %get3A_176 : vector<16xf32>
        %swap3A_178 = arith.index_cast %add3A_162 : i32 to index
        %swap3A_179 = arith.constant 0 : index
        %swap3A_180 = tpu.vector_load %arg12[%swap3A_178, %swap3A_179] {strides = array<i32>} : memref<128x128xf32, #tpu.memory_space<vmem>>, vector<1x16xf32>,
        %swap3A_181 = vector.shape_cast %swap3A_180 : vector<1x16xf32> to vector<16xf32>
        %swap3A_182 = vector.shape_cast %sub3A_177 : vector<16xf32> to vector<1x16xf32>
        tpu.vector_store %arg12[%swap3A_178, %swap3A_179], %swap3A_182 {strides = array<i32>} : memref<128x128xf32, #tpu.memory_space<vmem>>, vector<1x16xf32>,
        %mul3A_183 = arith.constant 8 : i32
        %mul3A_184 = arith.muli %scan3A_114, %mul3A_183 : i32
        %add3A_185 = arith.constant 3 : i32
        %add3A_186 = arith.addi %mul3A_184, %add3A_185 : i32
        %mul3A_187 = arith.constant 8 : i32
        %mul3A_188 = arith.muli %add3A_19, %mul3A_187 : i32
        %shift_right_arithmetic3A_189 = arith.constant 4 : i32
        %shift_right_arithmetic3A_190 = arith.shrsi %add3A_186, %shift_right_arithmetic3A_189 : i32
        %add3A_191 = arith.addi %mul3A_188, %shift_right_arithmetic3A_190 : i32
        %get3A_192 = arith.index_cast %add3A_186 : i32 to index
        %get3A_193 = arith.constant 0 : index
        %get3A_194 = tpu.vector_load %arg12[%get3A_192, %get3A_193] {strides = array<i32>} : memref<128x128xf32, #tpu.memory_space<vmem>>, vector<1x16xf32>,
        %get3A_195 = vector.shape_cast %get3A_194 : vector<1x16xf32> to vector<16xf32>
        %mul3A_196 = arith.constant 16 : i32
        %mul3A_197 = arith.muli %add3A_191, %mul3A_196 : i32
        %get3A_198 = arith.index_cast %mul3A_197 : i32 to index
        %get3A_199 = tpu.vector_load %arg13[%get3A_198] {strides = array<i32>} : memref<1280xf32, #tpu.memory_space<vmem>>, vector<16xf32>,
        %get3A_200 = vector.shape_cast %get3A_199 : vector<16xf32> to vector<16xf32>
        %sub3A_201 = arith.subf %get3A_195, %get3A_200 : vector<16xf32>
        %swap3A_202 = arith.index_cast %add3A_186 : i32 to index
        %swap3A_203 = arith.constant 0 : index
        %swap3A_204 = tpu.vector_load %arg12[%swap3A_202, %swap3A_203] {strides = array<i32>} : memref<128x128xf32, #tpu.memory_space<vmem>>, vector<1x16xf32>,
        %swap3A_205 = vector.shape_cast %swap3A_204 : vector<1x16xf32> to vector<16xf32>
        %swap3A_206 = vector.shape_cast %sub3A_201 : vector<16xf32> to vector<1x16xf32>
        tpu.vector_store %arg12[%swap3A_202, %swap3A_203], %swap3A_206 {strides = array<i32>} : memref<128x128xf32, #tpu.memory_space<vmem>>, vector<1x16xf32>,
        %mul3A_207 = arith.constant 8 : i32
        %mul3A_208 = arith.muli %scan3A_114, %mul3A_207 : i32
        %add3A_209 = arith.constant 4 : i32
        %add3A_210 = arith.addi %mul3A_208, %add3A_209 : i32
        %mul3A_211 = arith.constant 8 : i32
        %mul3A_212 = arith.muli %add3A_19, %mul3A_211 : i32
        %shift_right_arithmetic3A_213 = arith.constant 4 : i32
        %shift_right_arithmetic3A_214 = arith.shrsi %add3A_210, %shift_right_arithmetic3A_213 : i32
        %add3A_215 = arith.addi %mul3A_212, %shift_right_arithmetic3A_214 : i32
        %get3A_216 = arith.index_cast %add3A_210 : i32 to index
        %get3A_217 = arith.constant 0 : index
        %get3A_218 = tpu.vector_load %arg12[%get3A_216, %get3A_217] {strides = array<i32>} : memref<128x128xf32, #tpu.memory_space<vmem>>, vector<1x16xf32>,
        %get3A_219 = vector.shape_cast %get3A_218 : vector<1x16xf32> to vector<16xf32>
        %mul3A_220 = arith.constant 16 : i32
        %mul3A_221 = arith.muli %add3A_215, %mul3A_220 : i32
        %get3A_222 = arith.index_cast %mul3A_221 : i32 to index
        %get3A_223 = tpu.vector_load %arg13[%get3A_222] {strides = array<i32>} : memref<1280xf32, #tpu.memory_space<vmem>>, vector<16xf32>,
        %get3A_224 = vector.shape_cast %get3A_223 : vector<16xf32> to vector<16xf32>
        %sub3A_225 = arith.subf %get3A_219, %get3A_224 : vector<16xf32>
        %swap3A_226 = arith.index_cast %add3A_210 : i32 to index
        %swap3A_227 = arith.constant 0 : index
        %swap3A_228 = tpu.vector_load %arg12[%swap3A_226, %swap3A_227] {strides = array<i32>} : memref<128x128xf32, #tpu.memory_space<vmem>>, vector<1x16xf32>,
        %swap3A_229 = vector.shape_cast %swap3A_228 : vector<1x16xf32> to vector<16xf32>
        %swap3A_230 = vector.shape_cast %sub3A_225 : vector<16xf32> to vector<1x16xf32>
        tpu.vector_store %arg12[%swap3A_226, %swap3A_227], %swap3A_230 {strides = array<i32>} : memref<128x128xf32, #tpu.memory_space<vmem>>, vector<1x16xf32>,
        %mul3A_231 = arith.constant 8 : i32
        %mul3A_232 = arith.muli %scan3A_114, %mul3A_231 : i32
        %add3A_233 = arith.constant 5 : i32
        %add3A_234 = arith.addi %mul3A_232, %add3A_233 : i32
        %mul3A_235 = arith.constant 8 : i32
        %mul3A_236 = arith.muli %add3A_19, %mul3A_235 : i32
        %shift_right_arithmetic3A_237 = arith.constant 4 : i32
        %shift_right_arithmetic3A_238 = arith.shrsi %add3A_234, %shift_right_arithmetic3A_237 : i32
        %add3A_239 = arith.addi %mul3A_236, %shift_right_arithmetic3A_238 : i32
        %get3A_240 = arith.index_cast %add3A_234 : i32 to index
        %get3A_241 = arith.constant 0 : index
        %get3A_242 = tpu.vector_load %arg12[%get3A_240, %get3A_241] {strides = array<i32>} : memref<128x128xf32, #tpu.memory_space<vmem>>, vector<1x16xf32>,
        %get3A_243 = vector.shape_cast %get3A_242 : vector<1x16xf32> to vector<16xf32>
        %mul3A_244 = arith.constant 16 : i32
        %mul3A_245 = arith.muli %add3A_239, %mul3A_244 : i32
        %get3A_246 = arith.index_cast %mul3A_245 : i32 to index
        %get3A_247 = tpu.vector_load %arg13[%get3A_246] {strides = array<i32>} : memref<1280xf32, #tpu.memory_space<vmem>>, vector<16xf32>,
        %get3A_248 = vector.shape_cast %get3A_247 : vector<16xf32> to vector<16xf32>
        %sub3A_249 = arith.subf %get3A_243, %get3A_248 : vector<16xf32>
        %swap3A_250 = arith.index_cast %add3A_234 : i32 to index
        %swap3A_251 = arith.constant 0 : index
        %swap3A_252 = tpu.vector_load %arg12[%swap3A_250, %swap3A_251] {strides = array<i32>} : memref<128x128xf32, #tpu.memory_space<vmem>>, vector<1x16xf32>,
        %swap3A_253 = vector.shape_cast %swap3A_252 : vector<1x16xf32> to vector<16xf32>
        %swap3A_254 = vector.shape_cast %sub3A_249 : vector<16xf32> to vector<1x16xf32>
        tpu.vector_store %arg12[%swap3A_250, %swap3A_251], %swap3A_254 {strides = array<i32>} : memref<128x128xf32, #tpu.memory_space<vmem>>, vector<1x16xf32>,
        %mul3A_255 = arith.constant 8 : i32
        %mul3A_256 = arith.muli %scan3A_114, %mul3A_255 : i32
        %add3A_257 = arith.constant 6 : i32
        %add3A_258 = arith.addi %mul3A_256, %add3A_257 : i32
        %mul3A_259 = arith.constant 8 : i32
        %mul3A_260 = arith.muli %add3A_19, %mul3A_259 : i32
        %shift_right_arithmetic3A_261 = arith.constant 4 : i32
        %shift_right_arithmetic3A_262 = arith.shrsi %add3A_258, %shift_right_arithmetic3A_261 : i32
        %add3A_263 = arith.addi %mul3A_260, %shift_right_arithmetic3A_262 : i32
        %get3A_264 = arith.index_cast %add3A_258 : i32 to index
        %get3A_265 = arith.constant 0 : index
        %get3A_266 = tpu.vector_load %arg12[%get3A_264, %get3A_265] {strides = array<i32>} : memref<128x128xf32, #tpu.memory_space<vmem>>, vector<1x16xf32>,
        %get3A_267 = vector.shape_cast %get3A_266 : vector<1x16xf32> to vector<16xf32>
        %mul3A_268 = arith.constant 16 : i32
        %mul3A_269 = arith.muli %add3A_263, %mul3A_268 : i32
        %get3A_270 = arith.index_cast %mul3A_269 : i32 to index
        %get3A_271 = tpu.vector_load %arg13[%get3A_270] {strides = array<i32>} : memref<1280xf32, #tpu.memory_space<vmem>>, vector<16xf32>,
        %get3A_272 = vector.shape_cast %get3A_271 : vector<16xf32> to vector<16xf32>
        %sub3A_273 = arith.subf %get3A_267, %get3A_272 : vector<16xf32>
        %swap3A_274 = arith.index_cast %add3A_258 : i32 to index
        %swap3A_275 = arith.constant 0 : index
        %swap3A_276 = tpu.vector_load %arg12[%swap3A_274, %swap3A_275] {strides = array<i32>} : memref<128x128xf32, #tpu.memory_space<vmem>>, vector<1x16xf32>,
        %swap3A_277 = vector.shape_cast %swap3A_276 : vector<1x16xf32> to vector<16xf32>
        %swap3A_278 = vector.shape_cast %sub3A_273 : vector<16xf32> to vector<1x16xf32>
        tpu.vector_store %arg12[%swap3A_274, %swap3A_275], %swap3A_278 {strides = array<i32>} : memref<128x128xf32, #tpu.memory_space<vmem>>, vector<1x16xf32>,
        %mul3A_279 = arith.constant 8 : i32
        %mul3A_280 = arith.muli %scan3A_114, %mul3A_279 : i32
        %add3A_281 = arith.constant 7 : i32
        %add3A_282 = arith.addi %mul3A_280, %add3A_281 : i32
        %mul3A_283 = arith.constant 8 : i32
        %mul3A_284 = arith.muli %add3A_19, %mul3A_283 : i32
        %shift_right_arithmetic3A_285 = arith.constant 4 : i32
        %shift_right_arithmetic3A_286 = arith.shrsi %add3A_282, %shift_right_arithmetic3A_285 : i32
        %add3A_287 = arith.addi %mul3A_284, %shift_right_arithmetic3A_286 : i32
        %get3A_288 = arith.index_cast %add3A_282 : i32 to index
        %get3A_289 = arith.constant 0 : index
        %get3A_290 = tpu.vector_load %arg12[%get3A_288, %get3A_289] {strides = array<i32>} : memref<128x128xf32, #tpu.memory_space<vmem>>, vector<1x16xf32>,
        %get3A_291 = vector.shape_cast %get3A_290 : vector<1x16xf32> to vector<16xf32>
        %mul3A_292 = arith.constant 16 : i32
        %mul3A_293 = arith.muli %add3A_287, %mul3A_292 : i32
        %get3A_294 = arith.index_cast %mul3A_293 : i32 to index
        %get3A_295 = tpu.vector_load %arg13[%get3A_294] {strides = array<i32>} : memref<1280xf32, #tpu.memory_space<vmem>>, vector<16xf32>,
        %get3A_296 = vector.shape_cast %get3A_295 : vector<16xf32> to vector<16xf32>
        %sub3A_297 = arith.subf %get3A_291, %get3A_296 : vector<16xf32>
        %swap3A_298 = arith.index_cast %add3A_282 : i32 to index
        %swap3A_299 = arith.constant 0 : index
        %swap3A_300 = tpu.vector_load %arg12[%swap3A_298, %swap3A_299] {strides = array<i32>} : memref<128x128xf32, #tpu.memory_space<vmem>>, vector<1x16xf32>,
        %swap3A_301 = vector.shape_cast %swap3A_300 : vector<1x16xf32> to vector<16xf32>
        %swap3A_302 = vector.shape_cast %sub3A_297 : vector<16xf32> to vector<1x16xf32>
        tpu.vector_store %arg12[%swap3A_298, %swap3A_299], %swap3A_302 {strides = array<i32>} : memref<128x128xf32, #tpu.memory_space<vmem>>, vector<1x16xf32>,
      }
      %scan3A_89 = arith.constant 16 : i32
      %mul3A_90 = arith.constant 128 : i32
      %mul3A_91 = arith.muli %add3A_19, %mul3A_90 : i32
      %add3A_92 = arith.addi %multiple_of3A, %mul3A_91 : i32
      %multiple_of3A_93 = tpu.assume_multiple %add3A_92, 128 : i32
      %dma_start3A_94 = arith.constant 0 : i32
      %dma_start3A_95 = tpu.memref_slice %arg7[%multiple_of3A_93, %dma_start3A_94] : memref<40960x128xf32, #tpu.memory_space<hbm>> -> memref<128x128xf32, #tpu.memory_space<hbm>>
      %dma_start3A_96 = arith.constant 0 : i32
      %dma_start3A_97 = tpu.memref_slice %arg7[%multiple_of3A_93, %dma_start3A_96] : memref<40960x128xf32, #tpu.memory_space<hbm>> -> memref<128x128xf32, #tpu.memory_space<hbm>>
      tpu.enqueue_dma source(%arg12 : memref<128x128xf32, #tpu.memory_space<vmem>>) target(%dma_start3A_97 : memref<128x128xf32, #tpu.memory_space<hbm>>) target_semaphore(%arg21 : memref<!tpu.dma_semaphore, #tpu.memory_space<semaphore_mem>>)
      %dma_wait3A_98 = arith.constant 0 : i32
      %dma_wait3A_99 = tpu.memref_slice %arg6[%multiple_of3A_49, %dma_wait3A_98] : memref<40960x128xi32, #tpu.memory_space<hbm>> -> memref<128x128xi32, #tpu.memory_space<hbm>>
      %dma_wait3A_100 = arith.constant 0 : i32
      %dma_wait3A_101 = tpu.memref_slice %arg6[%multiple_of3A_49, %dma_wait3A_100] : memref<40960x128xi32, #tpu.memory_space<hbm>> -> memref<128x128xi32, #tpu.memory_space<hbm>>
      tpu.wait_dma2 semaphore(%arg18 : memref<!tpu.dma_semaphore, #tpu.memory_space<semaphore_mem>>) src(%arg9 : memref<128x128xi32, #tpu.memory_space<vmem>>) dst(%dma_wait3A_101 : memref<128x128xi32, #tpu.memory_space<hbm>>)
      %dma_wait3A_102 = arith.constant 0 : i32
      %dma_wait3A_103 = tpu.memref_slice %arg7[%multiple_of3A_63, %dma_wait3A_102] : memref<40960x128xf32, #tpu.memory_space<hbm>> -> memref<128x128xf32, #tpu.memory_space<hbm>>
      %dma_wait3A_104 = arith.constant 0 : i32
      %dma_wait3A_105 = tpu.memref_slice %arg7[%multiple_of3A_63, %dma_wait3A_104] : memref<40960x128xf32, #tpu.memory_space<hbm>> -> memref<128x128xf32, #tpu.memory_space<hbm>>
      tpu.wait_dma2 semaphore(%arg20 : memref<!tpu.dma_semaphore, #tpu.memory_space<semaphore_mem>>) src(%arg11 : memref<128x128xf32, #tpu.memory_space<vmem>>) dst(%dma_wait3A_105 : memref<128x128xf32, #tpu.memory_space<hbm>>)
      %dma_wait3A_106 = arith.constant 0 : i32
      %dma_wait3A_107 = tpu.memref_slice %arg6[%multiple_of3A_79, %dma_wait3A_106] : memref<40960x128xi32, #tpu.memory_space<hbm>> -> memref<128x128xi32, #tpu.memory_space<hbm>>
      %dma_wait3A_108 = arith.constant 0 : i32
      %dma_wait3A_109 = tpu.memref_slice %arg6[%multiple_of3A_79, %dma_wait3A_108] : memref<40960x128xi32, #tpu.memory_space<hbm>> -> memref<128x128xi32, #tpu.memory_space<hbm>>
      tpu.wait_dma2 semaphore(%arg19 : memref<!tpu.dma_semaphore, #tpu.memory_space<semaphore_mem>>) src(%arg10 : memref<128x128xi32, #tpu.memory_space<vmem>>) dst(%dma_wait3A_109 : memref<128x128xi32, #tpu.memory_space<hbm>>)
      %dma_wait3A_110 = arith.constant 0 : i32
      %dma_wait3A_111 = tpu.memref_slice %arg7[%multiple_of3A_93, %dma_wait3A_110] : memref<40960x128xf32, #tpu.memory_space<hbm>> -> memref<128x128xf32, #tpu.memory_space<hbm>>
      %dma_wait3A_112 = arith.constant 0 : i32
      %dma_wait3A_113 = tpu.memref_slice %arg7[%multiple_of3A_93, %dma_wait3A_112] : memref<40960x128xf32, #tpu.memory_space<hbm>> -> memref<128x128xf32, #tpu.memory_space<hbm>>
      tpu.wait_dma2 semaphore(%arg21 : memref<!tpu.dma_semaphore, #tpu.memory_space<semaphore_mem>>) src(%arg12 : memref<128x128xf32, #tpu.memory_space<vmem>>) dst(%dma_wait3A_113 : memref<128x128xf32, #tpu.memory_space<hbm>>)
    }
    %scan3A_12 = arith.constant 5 : i32
    return
  }
}

#map = affine_map<(d0, d1) -> (0, 0)>
#map1 = affine_map<(d0, d1) -> (0)>
module attributes {stable_mosaic.version = 14 : i64} {
  func.func @_sc_body(%arg0: i32, %arg1: i32, %arg2: memref<2500x128xi32, #tpu.memory_space<hbm>>, %arg3: memref<2500x128xf32, #tpu.memory_space<hbm>>, %arg4: memref<40960xf32, #tpu.memory_space<hbm>>, %arg5: memref<40960xi32, #tpu.memory_space<hbm>>, %arg6: memref<40960x128xi32, #tpu.memory_space<hbm>>, %arg7: memref<40960x128xf32, #tpu.memory_space<hbm>>, %arg8: memref<1280xi32, #tpu.memory_space<vmem>>, %arg9: memref<128x128xi32, #tpu.memory_space<vmem>>, %arg10: memref<128x128xi32, #tpu.memory_space<vmem>>, %arg11: memref<128x128xf32, #tpu.memory_space<vmem>>, %arg12: memref<128x128xf32, #tpu.memory_space<vmem>>, %arg13: memref<1280xf32, #tpu.memory_space<vmem>>, %arg14: memref<!tpu.dma_semaphore, #tpu.memory_space<semaphore_mem>>, %arg15: memref<!tpu.dma_semaphore, #tpu.memory_space<semaphore_mem>>, %arg16: memref<!tpu.dma_semaphore, #tpu.memory_space<semaphore_mem>>, %arg17: memref<!tpu.dma_semaphore, #tpu.memory_space<semaphore_mem>>, %arg18: memref<!tpu.dma_semaphore, #tpu.memory_space<semaphore_mem>>, %arg19: memref<!tpu.dma_semaphore, #tpu.memory_space<semaphore_mem>>, %arg20: memref<!tpu.dma_semaphore, #tpu.memory_space<semaphore_mem>>, %arg21: memref<!tpu.dma_semaphore, #tpu.memory_space<semaphore_mem>>) attributes {dimension_semantics = [#tpu.dimension_semantics<core_parallel>, #tpu.dimension_semantics<subcore_parallel>], iteration_bounds = array<i64: 2, 16>, scalar_prefetch = 0 : i64, scratch_operands = 14 : i64, tpu.core_type = #tpu.core_type<sc_vector_subcore>, window_params = [{transform_indices = #map}, {transform_indices = #map}, {transform_indices = #map1}, {transform_indices = #map1}, {transform_indices = #map}, {transform_indices = #map}]} {
    %mul3A = arith.constant 2 : i32
    %mul3A_0 = arith.muli %arg1, %mul3A : i32
    %add3A = arith.addi %mul3A_0, %arg0 : i32
    %mul3A_1 = arith.constant 1280 : i32
    %mul3A_2 = arith.muli %add3A, %mul3A_1 : i32
    %multiple_of3A = tpu.assume_multiple %mul3A_2, 1280 : i32
    "tpu.region"() ({
      %run_scoped3A = tpu.sem_alloc : memref<!tpu.dma_semaphore, #tpu.memory_space<semaphore_mem>>
      %dma_start3A = tpu.memref_slice %arg5[%multiple_of3A] : memref<40960xi32, #tpu.memory_space<hbm>> -> memref<1280xi32, #tpu.memory_space<hbm>>
      %dma_start3A_13 = tpu.memref_slice %arg5[%multiple_of3A] : memref<40960xi32, #tpu.memory_space<hbm>> -> memref<1280xi32, #tpu.memory_space<hbm>>
      tpu.enqueue_dma source(%dma_start3A_13 : memref<1280xi32, #tpu.memory_space<hbm>>) target(%arg8 : memref<1280xi32, #tpu.memory_space<vmem>>) target_semaphore(%run_scoped3A : memref<!tpu.dma_semaphore, #tpu.memory_space<semaphore_mem>>)
      %dma_wait3A = tpu.memref_slice %arg5[%multiple_of3A] : memref<40960xi32, #tpu.memory_space<hbm>> -> memref<1280xi32, #tpu.memory_space<hbm>>
      %dma_wait3A_14 = tpu.memref_slice %arg5[%multiple_of3A] : memref<40960xi32, #tpu.memory_space<hbm>> -> memref<1280xi32, #tpu.memory_space<hbm>>
      tpu.wait_dma2 semaphore(%run_scoped3A : memref<!tpu.dma_semaphore, #tpu.memory_space<semaphore_mem>>) src(%dma_wait3A_14 : memref<1280xi32, #tpu.memory_space<hbm>>) dst(%arg8 : memref<1280xi32, #tpu.memory_space<vmem>>)
      tpu.yield
    }) : () -> ()
    %mul3A_3 = arith.constant 80 : i32
    %mul3A_4 = arith.muli %add3A, %mul3A_3 : i32
    %mul3A_5 = arith.constant 16 : i32
    %mul3A_6 = arith.muli %mul3A_4, %mul3A_5 : i32
    %multiple_of3A_7 = tpu.assume_multiple %mul3A_6, 1280 : i32
    "tpu.region"() ({
      %run_scoped3A = tpu.sem_alloc : memref<!tpu.dma_semaphore, #tpu.memory_space<semaphore_mem>>
      %dma_start3A = tpu.memref_slice %arg4[%multiple_of3A_7] : memref<40960xf32, #tpu.memory_space<hbm>> -> memref<1280xf32, #tpu.memory_space<hbm>>
      %dma_start3A_13 = tpu.memref_slice %arg4[%multiple_of3A_7] : memref<40960xf32, #tpu.memory_space<hbm>> -> memref<1280xf32, #tpu.memory_space<hbm>>
      tpu.enqueue_dma source(%dma_start3A_13 : memref<1280xf32, #tpu.memory_space<hbm>>) target(%arg13 : memref<1280xf32, #tpu.memory_space<vmem>>) target_semaphore(%run_scoped3A : memref<!tpu.dma_semaphore, #tpu.memory_space<semaphore_mem>>)
      %dma_wait3A = tpu.memref_slice %arg4[%multiple_of3A_7] : memref<40960xf32, #tpu.memory_space<hbm>> -> memref<1280xf32, #tpu.memory_space<hbm>>
      %dma_wait3A_14 = tpu.memref_slice %arg4[%multiple_of3A_7] : memref<40960xf32, #tpu.memory_space<hbm>> -> memref<1280xf32, #tpu.memory_space<hbm>>
      tpu.wait_dma2 semaphore(%run_scoped3A : memref<!tpu.dma_semaphore, #tpu.memory_space<semaphore_mem>>) src(%dma_wait3A_14 : memref<1280xf32, #tpu.memory_space<hbm>>) dst(%arg13 : memref<1280xf32, #tpu.memory_space<vmem>>)
      tpu.yield
    }) : () -> ()
    %scan3A = arith.constant 0 : i32
    %scan3A_8 = arith.constant 0 : i32
    %scan3A_9 = arith.constant 5 : i32
    %scan3A_10 = arith.addi %scan3A_8, %scan3A_9 : i32
    %scan3A_11 = arith.constant 1 : i32
    scf.for %scan3A_13 = %scan3A_8 to %scan3A_10 step %scan3A_11  : i32 {
      %mul3A_14 = arith.constant 2 : i32
      %mul3A_15 = arith.muli %mul3A_14, %scan3A_13 : i32
      %mul3A_16 = arith.constant 2 : i32
      %mul3A_17 = arith.muli %mul3A_16, %scan3A_13 : i32
      %add3A_18 = arith.constant 1 : i32
      %add3A_19 = arith.addi %mul3A_17, %add3A_18 : i32
      %mul3A_20 = arith.constant 128 : i32
      %mul3A_21 = arith.muli %mul3A_15, %mul3A_20 : i32
      %dma_start3A = tpu.memref_slice %arg8[%mul3A_21] : memref<1280xi32, #tpu.memory_space<vmem>> -> memref<128xi32, #tpu.memory_space<vmem>>
      %dma_start3A_22 = arith.constant 0 : i32
      %dma_start3A_23 = arith.constant 0 : i32
      %dma_start3A_24 = tpu.memref_slice %arg2[%dma_start3A_22, %dma_start3A_23] : memref<2500x128xi32, #tpu.memory_space<hbm>> -> memref<2500x128xi32, #tpu.memory_space<hbm>>
      tpu.enqueue_indirect_dma source(%dma_start3A_24 : memref<2500x128xi32, #tpu.memory_space<hbm>>) target(%arg9 : memref<128x128xi32, #tpu.memory_space<vmem>>) offsets(%dma_start3A : memref<128xi32, #tpu.memory_space<vmem>>) semaphore(%arg14 : memref<!tpu.dma_semaphore, #tpu.memory_space<semaphore_mem>>)
      %dma_start3A_25 = tpu.memref_slice %arg8[%mul3A_21] : memref<1280xi32, #tpu.memory_space<vmem>> -> memref<128xi32, #tpu.memory_space<vmem>>
      %dma_start3A_26 = arith.constant 0 : i32
      %dma_start3A_27 = arith.constant 0 : i32
      %dma_start3A_28 = tpu.memref_slice %arg3[%dma_start3A_26, %dma_start3A_27] : memref<2500x128xf32, #tpu.memory_space<hbm>> -> memref<2500x128xf32, #tpu.memory_space<hbm>>
      tpu.enqueue_indirect_dma source(%dma_start3A_28 : memref<2500x128xf32, #tpu.memory_space<hbm>>) target(%arg11 : memref<128x128xf32, #tpu.memory_space<vmem>>) offsets(%dma_start3A_25 : memref<128xi32, #tpu.memory_space<vmem>>) semaphore(%arg16 : memref<!tpu.dma_semaphore, #tpu.memory_space<semaphore_mem>>)
      %mul3A_29 = arith.constant 128 : i32
      %mul3A_30 = arith.muli %add3A_19, %mul3A_29 : i32
      %dma_start3A_31 = tpu.memref_slice %arg8[%mul3A_30] : memref<1280xi32, #tpu.memory_space<vmem>> -> memref<128xi32, #tpu.memory_space<vmem>>
      %dma_start3A_32 = arith.constant 0 : i32
      %dma_start3A_33 = arith.constant 0 : i32
      %dma_start3A_34 = tpu.memref_slice %arg2[%dma_start3A_32, %dma_start3A_33] : memref<2500x128xi32, #tpu.memory_space<hbm>> -> memref<2500x128xi32, #tpu.memory_space<hbm>>
      tpu.enqueue_indirect_dma source(%dma_start3A_34 : memref<2500x128xi32, #tpu.memory_space<hbm>>) target(%arg10 : memref<128x128xi32, #tpu.memory_space<vmem>>) offsets(%dma_start3A_31 : memref<128xi32, #tpu.memory_space<vmem>>) semaphore(%arg15 : memref<!tpu.dma_semaphore, #tpu.memory_space<semaphore_mem>>)
      %dma_start3A_35 = tpu.memref_slice %arg8[%mul3A_30] : memref<1280xi32, #tpu.memory_space<vmem>> -> memref<128xi32, #tpu.memory_space<vmem>>
      %dma_start3A_36 = arith.constant 0 : i32
      %dma_start3A_37 = arith.constant 0 : i32
      %dma_start3A_38 = tpu.memref_slice %arg3[%dma_start3A_36, %dma_start3A_37] : memref<2500x128xf32, #tpu.memory_space<hbm>> -> memref<2500x128xf32, #tpu.memory_space<hbm>>
      tpu.enqueue_indirect_dma source(%dma_start3A_38 : memref<2500x128xf32, #tpu.memory_space<hbm>>) target(%arg12 : memref<128x128xf32, #tpu.memory_space<vmem>>) offsets(%dma_start3A_35 : memref<128xi32, #tpu.memory_space<vmem>>) semaphore(%arg17 : memref<!tpu.dma_semaphore, #tpu.memory_space<semaphore_mem>>)
      %dma_wait3A = tpu.memref_slice %arg8[%mul3A_21] : memref<1280xi32, #tpu.memory_space<vmem>> -> memref<128xi32, #tpu.memory_space<vmem>>
      %dma_wait3A_39 = arith.constant 0 : i32
      %dma_wait3A_40 = arith.constant 0 : i32
      %dma_wait3A_41 = tpu.memref_slice %arg2[%dma_wait3A_39, %dma_wait3A_40] : memref<2500x128xi32, #tpu.memory_space<hbm>> -> memref<2500x128xi32, #tpu.memory_space<hbm>>
      tpu.wait_indirect_dma semaphore(%arg14 : memref<!tpu.dma_semaphore, #tpu.memory_space<semaphore_mem>>) src(%dma_wait3A_41 : memref<2500x128xi32, #tpu.memory_space<hbm>>) dst(%arg9 : memref<128x128xi32, #tpu.memory_space<vmem>>)
      %dma_wait3A_42 = tpu.memref_slice %arg8[%mul3A_21] : memref<1280xi32, #tpu.memory_space<vmem>> -> memref<128xi32, #tpu.memory_space<vmem>>
      %dma_wait3A_43 = arith.constant 0 : i32
      %dma_wait3A_44 = arith.constant 0 : i32
      %dma_wait3A_45 = tpu.memref_slice %arg3[%dma_wait3A_43, %dma_wait3A_44] : memref<2500x128xf32, #tpu.memory_space<hbm>> -> memref<2500x128xf32, #tpu.memory_space<hbm>>
      tpu.wait_indirect_dma semaphore(%arg16 : memref<!tpu.dma_semaphore, #tpu.memory_space<semaphore_mem>>) src(%dma_wait3A_45 : memref<2500x128xf32, #tpu.memory_space<hbm>>) dst(%arg11 : memref<128x128xf32, #tpu.memory_space<vmem>>)
      %mul3A_46 = arith.constant 128 : i32
      %mul3A_47 = arith.muli %mul3A_15, %mul3A_46 : i32
      %add3A_48 = arith.addi %multiple_of3A, %mul3A_47 : i32
      %multiple_of3A_49 = tpu.assume_multiple %add3A_48, 128 : i32
      %dma_start3A_50 = arith.constant 0 : i32
      %dma_start3A_51 = tpu.memref_slice %arg6[%multiple_of3A_49, %dma_start3A_50] : memref<40960x128xi32, #tpu.memory_space<hbm>> -> memref<128x128xi32, #tpu.memory_space<hbm>>
      %dma_start3A_52 = arith.constant 0 : i32
      %dma_start3A_53 = tpu.memref_slice %arg6[%multiple_of3A_49, %dma_start3A_52] : memref<40960x128xi32, #tpu.memory_space<hbm>> -> memref<128x128xi32, #tpu.memory_space<hbm>>
      tpu.enqueue_dma source(%arg9 : memref<128x128xi32, #tpu.memory_space<vmem>>) target(%dma_start3A_53 : memref<128x128xi32, #tpu.memory_space<hbm>>) target_semaphore(%arg18 : memref<!tpu.dma_semaphore, #tpu.memory_space<semaphore_mem>>)
      %scan3A_54 = arith.constant 0 : i32
      %scan3A_55 = arith.constant 0 : i32
      %scan3A_56 = arith.constant 16 : i32
      %scan3A_57 = arith.addi %scan3A_55, %scan3A_56 : i32
      %scan3A_58 = arith.constant 1 : i32
      scf.for %scan3A_114 = %scan3A_55 to %scan3A_57 step %scan3A_58  : i32 {
        %mul3A_115 = arith.constant 8 : i32
        %mul3A_116 = arith.muli %scan3A_114, %mul3A_115 : i32
        %add3A_117 = arith.constant 0 : i32
        %add3A_118 = arith.addi %mul3A_116, %add3A_117 : i32
        %mul3A_119 = arith.constant 8 : i32
        %mul3A_120 = arith.muli %mul3A_15, %mul3A_119 : i32
        %shift_right_arithmetic3A = arith.constant 4 : i32
        %shift_right_arithmetic3A_121 = arith.shrsi %add3A_118, %shift_right_arithmetic3A : i32
        %add3A_122 = arith.addi %mul3A_120, %shift_right_arithmetic3A_121 : i32
        %get3A = arith.index_cast %add3A_118 : i32 to index
        %get3A_123 = arith.constant 0 : index
        %get3A_124 = tpu.vector_load %arg11[%get3A, %get3A_123] {strides = array<i32>} : memref<128x128xf32, #tpu.memory_space<vmem>>, vector<1x16xf32>,
        %get3A_125 = vector.shape_cast %get3A_124 : vector<1x16xf32> to vector<16xf32>
        %mul3A_126 = arith.constant 16 : i32
        %mul3A_127 = arith.muli %add3A_122, %mul3A_126 : i32
        %get3A_128 = arith.index_cast %mul3A_127 : i32 to index
        %get3A_129 = tpu.vector_load %arg13[%get3A_128] {strides = array<i32>} : memref<1280xf32, #tpu.memory_space<vmem>>, vector<16xf32>,
        %get3A_130 = vector.shape_cast %get3A_129 : vector<16xf32> to vector<16xf32>
        %sub3A = arith.subf %get3A_125, %get3A_130 : vector<16xf32>
        %swap3A = arith.index_cast %add3A_118 : i32 to index
        %swap3A_131 = arith.constant 0 : index
        %swap3A_132 = tpu.vector_load %arg11[%swap3A, %swap3A_131] {strides = array<i32>} : memref<128x128xf32, #tpu.memory_space<vmem>>, vector<1x16xf32>,
        %swap3A_133 = vector.shape_cast %swap3A_132 : vector<1x16xf32> to vector<16xf32>
        %swap3A_134 = vector.shape_cast %sub3A : vector<16xf32> to vector<1x16xf32>
        tpu.vector_store %arg11[%swap3A, %swap3A_131], %swap3A_134 {strides = array<i32>} : memref<128x128xf32, #tpu.memory_space<vmem>>, vector<1x16xf32>,
        %mul3A_135 = arith.constant 8 : i32
        %mul3A_136 = arith.muli %scan3A_114, %mul3A_135 : i32
        %add3A_137 = arith.constant 1 : i32
        %add3A_138 = arith.addi %mul3A_136, %add3A_137 : i32
        %mul3A_139 = arith.constant 8 : i32
        %mul3A_140 = arith.muli %mul3A_15, %mul3A_139 : i32
        %shift_right_arithmetic3A_141 = arith.constant 4 : i32
        %shift_right_arithmetic3A_142 = arith.shrsi %add3A_138, %shift_right_arithmetic3A_141 : i32
        %add3A_143 = arith.addi %mul3A_140, %shift_right_arithmetic3A_142 : i32
        %get3A_144 = arith.index_cast %add3A_138 : i32 to index
        %get3A_145 = arith.constant 0 : index
        %get3A_146 = tpu.vector_load %arg11[%get3A_144, %get3A_145] {strides = array<i32>} : memref<128x128xf32, #tpu.memory_space<vmem>>, vector<1x16xf32>,
        %get3A_147 = vector.shape_cast %get3A_146 : vector<1x16xf32> to vector<16xf32>
        %mul3A_148 = arith.constant 16 : i32
        %mul3A_149 = arith.muli %add3A_143, %mul3A_148 : i32
        %get3A_150 = arith.index_cast %mul3A_149 : i32 to index
        %get3A_151 = tpu.vector_load %arg13[%get3A_150] {strides = array<i32>} : memref<1280xf32, #tpu.memory_space<vmem>>, vector<16xf32>,
        %get3A_152 = vector.shape_cast %get3A_151 : vector<16xf32> to vector<16xf32>
        %sub3A_153 = arith.subf %get3A_147, %get3A_152 : vector<16xf32>
        %swap3A_154 = arith.index_cast %add3A_138 : i32 to index
        %swap3A_155 = arith.constant 0 : index
        %swap3A_156 = tpu.vector_load %arg11[%swap3A_154, %swap3A_155] {strides = array<i32>} : memref<128x128xf32, #tpu.memory_space<vmem>>, vector<1x16xf32>,
        %swap3A_157 = vector.shape_cast %swap3A_156 : vector<1x16xf32> to vector<16xf32>
        %swap3A_158 = vector.shape_cast %sub3A_153 : vector<16xf32> to vector<1x16xf32>
        tpu.vector_store %arg11[%swap3A_154, %swap3A_155], %swap3A_158 {strides = array<i32>} : memref<128x128xf32, #tpu.memory_space<vmem>>, vector<1x16xf32>,
        %mul3A_159 = arith.constant 8 : i32
        %mul3A_160 = arith.muli %scan3A_114, %mul3A_159 : i32
        %add3A_161 = arith.constant 2 : i32
        %add3A_162 = arith.addi %mul3A_160, %add3A_161 : i32
        %mul3A_163 = arith.constant 8 : i32
        %mul3A_164 = arith.muli %mul3A_15, %mul3A_163 : i32
        %shift_right_arithmetic3A_165 = arith.constant 4 : i32
        %shift_right_arithmetic3A_166 = arith.shrsi %add3A_162, %shift_right_arithmetic3A_165 : i32
        %add3A_167 = arith.addi %mul3A_164, %shift_right_arithmetic3A_166 : i32
        %get3A_168 = arith.index_cast %add3A_162 : i32 to index
        %get3A_169 = arith.constant 0 : index
        %get3A_170 = tpu.vector_load %arg11[%get3A_168, %get3A_169] {strides = array<i32>} : memref<128x128xf32, #tpu.memory_space<vmem>>, vector<1x16xf32>,
        %get3A_171 = vector.shape_cast %get3A_170 : vector<1x16xf32> to vector<16xf32>
        %mul3A_172 = arith.constant 16 : i32
        %mul3A_173 = arith.muli %add3A_167, %mul3A_172 : i32
        %get3A_174 = arith.index_cast %mul3A_173 : i32 to index
        %get3A_175 = tpu.vector_load %arg13[%get3A_174] {strides = array<i32>} : memref<1280xf32, #tpu.memory_space<vmem>>, vector<16xf32>,
        %get3A_176 = vector.shape_cast %get3A_175 : vector<16xf32> to vector<16xf32>
        %sub3A_177 = arith.subf %get3A_171, %get3A_176 : vector<16xf32>
        %swap3A_178 = arith.index_cast %add3A_162 : i32 to index
        %swap3A_179 = arith.constant 0 : index
        %swap3A_180 = tpu.vector_load %arg11[%swap3A_178, %swap3A_179] {strides = array<i32>} : memref<128x128xf32, #tpu.memory_space<vmem>>, vector<1x16xf32>,
        %swap3A_181 = vector.shape_cast %swap3A_180 : vector<1x16xf32> to vector<16xf32>
        %swap3A_182 = vector.shape_cast %sub3A_177 : vector<16xf32> to vector<1x16xf32>
        tpu.vector_store %arg11[%swap3A_178, %swap3A_179], %swap3A_182 {strides = array<i32>} : memref<128x128xf32, #tpu.memory_space<vmem>>, vector<1x16xf32>,
        %mul3A_183 = arith.constant 8 : i32
        %mul3A_184 = arith.muli %scan3A_114, %mul3A_183 : i32
        %add3A_185 = arith.constant 3 : i32
        %add3A_186 = arith.addi %mul3A_184, %add3A_185 : i32
        %mul3A_187 = arith.constant 8 : i32
        %mul3A_188 = arith.muli %mul3A_15, %mul3A_187 : i32
        %shift_right_arithmetic3A_189 = arith.constant 4 : i32
        %shift_right_arithmetic3A_190 = arith.shrsi %add3A_186, %shift_right_arithmetic3A_189 : i32
        %add3A_191 = arith.addi %mul3A_188, %shift_right_arithmetic3A_190 : i32
        %get3A_192 = arith.index_cast %add3A_186 : i32 to index
        %get3A_193 = arith.constant 0 : index
        %get3A_194 = tpu.vector_load %arg11[%get3A_192, %get3A_193] {strides = array<i32>} : memref<128x128xf32, #tpu.memory_space<vmem>>, vector<1x16xf32>,
        %get3A_195 = vector.shape_cast %get3A_194 : vector<1x16xf32> to vector<16xf32>
        %mul3A_196 = arith.constant 16 : i32
        %mul3A_197 = arith.muli %add3A_191, %mul3A_196 : i32
        %get3A_198 = arith.index_cast %mul3A_197 : i32 to index
        %get3A_199 = tpu.vector_load %arg13[%get3A_198] {strides = array<i32>} : memref<1280xf32, #tpu.memory_space<vmem>>, vector<16xf32>,
        %get3A_200 = vector.shape_cast %get3A_199 : vector<16xf32> to vector<16xf32>
        %sub3A_201 = arith.subf %get3A_195, %get3A_200 : vector<16xf32>
        %swap3A_202 = arith.index_cast %add3A_186 : i32 to index
        %swap3A_203 = arith.constant 0 : index
        %swap3A_204 = tpu.vector_load %arg11[%swap3A_202, %swap3A_203] {strides = array<i32>} : memref<128x128xf32, #tpu.memory_space<vmem>>, vector<1x16xf32>,
        %swap3A_205 = vector.shape_cast %swap3A_204 : vector<1x16xf32> to vector<16xf32>
        %swap3A_206 = vector.shape_cast %sub3A_201 : vector<16xf32> to vector<1x16xf32>
        tpu.vector_store %arg11[%swap3A_202, %swap3A_203], %swap3A_206 {strides = array<i32>} : memref<128x128xf32, #tpu.memory_space<vmem>>, vector<1x16xf32>,
        %mul3A_207 = arith.constant 8 : i32
        %mul3A_208 = arith.muli %scan3A_114, %mul3A_207 : i32
        %add3A_209 = arith.constant 4 : i32
        %add3A_210 = arith.addi %mul3A_208, %add3A_209 : i32
        %mul3A_211 = arith.constant 8 : i32
        %mul3A_212 = arith.muli %mul3A_15, %mul3A_211 : i32
        %shift_right_arithmetic3A_213 = arith.constant 4 : i32
        %shift_right_arithmetic3A_214 = arith.shrsi %add3A_210, %shift_right_arithmetic3A_213 : i32
        %add3A_215 = arith.addi %mul3A_212, %shift_right_arithmetic3A_214 : i32
        %get3A_216 = arith.index_cast %add3A_210 : i32 to index
        %get3A_217 = arith.constant 0 : index
        %get3A_218 = tpu.vector_load %arg11[%get3A_216, %get3A_217] {strides = array<i32>} : memref<128x128xf32, #tpu.memory_space<vmem>>, vector<1x16xf32>,
        %get3A_219 = vector.shape_cast %get3A_218 : vector<1x16xf32> to vector<16xf32>
        %mul3A_220 = arith.constant 16 : i32
        %mul3A_221 = arith.muli %add3A_215, %mul3A_220 : i32
        %get3A_222 = arith.index_cast %mul3A_221 : i32 to index
        %get3A_223 = tpu.vector_load %arg13[%get3A_222] {strides = array<i32>} : memref<1280xf32, #tpu.memory_space<vmem>>, vector<16xf32>,
        %get3A_224 = vector.shape_cast %get3A_223 : vector<16xf32> to vector<16xf32>
        %sub3A_225 = arith.subf %get3A_219, %get3A_224 : vector<16xf32>
        %swap3A_226 = arith.index_cast %add3A_210 : i32 to index
        %swap3A_227 = arith.constant 0 : index
        %swap3A_228 = tpu.vector_load %arg11[%swap3A_226, %swap3A_227] {strides = array<i32>} : memref<128x128xf32, #tpu.memory_space<vmem>>, vector<1x16xf32>,
        %swap3A_229 = vector.shape_cast %swap3A_228 : vector<1x16xf32> to vector<16xf32>
        %swap3A_230 = vector.shape_cast %sub3A_225 : vector<16xf32> to vector<1x16xf32>
        tpu.vector_store %arg11[%swap3A_226, %swap3A_227], %swap3A_230 {strides = array<i32>} : memref<128x128xf32, #tpu.memory_space<vmem>>, vector<1x16xf32>,
        %mul3A_231 = arith.constant 8 : i32
        %mul3A_232 = arith.muli %scan3A_114, %mul3A_231 : i32
        %add3A_233 = arith.constant 5 : i32
        %add3A_234 = arith.addi %mul3A_232, %add3A_233 : i32
        %mul3A_235 = arith.constant 8 : i32
        %mul3A_236 = arith.muli %mul3A_15, %mul3A_235 : i32
        %shift_right_arithmetic3A_237 = arith.constant 4 : i32
        %shift_right_arithmetic3A_238 = arith.shrsi %add3A_234, %shift_right_arithmetic3A_237 : i32
        %add3A_239 = arith.addi %mul3A_236, %shift_right_arithmetic3A_238 : i32
        %get3A_240 = arith.index_cast %add3A_234 : i32 to index
        %get3A_241 = arith.constant 0 : index
        %get3A_242 = tpu.vector_load %arg11[%get3A_240, %get3A_241] {strides = array<i32>} : memref<128x128xf32, #tpu.memory_space<vmem>>, vector<1x16xf32>,
        %get3A_243 = vector.shape_cast %get3A_242 : vector<1x16xf32> to vector<16xf32>
        %mul3A_244 = arith.constant 16 : i32
        %mul3A_245 = arith.muli %add3A_239, %mul3A_244 : i32
        %get3A_246 = arith.index_cast %mul3A_245 : i32 to index
        %get3A_247 = tpu.vector_load %arg13[%get3A_246] {strides = array<i32>} : memref<1280xf32, #tpu.memory_space<vmem>>, vector<16xf32>,
        %get3A_248 = vector.shape_cast %get3A_247 : vector<16xf32> to vector<16xf32>
        %sub3A_249 = arith.subf %get3A_243, %get3A_248 : vector<16xf32>
        %swap3A_250 = arith.index_cast %add3A_234 : i32 to index
        %swap3A_251 = arith.constant 0 : index
        %swap3A_252 = tpu.vector_load %arg11[%swap3A_250, %swap3A_251] {strides = array<i32>} : memref<128x128xf32, #tpu.memory_space<vmem>>, vector<1x16xf32>,
        %swap3A_253 = vector.shape_cast %swap3A_252 : vector<1x16xf32> to vector<16xf32>
        %swap3A_254 = vector.shape_cast %sub3A_249 : vector<16xf32> to vector<1x16xf32>
        tpu.vector_store %arg11[%swap3A_250, %swap3A_251], %swap3A_254 {strides = array<i32>} : memref<128x128xf32, #tpu.memory_space<vmem>>, vector<1x16xf32>,
        %mul3A_255 = arith.constant 8 : i32
        %mul3A_256 = arith.muli %scan3A_114, %mul3A_255 : i32
        %add3A_257 = arith.constant 6 : i32
        %add3A_258 = arith.addi %mul3A_256, %add3A_257 : i32
        %mul3A_259 = arith.constant 8 : i32
        %mul3A_260 = arith.muli %mul3A_15, %mul3A_259 : i32
        %shift_right_arithmetic3A_261 = arith.constant 4 : i32
        %shift_right_arithmetic3A_262 = arith.shrsi %add3A_258, %shift_right_arithmetic3A_261 : i32
        %add3A_263 = arith.addi %mul3A_260, %shift_right_arithmetic3A_262 : i32
        %get3A_264 = arith.index_cast %add3A_258 : i32 to index
        %get3A_265 = arith.constant 0 : index
        %get3A_266 = tpu.vector_load %arg11[%get3A_264, %get3A_265] {strides = array<i32>} : memref<128x128xf32, #tpu.memory_space<vmem>>, vector<1x16xf32>,
        %get3A_267 = vector.shape_cast %get3A_266 : vector<1x16xf32> to vector<16xf32>
        %mul3A_268 = arith.constant 16 : i32
        %mul3A_269 = arith.muli %add3A_263, %mul3A_268 : i32
        %get3A_270 = arith.index_cast %mul3A_269 : i32 to index
        %get3A_271 = tpu.vector_load %arg13[%get3A_270] {strides = array<i32>} : memref<1280xf32, #tpu.memory_space<vmem>>, vector<16xf32>,
        %get3A_272 = vector.shape_cast %get3A_271 : vector<16xf32> to vector<16xf32>
        %sub3A_273 = arith.subf %get3A_267, %get3A_272 : vector<16xf32>
        %swap3A_274 = arith.index_cast %add3A_258 : i32 to index
        %swap3A_275 = arith.constant 0 : index
        %swap3A_276 = tpu.vector_load %arg11[%swap3A_274, %swap3A_275] {strides = array<i32>} : memref<128x128xf32, #tpu.memory_space<vmem>>, vector<1x16xf32>,
        %swap3A_277 = vector.shape_cast %swap3A_276 : vector<1x16xf32> to vector<16xf32>
        %swap3A_278 = vector.shape_cast %sub3A_273 : vector<16xf32> to vector<1x16xf32>
        tpu.vector_store %arg11[%swap3A_274, %swap3A_275], %swap3A_278 {strides = array<i32>} : memref<128x128xf32, #tpu.memory_space<vmem>>, vector<1x16xf32>,
        %mul3A_279 = arith.constant 8 : i32
        %mul3A_280 = arith.muli %scan3A_114, %mul3A_279 : i32
        %add3A_281 = arith.constant 7 : i32
        %add3A_282 = arith.addi %mul3A_280, %add3A_281 : i32
        %mul3A_283 = arith.constant 8 : i32
        %mul3A_284 = arith.muli %mul3A_15, %mul3A_283 : i32
        %shift_right_arithmetic3A_285 = arith.constant 4 : i32
        %shift_right_arithmetic3A_286 = arith.shrsi %add3A_282, %shift_right_arithmetic3A_285 : i32
        %add3A_287 = arith.addi %mul3A_284, %shift_right_arithmetic3A_286 : i32
        %get3A_288 = arith.index_cast %add3A_282 : i32 to index
        %get3A_289 = arith.constant 0 : index
        %get3A_290 = tpu.vector_load %arg11[%get3A_288, %get3A_289] {strides = array<i32>} : memref<128x128xf32, #tpu.memory_space<vmem>>, vector<1x16xf32>,
        %get3A_291 = vector.shape_cast %get3A_290 : vector<1x16xf32> to vector<16xf32>
        %mul3A_292 = arith.constant 16 : i32
        %mul3A_293 = arith.muli %add3A_287, %mul3A_292 : i32
        %get3A_294 = arith.index_cast %mul3A_293 : i32 to index
        %get3A_295 = tpu.vector_load %arg13[%get3A_294] {strides = array<i32>} : memref<1280xf32, #tpu.memory_space<vmem>>, vector<16xf32>,
        %get3A_296 = vector.shape_cast %get3A_295 : vector<16xf32> to vector<16xf32>
        %sub3A_297 = arith.subf %get3A_291, %get3A_296 : vector<16xf32>
        %swap3A_298 = arith.index_cast %add3A_282 : i32 to index
        %swap3A_299 = arith.constant 0 : index
        %swap3A_300 = tpu.vector_load %arg11[%swap3A_298, %swap3A_299] {strides = array<i32>} : memref<128x128xf32, #tpu.memory_space<vmem>>, vector<1x16xf32>,
        %swap3A_301 = vector.shape_cast %swap3A_300 : vector<1x16xf32> to vector<16xf32>
        %swap3A_302 = vector.shape_cast %sub3A_297 : vector<16xf32> to vector<1x16xf32>
        tpu.vector_store %arg11[%swap3A_298, %swap3A_299], %swap3A_302 {strides = array<i32>} : memref<128x128xf32, #tpu.memory_space<vmem>>, vector<1x16xf32>,
      }
      %scan3A_59 = arith.constant 16 : i32
      %mul3A_60 = arith.constant 128 : i32
      %mul3A_61 = arith.muli %mul3A_15, %mul3A_60 : i32
      %add3A_62 = arith.addi %multiple_of3A, %mul3A_61 : i32
      %multiple_of3A_63 = tpu.assume_multiple %add3A_62, 128 : i32
      %dma_start3A_64 = arith.constant 0 : i32
      %dma_start3A_65 = tpu.memref_slice %arg7[%multiple_of3A_63, %dma_start3A_64] : memref<40960x128xf32, #tpu.memory_space<hbm>> -> memref<128x128xf32, #tpu.memory_space<hbm>>
      %dma_start3A_66 = arith.constant 0 : i32
      %dma_start3A_67 = tpu.memref_slice %arg7[%multiple_of3A_63, %dma_start3A_66] : memref<40960x128xf32, #tpu.memory_space<hbm>> -> memref<128x128xf32, #tpu.memory_space<hbm>>
      tpu.enqueue_dma source(%arg11 : memref<128x128xf32, #tpu.memory_space<vmem>>) target(%dma_start3A_67 : memref<128x128xf32, #tpu.memory_space<hbm>>) target_semaphore(%arg20 : memref<!tpu.dma_semaphore, #tpu.memory_space<semaphore_mem>>)
      %dma_wait3A_68 = tpu.memref_slice %arg8[%mul3A_30] : memref<1280xi32, #tpu.memory_space<vmem>> -> memref<128xi32, #tpu.memory_space<vmem>>
      %dma_wait3A_69 = arith.constant 0 : i32
      %dma_wait3A_70 = arith.constant 0 : i32
      %dma_wait3A_71 = tpu.memref_slice %arg2[%dma_wait3A_69, %dma_wait3A_70] : memref<2500x128xi32, #tpu.memory_space<hbm>> -> memref<2500x128xi32, #tpu.memory_space<hbm>>
      tpu.wait_indirect_dma semaphore(%arg15 : memref<!tpu.dma_semaphore, #tpu.memory_space<semaphore_mem>>) src(%dma_wait3A_71 : memref<2500x128xi32, #tpu.memory_space<hbm>>) dst(%arg10 : memref<128x128xi32, #tpu.memory_space<vmem>>)
      %dma_wait3A_72 = tpu.memref_slice %arg8[%mul3A_30] : memref<1280xi32, #tpu.memory_space<vmem>> -> memref<128xi32, #tpu.memory_space<vmem>>
      %dma_wait3A_73 = arith.constant 0 : i32
      %dma_wait3A_74 = arith.constant 0 : i32
      %dma_wait3A_75 = tpu.memref_slice %arg3[%dma_wait3A_73, %dma_wait3A_74] : memref<2500x128xf32, #tpu.memory_space<hbm>> -> memref<2500x128xf32, #tpu.memory_space<hbm>>
      tpu.wait_indirect_dma semaphore(%arg17 : memref<!tpu.dma_semaphore, #tpu.memory_space<semaphore_mem>>) src(%dma_wait3A_75 : memref<2500x128xf32, #tpu.memory_space<hbm>>) dst(%arg12 : memref<128x128xf32, #tpu.memory_space<vmem>>)
      %mul3A_76 = arith.constant 128 : i32
      %mul3A_77 = arith.muli %add3A_19, %mul3A_76 : i32
      %add3A_78 = arith.addi %multiple_of3A, %mul3A_77 : i32
      %multiple_of3A_79 = tpu.assume_multiple %add3A_78, 128 : i32
      %dma_start3A_80 = arith.constant 0 : i32
      %dma_start3A_81 = tpu.memref_slice %arg6[%multiple_of3A_79, %dma_start3A_80] : memref<40960x128xi32, #tpu.memory_space<hbm>> -> memref<128x128xi32, #tpu.memory_space<hbm>>
      %dma_start3A_82 = arith.constant 0 : i32
      %dma_start3A_83 = tpu.memref_slice %arg6[%multiple_of3A_79, %dma_start3A_82] : memref<40960x128xi32, #tpu.memory_space<hbm>> -> memref<128x128xi32, #tpu.memory_space<hbm>>
      tpu.enqueue_dma source(%arg10 : memref<128x128xi32, #tpu.memory_space<vmem>>) target(%dma_start3A_83 : memref<128x128xi32, #tpu.memory_space<hbm>>) target_semaphore(%arg19 : memref<!tpu.dma_semaphore, #tpu.memory_space<semaphore_mem>>)
      %scan3A_84 = arith.constant 0 : i32
      %scan3A_85 = arith.constant 0 : i32
      %scan3A_86 = arith.constant 16 : i32
      %scan3A_87 = arith.addi %scan3A_85, %scan3A_86 : i32
      %scan3A_88 = arith.constant 1 : i32
      scf.for %scan3A_114 = %scan3A_85 to %scan3A_87 step %scan3A_88  : i32 {
        %mul3A_115 = arith.constant 8 : i32
        %mul3A_116 = arith.muli %scan3A_114, %mul3A_115 : i32
        %add3A_117 = arith.constant 0 : i32
        %add3A_118 = arith.addi %mul3A_116, %add3A_117 : i32
        %mul3A_119 = arith.constant 8 : i32
        %mul3A_120 = arith.muli %add3A_19, %mul3A_119 : i32
        %shift_right_arithmetic3A = arith.constant 4 : i32
        %shift_right_arithmetic3A_121 = arith.shrsi %add3A_118, %shift_right_arithmetic3A : i32
        %add3A_122 = arith.addi %mul3A_120, %shift_right_arithmetic3A_121 : i32
        %get3A = arith.index_cast %add3A_118 : i32 to index
        %get3A_123 = arith.constant 0 : index
        %get3A_124 = tpu.vector_load %arg12[%get3A, %get3A_123] {strides = array<i32>} : memref<128x128xf32, #tpu.memory_space<vmem>>, vector<1x16xf32>,
        %get3A_125 = vector.shape_cast %get3A_124 : vector<1x16xf32> to vector<16xf32>
        %mul3A_126 = arith.constant 16 : i32
        %mul3A_127 = arith.muli %add3A_122, %mul3A_126 : i32
        %get3A_128 = arith.index_cast %mul3A_127 : i32 to index
        %get3A_129 = tpu.vector_load %arg13[%get3A_128] {strides = array<i32>} : memref<1280xf32, #tpu.memory_space<vmem>>, vector<16xf32>,
        %get3A_130 = vector.shape_cast %get3A_129 : vector<16xf32> to vector<16xf32>
        %sub3A = arith.subf %get3A_125, %get3A_130 : vector<16xf32>
        %swap3A = arith.index_cast %add3A_118 : i32 to index
        %swap3A_131 = arith.constant 0 : index
        %swap3A_132 = tpu.vector_load %arg12[%swap3A, %swap3A_131] {strides = array<i32>} : memref<128x128xf32, #tpu.memory_space<vmem>>, vector<1x16xf32>,
        %swap3A_133 = vector.shape_cast %swap3A_132 : vector<1x16xf32> to vector<16xf32>
        %swap3A_134 = vector.shape_cast %sub3A : vector<16xf32> to vector<1x16xf32>
        tpu.vector_store %arg12[%swap3A, %swap3A_131], %swap3A_134 {strides = array<i32>} : memref<128x128xf32, #tpu.memory_space<vmem>>, vector<1x16xf32>,
        %mul3A_135 = arith.constant 8 : i32
        %mul3A_136 = arith.muli %scan3A_114, %mul3A_135 : i32
        %add3A_137 = arith.constant 1 : i32
        %add3A_138 = arith.addi %mul3A_136, %add3A_137 : i32
        %mul3A_139 = arith.constant 8 : i32
        %mul3A_140 = arith.muli %add3A_19, %mul3A_139 : i32
        %shift_right_arithmetic3A_141 = arith.constant 4 : i32
        %shift_right_arithmetic3A_142 = arith.shrsi %add3A_138, %shift_right_arithmetic3A_141 : i32
        %add3A_143 = arith.addi %mul3A_140, %shift_right_arithmetic3A_142 : i32
        %get3A_144 = arith.index_cast %add3A_138 : i32 to index
        %get3A_145 = arith.constant 0 : index
        %get3A_146 = tpu.vector_load %arg12[%get3A_144, %get3A_145] {strides = array<i32>} : memref<128x128xf32, #tpu.memory_space<vmem>>, vector<1x16xf32>,
        %get3A_147 = vector.shape_cast %get3A_146 : vector<1x16xf32> to vector<16xf32>
        %mul3A_148 = arith.constant 16 : i32
        %mul3A_149 = arith.muli %add3A_143, %mul3A_148 : i32
        %get3A_150 = arith.index_cast %mul3A_149 : i32 to index
        %get3A_151 = tpu.vector_load %arg13[%get3A_150] {strides = array<i32>} : memref<1280xf32, #tpu.memory_space<vmem>>, vector<16xf32>,
        %get3A_152 = vector.shape_cast %get3A_151 : vector<16xf32> to vector<16xf32>
        %sub3A_153 = arith.subf %get3A_147, %get3A_152 : vector<16xf32>
        %swap3A_154 = arith.index_cast %add3A_138 : i32 to index
        %swap3A_155 = arith.constant 0 : index
        %swap3A_156 = tpu.vector_load %arg12[%swap3A_154, %swap3A_155] {strides = array<i32>} : memref<128x128xf32, #tpu.memory_space<vmem>>, vector<1x16xf32>,
        %swap3A_157 = vector.shape_cast %swap3A_156 : vector<1x16xf32> to vector<16xf32>
        %swap3A_158 = vector.shape_cast %sub3A_153 : vector<16xf32> to vector<1x16xf32>
        tpu.vector_store %arg12[%swap3A_154, %swap3A_155], %swap3A_158 {strides = array<i32>} : memref<128x128xf32, #tpu.memory_space<vmem>>, vector<1x16xf32>,
        %mul3A_159 = arith.constant 8 : i32
        %mul3A_160 = arith.muli %scan3A_114, %mul3A_159 : i32
        %add3A_161 = arith.constant 2 : i32
        %add3A_162 = arith.addi %mul3A_160, %add3A_161 : i32
        %mul3A_163 = arith.constant 8 : i32
        %mul3A_164 = arith.muli %add3A_19, %mul3A_163 : i32
        %shift_right_arithmetic3A_165 = arith.constant 4 : i32
        %shift_right_arithmetic3A_166 = arith.shrsi %add3A_162, %shift_right_arithmetic3A_165 : i32
        %add3A_167 = arith.addi %mul3A_164, %shift_right_arithmetic3A_166 : i32
        %get3A_168 = arith.index_cast %add3A_162 : i32 to index
        %get3A_169 = arith.constant 0 : index
        %get3A_170 = tpu.vector_load %arg12[%get3A_168, %get3A_169] {strides = array<i32>} : memref<128x128xf32, #tpu.memory_space<vmem>>, vector<1x16xf32>,
        %get3A_171 = vector.shape_cast %get3A_170 : vector<1x16xf32> to vector<16xf32>
        %mul3A_172 = arith.constant 16 : i32
        %mul3A_173 = arith.muli %add3A_167, %mul3A_172 : i32
        %get3A_174 = arith.index_cast %mul3A_173 : i32 to index
        %get3A_175 = tpu.vector_load %arg13[%get3A_174] {strides = array<i32>} : memref<1280xf32, #tpu.memory_space<vmem>>, vector<16xf32>,
        %get3A_176 = vector.shape_cast %get3A_175 : vector<16xf32> to vector<16xf32>
        %sub3A_177 = arith.subf %get3A_171, %get3A_176 : vector<16xf32>
        %swap3A_178 = arith.index_cast %add3A_162 : i32 to index
        %swap3A_179 = arith.constant 0 : index
        %swap3A_180 = tpu.vector_load %arg12[%swap3A_178, %swap3A_179] {strides = array<i32>} : memref<128x128xf32, #tpu.memory_space<vmem>>, vector<1x16xf32>,
        %swap3A_181 = vector.shape_cast %swap3A_180 : vector<1x16xf32> to vector<16xf32>
        %swap3A_182 = vector.shape_cast %sub3A_177 : vector<16xf32> to vector<1x16xf32>
        tpu.vector_store %arg12[%swap3A_178, %swap3A_179], %swap3A_182 {strides = array<i32>} : memref<128x128xf32, #tpu.memory_space<vmem>>, vector<1x16xf32>,
        %mul3A_183 = arith.constant 8 : i32
        %mul3A_184 = arith.muli %scan3A_114, %mul3A_183 : i32
        %add3A_185 = arith.constant 3 : i32
        %add3A_186 = arith.addi %mul3A_184, %add3A_185 : i32
        %mul3A_187 = arith.constant 8 : i32
        %mul3A_188 = arith.muli %add3A_19, %mul3A_187 : i32
        %shift_right_arithmetic3A_189 = arith.constant 4 : i32
        %shift_right_arithmetic3A_190 = arith.shrsi %add3A_186, %shift_right_arithmetic3A_189 : i32
        %add3A_191 = arith.addi %mul3A_188, %shift_right_arithmetic3A_190 : i32
        %get3A_192 = arith.index_cast %add3A_186 : i32 to index
        %get3A_193 = arith.constant 0 : index
        %get3A_194 = tpu.vector_load %arg12[%get3A_192, %get3A_193] {strides = array<i32>} : memref<128x128xf32, #tpu.memory_space<vmem>>, vector<1x16xf32>,
        %get3A_195 = vector.shape_cast %get3A_194 : vector<1x16xf32> to vector<16xf32>
        %mul3A_196 = arith.constant 16 : i32
        %mul3A_197 = arith.muli %add3A_191, %mul3A_196 : i32
        %get3A_198 = arith.index_cast %mul3A_197 : i32 to index
        %get3A_199 = tpu.vector_load %arg13[%get3A_198] {strides = array<i32>} : memref<1280xf32, #tpu.memory_space<vmem>>, vector<16xf32>,
        %get3A_200 = vector.shape_cast %get3A_199 : vector<16xf32> to vector<16xf32>
        %sub3A_201 = arith.subf %get3A_195, %get3A_200 : vector<16xf32>
        %swap3A_202 = arith.index_cast %add3A_186 : i32 to index
        %swap3A_203 = arith.constant 0 : index
        %swap3A_204 = tpu.vector_load %arg12[%swap3A_202, %swap3A_203] {strides = array<i32>} : memref<128x128xf32, #tpu.memory_space<vmem>>, vector<1x16xf32>,
        %swap3A_205 = vector.shape_cast %swap3A_204 : vector<1x16xf32> to vector<16xf32>
        %swap3A_206 = vector.shape_cast %sub3A_201 : vector<16xf32> to vector<1x16xf32>
        tpu.vector_store %arg12[%swap3A_202, %swap3A_203], %swap3A_206 {strides = array<i32>} : memref<128x128xf32, #tpu.memory_space<vmem>>, vector<1x16xf32>,
        %mul3A_207 = arith.constant 8 : i32
        %mul3A_208 = arith.muli %scan3A_114, %mul3A_207 : i32
        %add3A_209 = arith.constant 4 : i32
        %add3A_210 = arith.addi %mul3A_208, %add3A_209 : i32
        %mul3A_211 = arith.constant 8 : i32
        %mul3A_212 = arith.muli %add3A_19, %mul3A_211 : i32
        %shift_right_arithmetic3A_213 = arith.constant 4 : i32
        %shift_right_arithmetic3A_214 = arith.shrsi %add3A_210, %shift_right_arithmetic3A_213 : i32
        %add3A_215 = arith.addi %mul3A_212, %shift_right_arithmetic3A_214 : i32
        %get3A_216 = arith.index_cast %add3A_210 : i32 to index
        %get3A_217 = arith.constant 0 : index
        %get3A_218 = tpu.vector_load %arg12[%get3A_216, %get3A_217] {strides = array<i32>} : memref<128x128xf32, #tpu.memory_space<vmem>>, vector<1x16xf32>,
        %get3A_219 = vector.shape_cast %get3A_218 : vector<1x16xf32> to vector<16xf32>
        %mul3A_220 = arith.constant 16 : i32
        %mul3A_221 = arith.muli %add3A_215, %mul3A_220 : i32
        %get3A_222 = arith.index_cast %mul3A_221 : i32 to index
        %get3A_223 = tpu.vector_load %arg13[%get3A_222] {strides = array<i32>} : memref<1280xf32, #tpu.memory_space<vmem>>, vector<16xf32>,
        %get3A_224 = vector.shape_cast %get3A_223 : vector<16xf32> to vector<16xf32>
        %sub3A_225 = arith.subf %get3A_219, %get3A_224 : vector<16xf32>
        %swap3A_226 = arith.index_cast %add3A_210 : i32 to index
        %swap3A_227 = arith.constant 0 : index
        %swap3A_228 = tpu.vector_load %arg12[%swap3A_226, %swap3A_227] {strides = array<i32>} : memref<128x128xf32, #tpu.memory_space<vmem>>, vector<1x16xf32>,
        %swap3A_229 = vector.shape_cast %swap3A_228 : vector<1x16xf32> to vector<16xf32>
        %swap3A_230 = vector.shape_cast %sub3A_225 : vector<16xf32> to vector<1x16xf32>
        tpu.vector_store %arg12[%swap3A_226, %swap3A_227], %swap3A_230 {strides = array<i32>} : memref<128x128xf32, #tpu.memory_space<vmem>>, vector<1x16xf32>,
        %mul3A_231 = arith.constant 8 : i32
        %mul3A_232 = arith.muli %scan3A_114, %mul3A_231 : i32
        %add3A_233 = arith.constant 5 : i32
        %add3A_234 = arith.addi %mul3A_232, %add3A_233 : i32
        %mul3A_235 = arith.constant 8 : i32
        %mul3A_236 = arith.muli %add3A_19, %mul3A_235 : i32
        %shift_right_arithmetic3A_237 = arith.constant 4 : i32
        %shift_right_arithmetic3A_238 = arith.shrsi %add3A_234, %shift_right_arithmetic3A_237 : i32
        %add3A_239 = arith.addi %mul3A_236, %shift_right_arithmetic3A_238 : i32
        %get3A_240 = arith.index_cast %add3A_234 : i32 to index
        %get3A_241 = arith.constant 0 : index
        %get3A_242 = tpu.vector_load %arg12[%get3A_240, %get3A_241] {strides = array<i32>} : memref<128x128xf32, #tpu.memory_space<vmem>>, vector<1x16xf32>,
        %get3A_243 = vector.shape_cast %get3A_242 : vector<1x16xf32> to vector<16xf32>
        %mul3A_244 = arith.constant 16 : i32
        %mul3A_245 = arith.muli %add3A_239, %mul3A_244 : i32
        %get3A_246 = arith.index_cast %mul3A_245 : i32 to index
        %get3A_247 = tpu.vector_load %arg13[%get3A_246] {strides = array<i32>} : memref<1280xf32, #tpu.memory_space<vmem>>, vector<16xf32>,
        %get3A_248 = vector.shape_cast %get3A_247 : vector<16xf32> to vector<16xf32>
        %sub3A_249 = arith.subf %get3A_243, %get3A_248 : vector<16xf32>
        %swap3A_250 = arith.index_cast %add3A_234 : i32 to index
        %swap3A_251 = arith.constant 0 : index
        %swap3A_252 = tpu.vector_load %arg12[%swap3A_250, %swap3A_251] {strides = array<i32>} : memref<128x128xf32, #tpu.memory_space<vmem>>, vector<1x16xf32>,
        %swap3A_253 = vector.shape_cast %swap3A_252 : vector<1x16xf32> to vector<16xf32>
        %swap3A_254 = vector.shape_cast %sub3A_249 : vector<16xf32> to vector<1x16xf32>
        tpu.vector_store %arg12[%swap3A_250, %swap3A_251], %swap3A_254 {strides = array<i32>} : memref<128x128xf32, #tpu.memory_space<vmem>>, vector<1x16xf32>,
        %mul3A_255 = arith.constant 8 : i32
        %mul3A_256 = arith.muli %scan3A_114, %mul3A_255 : i32
        %add3A_257 = arith.constant 6 : i32
        %add3A_258 = arith.addi %mul3A_256, %add3A_257 : i32
        %mul3A_259 = arith.constant 8 : i32
        %mul3A_260 = arith.muli %add3A_19, %mul3A_259 : i32
        %shift_right_arithmetic3A_261 = arith.constant 4 : i32
        %shift_right_arithmetic3A_262 = arith.shrsi %add3A_258, %shift_right_arithmetic3A_261 : i32
        %add3A_263 = arith.addi %mul3A_260, %shift_right_arithmetic3A_262 : i32
        %get3A_264 = arith.index_cast %add3A_258 : i32 to index
        %get3A_265 = arith.constant 0 : index
        %get3A_266 = tpu.vector_load %arg12[%get3A_264, %get3A_265] {strides = array<i32>} : memref<128x128xf32, #tpu.memory_space<vmem>>, vector<1x16xf32>,
        %get3A_267 = vector.shape_cast %get3A_266 : vector<1x16xf32> to vector<16xf32>
        %mul3A_268 = arith.constant 16 : i32
        %mul3A_269 = arith.muli %add3A_263, %mul3A_268 : i32
        %get3A_270 = arith.index_cast %mul3A_269 : i32 to index
        %get3A_271 = tpu.vector_load %arg13[%get3A_270] {strides = array<i32>} : memref<1280xf32, #tpu.memory_space<vmem>>, vector<16xf32>,
        %get3A_272 = vector.shape_cast %get3A_271 : vector<16xf32> to vector<16xf32>
        %sub3A_273 = arith.subf %get3A_267, %get3A_272 : vector<16xf32>
        %swap3A_274 = arith.index_cast %add3A_258 : i32 to index
        %swap3A_275 = arith.constant 0 : index
        %swap3A_276 = tpu.vector_load %arg12[%swap3A_274, %swap3A_275] {strides = array<i32>} : memref<128x128xf32, #tpu.memory_space<vmem>>, vector<1x16xf32>,
        %swap3A_277 = vector.shape_cast %swap3A_276 : vector<1x16xf32> to vector<16xf32>
        %swap3A_278 = vector.shape_cast %sub3A_273 : vector<16xf32> to vector<1x16xf32>
        tpu.vector_store %arg12[%swap3A_274, %swap3A_275], %swap3A_278 {strides = array<i32>} : memref<128x128xf32, #tpu.memory_space<vmem>>, vector<1x16xf32>,
        %mul3A_279 = arith.constant 8 : i32
        %mul3A_280 = arith.muli %scan3A_114, %mul3A_279 : i32
        %add3A_281 = arith.constant 7 : i32
        %add3A_282 = arith.addi %mul3A_280, %add3A_281 : i32
        %mul3A_283 = arith.constant 8 : i32
        %mul3A_284 = arith.muli %add3A_19, %mul3A_283 : i32
        %shift_right_arithmetic3A_285 = arith.constant 4 : i32
        %shift_right_arithmetic3A_286 = arith.shrsi %add3A_282, %shift_right_arithmetic3A_285 : i32
        %add3A_287 = arith.addi %mul3A_284, %shift_right_arithmetic3A_286 : i32
        %get3A_288 = arith.index_cast %add3A_282 : i32 to index
        %get3A_289 = arith.constant 0 : index
        %get3A_290 = tpu.vector_load %arg12[%get3A_288, %get3A_289] {strides = array<i32>} : memref<128x128xf32, #tpu.memory_space<vmem>>, vector<1x16xf32>,
        %get3A_291 = vector.shape_cast %get3A_290 : vector<1x16xf32> to vector<16xf32>
        %mul3A_292 = arith.constant 16 : i32
        %mul3A_293 = arith.muli %add3A_287, %mul3A_292 : i32
        %get3A_294 = arith.index_cast %mul3A_293 : i32 to index
        %get3A_295 = tpu.vector_load %arg13[%get3A_294] {strides = array<i32>} : memref<1280xf32, #tpu.memory_space<vmem>>, vector<16xf32>,
        %get3A_296 = vector.shape_cast %get3A_295 : vector<16xf32> to vector<16xf32>
        %sub3A_297 = arith.subf %get3A_291, %get3A_296 : vector<16xf32>
        %swap3A_298 = arith.index_cast %add3A_282 : i32 to index
        %swap3A_299 = arith.constant 0 : index
        %swap3A_300 = tpu.vector_load %arg12[%swap3A_298, %swap3A_299] {strides = array<i32>} : memref<128x128xf32, #tpu.memory_space<vmem>>, vector<1x16xf32>,
        %swap3A_301 = vector.shape_cast %swap3A_300 : vector<1x16xf32> to vector<16xf32>
        %swap3A_302 = vector.shape_cast %sub3A_297 : vector<16xf32> to vector<1x16xf32>
        tpu.vector_store %arg12[%swap3A_298, %swap3A_299], %swap3A_302 {strides = array<i32>} : memref<128x128xf32, #tpu.memory_space<vmem>>, vector<1x16xf32>,
      }
      %scan3A_89 = arith.constant 16 : i32
      %mul3A_90 = arith.constant 128 : i32
      %mul3A_91 = arith.muli %add3A_19, %mul3A_90 : i32
      %add3A_92 = arith.addi %multiple_of3A, %mul3A_91 : i32
      %multiple_of3A_93 = tpu.assume_multiple %add3A_92, 128 : i32
      %dma_start3A_94 = arith.constant 0 : i32
      %dma_start3A_95 = tpu.memref_slice %arg7[%multiple_of3A_93, %dma_start3A_94] : memref<40960x128xf32, #tpu.memory_space<hbm>> -> memref<128x128xf32, #tpu.memory_space<hbm>>
      %dma_start3A_96 = arith.constant 0 : i32
      %dma_start3A_97 = tpu.memref_slice %arg7[%multiple_of3A_93, %dma_start3A_96] : memref<40960x128xf32, #tpu.memory_space<hbm>> -> memref<128x128xf32, #tpu.memory_space<hbm>>
      tpu.enqueue_dma source(%arg12 : memref<128x128xf32, #tpu.memory_space<vmem>>) target(%dma_start3A_97 : memref<128x128xf32, #tpu.memory_space<hbm>>) target_semaphore(%arg21 : memref<!tpu.dma_semaphore, #tpu.memory_space<semaphore_mem>>)
      %dma_wait3A_98 = arith.constant 0 : i32
      %dma_wait3A_99 = tpu.memref_slice %arg6[%multiple_of3A_49, %dma_wait3A_98] : memref<40960x128xi32, #tpu.memory_space<hbm>> -> memref<128x128xi32, #tpu.memory_space<hbm>>
      %dma_wait3A_100 = arith.constant 0 : i32
      %dma_wait3A_101 = tpu.memref_slice %arg6[%multiple_of3A_49, %dma_wait3A_100] : memref<40960x128xi32, #tpu.memory_space<hbm>> -> memref<128x128xi32, #tpu.memory_space<hbm>>
      tpu.wait_dma2 semaphore(%arg18 : memref<!tpu.dma_semaphore, #tpu.memory_space<semaphore_mem>>) src(%arg9 : memref<128x128xi32, #tpu.memory_space<vmem>>) dst(%dma_wait3A_101 : memref<128x128xi32, #tpu.memory_space<hbm>>)
      %dma_wait3A_102 = arith.constant 0 : i32
      %dma_wait3A_103 = tpu.memref_slice %arg7[%multiple_of3A_63, %dma_wait3A_102] : memref<40960x128xf32, #tpu.memory_space<hbm>> -> memref<128x128xf32, #tpu.memory_space<hbm>>
      %dma_wait3A_104 = arith.constant 0 : i32
      %dma_wait3A_105 = tpu.memref_slice %arg7[%multiple_of3A_63, %dma_wait3A_104] : memref<40960x128xf32, #tpu.memory_space<hbm>> -> memref<128x128xf32, #tpu.memory_space<hbm>>
      tpu.wait_dma2 semaphore(%arg20 : memref<!tpu.dma_semaphore, #tpu.memory_space<semaphore_mem>>) src(%arg11 : memref<128x128xf32, #tpu.memory_space<vmem>>) dst(%dma_wait3A_105 : memref<128x128xf32, #tpu.memory_space<hbm>>)
      %dma_wait3A_106 = arith.constant 0 : i32
      %dma_wait3A_107 = tpu.memref_slice %arg6[%multiple_of3A_79, %dma_wait3A_106] : memref<40960x128xi32, #tpu.memory_space<hbm>> -> memref<128x128xi32, #tpu.memory_space<hbm>>
      %dma_wait3A_108 = arith.constant 0 : i32
      %dma_wait3A_109 = tpu.memref_slice %arg6[%multiple_of3A_79, %dma_wait3A_108] : memref<40960x128xi32, #tpu.memory_space<hbm>> -> memref<128x128xi32, #tpu.memory_space<hbm>>
      tpu.wait_dma2 semaphore(%arg19 : memref<!tpu.dma_semaphore, #tpu.memory_space<semaphore_mem>>) src(%arg10 : memref<128x128xi32, #tpu.memory_space<vmem>>) dst(%dma_wait3A_109 : memref<128x128xi32, #tpu.memory_space<hbm>>)
      %dma_wait3A_110 = arith.constant 0 : i32
      %dma_wait3A_111 = tpu.memref_slice %arg7[%multiple_of3A_93, %dma_wait3A_110] : memref<40960x128xf32, #tpu.memory_space<hbm>> -> memref<128x128xf32, #tpu.memory_space<hbm>>
      %dma_wait3A_112 = arith.constant 0 : i32
      %dma_wait3A_113 = tpu.memref_slice %arg7[%multiple_of3A_93, %dma_wait3A_112] : memref<40960x128xf32, #tpu.memory_space<hbm>> -> memref<128x128xf32, #tpu.memory_space<hbm>>
      tpu.wait_dma2 semaphore(%arg21 : memref<!tpu.dma_semaphore, #tpu.memory_space<semaphore_mem>>) src(%arg12 : memref<128x128xf32, #tpu.memory_space<vmem>>) dst(%dma_wait3A_113 : memref<128x128xf32, #tpu.memory_space<hbm>>)
    }
    %scan3A_12 = arith.constant 5 : i32
    return
  }
}

#map = affine_map<(d0, d1) -> (0, 0)>
#map1 = affine_map<(d0, d1) -> (0)>
module attributes {stable_mosaic.version = 14 : i64} {
  func.func @_sc_body(%arg0: i32, %arg1: i32, %arg2: memref<2500x128xi32, #tpu.memory_space<hbm>>, %arg3: memref<2500x128xf32, #tpu.memory_space<hbm>>, %arg4: memref<40960xf32, #tpu.memory_space<hbm>>, %arg5: memref<40960xi32, #tpu.memory_space<hbm>>, %arg6: memref<40960x128xi32, #tpu.memory_space<hbm>>, %arg7: memref<40960x128xf32, #tpu.memory_space<hbm>>, %arg8: memref<1280xi32, #tpu.memory_space<vmem>>, %arg9: memref<128x128xi32, #tpu.memory_space<vmem>>, %arg10: memref<128x128xi32, #tpu.memory_space<vmem>>, %arg11: memref<128x128xf32, #tpu.memory_space<vmem>>, %arg12: memref<128x128xf32, #tpu.memory_space<vmem>>, %arg13: memref<1280xf32, #tpu.memory_space<vmem>>, %arg14: memref<!tpu.dma_semaphore, #tpu.memory_space<semaphore_mem>>, %arg15: memref<!tpu.dma_semaphore, #tpu.memory_space<semaphore_mem>>, %arg16: memref<!tpu.dma_semaphore, #tpu.memory_space<semaphore_mem>>, %arg17: memref<!tpu.dma_semaphore, #tpu.memory_space<semaphore_mem>>, %arg18: memref<!tpu.dma_semaphore, #tpu.memory_space<semaphore_mem>>, %arg19: memref<!tpu.dma_semaphore, #tpu.memory_space<semaphore_mem>>, %arg20: memref<!tpu.dma_semaphore, #tpu.memory_space<semaphore_mem>>, %arg21: memref<!tpu.dma_semaphore, #tpu.memory_space<semaphore_mem>>) attributes {dimension_semantics = [#tpu.dimension_semantics<core_parallel>, #tpu.dimension_semantics<subcore_parallel>], iteration_bounds = array<i64: 2, 16>, scalar_prefetch = 0 : i64, scratch_operands = 14 : i64, tpu.core_type = #tpu.core_type<sc_vector_subcore>, window_params = [{transform_indices = #map}, {transform_indices = #map}, {transform_indices = #map1}, {transform_indices = #map1}, {transform_indices = #map}, {transform_indices = #map}]} {
    %mul3A = arith.constant 2 : i32
    %mul3A_0 = arith.muli %arg1, %mul3A : i32
    %add3A = arith.addi %mul3A_0, %arg0 : i32
    %mul3A_1 = arith.constant 1280 : i32
    %mul3A_2 = arith.muli %add3A, %mul3A_1 : i32
    %multiple_of3A = tpu.assume_multiple %mul3A_2, 1280 : i32
    "tpu.region"() ({
      %run_scoped3A = tpu.sem_alloc : memref<!tpu.dma_semaphore, #tpu.memory_space<semaphore_mem>>
      %dma_start3A = tpu.memref_slice %arg5[%multiple_of3A] : memref<40960xi32, #tpu.memory_space<hbm>> -> memref<1280xi32, #tpu.memory_space<hbm>>
      %dma_start3A_13 = tpu.memref_slice %arg5[%multiple_of3A] : memref<40960xi32, #tpu.memory_space<hbm>> -> memref<1280xi32, #tpu.memory_space<hbm>>
      tpu.enqueue_dma source(%dma_start3A_13 : memref<1280xi32, #tpu.memory_space<hbm>>) target(%arg8 : memref<1280xi32, #tpu.memory_space<vmem>>) target_semaphore(%run_scoped3A : memref<!tpu.dma_semaphore, #tpu.memory_space<semaphore_mem>>)
      %dma_wait3A = tpu.memref_slice %arg5[%multiple_of3A] : memref<40960xi32, #tpu.memory_space<hbm>> -> memref<1280xi32, #tpu.memory_space<hbm>>
      %dma_wait3A_14 = tpu.memref_slice %arg5[%multiple_of3A] : memref<40960xi32, #tpu.memory_space<hbm>> -> memref<1280xi32, #tpu.memory_space<hbm>>
      tpu.wait_dma2 semaphore(%run_scoped3A : memref<!tpu.dma_semaphore, #tpu.memory_space<semaphore_mem>>) src(%dma_wait3A_14 : memref<1280xi32, #tpu.memory_space<hbm>>) dst(%arg8 : memref<1280xi32, #tpu.memory_space<vmem>>)
      tpu.yield
    }) : () -> ()
    %mul3A_3 = arith.constant 80 : i32
    %mul3A_4 = arith.muli %add3A, %mul3A_3 : i32
    %mul3A_5 = arith.constant 16 : i32
    %mul3A_6 = arith.muli %mul3A_4, %mul3A_5 : i32
    %multiple_of3A_7 = tpu.assume_multiple %mul3A_6, 1280 : i32
    "tpu.region"() ({
      %run_scoped3A = tpu.sem_alloc : memref<!tpu.dma_semaphore, #tpu.memory_space<semaphore_mem>>
      %dma_start3A = tpu.memref_slice %arg4[%multiple_of3A_7] : memref<40960xf32, #tpu.memory_space<hbm>> -> memref<1280xf32, #tpu.memory_space<hbm>>
      %dma_start3A_13 = tpu.memref_slice %arg4[%multiple_of3A_7] : memref<40960xf32, #tpu.memory_space<hbm>> -> memref<1280xf32, #tpu.memory_space<hbm>>
      tpu.enqueue_dma source(%dma_start3A_13 : memref<1280xf32, #tpu.memory_space<hbm>>) target(%arg13 : memref<1280xf32, #tpu.memory_space<vmem>>) target_semaphore(%run_scoped3A : memref<!tpu.dma_semaphore, #tpu.memory_space<semaphore_mem>>)
      %dma_wait3A = tpu.memref_slice %arg4[%multiple_of3A_7] : memref<40960xf32, #tpu.memory_space<hbm>> -> memref<1280xf32, #tpu.memory_space<hbm>>
      %dma_wait3A_14 = tpu.memref_slice %arg4[%multiple_of3A_7] : memref<40960xf32, #tpu.memory_space<hbm>> -> memref<1280xf32, #tpu.memory_space<hbm>>
      tpu.wait_dma2 semaphore(%run_scoped3A : memref<!tpu.dma_semaphore, #tpu.memory_space<semaphore_mem>>) src(%dma_wait3A_14 : memref<1280xf32, #tpu.memory_space<hbm>>) dst(%arg13 : memref<1280xf32, #tpu.memory_space<vmem>>)
      tpu.yield
    }) : () -> ()
    %scan3A = arith.constant 0 : i32
    %scan3A_8 = arith.constant 0 : i32
    %scan3A_9 = arith.constant 5 : i32
    %scan3A_10 = arith.addi %scan3A_8, %scan3A_9 : i32
    %scan3A_11 = arith.constant 1 : i32
    scf.for %scan3A_13 = %scan3A_8 to %scan3A_10 step %scan3A_11  : i32 {
      %mul3A_14 = arith.constant 2 : i32
      %mul3A_15 = arith.muli %mul3A_14, %scan3A_13 : i32
      %mul3A_16 = arith.constant 2 : i32
      %mul3A_17 = arith.muli %mul3A_16, %scan3A_13 : i32
      %add3A_18 = arith.constant 1 : i32
      %add3A_19 = arith.addi %mul3A_17, %add3A_18 : i32
      %mul3A_20 = arith.constant 128 : i32
      %mul3A_21 = arith.muli %mul3A_15, %mul3A_20 : i32
      %dma_start3A = tpu.memref_slice %arg8[%mul3A_21] : memref<1280xi32, #tpu.memory_space<vmem>> -> memref<128xi32, #tpu.memory_space<vmem>>
      %dma_start3A_22 = arith.constant 0 : i32
      %dma_start3A_23 = arith.constant 0 : i32
      %dma_start3A_24 = tpu.memref_slice %arg2[%dma_start3A_22, %dma_start3A_23] : memref<2500x128xi32, #tpu.memory_space<hbm>> -> memref<2500x128xi32, #tpu.memory_space<hbm>>
      tpu.enqueue_indirect_dma source(%dma_start3A_24 : memref<2500x128xi32, #tpu.memory_space<hbm>>) target(%arg9 : memref<128x128xi32, #tpu.memory_space<vmem>>) offsets(%dma_start3A : memref<128xi32, #tpu.memory_space<vmem>>) semaphore(%arg14 : memref<!tpu.dma_semaphore, #tpu.memory_space<semaphore_mem>>)
      %dma_start3A_25 = tpu.memref_slice %arg8[%mul3A_21] : memref<1280xi32, #tpu.memory_space<vmem>> -> memref<128xi32, #tpu.memory_space<vmem>>
      %dma_start3A_26 = arith.constant 0 : i32
      %dma_start3A_27 = arith.constant 0 : i32
      %dma_start3A_28 = tpu.memref_slice %arg3[%dma_start3A_26, %dma_start3A_27] : memref<2500x128xf32, #tpu.memory_space<hbm>> -> memref<2500x128xf32, #tpu.memory_space<hbm>>
      tpu.enqueue_indirect_dma source(%dma_start3A_28 : memref<2500x128xf32, #tpu.memory_space<hbm>>) target(%arg11 : memref<128x128xf32, #tpu.memory_space<vmem>>) offsets(%dma_start3A_25 : memref<128xi32, #tpu.memory_space<vmem>>) semaphore(%arg16 : memref<!tpu.dma_semaphore, #tpu.memory_space<semaphore_mem>>)
      %mul3A_29 = arith.constant 128 : i32
      %mul3A_30 = arith.muli %add3A_19, %mul3A_29 : i32
      %dma_start3A_31 = tpu.memref_slice %arg8[%mul3A_30] : memref<1280xi32, #tpu.memory_space<vmem>> -> memref<128xi32, #tpu.memory_space<vmem>>
      %dma_start3A_32 = arith.constant 0 : i32
      %dma_start3A_33 = arith.constant 0 : i32
      %dma_start3A_34 = tpu.memref_slice %arg2[%dma_start3A_32, %dma_start3A_33] : memref<2500x128xi32, #tpu.memory_space<hbm>> -> memref<2500x128xi32, #tpu.memory_space<hbm>>
      tpu.enqueue_indirect_dma source(%dma_start3A_34 : memref<2500x128xi32, #tpu.memory_space<hbm>>) target(%arg10 : memref<128x128xi32, #tpu.memory_space<vmem>>) offsets(%dma_start3A_31 : memref<128xi32, #tpu.memory_space<vmem>>) semaphore(%arg15 : memref<!tpu.dma_semaphore, #tpu.memory_space<semaphore_mem>>)
      %dma_start3A_35 = tpu.memref_slice %arg8[%mul3A_30] : memref<1280xi32, #tpu.memory_space<vmem>> -> memref<128xi32, #tpu.memory_space<vmem>>
      %dma_start3A_36 = arith.constant 0 : i32
      %dma_start3A_37 = arith.constant 0 : i32
      %dma_start3A_38 = tpu.memref_slice %arg3[%dma_start3A_36, %dma_start3A_37] : memref<2500x128xf32, #tpu.memory_space<hbm>> -> memref<2500x128xf32, #tpu.memory_space<hbm>>
      tpu.enqueue_indirect_dma source(%dma_start3A_38 : memref<2500x128xf32, #tpu.memory_space<hbm>>) target(%arg12 : memref<128x128xf32, #tpu.memory_space<vmem>>) offsets(%dma_start3A_35 : memref<128xi32, #tpu.memory_space<vmem>>) semaphore(%arg17 : memref<!tpu.dma_semaphore, #tpu.memory_space<semaphore_mem>>)
      %dma_wait3A = tpu.memref_slice %arg8[%mul3A_21] : memref<1280xi32, #tpu.memory_space<vmem>> -> memref<128xi32, #tpu.memory_space<vmem>>
      %dma_wait3A_39 = arith.constant 0 : i32
      %dma_wait3A_40 = arith.constant 0 : i32
      %dma_wait3A_41 = tpu.memref_slice %arg2[%dma_wait3A_39, %dma_wait3A_40] : memref<2500x128xi32, #tpu.memory_space<hbm>> -> memref<2500x128xi32, #tpu.memory_space<hbm>>
      tpu.wait_indirect_dma semaphore(%arg14 : memref<!tpu.dma_semaphore, #tpu.memory_space<semaphore_mem>>) src(%dma_wait3A_41 : memref<2500x128xi32, #tpu.memory_space<hbm>>) dst(%arg9 : memref<128x128xi32, #tpu.memory_space<vmem>>)
      %dma_wait3A_42 = tpu.memref_slice %arg8[%mul3A_21] : memref<1280xi32, #tpu.memory_space<vmem>> -> memref<128xi32, #tpu.memory_space<vmem>>
      %dma_wait3A_43 = arith.constant 0 : i32
      %dma_wait3A_44 = arith.constant 0 : i32
      %dma_wait3A_45 = tpu.memref_slice %arg3[%dma_wait3A_43, %dma_wait3A_44] : memref<2500x128xf32, #tpu.memory_space<hbm>> -> memref<2500x128xf32, #tpu.memory_space<hbm>>
      tpu.wait_indirect_dma semaphore(%arg16 : memref<!tpu.dma_semaphore, #tpu.memory_space<semaphore_mem>>) src(%dma_wait3A_45 : memref<2500x128xf32, #tpu.memory_space<hbm>>) dst(%arg11 : memref<128x128xf32, #tpu.memory_space<vmem>>)
      %mul3A_46 = arith.constant 128 : i32
      %mul3A_47 = arith.muli %mul3A_15, %mul3A_46 : i32
      %add3A_48 = arith.addi %multiple_of3A, %mul3A_47 : i32
      %multiple_of3A_49 = tpu.assume_multiple %add3A_48, 128 : i32
      %dma_start3A_50 = arith.constant 0 : i32
      %dma_start3A_51 = tpu.memref_slice %arg6[%multiple_of3A_49, %dma_start3A_50] : memref<40960x128xi32, #tpu.memory_space<hbm>> -> memref<128x128xi32, #tpu.memory_space<hbm>>
      %dma_start3A_52 = arith.constant 0 : i32
      %dma_start3A_53 = tpu.memref_slice %arg6[%multiple_of3A_49, %dma_start3A_52] : memref<40960x128xi32, #tpu.memory_space<hbm>> -> memref<128x128xi32, #tpu.memory_space<hbm>>
      tpu.enqueue_dma source(%arg9 : memref<128x128xi32, #tpu.memory_space<vmem>>) target(%dma_start3A_53 : memref<128x128xi32, #tpu.memory_space<hbm>>) target_semaphore(%arg18 : memref<!tpu.dma_semaphore, #tpu.memory_space<semaphore_mem>>)
      %scan3A_54 = arith.constant 0 : i32
      %scan3A_55 = arith.constant 0 : i32
      %scan3A_56 = arith.constant 16 : i32
      %scan3A_57 = arith.addi %scan3A_55, %scan3A_56 : i32
      %scan3A_58 = arith.constant 1 : i32
      scf.for %scan3A_114 = %scan3A_55 to %scan3A_57 step %scan3A_58  : i32 {
        %mul3A_115 = arith.constant 8 : i32
        %mul3A_116 = arith.muli %scan3A_114, %mul3A_115 : i32
        %add3A_117 = arith.constant 0 : i32
        %add3A_118 = arith.addi %mul3A_116, %add3A_117 : i32
        %mul3A_119 = arith.constant 8 : i32
        %mul3A_120 = arith.muli %mul3A_15, %mul3A_119 : i32
        %shift_right_arithmetic3A = arith.constant 4 : i32
        %shift_right_arithmetic3A_121 = arith.shrsi %add3A_118, %shift_right_arithmetic3A : i32
        %add3A_122 = arith.addi %mul3A_120, %shift_right_arithmetic3A_121 : i32
        %get3A = arith.index_cast %add3A_118 : i32 to index
        %get3A_123 = arith.constant 0 : index
        %get3A_124 = tpu.vector_load %arg11[%get3A, %get3A_123] {strides = array<i32>} : memref<128x128xf32, #tpu.memory_space<vmem>>, vector<1x16xf32>,
        %get3A_125 = vector.shape_cast %get3A_124 : vector<1x16xf32> to vector<16xf32>
        %mul3A_126 = arith.constant 16 : i32
        %mul3A_127 = arith.muli %add3A_122, %mul3A_126 : i32
        %get3A_128 = arith.index_cast %mul3A_127 : i32 to index
        %get3A_129 = tpu.vector_load %arg13[%get3A_128] {strides = array<i32>} : memref<1280xf32, #tpu.memory_space<vmem>>, vector<16xf32>,
        %get3A_130 = vector.shape_cast %get3A_129 : vector<16xf32> to vector<16xf32>
        %sub3A = arith.subf %get3A_125, %get3A_130 : vector<16xf32>
        %swap3A = arith.index_cast %add3A_118 : i32 to index
        %swap3A_131 = arith.constant 0 : index
        %swap3A_132 = tpu.vector_load %arg11[%swap3A, %swap3A_131] {strides = array<i32>} : memref<128x128xf32, #tpu.memory_space<vmem>>, vector<1x16xf32>,
        %swap3A_133 = vector.shape_cast %swap3A_132 : vector<1x16xf32> to vector<16xf32>
        %swap3A_134 = vector.shape_cast %sub3A : vector<16xf32> to vector<1x16xf32>
        tpu.vector_store %arg11[%swap3A, %swap3A_131], %swap3A_134 {strides = array<i32>} : memref<128x128xf32, #tpu.memory_space<vmem>>, vector<1x16xf32>,
        %mul3A_135 = arith.constant 8 : i32
        %mul3A_136 = arith.muli %scan3A_114, %mul3A_135 : i32
        %add3A_137 = arith.constant 1 : i32
        %add3A_138 = arith.addi %mul3A_136, %add3A_137 : i32
        %mul3A_139 = arith.constant 8 : i32
        %mul3A_140 = arith.muli %mul3A_15, %mul3A_139 : i32
        %shift_right_arithmetic3A_141 = arith.constant 4 : i32
        %shift_right_arithmetic3A_142 = arith.shrsi %add3A_138, %shift_right_arithmetic3A_141 : i32
        %add3A_143 = arith.addi %mul3A_140, %shift_right_arithmetic3A_142 : i32
        %get3A_144 = arith.index_cast %add3A_138 : i32 to index
        %get3A_145 = arith.constant 0 : index
        %get3A_146 = tpu.vector_load %arg11[%get3A_144, %get3A_145] {strides = array<i32>} : memref<128x128xf32, #tpu.memory_space<vmem>>, vector<1x16xf32>,
        %get3A_147 = vector.shape_cast %get3A_146 : vector<1x16xf32> to vector<16xf32>
        %mul3A_148 = arith.constant 16 : i32
        %mul3A_149 = arith.muli %add3A_143, %mul3A_148 : i32
        %get3A_150 = arith.index_cast %mul3A_149 : i32 to index
        %get3A_151 = tpu.vector_load %arg13[%get3A_150] {strides = array<i32>} : memref<1280xf32, #tpu.memory_space<vmem>>, vector<16xf32>,
        %get3A_152 = vector.shape_cast %get3A_151 : vector<16xf32> to vector<16xf32>
        %sub3A_153 = arith.subf %get3A_147, %get3A_152 : vector<16xf32>
        %swap3A_154 = arith.index_cast %add3A_138 : i32 to index
        %swap3A_155 = arith.constant 0 : index
        %swap3A_156 = tpu.vector_load %arg11[%swap3A_154, %swap3A_155] {strides = array<i32>} : memref<128x128xf32, #tpu.memory_space<vmem>>, vector<1x16xf32>,
        %swap3A_157 = vector.shape_cast %swap3A_156 : vector<1x16xf32> to vector<16xf32>
        %swap3A_158 = vector.shape_cast %sub3A_153 : vector<16xf32> to vector<1x16xf32>
        tpu.vector_store %arg11[%swap3A_154, %swap3A_155], %swap3A_158 {strides = array<i32>} : memref<128x128xf32, #tpu.memory_space<vmem>>, vector<1x16xf32>,
        %mul3A_159 = arith.constant 8 : i32
        %mul3A_160 = arith.muli %scan3A_114, %mul3A_159 : i32
        %add3A_161 = arith.constant 2 : i32
        %add3A_162 = arith.addi %mul3A_160, %add3A_161 : i32
        %mul3A_163 = arith.constant 8 : i32
        %mul3A_164 = arith.muli %mul3A_15, %mul3A_163 : i32
        %shift_right_arithmetic3A_165 = arith.constant 4 : i32
        %shift_right_arithmetic3A_166 = arith.shrsi %add3A_162, %shift_right_arithmetic3A_165 : i32
        %add3A_167 = arith.addi %mul3A_164, %shift_right_arithmetic3A_166 : i32
        %get3A_168 = arith.index_cast %add3A_162 : i32 to index
        %get3A_169 = arith.constant 0 : index
        %get3A_170 = tpu.vector_load %arg11[%get3A_168, %get3A_169] {strides = array<i32>} : memref<128x128xf32, #tpu.memory_space<vmem>>, vector<1x16xf32>,
        %get3A_171 = vector.shape_cast %get3A_170 : vector<1x16xf32> to vector<16xf32>
        %mul3A_172 = arith.constant 16 : i32
        %mul3A_173 = arith.muli %add3A_167, %mul3A_172 : i32
        %get3A_174 = arith.index_cast %mul3A_173 : i32 to index
        %get3A_175 = tpu.vector_load %arg13[%get3A_174] {strides = array<i32>} : memref<1280xf32, #tpu.memory_space<vmem>>, vector<16xf32>,
        %get3A_176 = vector.shape_cast %get3A_175 : vector<16xf32> to vector<16xf32>
        %sub3A_177 = arith.subf %get3A_171, %get3A_176 : vector<16xf32>
        %swap3A_178 = arith.index_cast %add3A_162 : i32 to index
        %swap3A_179 = arith.constant 0 : index
        %swap3A_180 = tpu.vector_load %arg11[%swap3A_178, %swap3A_179] {strides = array<i32>} : memref<128x128xf32, #tpu.memory_space<vmem>>, vector<1x16xf32>,
        %swap3A_181 = vector.shape_cast %swap3A_180 : vector<1x16xf32> to vector<16xf32>
        %swap3A_182 = vector.shape_cast %sub3A_177 : vector<16xf32> to vector<1x16xf32>
        tpu.vector_store %arg11[%swap3A_178, %swap3A_179], %swap3A_182 {strides = array<i32>} : memref<128x128xf32, #tpu.memory_space<vmem>>, vector<1x16xf32>,
        %mul3A_183 = arith.constant 8 : i32
        %mul3A_184 = arith.muli %scan3A_114, %mul3A_183 : i32
        %add3A_185 = arith.constant 3 : i32
        %add3A_186 = arith.addi %mul3A_184, %add3A_185 : i32
        %mul3A_187 = arith.constant 8 : i32
        %mul3A_188 = arith.muli %mul3A_15, %mul3A_187 : i32
        %shift_right_arithmetic3A_189 = arith.constant 4 : i32
        %shift_right_arithmetic3A_190 = arith.shrsi %add3A_186, %shift_right_arithmetic3A_189 : i32
        %add3A_191 = arith.addi %mul3A_188, %shift_right_arithmetic3A_190 : i32
        %get3A_192 = arith.index_cast %add3A_186 : i32 to index
        %get3A_193 = arith.constant 0 : index
        %get3A_194 = tpu.vector_load %arg11[%get3A_192, %get3A_193] {strides = array<i32>} : memref<128x128xf32, #tpu.memory_space<vmem>>, vector<1x16xf32>,
        %get3A_195 = vector.shape_cast %get3A_194 : vector<1x16xf32> to vector<16xf32>
        %mul3A_196 = arith.constant 16 : i32
        %mul3A_197 = arith.muli %add3A_191, %mul3A_196 : i32
        %get3A_198 = arith.index_cast %mul3A_197 : i32 to index
        %get3A_199 = tpu.vector_load %arg13[%get3A_198] {strides = array<i32>} : memref<1280xf32, #tpu.memory_space<vmem>>, vector<16xf32>,
        %get3A_200 = vector.shape_cast %get3A_199 : vector<16xf32> to vector<16xf32>
        %sub3A_201 = arith.subf %get3A_195, %get3A_200 : vector<16xf32>
        %swap3A_202 = arith.index_cast %add3A_186 : i32 to index
        %swap3A_203 = arith.constant 0 : index
        %swap3A_204 = tpu.vector_load %arg11[%swap3A_202, %swap3A_203] {strides = array<i32>} : memref<128x128xf32, #tpu.memory_space<vmem>>, vector<1x16xf32>,
        %swap3A_205 = vector.shape_cast %swap3A_204 : vector<1x16xf32> to vector<16xf32>
        %swap3A_206 = vector.shape_cast %sub3A_201 : vector<16xf32> to vector<1x16xf32>
        tpu.vector_store %arg11[%swap3A_202, %swap3A_203], %swap3A_206 {strides = array<i32>} : memref<128x128xf32, #tpu.memory_space<vmem>>, vector<1x16xf32>,
        %mul3A_207 = arith.constant 8 : i32
        %mul3A_208 = arith.muli %scan3A_114, %mul3A_207 : i32
        %add3A_209 = arith.constant 4 : i32
        %add3A_210 = arith.addi %mul3A_208, %add3A_209 : i32
        %mul3A_211 = arith.constant 8 : i32
        %mul3A_212 = arith.muli %mul3A_15, %mul3A_211 : i32
        %shift_right_arithmetic3A_213 = arith.constant 4 : i32
        %shift_right_arithmetic3A_214 = arith.shrsi %add3A_210, %shift_right_arithmetic3A_213 : i32
        %add3A_215 = arith.addi %mul3A_212, %shift_right_arithmetic3A_214 : i32
        %get3A_216 = arith.index_cast %add3A_210 : i32 to index
        %get3A_217 = arith.constant 0 : index
        %get3A_218 = tpu.vector_load %arg11[%get3A_216, %get3A_217] {strides = array<i32>} : memref<128x128xf32, #tpu.memory_space<vmem>>, vector<1x16xf32>,
        %get3A_219 = vector.shape_cast %get3A_218 : vector<1x16xf32> to vector<16xf32>
        %mul3A_220 = arith.constant 16 : i32
        %mul3A_221 = arith.muli %add3A_215, %mul3A_220 : i32
        %get3A_222 = arith.index_cast %mul3A_221 : i32 to index
        %get3A_223 = tpu.vector_load %arg13[%get3A_222] {strides = array<i32>} : memref<1280xf32, #tpu.memory_space<vmem>>, vector<16xf32>,
        %get3A_224 = vector.shape_cast %get3A_223 : vector<16xf32> to vector<16xf32>
        %sub3A_225 = arith.subf %get3A_219, %get3A_224 : vector<16xf32>
        %swap3A_226 = arith.index_cast %add3A_210 : i32 to index
        %swap3A_227 = arith.constant 0 : index
        %swap3A_228 = tpu.vector_load %arg11[%swap3A_226, %swap3A_227] {strides = array<i32>} : memref<128x128xf32, #tpu.memory_space<vmem>>, vector<1x16xf32>,
        %swap3A_229 = vector.shape_cast %swap3A_228 : vector<1x16xf32> to vector<16xf32>
        %swap3A_230 = vector.shape_cast %sub3A_225 : vector<16xf32> to vector<1x16xf32>
        tpu.vector_store %arg11[%swap3A_226, %swap3A_227], %swap3A_230 {strides = array<i32>} : memref<128x128xf32, #tpu.memory_space<vmem>>, vector<1x16xf32>,
        %mul3A_231 = arith.constant 8 : i32
        %mul3A_232 = arith.muli %scan3A_114, %mul3A_231 : i32
        %add3A_233 = arith.constant 5 : i32
        %add3A_234 = arith.addi %mul3A_232, %add3A_233 : i32
        %mul3A_235 = arith.constant 8 : i32
        %mul3A_236 = arith.muli %mul3A_15, %mul3A_235 : i32
        %shift_right_arithmetic3A_237 = arith.constant 4 : i32
        %shift_right_arithmetic3A_238 = arith.shrsi %add3A_234, %shift_right_arithmetic3A_237 : i32
        %add3A_239 = arith.addi %mul3A_236, %shift_right_arithmetic3A_238 : i32
        %get3A_240 = arith.index_cast %add3A_234 : i32 to index
        %get3A_241 = arith.constant 0 : index
        %get3A_242 = tpu.vector_load %arg11[%get3A_240, %get3A_241] {strides = array<i32>} : memref<128x128xf32, #tpu.memory_space<vmem>>, vector<1x16xf32>,
        %get3A_243 = vector.shape_cast %get3A_242 : vector<1x16xf32> to vector<16xf32>
        %mul3A_244 = arith.constant 16 : i32
        %mul3A_245 = arith.muli %add3A_239, %mul3A_244 : i32
        %get3A_246 = arith.index_cast %mul3A_245 : i32 to index
        %get3A_247 = tpu.vector_load %arg13[%get3A_246] {strides = array<i32>} : memref<1280xf32, #tpu.memory_space<vmem>>, vector<16xf32>,
        %get3A_248 = vector.shape_cast %get3A_247 : vector<16xf32> to vector<16xf32>
        %sub3A_249 = arith.subf %get3A_243, %get3A_248 : vector<16xf32>
        %swap3A_250 = arith.index_cast %add3A_234 : i32 to index
        %swap3A_251 = arith.constant 0 : index
        %swap3A_252 = tpu.vector_load %arg11[%swap3A_250, %swap3A_251] {strides = array<i32>} : memref<128x128xf32, #tpu.memory_space<vmem>>, vector<1x16xf32>,
        %swap3A_253 = vector.shape_cast %swap3A_252 : vector<1x16xf32> to vector<16xf32>
        %swap3A_254 = vector.shape_cast %sub3A_249 : vector<16xf32> to vector<1x16xf32>
        tpu.vector_store %arg11[%swap3A_250, %swap3A_251], %swap3A_254 {strides = array<i32>} : memref<128x128xf32, #tpu.memory_space<vmem>>, vector<1x16xf32>,
        %mul3A_255 = arith.constant 8 : i32
        %mul3A_256 = arith.muli %scan3A_114, %mul3A_255 : i32
        %add3A_257 = arith.constant 6 : i32
        %add3A_258 = arith.addi %mul3A_256, %add3A_257 : i32
        %mul3A_259 = arith.constant 8 : i32
        %mul3A_260 = arith.muli %mul3A_15, %mul3A_259 : i32
        %shift_right_arithmetic3A_261 = arith.constant 4 : i32
        %shift_right_arithmetic3A_262 = arith.shrsi %add3A_258, %shift_right_arithmetic3A_261 : i32
        %add3A_263 = arith.addi %mul3A_260, %shift_right_arithmetic3A_262 : i32
        %get3A_264 = arith.index_cast %add3A_258 : i32 to index
        %get3A_265 = arith.constant 0 : index
        %get3A_266 = tpu.vector_load %arg11[%get3A_264, %get3A_265] {strides = array<i32>} : memref<128x128xf32, #tpu.memory_space<vmem>>, vector<1x16xf32>,
        %get3A_267 = vector.shape_cast %get3A_266 : vector<1x16xf32> to vector<16xf32>
        %mul3A_268 = arith.constant 16 : i32
        %mul3A_269 = arith.muli %add3A_263, %mul3A_268 : i32
        %get3A_270 = arith.index_cast %mul3A_269 : i32 to index
        %get3A_271 = tpu.vector_load %arg13[%get3A_270] {strides = array<i32>} : memref<1280xf32, #tpu.memory_space<vmem>>, vector<16xf32>,
        %get3A_272 = vector.shape_cast %get3A_271 : vector<16xf32> to vector<16xf32>
        %sub3A_273 = arith.subf %get3A_267, %get3A_272 : vector<16xf32>
        %swap3A_274 = arith.index_cast %add3A_258 : i32 to index
        %swap3A_275 = arith.constant 0 : index
        %swap3A_276 = tpu.vector_load %arg11[%swap3A_274, %swap3A_275] {strides = array<i32>} : memref<128x128xf32, #tpu.memory_space<vmem>>, vector<1x16xf32>,
        %swap3A_277 = vector.shape_cast %swap3A_276 : vector<1x16xf32> to vector<16xf32>
        %swap3A_278 = vector.shape_cast %sub3A_273 : vector<16xf32> to vector<1x16xf32>
        tpu.vector_store %arg11[%swap3A_274, %swap3A_275], %swap3A_278 {strides = array<i32>} : memref<128x128xf32, #tpu.memory_space<vmem>>, vector<1x16xf32>,
        %mul3A_279 = arith.constant 8 : i32
        %mul3A_280 = arith.muli %scan3A_114, %mul3A_279 : i32
        %add3A_281 = arith.constant 7 : i32
        %add3A_282 = arith.addi %mul3A_280, %add3A_281 : i32
        %mul3A_283 = arith.constant 8 : i32
        %mul3A_284 = arith.muli %mul3A_15, %mul3A_283 : i32
        %shift_right_arithmetic3A_285 = arith.constant 4 : i32
        %shift_right_arithmetic3A_286 = arith.shrsi %add3A_282, %shift_right_arithmetic3A_285 : i32
        %add3A_287 = arith.addi %mul3A_284, %shift_right_arithmetic3A_286 : i32
        %get3A_288 = arith.index_cast %add3A_282 : i32 to index
        %get3A_289 = arith.constant 0 : index
        %get3A_290 = tpu.vector_load %arg11[%get3A_288, %get3A_289] {strides = array<i32>} : memref<128x128xf32, #tpu.memory_space<vmem>>, vector<1x16xf32>,
        %get3A_291 = vector.shape_cast %get3A_290 : vector<1x16xf32> to vector<16xf32>
        %mul3A_292 = arith.constant 16 : i32
        %mul3A_293 = arith.muli %add3A_287, %mul3A_292 : i32
        %get3A_294 = arith.index_cast %mul3A_293 : i32 to index
        %get3A_295 = tpu.vector_load %arg13[%get3A_294] {strides = array<i32>} : memref<1280xf32, #tpu.memory_space<vmem>>, vector<16xf32>,
        %get3A_296 = vector.shape_cast %get3A_295 : vector<16xf32> to vector<16xf32>
        %sub3A_297 = arith.subf %get3A_291, %get3A_296 : vector<16xf32>
        %swap3A_298 = arith.index_cast %add3A_282 : i32 to index
        %swap3A_299 = arith.constant 0 : index
        %swap3A_300 = tpu.vector_load %arg11[%swap3A_298, %swap3A_299] {strides = array<i32>} : memref<128x128xf32, #tpu.memory_space<vmem>>, vector<1x16xf32>,
        %swap3A_301 = vector.shape_cast %swap3A_300 : vector<1x16xf32> to vector<16xf32>
        %swap3A_302 = vector.shape_cast %sub3A_297 : vector<16xf32> to vector<1x16xf32>
        tpu.vector_store %arg11[%swap3A_298, %swap3A_299], %swap3A_302 {strides = array<i32>} : memref<128x128xf32, #tpu.memory_space<vmem>>, vector<1x16xf32>,
      }
      %scan3A_59 = arith.constant 16 : i32
      %mul3A_60 = arith.constant 128 : i32
      %mul3A_61 = arith.muli %mul3A_15, %mul3A_60 : i32
      %add3A_62 = arith.addi %multiple_of3A, %mul3A_61 : i32
      %multiple_of3A_63 = tpu.assume_multiple %add3A_62, 128 : i32
      %dma_start3A_64 = arith.constant 0 : i32
      %dma_start3A_65 = tpu.memref_slice %arg7[%multiple_of3A_63, %dma_start3A_64] : memref<40960x128xf32, #tpu.memory_space<hbm>> -> memref<128x128xf32, #tpu.memory_space<hbm>>
      %dma_start3A_66 = arith.constant 0 : i32
      %dma_start3A_67 = tpu.memref_slice %arg7[%multiple_of3A_63, %dma_start3A_66] : memref<40960x128xf32, #tpu.memory_space<hbm>> -> memref<128x128xf32, #tpu.memory_space<hbm>>
      tpu.enqueue_dma source(%arg11 : memref<128x128xf32, #tpu.memory_space<vmem>>) target(%dma_start3A_67 : memref<128x128xf32, #tpu.memory_space<hbm>>) target_semaphore(%arg20 : memref<!tpu.dma_semaphore, #tpu.memory_space<semaphore_mem>>)
      %dma_wait3A_68 = tpu.memref_slice %arg8[%mul3A_30] : memref<1280xi32, #tpu.memory_space<vmem>> -> memref<128xi32, #tpu.memory_space<vmem>>
      %dma_wait3A_69 = arith.constant 0 : i32
      %dma_wait3A_70 = arith.constant 0 : i32
      %dma_wait3A_71 = tpu.memref_slice %arg2[%dma_wait3A_69, %dma_wait3A_70] : memref<2500x128xi32, #tpu.memory_space<hbm>> -> memref<2500x128xi32, #tpu.memory_space<hbm>>
      tpu.wait_indirect_dma semaphore(%arg15 : memref<!tpu.dma_semaphore, #tpu.memory_space<semaphore_mem>>) src(%dma_wait3A_71 : memref<2500x128xi32, #tpu.memory_space<hbm>>) dst(%arg10 : memref<128x128xi32, #tpu.memory_space<vmem>>)
      %dma_wait3A_72 = tpu.memref_slice %arg8[%mul3A_30] : memref<1280xi32, #tpu.memory_space<vmem>> -> memref<128xi32, #tpu.memory_space<vmem>>
      %dma_wait3A_73 = arith.constant 0 : i32
      %dma_wait3A_74 = arith.constant 0 : i32
      %dma_wait3A_75 = tpu.memref_slice %arg3[%dma_wait3A_73, %dma_wait3A_74] : memref<2500x128xf32, #tpu.memory_space<hbm>> -> memref<2500x128xf32, #tpu.memory_space<hbm>>
      tpu.wait_indirect_dma semaphore(%arg17 : memref<!tpu.dma_semaphore, #tpu.memory_space<semaphore_mem>>) src(%dma_wait3A_75 : memref<2500x128xf32, #tpu.memory_space<hbm>>) dst(%arg12 : memref<128x128xf32, #tpu.memory_space<vmem>>)
      %mul3A_76 = arith.constant 128 : i32
      %mul3A_77 = arith.muli %add3A_19, %mul3A_76 : i32
      %add3A_78 = arith.addi %multiple_of3A, %mul3A_77 : i32
      %multiple_of3A_79 = tpu.assume_multiple %add3A_78, 128 : i32
      %dma_start3A_80 = arith.constant 0 : i32
      %dma_start3A_81 = tpu.memref_slice %arg6[%multiple_of3A_79, %dma_start3A_80] : memref<40960x128xi32, #tpu.memory_space<hbm>> -> memref<128x128xi32, #tpu.memory_space<hbm>>
      %dma_start3A_82 = arith.constant 0 : i32
      %dma_start3A_83 = tpu.memref_slice %arg6[%multiple_of3A_79, %dma_start3A_82] : memref<40960x128xi32, #tpu.memory_space<hbm>> -> memref<128x128xi32, #tpu.memory_space<hbm>>
      tpu.enqueue_dma source(%arg10 : memref<128x128xi32, #tpu.memory_space<vmem>>) target(%dma_start3A_83 : memref<128x128xi32, #tpu.memory_space<hbm>>) target_semaphore(%arg19 : memref<!tpu.dma_semaphore, #tpu.memory_space<semaphore_mem>>)
      %scan3A_84 = arith.constant 0 : i32
      %scan3A_85 = arith.constant 0 : i32
      %scan3A_86 = arith.constant 16 : i32
      %scan3A_87 = arith.addi %scan3A_85, %scan3A_86 : i32
      %scan3A_88 = arith.constant 1 : i32
      scf.for %scan3A_114 = %scan3A_85 to %scan3A_87 step %scan3A_88  : i32 {
        %mul3A_115 = arith.constant 8 : i32
        %mul3A_116 = arith.muli %scan3A_114, %mul3A_115 : i32
        %add3A_117 = arith.constant 0 : i32
        %add3A_118 = arith.addi %mul3A_116, %add3A_117 : i32
        %mul3A_119 = arith.constant 8 : i32
        %mul3A_120 = arith.muli %add3A_19, %mul3A_119 : i32
        %shift_right_arithmetic3A = arith.constant 4 : i32
        %shift_right_arithmetic3A_121 = arith.shrsi %add3A_118, %shift_right_arithmetic3A : i32
        %add3A_122 = arith.addi %mul3A_120, %shift_right_arithmetic3A_121 : i32
        %get3A = arith.index_cast %add3A_118 : i32 to index
        %get3A_123 = arith.constant 0 : index
        %get3A_124 = tpu.vector_load %arg12[%get3A, %get3A_123] {strides = array<i32>} : memref<128x128xf32, #tpu.memory_space<vmem>>, vector<1x16xf32>,
        %get3A_125 = vector.shape_cast %get3A_124 : vector<1x16xf32> to vector<16xf32>
        %mul3A_126 = arith.constant 16 : i32
        %mul3A_127 = arith.muli %add3A_122, %mul3A_126 : i32
        %get3A_128 = arith.index_cast %mul3A_127 : i32 to index
        %get3A_129 = tpu.vector_load %arg13[%get3A_128] {strides = array<i32>} : memref<1280xf32, #tpu.memory_space<vmem>>, vector<16xf32>,
        %get3A_130 = vector.shape_cast %get3A_129 : vector<16xf32> to vector<16xf32>
        %sub3A = arith.subf %get3A_125, %get3A_130 : vector<16xf32>
        %swap3A = arith.index_cast %add3A_118 : i32 to index
        %swap3A_131 = arith.constant 0 : index
        %swap3A_132 = tpu.vector_load %arg12[%swap3A, %swap3A_131] {strides = array<i32>} : memref<128x128xf32, #tpu.memory_space<vmem>>, vector<1x16xf32>,
        %swap3A_133 = vector.shape_cast %swap3A_132 : vector<1x16xf32> to vector<16xf32>
        %swap3A_134 = vector.shape_cast %sub3A : vector<16xf32> to vector<1x16xf32>
        tpu.vector_store %arg12[%swap3A, %swap3A_131], %swap3A_134 {strides = array<i32>} : memref<128x128xf32, #tpu.memory_space<vmem>>, vector<1x16xf32>,
        %mul3A_135 = arith.constant 8 : i32
        %mul3A_136 = arith.muli %scan3A_114, %mul3A_135 : i32
        %add3A_137 = arith.constant 1 : i32
        %add3A_138 = arith.addi %mul3A_136, %add3A_137 : i32
        %mul3A_139 = arith.constant 8 : i32
        %mul3A_140 = arith.muli %add3A_19, %mul3A_139 : i32
        %shift_right_arithmetic3A_141 = arith.constant 4 : i32
        %shift_right_arithmetic3A_142 = arith.shrsi %add3A_138, %shift_right_arithmetic3A_141 : i32
        %add3A_143 = arith.addi %mul3A_140, %shift_right_arithmetic3A_142 : i32
        %get3A_144 = arith.index_cast %add3A_138 : i32 to index
        %get3A_145 = arith.constant 0 : index
        %get3A_146 = tpu.vector_load %arg12[%get3A_144, %get3A_145] {strides = array<i32>} : memref<128x128xf32, #tpu.memory_space<vmem>>, vector<1x16xf32>,
        %get3A_147 = vector.shape_cast %get3A_146 : vector<1x16xf32> to vector<16xf32>
        %mul3A_148 = arith.constant 16 : i32
        %mul3A_149 = arith.muli %add3A_143, %mul3A_148 : i32
        %get3A_150 = arith.index_cast %mul3A_149 : i32 to index
        %get3A_151 = tpu.vector_load %arg13[%get3A_150] {strides = array<i32>} : memref<1280xf32, #tpu.memory_space<vmem>>, vector<16xf32>,
        %get3A_152 = vector.shape_cast %get3A_151 : vector<16xf32> to vector<16xf32>
        %sub3A_153 = arith.subf %get3A_147, %get3A_152 : vector<16xf32>
        %swap3A_154 = arith.index_cast %add3A_138 : i32 to index
        %swap3A_155 = arith.constant 0 : index
        %swap3A_156 = tpu.vector_load %arg12[%swap3A_154, %swap3A_155] {strides = array<i32>} : memref<128x128xf32, #tpu.memory_space<vmem>>, vector<1x16xf32>,
        %swap3A_157 = vector.shape_cast %swap3A_156 : vector<1x16xf32> to vector<16xf32>
        %swap3A_158 = vector.shape_cast %sub3A_153 : vector<16xf32> to vector<1x16xf32>
        tpu.vector_store %arg12[%swap3A_154, %swap3A_155], %swap3A_158 {strides = array<i32>} : memref<128x128xf32, #tpu.memory_space<vmem>>, vector<1x16xf32>,
        %mul3A_159 = arith.constant 8 : i32
        %mul3A_160 = arith.muli %scan3A_114, %mul3A_159 : i32
        %add3A_161 = arith.constant 2 : i32
        %add3A_162 = arith.addi %mul3A_160, %add3A_161 : i32
        %mul3A_163 = arith.constant 8 : i32
        %mul3A_164 = arith.muli %add3A_19, %mul3A_163 : i32
        %shift_right_arithmetic3A_165 = arith.constant 4 : i32
        %shift_right_arithmetic3A_166 = arith.shrsi %add3A_162, %shift_right_arithmetic3A_165 : i32
        %add3A_167 = arith.addi %mul3A_164, %shift_right_arithmetic3A_166 : i32
        %get3A_168 = arith.index_cast %add3A_162 : i32 to index
        %get3A_169 = arith.constant 0 : index
        %get3A_170 = tpu.vector_load %arg12[%get3A_168, %get3A_169] {strides = array<i32>} : memref<128x128xf32, #tpu.memory_space<vmem>>, vector<1x16xf32>,
        %get3A_171 = vector.shape_cast %get3A_170 : vector<1x16xf32> to vector<16xf32>
        %mul3A_172 = arith.constant 16 : i32
        %mul3A_173 = arith.muli %add3A_167, %mul3A_172 : i32
        %get3A_174 = arith.index_cast %mul3A_173 : i32 to index
        %get3A_175 = tpu.vector_load %arg13[%get3A_174] {strides = array<i32>} : memref<1280xf32, #tpu.memory_space<vmem>>, vector<16xf32>,
        %get3A_176 = vector.shape_cast %get3A_175 : vector<16xf32> to vector<16xf32>
        %sub3A_177 = arith.subf %get3A_171, %get3A_176 : vector<16xf32>
        %swap3A_178 = arith.index_cast %add3A_162 : i32 to index
        %swap3A_179 = arith.constant 0 : index
        %swap3A_180 = tpu.vector_load %arg12[%swap3A_178, %swap3A_179] {strides = array<i32>} : memref<128x128xf32, #tpu.memory_space<vmem>>, vector<1x16xf32>,
        %swap3A_181 = vector.shape_cast %swap3A_180 : vector<1x16xf32> to vector<16xf32>
        %swap3A_182 = vector.shape_cast %sub3A_177 : vector<16xf32> to vector<1x16xf32>
        tpu.vector_store %arg12[%swap3A_178, %swap3A_179], %swap3A_182 {strides = array<i32>} : memref<128x128xf32, #tpu.memory_space<vmem>>, vector<1x16xf32>,
        %mul3A_183 = arith.constant 8 : i32
        %mul3A_184 = arith.muli %scan3A_114, %mul3A_183 : i32
        %add3A_185 = arith.constant 3 : i32
        %add3A_186 = arith.addi %mul3A_184, %add3A_185 : i32
        %mul3A_187 = arith.constant 8 : i32
        %mul3A_188 = arith.muli %add3A_19, %mul3A_187 : i32
        %shift_right_arithmetic3A_189 = arith.constant 4 : i32
        %shift_right_arithmetic3A_190 = arith.shrsi %add3A_186, %shift_right_arithmetic3A_189 : i32
        %add3A_191 = arith.addi %mul3A_188, %shift_right_arithmetic3A_190 : i32
        %get3A_192 = arith.index_cast %add3A_186 : i32 to index
        %get3A_193 = arith.constant 0 : index
        %get3A_194 = tpu.vector_load %arg12[%get3A_192, %get3A_193] {strides = array<i32>} : memref<128x128xf32, #tpu.memory_space<vmem>>, vector<1x16xf32>,
        %get3A_195 = vector.shape_cast %get3A_194 : vector<1x16xf32> to vector<16xf32>
        %mul3A_196 = arith.constant 16 : i32
        %mul3A_197 = arith.muli %add3A_191, %mul3A_196 : i32
        %get3A_198 = arith.index_cast %mul3A_197 : i32 to index
        %get3A_199 = tpu.vector_load %arg13[%get3A_198] {strides = array<i32>} : memref<1280xf32, #tpu.memory_space<vmem>>, vector<16xf32>,
        %get3A_200 = vector.shape_cast %get3A_199 : vector<16xf32> to vector<16xf32>
        %sub3A_201 = arith.subf %get3A_195, %get3A_200 : vector<16xf32>
        %swap3A_202 = arith.index_cast %add3A_186 : i32 to index
        %swap3A_203 = arith.constant 0 : index
        %swap3A_204 = tpu.vector_load %arg12[%swap3A_202, %swap3A_203] {strides = array<i32>} : memref<128x128xf32, #tpu.memory_space<vmem>>, vector<1x16xf32>,
        %swap3A_205 = vector.shape_cast %swap3A_204 : vector<1x16xf32> to vector<16xf32>
        %swap3A_206 = vector.shape_cast %sub3A_201 : vector<16xf32> to vector<1x16xf32>
        tpu.vector_store %arg12[%swap3A_202, %swap3A_203], %swap3A_206 {strides = array<i32>} : memref<128x128xf32, #tpu.memory_space<vmem>>, vector<1x16xf32>,
        %mul3A_207 = arith.constant 8 : i32
        %mul3A_208 = arith.muli %scan3A_114, %mul3A_207 : i32
        %add3A_209 = arith.constant 4 : i32
        %add3A_210 = arith.addi %mul3A_208, %add3A_209 : i32
        %mul3A_211 = arith.constant 8 : i32
        %mul3A_212 = arith.muli %add3A_19, %mul3A_211 : i32
        %shift_right_arithmetic3A_213 = arith.constant 4 : i32
        %shift_right_arithmetic3A_214 = arith.shrsi %add3A_210, %shift_right_arithmetic3A_213 : i32
        %add3A_215 = arith.addi %mul3A_212, %shift_right_arithmetic3A_214 : i32
        %get3A_216 = arith.index_cast %add3A_210 : i32 to index
        %get3A_217 = arith.constant 0 : index
        %get3A_218 = tpu.vector_load %arg12[%get3A_216, %get3A_217] {strides = array<i32>} : memref<128x128xf32, #tpu.memory_space<vmem>>, vector<1x16xf32>,
        %get3A_219 = vector.shape_cast %get3A_218 : vector<1x16xf32> to vector<16xf32>
        %mul3A_220 = arith.constant 16 : i32
        %mul3A_221 = arith.muli %add3A_215, %mul3A_220 : i32
        %get3A_222 = arith.index_cast %mul3A_221 : i32 to index
        %get3A_223 = tpu.vector_load %arg13[%get3A_222] {strides = array<i32>} : memref<1280xf32, #tpu.memory_space<vmem>>, vector<16xf32>,
        %get3A_224 = vector.shape_cast %get3A_223 : vector<16xf32> to vector<16xf32>
        %sub3A_225 = arith.subf %get3A_219, %get3A_224 : vector<16xf32>
        %swap3A_226 = arith.index_cast %add3A_210 : i32 to index
        %swap3A_227 = arith.constant 0 : index
        %swap3A_228 = tpu.vector_load %arg12[%swap3A_226, %swap3A_227] {strides = array<i32>} : memref<128x128xf32, #tpu.memory_space<vmem>>, vector<1x16xf32>,
        %swap3A_229 = vector.shape_cast %swap3A_228 : vector<1x16xf32> to vector<16xf32>
        %swap3A_230 = vector.shape_cast %sub3A_225 : vector<16xf32> to vector<1x16xf32>
        tpu.vector_store %arg12[%swap3A_226, %swap3A_227], %swap3A_230 {strides = array<i32>} : memref<128x128xf32, #tpu.memory_space<vmem>>, vector<1x16xf32>,
        %mul3A_231 = arith.constant 8 : i32
        %mul3A_232 = arith.muli %scan3A_114, %mul3A_231 : i32
        %add3A_233 = arith.constant 5 : i32
        %add3A_234 = arith.addi %mul3A_232, %add3A_233 : i32
        %mul3A_235 = arith.constant 8 : i32
        %mul3A_236 = arith.muli %add3A_19, %mul3A_235 : i32
        %shift_right_arithmetic3A_237 = arith.constant 4 : i32
        %shift_right_arithmetic3A_238 = arith.shrsi %add3A_234, %shift_right_arithmetic3A_237 : i32
        %add3A_239 = arith.addi %mul3A_236, %shift_right_arithmetic3A_238 : i32
        %get3A_240 = arith.index_cast %add3A_234 : i32 to index
        %get3A_241 = arith.constant 0 : index
        %get3A_242 = tpu.vector_load %arg12[%get3A_240, %get3A_241] {strides = array<i32>} : memref<128x128xf32, #tpu.memory_space<vmem>>, vector<1x16xf32>,
        %get3A_243 = vector.shape_cast %get3A_242 : vector<1x16xf32> to vector<16xf32>
        %mul3A_244 = arith.constant 16 : i32
        %mul3A_245 = arith.muli %add3A_239, %mul3A_244 : i32
        %get3A_246 = arith.index_cast %mul3A_245 : i32 to index
        %get3A_247 = tpu.vector_load %arg13[%get3A_246] {strides = array<i32>} : memref<1280xf32, #tpu.memory_space<vmem>>, vector<16xf32>,
        %get3A_248 = vector.shape_cast %get3A_247 : vector<16xf32> to vector<16xf32>
        %sub3A_249 = arith.subf %get3A_243, %get3A_248 : vector<16xf32>
        %swap3A_250 = arith.index_cast %add3A_234 : i32 to index
        %swap3A_251 = arith.constant 0 : index
        %swap3A_252 = tpu.vector_load %arg12[%swap3A_250, %swap3A_251] {strides = array<i32>} : memref<128x128xf32, #tpu.memory_space<vmem>>, vector<1x16xf32>,
        %swap3A_253 = vector.shape_cast %swap3A_252 : vector<1x16xf32> to vector<16xf32>
        %swap3A_254 = vector.shape_cast %sub3A_249 : vector<16xf32> to vector<1x16xf32>
        tpu.vector_store %arg12[%swap3A_250, %swap3A_251], %swap3A_254 {strides = array<i32>} : memref<128x128xf32, #tpu.memory_space<vmem>>, vector<1x16xf32>,
        %mul3A_255 = arith.constant 8 : i32
        %mul3A_256 = arith.muli %scan3A_114, %mul3A_255 : i32
        %add3A_257 = arith.constant 6 : i32
        %add3A_258 = arith.addi %mul3A_256, %add3A_257 : i32
        %mul3A_259 = arith.constant 8 : i32
        %mul3A_260 = arith.muli %add3A_19, %mul3A_259 : i32
        %shift_right_arithmetic3A_261 = arith.constant 4 : i32
        %shift_right_arithmetic3A_262 = arith.shrsi %add3A_258, %shift_right_arithmetic3A_261 : i32
        %add3A_263 = arith.addi %mul3A_260, %shift_right_arithmetic3A_262 : i32
        %get3A_264 = arith.index_cast %add3A_258 : i32 to index
        %get3A_265 = arith.constant 0 : index
        %get3A_266 = tpu.vector_load %arg12[%get3A_264, %get3A_265] {strides = array<i32>} : memref<128x128xf32, #tpu.memory_space<vmem>>, vector<1x16xf32>,
        %get3A_267 = vector.shape_cast %get3A_266 : vector<1x16xf32> to vector<16xf32>
        %mul3A_268 = arith.constant 16 : i32
        %mul3A_269 = arith.muli %add3A_263, %mul3A_268 : i32
        %get3A_270 = arith.index_cast %mul3A_269 : i32 to index
        %get3A_271 = tpu.vector_load %arg13[%get3A_270] {strides = array<i32>} : memref<1280xf32, #tpu.memory_space<vmem>>, vector<16xf32>,
        %get3A_272 = vector.shape_cast %get3A_271 : vector<16xf32> to vector<16xf32>
        %sub3A_273 = arith.subf %get3A_267, %get3A_272 : vector<16xf32>
        %swap3A_274 = arith.index_cast %add3A_258 : i32 to index
        %swap3A_275 = arith.constant 0 : index
        %swap3A_276 = tpu.vector_load %arg12[%swap3A_274, %swap3A_275] {strides = array<i32>} : memref<128x128xf32, #tpu.memory_space<vmem>>, vector<1x16xf32>,
        %swap3A_277 = vector.shape_cast %swap3A_276 : vector<1x16xf32> to vector<16xf32>
        %swap3A_278 = vector.shape_cast %sub3A_273 : vector<16xf32> to vector<1x16xf32>
        tpu.vector_store %arg12[%swap3A_274, %swap3A_275], %swap3A_278 {strides = array<i32>} : memref<128x128xf32, #tpu.memory_space<vmem>>, vector<1x16xf32>,
        %mul3A_279 = arith.constant 8 : i32
        %mul3A_280 = arith.muli %scan3A_114, %mul3A_279 : i32
        %add3A_281 = arith.constant 7 : i32
        %add3A_282 = arith.addi %mul3A_280, %add3A_281 : i32
        %mul3A_283 = arith.constant 8 : i32
        %mul3A_284 = arith.muli %add3A_19, %mul3A_283 : i32
        %shift_right_arithmetic3A_285 = arith.constant 4 : i32
        %shift_right_arithmetic3A_286 = arith.shrsi %add3A_282, %shift_right_arithmetic3A_285 : i32
        %add3A_287 = arith.addi %mul3A_284, %shift_right_arithmetic3A_286 : i32
        %get3A_288 = arith.index_cast %add3A_282 : i32 to index
        %get3A_289 = arith.constant 0 : index
        %get3A_290 = tpu.vector_load %arg12[%get3A_288, %get3A_289] {strides = array<i32>} : memref<128x128xf32, #tpu.memory_space<vmem>>, vector<1x16xf32>,
        %get3A_291 = vector.shape_cast %get3A_290 : vector<1x16xf32> to vector<16xf32>
        %mul3A_292 = arith.constant 16 : i32
        %mul3A_293 = arith.muli %add3A_287, %mul3A_292 : i32
        %get3A_294 = arith.index_cast %mul3A_293 : i32 to index
        %get3A_295 = tpu.vector_load %arg13[%get3A_294] {strides = array<i32>} : memref<1280xf32, #tpu.memory_space<vmem>>, vector<16xf32>,
        %get3A_296 = vector.shape_cast %get3A_295 : vector<16xf32> to vector<16xf32>
        %sub3A_297 = arith.subf %get3A_291, %get3A_296 : vector<16xf32>
        %swap3A_298 = arith.index_cast %add3A_282 : i32 to index
        %swap3A_299 = arith.constant 0 : index
        %swap3A_300 = tpu.vector_load %arg12[%swap3A_298, %swap3A_299] {strides = array<i32>} : memref<128x128xf32, #tpu.memory_space<vmem>>, vector<1x16xf32>,
        %swap3A_301 = vector.shape_cast %swap3A_300 : vector<1x16xf32> to vector<16xf32>
        %swap3A_302 = vector.shape_cast %sub3A_297 : vector<16xf32> to vector<1x16xf32>
        tpu.vector_store %arg12[%swap3A_298, %swap3A_299], %swap3A_302 {strides = array<i32>} : memref<128x128xf32, #tpu.memory_space<vmem>>, vector<1x16xf32>,
      }
      %scan3A_89 = arith.constant 16 : i32
      %mul3A_90 = arith.constant 128 : i32
      %mul3A_91 = arith.muli %add3A_19, %mul3A_90 : i32
      %add3A_92 = arith.addi %multiple_of3A, %mul3A_91 : i32
      %multiple_of3A_93 = tpu.assume_multiple %add3A_92, 128 : i32
      %dma_start3A_94 = arith.constant 0 : i32
      %dma_start3A_95 = tpu.memref_slice %arg7[%multiple_of3A_93, %dma_start3A_94] : memref<40960x128xf32, #tpu.memory_space<hbm>> -> memref<128x128xf32, #tpu.memory_space<hbm>>
      %dma_start3A_96 = arith.constant 0 : i32
      %dma_start3A_97 = tpu.memref_slice %arg7[%multiple_of3A_93, %dma_start3A_96] : memref<40960x128xf32, #tpu.memory_space<hbm>> -> memref<128x128xf32, #tpu.memory_space<hbm>>
      tpu.enqueue_dma source(%arg12 : memref<128x128xf32, #tpu.memory_space<vmem>>) target(%dma_start3A_97 : memref<128x128xf32, #tpu.memory_space<hbm>>) target_semaphore(%arg21 : memref<!tpu.dma_semaphore, #tpu.memory_space<semaphore_mem>>)
      %dma_wait3A_98 = arith.constant 0 : i32
      %dma_wait3A_99 = tpu.memref_slice %arg6[%multiple_of3A_49, %dma_wait3A_98] : memref<40960x128xi32, #tpu.memory_space<hbm>> -> memref<128x128xi32, #tpu.memory_space<hbm>>
      %dma_wait3A_100 = arith.constant 0 : i32
      %dma_wait3A_101 = tpu.memref_slice %arg6[%multiple_of3A_49, %dma_wait3A_100] : memref<40960x128xi32, #tpu.memory_space<hbm>> -> memref<128x128xi32, #tpu.memory_space<hbm>>
      tpu.wait_dma2 semaphore(%arg18 : memref<!tpu.dma_semaphore, #tpu.memory_space<semaphore_mem>>) src(%arg9 : memref<128x128xi32, #tpu.memory_space<vmem>>) dst(%dma_wait3A_101 : memref<128x128xi32, #tpu.memory_space<hbm>>)
      %dma_wait3A_102 = arith.constant 0 : i32
      %dma_wait3A_103 = tpu.memref_slice %arg7[%multiple_of3A_63, %dma_wait3A_102] : memref<40960x128xf32, #tpu.memory_space<hbm>> -> memref<128x128xf32, #tpu.memory_space<hbm>>
      %dma_wait3A_104 = arith.constant 0 : i32
      %dma_wait3A_105 = tpu.memref_slice %arg7[%multiple_of3A_63, %dma_wait3A_104] : memref<40960x128xf32, #tpu.memory_space<hbm>> -> memref<128x128xf32, #tpu.memory_space<hbm>>
      tpu.wait_dma2 semaphore(%arg20 : memref<!tpu.dma_semaphore, #tpu.memory_space<semaphore_mem>>) src(%arg11 : memref<128x128xf32, #tpu.memory_space<vmem>>) dst(%dma_wait3A_105 : memref<128x128xf32, #tpu.memory_space<hbm>>)
      %dma_wait3A_106 = arith.constant 0 : i32
      %dma_wait3A_107 = tpu.memref_slice %arg6[%multiple_of3A_79, %dma_wait3A_106] : memref<40960x128xi32, #tpu.memory_space<hbm>> -> memref<128x128xi32, #tpu.memory_space<hbm>>
      %dma_wait3A_108 = arith.constant 0 : i32
      %dma_wait3A_109 = tpu.memref_slice %arg6[%multiple_of3A_79, %dma_wait3A_108] : memref<40960x128xi32, #tpu.memory_space<hbm>> -> memref<128x128xi32, #tpu.memory_space<hbm>>
      tpu.wait_dma2 semaphore(%arg19 : memref<!tpu.dma_semaphore, #tpu.memory_space<semaphore_mem>>) src(%arg10 : memref<128x128xi32, #tpu.memory_space<vmem>>) dst(%dma_wait3A_109 : memref<128x128xi32, #tpu.memory_space<hbm>>)
      %dma_wait3A_110 = arith.constant 0 : i32
      %dma_wait3A_111 = tpu.memref_slice %arg7[%multiple_of3A_93, %dma_wait3A_110] : memref<40960x128xf32, #tpu.memory_space<hbm>> -> memref<128x128xf32, #tpu.memory_space<hbm>>
      %dma_wait3A_112 = arith.constant 0 : i32
      %dma_wait3A_113 = tpu.memref_slice %arg7[%multiple_of3A_93, %dma_wait3A_112] : memref<40960x128xf32, #tpu.memory_space<hbm>> -> memref<128x128xf32, #tpu.memory_space<hbm>>
      tpu.wait_dma2 semaphore(%arg21 : memref<!tpu.dma_semaphore, #tpu.memory_space<semaphore_mem>>) src(%arg12 : memref<128x128xf32, #tpu.memory_space<vmem>>) dst(%dma_wait3A_113 : memref<128x128xf32, #tpu.memory_space<hbm>>)
    }
    %scan3A_12 = arith.constant 5 : i32
    return
  }
}

#map = affine_map<(d0, d1) -> (0, 0)>
#map1 = affine_map<(d0, d1) -> (0)>
module attributes {stable_mosaic.version = 14 : i64} {
  func.func @_sc_body(%arg0: i32, %arg1: i32, %arg2: memref<2500x128xi32, #tpu.memory_space<hbm>>, %arg3: memref<2500x128xf32, #tpu.memory_space<hbm>>, %arg4: memref<40960xf32, #tpu.memory_space<hbm>>, %arg5: memref<40960xi32, #tpu.memory_space<hbm>>, %arg6: memref<40960x128xi32, #tpu.memory_space<hbm>>, %arg7: memref<40960x128xf32, #tpu.memory_space<hbm>>, %arg8: memref<1280xi32, #tpu.memory_space<vmem>>, %arg9: memref<128x128xi32, #tpu.memory_space<vmem>>, %arg10: memref<128x128xi32, #tpu.memory_space<vmem>>, %arg11: memref<128x128xf32, #tpu.memory_space<vmem>>, %arg12: memref<128x128xf32, #tpu.memory_space<vmem>>, %arg13: memref<1280xf32, #tpu.memory_space<vmem>>, %arg14: memref<!tpu.dma_semaphore, #tpu.memory_space<semaphore_mem>>, %arg15: memref<!tpu.dma_semaphore, #tpu.memory_space<semaphore_mem>>, %arg16: memref<!tpu.dma_semaphore, #tpu.memory_space<semaphore_mem>>, %arg17: memref<!tpu.dma_semaphore, #tpu.memory_space<semaphore_mem>>, %arg18: memref<!tpu.dma_semaphore, #tpu.memory_space<semaphore_mem>>, %arg19: memref<!tpu.dma_semaphore, #tpu.memory_space<semaphore_mem>>, %arg20: memref<!tpu.dma_semaphore, #tpu.memory_space<semaphore_mem>>, %arg21: memref<!tpu.dma_semaphore, #tpu.memory_space<semaphore_mem>>) attributes {dimension_semantics = [#tpu.dimension_semantics<core_parallel>, #tpu.dimension_semantics<subcore_parallel>], iteration_bounds = array<i64: 2, 16>, scalar_prefetch = 0 : i64, scratch_operands = 14 : i64, tpu.core_type = #tpu.core_type<sc_vector_subcore>, window_params = [{transform_indices = #map}, {transform_indices = #map}, {transform_indices = #map1}, {transform_indices = #map1}, {transform_indices = #map}, {transform_indices = #map}]} {
    %mul3A = arith.constant 2 : i32
    %mul3A_0 = arith.muli %arg1, %mul3A : i32
    %add3A = arith.addi %mul3A_0, %arg0 : i32
    %mul3A_1 = arith.constant 1280 : i32
    %mul3A_2 = arith.muli %add3A, %mul3A_1 : i32
    %multiple_of3A = tpu.assume_multiple %mul3A_2, 1280 : i32
    "tpu.region"() ({
      %run_scoped3A = tpu.sem_alloc : memref<!tpu.dma_semaphore, #tpu.memory_space<semaphore_mem>>
      %dma_start3A = tpu.memref_slice %arg5[%multiple_of3A] : memref<40960xi32, #tpu.memory_space<hbm>> -> memref<1280xi32, #tpu.memory_space<hbm>>
      %dma_start3A_13 = tpu.memref_slice %arg5[%multiple_of3A] : memref<40960xi32, #tpu.memory_space<hbm>> -> memref<1280xi32, #tpu.memory_space<hbm>>
      tpu.enqueue_dma source(%dma_start3A_13 : memref<1280xi32, #tpu.memory_space<hbm>>) target(%arg8 : memref<1280xi32, #tpu.memory_space<vmem>>) target_semaphore(%run_scoped3A : memref<!tpu.dma_semaphore, #tpu.memory_space<semaphore_mem>>)
      %dma_wait3A = tpu.memref_slice %arg5[%multiple_of3A] : memref<40960xi32, #tpu.memory_space<hbm>> -> memref<1280xi32, #tpu.memory_space<hbm>>
      %dma_wait3A_14 = tpu.memref_slice %arg5[%multiple_of3A] : memref<40960xi32, #tpu.memory_space<hbm>> -> memref<1280xi32, #tpu.memory_space<hbm>>
      tpu.wait_dma2 semaphore(%run_scoped3A : memref<!tpu.dma_semaphore, #tpu.memory_space<semaphore_mem>>) src(%dma_wait3A_14 : memref<1280xi32, #tpu.memory_space<hbm>>) dst(%arg8 : memref<1280xi32, #tpu.memory_space<vmem>>)
      tpu.yield
    }) : () -> ()
    %mul3A_3 = arith.constant 80 : i32
    %mul3A_4 = arith.muli %add3A, %mul3A_3 : i32
    %mul3A_5 = arith.constant 16 : i32
    %mul3A_6 = arith.muli %mul3A_4, %mul3A_5 : i32
    %multiple_of3A_7 = tpu.assume_multiple %mul3A_6, 1280 : i32
    "tpu.region"() ({
      %run_scoped3A = tpu.sem_alloc : memref<!tpu.dma_semaphore, #tpu.memory_space<semaphore_mem>>
      %dma_start3A = tpu.memref_slice %arg4[%multiple_of3A_7] : memref<40960xf32, #tpu.memory_space<hbm>> -> memref<1280xf32, #tpu.memory_space<hbm>>
      %dma_start3A_13 = tpu.memref_slice %arg4[%multiple_of3A_7] : memref<40960xf32, #tpu.memory_space<hbm>> -> memref<1280xf32, #tpu.memory_space<hbm>>
      tpu.enqueue_dma source(%dma_start3A_13 : memref<1280xf32, #tpu.memory_space<hbm>>) target(%arg13 : memref<1280xf32, #tpu.memory_space<vmem>>) target_semaphore(%run_scoped3A : memref<!tpu.dma_semaphore, #tpu.memory_space<semaphore_mem>>)
      %dma_wait3A = tpu.memref_slice %arg4[%multiple_of3A_7] : memref<40960xf32, #tpu.memory_space<hbm>> -> memref<1280xf32, #tpu.memory_space<hbm>>
      %dma_wait3A_14 = tpu.memref_slice %arg4[%multiple_of3A_7] : memref<40960xf32, #tpu.memory_space<hbm>> -> memref<1280xf32, #tpu.memory_space<hbm>>
      tpu.wait_dma2 semaphore(%run_scoped3A : memref<!tpu.dma_semaphore, #tpu.memory_space<semaphore_mem>>) src(%dma_wait3A_14 : memref<1280xf32, #tpu.memory_space<hbm>>) dst(%arg13 : memref<1280xf32, #tpu.memory_space<vmem>>)
      tpu.yield
    }) : () -> ()
    %scan3A = arith.constant 0 : i32
    %scan3A_8 = arith.constant 0 : i32
    %scan3A_9 = arith.constant 5 : i32
    %scan3A_10 = arith.addi %scan3A_8, %scan3A_9 : i32
    %scan3A_11 = arith.constant 1 : i32
    scf.for %scan3A_13 = %scan3A_8 to %scan3A_10 step %scan3A_11  : i32 {
      %mul3A_14 = arith.constant 2 : i32
      %mul3A_15 = arith.muli %mul3A_14, %scan3A_13 : i32
      %mul3A_16 = arith.constant 2 : i32
      %mul3A_17 = arith.muli %mul3A_16, %scan3A_13 : i32
      %add3A_18 = arith.constant 1 : i32
      %add3A_19 = arith.addi %mul3A_17, %add3A_18 : i32
      %mul3A_20 = arith.constant 128 : i32
      %mul3A_21 = arith.muli %mul3A_15, %mul3A_20 : i32
      %dma_start3A = tpu.memref_slice %arg8[%mul3A_21] : memref<1280xi32, #tpu.memory_space<vmem>> -> memref<128xi32, #tpu.memory_space<vmem>>
      %dma_start3A_22 = arith.constant 0 : i32
      %dma_start3A_23 = arith.constant 0 : i32
      %dma_start3A_24 = tpu.memref_slice %arg2[%dma_start3A_22, %dma_start3A_23] : memref<2500x128xi32, #tpu.memory_space<hbm>> -> memref<2500x128xi32, #tpu.memory_space<hbm>>
      tpu.enqueue_indirect_dma source(%dma_start3A_24 : memref<2500x128xi32, #tpu.memory_space<hbm>>) target(%arg9 : memref<128x128xi32, #tpu.memory_space<vmem>>) offsets(%dma_start3A : memref<128xi32, #tpu.memory_space<vmem>>) semaphore(%arg14 : memref<!tpu.dma_semaphore, #tpu.memory_space<semaphore_mem>>)
      %dma_start3A_25 = tpu.memref_slice %arg8[%mul3A_21] : memref<1280xi32, #tpu.memory_space<vmem>> -> memref<128xi32, #tpu.memory_space<vmem>>
      %dma_start3A_26 = arith.constant 0 : i32
      %dma_start3A_27 = arith.constant 0 : i32
      %dma_start3A_28 = tpu.memref_slice %arg3[%dma_start3A_26, %dma_start3A_27] : memref<2500x128xf32, #tpu.memory_space<hbm>> -> memref<2500x128xf32, #tpu.memory_space<hbm>>
      tpu.enqueue_indirect_dma source(%dma_start3A_28 : memref<2500x128xf32, #tpu.memory_space<hbm>>) target(%arg11 : memref<128x128xf32, #tpu.memory_space<vmem>>) offsets(%dma_start3A_25 : memref<128xi32, #tpu.memory_space<vmem>>) semaphore(%arg16 : memref<!tpu.dma_semaphore, #tpu.memory_space<semaphore_mem>>)
      %mul3A_29 = arith.constant 128 : i32
      %mul3A_30 = arith.muli %add3A_19, %mul3A_29 : i32
      %dma_start3A_31 = tpu.memref_slice %arg8[%mul3A_30] : memref<1280xi32, #tpu.memory_space<vmem>> -> memref<128xi32, #tpu.memory_space<vmem>>
      %dma_start3A_32 = arith.constant 0 : i32
      %dma_start3A_33 = arith.constant 0 : i32
      %dma_start3A_34 = tpu.memref_slice %arg2[%dma_start3A_32, %dma_start3A_33] : memref<2500x128xi32, #tpu.memory_space<hbm>> -> memref<2500x128xi32, #tpu.memory_space<hbm>>
      tpu.enqueue_indirect_dma source(%dma_start3A_34 : memref<2500x128xi32, #tpu.memory_space<hbm>>) target(%arg10 : memref<128x128xi32, #tpu.memory_space<vmem>>) offsets(%dma_start3A_31 : memref<128xi32, #tpu.memory_space<vmem>>) semaphore(%arg15 : memref<!tpu.dma_semaphore, #tpu.memory_space<semaphore_mem>>)
      %dma_start3A_35 = tpu.memref_slice %arg8[%mul3A_30] : memref<1280xi32, #tpu.memory_space<vmem>> -> memref<128xi32, #tpu.memory_space<vmem>>
      %dma_start3A_36 = arith.constant 0 : i32
      %dma_start3A_37 = arith.constant 0 : i32
      %dma_start3A_38 = tpu.memref_slice %arg3[%dma_start3A_36, %dma_start3A_37] : memref<2500x128xf32, #tpu.memory_space<hbm>> -> memref<2500x128xf32, #tpu.memory_space<hbm>>
      tpu.enqueue_indirect_dma source(%dma_start3A_38 : memref<2500x128xf32, #tpu.memory_space<hbm>>) target(%arg12 : memref<128x128xf32, #tpu.memory_space<vmem>>) offsets(%dma_start3A_35 : memref<128xi32, #tpu.memory_space<vmem>>) semaphore(%arg17 : memref<!tpu.dma_semaphore, #tpu.memory_space<semaphore_mem>>)
      %dma_wait3A = tpu.memref_slice %arg8[%mul3A_21] : memref<1280xi32, #tpu.memory_space<vmem>> -> memref<128xi32, #tpu.memory_space<vmem>>
      %dma_wait3A_39 = arith.constant 0 : i32
      %dma_wait3A_40 = arith.constant 0 : i32
      %dma_wait3A_41 = tpu.memref_slice %arg2[%dma_wait3A_39, %dma_wait3A_40] : memref<2500x128xi32, #tpu.memory_space<hbm>> -> memref<2500x128xi32, #tpu.memory_space<hbm>>
      tpu.wait_indirect_dma semaphore(%arg14 : memref<!tpu.dma_semaphore, #tpu.memory_space<semaphore_mem>>) src(%dma_wait3A_41 : memref<2500x128xi32, #tpu.memory_space<hbm>>) dst(%arg9 : memref<128x128xi32, #tpu.memory_space<vmem>>)
      %dma_wait3A_42 = tpu.memref_slice %arg8[%mul3A_21] : memref<1280xi32, #tpu.memory_space<vmem>> -> memref<128xi32, #tpu.memory_space<vmem>>
      %dma_wait3A_43 = arith.constant 0 : i32
      %dma_wait3A_44 = arith.constant 0 : i32
      %dma_wait3A_45 = tpu.memref_slice %arg3[%dma_wait3A_43, %dma_wait3A_44] : memref<2500x128xf32, #tpu.memory_space<hbm>> -> memref<2500x128xf32, #tpu.memory_space<hbm>>
      tpu.wait_indirect_dma semaphore(%arg16 : memref<!tpu.dma_semaphore, #tpu.memory_space<semaphore_mem>>) src(%dma_wait3A_45 : memref<2500x128xf32, #tpu.memory_space<hbm>>) dst(%arg11 : memref<128x128xf32, #tpu.memory_space<vmem>>)
      %mul3A_46 = arith.constant 128 : i32
      %mul3A_47 = arith.muli %mul3A_15, %mul3A_46 : i32
      %add3A_48 = arith.addi %multiple_of3A, %mul3A_47 : i32
      %multiple_of3A_49 = tpu.assume_multiple %add3A_48, 128 : i32
      %dma_start3A_50 = arith.constant 0 : i32
      %dma_start3A_51 = tpu.memref_slice %arg6[%multiple_of3A_49, %dma_start3A_50] : memref<40960x128xi32, #tpu.memory_space<hbm>> -> memref<128x128xi32, #tpu.memory_space<hbm>>
      %dma_start3A_52 = arith.constant 0 : i32
      %dma_start3A_53 = tpu.memref_slice %arg6[%multiple_of3A_49, %dma_start3A_52] : memref<40960x128xi32, #tpu.memory_space<hbm>> -> memref<128x128xi32, #tpu.memory_space<hbm>>
      tpu.enqueue_dma source(%arg9 : memref<128x128xi32, #tpu.memory_space<vmem>>) target(%dma_start3A_53 : memref<128x128xi32, #tpu.memory_space<hbm>>) target_semaphore(%arg18 : memref<!tpu.dma_semaphore, #tpu.memory_space<semaphore_mem>>)
      %scan3A_54 = arith.constant 0 : i32
      %scan3A_55 = arith.constant 0 : i32
      %scan3A_56 = arith.constant 16 : i32
      %scan3A_57 = arith.addi %scan3A_55, %scan3A_56 : i32
      %scan3A_58 = arith.constant 1 : i32
      scf.for %scan3A_114 = %scan3A_55 to %scan3A_57 step %scan3A_58  : i32 {
        %mul3A_115 = arith.constant 8 : i32
        %mul3A_116 = arith.muli %scan3A_114, %mul3A_115 : i32
        %add3A_117 = arith.constant 0 : i32
        %add3A_118 = arith.addi %mul3A_116, %add3A_117 : i32
        %mul3A_119 = arith.constant 8 : i32
        %mul3A_120 = arith.muli %mul3A_15, %mul3A_119 : i32
        %shift_right_arithmetic3A = arith.constant 4 : i32
        %shift_right_arithmetic3A_121 = arith.shrsi %add3A_118, %shift_right_arithmetic3A : i32
        %add3A_122 = arith.addi %mul3A_120, %shift_right_arithmetic3A_121 : i32
        %get3A = arith.index_cast %add3A_118 : i32 to index
        %get3A_123 = arith.constant 0 : index
        %get3A_124 = tpu.vector_load %arg11[%get3A, %get3A_123] {strides = array<i32>} : memref<128x128xf32, #tpu.memory_space<vmem>>, vector<1x16xf32>,
        %get3A_125 = vector.shape_cast %get3A_124 : vector<1x16xf32> to vector<16xf32>
        %mul3A_126 = arith.constant 16 : i32
        %mul3A_127 = arith.muli %add3A_122, %mul3A_126 : i32
        %get3A_128 = arith.index_cast %mul3A_127 : i32 to index
        %get3A_129 = tpu.vector_load %arg13[%get3A_128] {strides = array<i32>} : memref<1280xf32, #tpu.memory_space<vmem>>, vector<16xf32>,
        %get3A_130 = vector.shape_cast %get3A_129 : vector<16xf32> to vector<16xf32>
        %sub3A = arith.subf %get3A_125, %get3A_130 : vector<16xf32>
        %swap3A = arith.index_cast %add3A_118 : i32 to index
        %swap3A_131 = arith.constant 0 : index
        %swap3A_132 = tpu.vector_load %arg11[%swap3A, %swap3A_131] {strides = array<i32>} : memref<128x128xf32, #tpu.memory_space<vmem>>, vector<1x16xf32>,
        %swap3A_133 = vector.shape_cast %swap3A_132 : vector<1x16xf32> to vector<16xf32>
        %swap3A_134 = vector.shape_cast %sub3A : vector<16xf32> to vector<1x16xf32>
        tpu.vector_store %arg11[%swap3A, %swap3A_131], %swap3A_134 {strides = array<i32>} : memref<128x128xf32, #tpu.memory_space<vmem>>, vector<1x16xf32>,
        %mul3A_135 = arith.constant 8 : i32
        %mul3A_136 = arith.muli %scan3A_114, %mul3A_135 : i32
        %add3A_137 = arith.constant 1 : i32
        %add3A_138 = arith.addi %mul3A_136, %add3A_137 : i32
        %mul3A_139 = arith.constant 8 : i32
        %mul3A_140 = arith.muli %mul3A_15, %mul3A_139 : i32
        %shift_right_arithmetic3A_141 = arith.constant 4 : i32
        %shift_right_arithmetic3A_142 = arith.shrsi %add3A_138, %shift_right_arithmetic3A_141 : i32
        %add3A_143 = arith.addi %mul3A_140, %shift_right_arithmetic3A_142 : i32
        %get3A_144 = arith.index_cast %add3A_138 : i32 to index
        %get3A_145 = arith.constant 0 : index
        %get3A_146 = tpu.vector_load %arg11[%get3A_144, %get3A_145] {strides = array<i32>} : memref<128x128xf32, #tpu.memory_space<vmem>>, vector<1x16xf32>,
        %get3A_147 = vector.shape_cast %get3A_146 : vector<1x16xf32> to vector<16xf32>
        %mul3A_148 = arith.constant 16 : i32
        %mul3A_149 = arith.muli %add3A_143, %mul3A_148 : i32
        %get3A_150 = arith.index_cast %mul3A_149 : i32 to index
        %get3A_151 = tpu.vector_load %arg13[%get3A_150] {strides = array<i32>} : memref<1280xf32, #tpu.memory_space<vmem>>, vector<16xf32>,
        %get3A_152 = vector.shape_cast %get3A_151 : vector<16xf32> to vector<16xf32>
        %sub3A_153 = arith.subf %get3A_147, %get3A_152 : vector<16xf32>
        %swap3A_154 = arith.index_cast %add3A_138 : i32 to index
        %swap3A_155 = arith.constant 0 : index
        %swap3A_156 = tpu.vector_load %arg11[%swap3A_154, %swap3A_155] {strides = array<i32>} : memref<128x128xf32, #tpu.memory_space<vmem>>, vector<1x16xf32>,
        %swap3A_157 = vector.shape_cast %swap3A_156 : vector<1x16xf32> to vector<16xf32>
        %swap3A_158 = vector.shape_cast %sub3A_153 : vector<16xf32> to vector<1x16xf32>
        tpu.vector_store %arg11[%swap3A_154, %swap3A_155], %swap3A_158 {strides = array<i32>} : memref<128x128xf32, #tpu.memory_space<vmem>>, vector<1x16xf32>,
        %mul3A_159 = arith.constant 8 : i32
        %mul3A_160 = arith.muli %scan3A_114, %mul3A_159 : i32
        %add3A_161 = arith.constant 2 : i32
        %add3A_162 = arith.addi %mul3A_160, %add3A_161 : i32
        %mul3A_163 = arith.constant 8 : i32
        %mul3A_164 = arith.muli %mul3A_15, %mul3A_163 : i32
        %shift_right_arithmetic3A_165 = arith.constant 4 : i32
        %shift_right_arithmetic3A_166 = arith.shrsi %add3A_162, %shift_right_arithmetic3A_165 : i32
        %add3A_167 = arith.addi %mul3A_164, %shift_right_arithmetic3A_166 : i32
        %get3A_168 = arith.index_cast %add3A_162 : i32 to index
        %get3A_169 = arith.constant 0 : index
        %get3A_170 = tpu.vector_load %arg11[%get3A_168, %get3A_169] {strides = array<i32>} : memref<128x128xf32, #tpu.memory_space<vmem>>, vector<1x16xf32>,
        %get3A_171 = vector.shape_cast %get3A_170 : vector<1x16xf32> to vector<16xf32>
        %mul3A_172 = arith.constant 16 : i32
        %mul3A_173 = arith.muli %add3A_167, %mul3A_172 : i32
        %get3A_174 = arith.index_cast %mul3A_173 : i32 to index
        %get3A_175 = tpu.vector_load %arg13[%get3A_174] {strides = array<i32>} : memref<1280xf32, #tpu.memory_space<vmem>>, vector<16xf32>,
        %get3A_176 = vector.shape_cast %get3A_175 : vector<16xf32> to vector<16xf32>
        %sub3A_177 = arith.subf %get3A_171, %get3A_176 : vector<16xf32>
        %swap3A_178 = arith.index_cast %add3A_162 : i32 to index
        %swap3A_179 = arith.constant 0 : index
        %swap3A_180 = tpu.vector_load %arg11[%swap3A_178, %swap3A_179] {strides = array<i32>} : memref<128x128xf32, #tpu.memory_space<vmem>>, vector<1x16xf32>,
        %swap3A_181 = vector.shape_cast %swap3A_180 : vector<1x16xf32> to vector<16xf32>
        %swap3A_182 = vector.shape_cast %sub3A_177 : vector<16xf32> to vector<1x16xf32>
        tpu.vector_store %arg11[%swap3A_178, %swap3A_179], %swap3A_182 {strides = array<i32>} : memref<128x128xf32, #tpu.memory_space<vmem>>, vector<1x16xf32>,
        %mul3A_183 = arith.constant 8 : i32
        %mul3A_184 = arith.muli %scan3A_114, %mul3A_183 : i32
        %add3A_185 = arith.constant 3 : i32
        %add3A_186 = arith.addi %mul3A_184, %add3A_185 : i32
        %mul3A_187 = arith.constant 8 : i32
        %mul3A_188 = arith.muli %mul3A_15, %mul3A_187 : i32
        %shift_right_arithmetic3A_189 = arith.constant 4 : i32
        %shift_right_arithmetic3A_190 = arith.shrsi %add3A_186, %shift_right_arithmetic3A_189 : i32
        %add3A_191 = arith.addi %mul3A_188, %shift_right_arithmetic3A_190 : i32
        %get3A_192 = arith.index_cast %add3A_186 : i32 to index
        %get3A_193 = arith.constant 0 : index
        %get3A_194 = tpu.vector_load %arg11[%get3A_192, %get3A_193] {strides = array<i32>} : memref<128x128xf32, #tpu.memory_space<vmem>>, vector<1x16xf32>,
        %get3A_195 = vector.shape_cast %get3A_194 : vector<1x16xf32> to vector<16xf32>
        %mul3A_196 = arith.constant 16 : i32
        %mul3A_197 = arith.muli %add3A_191, %mul3A_196 : i32
        %get3A_198 = arith.index_cast %mul3A_197 : i32 to index
        %get3A_199 = tpu.vector_load %arg13[%get3A_198] {strides = array<i32>} : memref<1280xf32, #tpu.memory_space<vmem>>, vector<16xf32>,
        %get3A_200 = vector.shape_cast %get3A_199 : vector<16xf32> to vector<16xf32>
        %sub3A_201 = arith.subf %get3A_195, %get3A_200 : vector<16xf32>
        %swap3A_202 = arith.index_cast %add3A_186 : i32 to index
        %swap3A_203 = arith.constant 0 : index
        %swap3A_204 = tpu.vector_load %arg11[%swap3A_202, %swap3A_203] {strides = array<i32>} : memref<128x128xf32, #tpu.memory_space<vmem>>, vector<1x16xf32>,
        %swap3A_205 = vector.shape_cast %swap3A_204 : vector<1x16xf32> to vector<16xf32>
        %swap3A_206 = vector.shape_cast %sub3A_201 : vector<16xf32> to vector<1x16xf32>
        tpu.vector_store %arg11[%swap3A_202, %swap3A_203], %swap3A_206 {strides = array<i32>} : memref<128x128xf32, #tpu.memory_space<vmem>>, vector<1x16xf32>,
        %mul3A_207 = arith.constant 8 : i32
        %mul3A_208 = arith.muli %scan3A_114, %mul3A_207 : i32
        %add3A_209 = arith.constant 4 : i32
        %add3A_210 = arith.addi %mul3A_208, %add3A_209 : i32
        %mul3A_211 = arith.constant 8 : i32
        %mul3A_212 = arith.muli %mul3A_15, %mul3A_211 : i32
        %shift_right_arithmetic3A_213 = arith.constant 4 : i32
        %shift_right_arithmetic3A_214 = arith.shrsi %add3A_210, %shift_right_arithmetic3A_213 : i32
        %add3A_215 = arith.addi %mul3A_212, %shift_right_arithmetic3A_214 : i32
        %get3A_216 = arith.index_cast %add3A_210 : i32 to index
        %get3A_217 = arith.constant 0 : index
        %get3A_218 = tpu.vector_load %arg11[%get3A_216, %get3A_217] {strides = array<i32>} : memref<128x128xf32, #tpu.memory_space<vmem>>, vector<1x16xf32>,
        %get3A_219 = vector.shape_cast %get3A_218 : vector<1x16xf32> to vector<16xf32>
        %mul3A_220 = arith.constant 16 : i32
        %mul3A_221 = arith.muli %add3A_215, %mul3A_220 : i32
        %get3A_222 = arith.index_cast %mul3A_221 : i32 to index
        %get3A_223 = tpu.vector_load %arg13[%get3A_222] {strides = array<i32>} : memref<1280xf32, #tpu.memory_space<vmem>>, vector<16xf32>,
        %get3A_224 = vector.shape_cast %get3A_223 : vector<16xf32> to vector<16xf32>
        %sub3A_225 = arith.subf %get3A_219, %get3A_224 : vector<16xf32>
        %swap3A_226 = arith.index_cast %add3A_210 : i32 to index
        %swap3A_227 = arith.constant 0 : index
        %swap3A_228 = tpu.vector_load %arg11[%swap3A_226, %swap3A_227] {strides = array<i32>} : memref<128x128xf32, #tpu.memory_space<vmem>>, vector<1x16xf32>,
        %swap3A_229 = vector.shape_cast %swap3A_228 : vector<1x16xf32> to vector<16xf32>
        %swap3A_230 = vector.shape_cast %sub3A_225 : vector<16xf32> to vector<1x16xf32>
        tpu.vector_store %arg11[%swap3A_226, %swap3A_227], %swap3A_230 {strides = array<i32>} : memref<128x128xf32, #tpu.memory_space<vmem>>, vector<1x16xf32>,
        %mul3A_231 = arith.constant 8 : i32
        %mul3A_232 = arith.muli %scan3A_114, %mul3A_231 : i32
        %add3A_233 = arith.constant 5 : i32
        %add3A_234 = arith.addi %mul3A_232, %add3A_233 : i32
        %mul3A_235 = arith.constant 8 : i32
        %mul3A_236 = arith.muli %mul3A_15, %mul3A_235 : i32
        %shift_right_arithmetic3A_237 = arith.constant 4 : i32
        %shift_right_arithmetic3A_238 = arith.shrsi %add3A_234, %shift_right_arithmetic3A_237 : i32
        %add3A_239 = arith.addi %mul3A_236, %shift_right_arithmetic3A_238 : i32
        %get3A_240 = arith.index_cast %add3A_234 : i32 to index
        %get3A_241 = arith.constant 0 : index
        %get3A_242 = tpu.vector_load %arg11[%get3A_240, %get3A_241] {strides = array<i32>} : memref<128x128xf32, #tpu.memory_space<vmem>>, vector<1x16xf32>,
        %get3A_243 = vector.shape_cast %get3A_242 : vector<1x16xf32> to vector<16xf32>
        %mul3A_244 = arith.constant 16 : i32
        %mul3A_245 = arith.muli %add3A_239, %mul3A_244 : i32
        %get3A_246 = arith.index_cast %mul3A_245 : i32 to index
        %get3A_247 = tpu.vector_load %arg13[%get3A_246] {strides = array<i32>} : memref<1280xf32, #tpu.memory_space<vmem>>, vector<16xf32>,
        %get3A_248 = vector.shape_cast %get3A_247 : vector<16xf32> to vector<16xf32>
        %sub3A_249 = arith.subf %get3A_243, %get3A_248 : vector<16xf32>
        %swap3A_250 = arith.index_cast %add3A_234 : i32 to index
        %swap3A_251 = arith.constant 0 : index
        %swap3A_252 = tpu.vector_load %arg11[%swap3A_250, %swap3A_251] {strides = array<i32>} : memref<128x128xf32, #tpu.memory_space<vmem>>, vector<1x16xf32>,
        %swap3A_253 = vector.shape_cast %swap3A_252 : vector<1x16xf32> to vector<16xf32>
        %swap3A_254 = vector.shape_cast %sub3A_249 : vector<16xf32> to vector<1x16xf32>
        tpu.vector_store %arg11[%swap3A_250, %swap3A_251], %swap3A_254 {strides = array<i32>} : memref<128x128xf32, #tpu.memory_space<vmem>>, vector<1x16xf32>,
        %mul3A_255 = arith.constant 8 : i32
        %mul3A_256 = arith.muli %scan3A_114, %mul3A_255 : i32
        %add3A_257 = arith.constant 6 : i32
        %add3A_258 = arith.addi %mul3A_256, %add3A_257 : i32
        %mul3A_259 = arith.constant 8 : i32
        %mul3A_260 = arith.muli %mul3A_15, %mul3A_259 : i32
        %shift_right_arithmetic3A_261 = arith.constant 4 : i32
        %shift_right_arithmetic3A_262 = arith.shrsi %add3A_258, %shift_right_arithmetic3A_261 : i32
        %add3A_263 = arith.addi %mul3A_260, %shift_right_arithmetic3A_262 : i32
        %get3A_264 = arith.index_cast %add3A_258 : i32 to index
        %get3A_265 = arith.constant 0 : index
        %get3A_266 = tpu.vector_load %arg11[%get3A_264, %get3A_265] {strides = array<i32>} : memref<128x128xf32, #tpu.memory_space<vmem>>, vector<1x16xf32>,
        %get3A_267 = vector.shape_cast %get3A_266 : vector<1x16xf32> to vector<16xf32>
        %mul3A_268 = arith.constant 16 : i32
        %mul3A_269 = arith.muli %add3A_263, %mul3A_268 : i32
        %get3A_270 = arith.index_cast %mul3A_269 : i32 to index
        %get3A_271 = tpu.vector_load %arg13[%get3A_270] {strides = array<i32>} : memref<1280xf32, #tpu.memory_space<vmem>>, vector<16xf32>,
        %get3A_272 = vector.shape_cast %get3A_271 : vector<16xf32> to vector<16xf32>
        %sub3A_273 = arith.subf %get3A_267, %get3A_272 : vector<16xf32>
        %swap3A_274 = arith.index_cast %add3A_258 : i32 to index
        %swap3A_275 = arith.constant 0 : index
        %swap3A_276 = tpu.vector_load %arg11[%swap3A_274, %swap3A_275] {strides = array<i32>} : memref<128x128xf32, #tpu.memory_space<vmem>>, vector<1x16xf32>,
        %swap3A_277 = vector.shape_cast %swap3A_276 : vector<1x16xf32> to vector<16xf32>
        %swap3A_278 = vector.shape_cast %sub3A_273 : vector<16xf32> to vector<1x16xf32>
        tpu.vector_store %arg11[%swap3A_274, %swap3A_275], %swap3A_278 {strides = array<i32>} : memref<128x128xf32, #tpu.memory_space<vmem>>, vector<1x16xf32>,
        %mul3A_279 = arith.constant 8 : i32
        %mul3A_280 = arith.muli %scan3A_114, %mul3A_279 : i32
        %add3A_281 = arith.constant 7 : i32
        %add3A_282 = arith.addi %mul3A_280, %add3A_281 : i32
        %mul3A_283 = arith.constant 8 : i32
        %mul3A_284 = arith.muli %mul3A_15, %mul3A_283 : i32
        %shift_right_arithmetic3A_285 = arith.constant 4 : i32
        %shift_right_arithmetic3A_286 = arith.shrsi %add3A_282, %shift_right_arithmetic3A_285 : i32
        %add3A_287 = arith.addi %mul3A_284, %shift_right_arithmetic3A_286 : i32
        %get3A_288 = arith.index_cast %add3A_282 : i32 to index
        %get3A_289 = arith.constant 0 : index
        %get3A_290 = tpu.vector_load %arg11[%get3A_288, %get3A_289] {strides = array<i32>} : memref<128x128xf32, #tpu.memory_space<vmem>>, vector<1x16xf32>,
        %get3A_291 = vector.shape_cast %get3A_290 : vector<1x16xf32> to vector<16xf32>
        %mul3A_292 = arith.constant 16 : i32
        %mul3A_293 = arith.muli %add3A_287, %mul3A_292 : i32
        %get3A_294 = arith.index_cast %mul3A_293 : i32 to index
        %get3A_295 = tpu.vector_load %arg13[%get3A_294] {strides = array<i32>} : memref<1280xf32, #tpu.memory_space<vmem>>, vector<16xf32>,
        %get3A_296 = vector.shape_cast %get3A_295 : vector<16xf32> to vector<16xf32>
        %sub3A_297 = arith.subf %get3A_291, %get3A_296 : vector<16xf32>
        %swap3A_298 = arith.index_cast %add3A_282 : i32 to index
        %swap3A_299 = arith.constant 0 : index
        %swap3A_300 = tpu.vector_load %arg11[%swap3A_298, %swap3A_299] {strides = array<i32>} : memref<128x128xf32, #tpu.memory_space<vmem>>, vector<1x16xf32>,
        %swap3A_301 = vector.shape_cast %swap3A_300 : vector<1x16xf32> to vector<16xf32>
        %swap3A_302 = vector.shape_cast %sub3A_297 : vector<16xf32> to vector<1x16xf32>
        tpu.vector_store %arg11[%swap3A_298, %swap3A_299], %swap3A_302 {strides = array<i32>} : memref<128x128xf32, #tpu.memory_space<vmem>>, vector<1x16xf32>,
      }
      %scan3A_59 = arith.constant 16 : i32
      %mul3A_60 = arith.constant 128 : i32
      %mul3A_61 = arith.muli %mul3A_15, %mul3A_60 : i32
      %add3A_62 = arith.addi %multiple_of3A, %mul3A_61 : i32
      %multiple_of3A_63 = tpu.assume_multiple %add3A_62, 128 : i32
      %dma_start3A_64 = arith.constant 0 : i32
      %dma_start3A_65 = tpu.memref_slice %arg7[%multiple_of3A_63, %dma_start3A_64] : memref<40960x128xf32, #tpu.memory_space<hbm>> -> memref<128x128xf32, #tpu.memory_space<hbm>>
      %dma_start3A_66 = arith.constant 0 : i32
      %dma_start3A_67 = tpu.memref_slice %arg7[%multiple_of3A_63, %dma_start3A_66] : memref<40960x128xf32, #tpu.memory_space<hbm>> -> memref<128x128xf32, #tpu.memory_space<hbm>>
      tpu.enqueue_dma source(%arg11 : memref<128x128xf32, #tpu.memory_space<vmem>>) target(%dma_start3A_67 : memref<128x128xf32, #tpu.memory_space<hbm>>) target_semaphore(%arg20 : memref<!tpu.dma_semaphore, #tpu.memory_space<semaphore_mem>>)
      %dma_wait3A_68 = tpu.memref_slice %arg8[%mul3A_30] : memref<1280xi32, #tpu.memory_space<vmem>> -> memref<128xi32, #tpu.memory_space<vmem>>
      %dma_wait3A_69 = arith.constant 0 : i32
      %dma_wait3A_70 = arith.constant 0 : i32
      %dma_wait3A_71 = tpu.memref_slice %arg2[%dma_wait3A_69, %dma_wait3A_70] : memref<2500x128xi32, #tpu.memory_space<hbm>> -> memref<2500x128xi32, #tpu.memory_space<hbm>>
      tpu.wait_indirect_dma semaphore(%arg15 : memref<!tpu.dma_semaphore, #tpu.memory_space<semaphore_mem>>) src(%dma_wait3A_71 : memref<2500x128xi32, #tpu.memory_space<hbm>>) dst(%arg10 : memref<128x128xi32, #tpu.memory_space<vmem>>)
      %dma_wait3A_72 = tpu.memref_slice %arg8[%mul3A_30] : memref<1280xi32, #tpu.memory_space<vmem>> -> memref<128xi32, #tpu.memory_space<vmem>>
      %dma_wait3A_73 = arith.constant 0 : i32
      %dma_wait3A_74 = arith.constant 0 : i32
      %dma_wait3A_75 = tpu.memref_slice %arg3[%dma_wait3A_73, %dma_wait3A_74] : memref<2500x128xf32, #tpu.memory_space<hbm>> -> memref<2500x128xf32, #tpu.memory_space<hbm>>
      tpu.wait_indirect_dma semaphore(%arg17 : memref<!tpu.dma_semaphore, #tpu.memory_space<semaphore_mem>>) src(%dma_wait3A_75 : memref<2500x128xf32, #tpu.memory_space<hbm>>) dst(%arg12 : memref<128x128xf32, #tpu.memory_space<vmem>>)
      %mul3A_76 = arith.constant 128 : i32
      %mul3A_77 = arith.muli %add3A_19, %mul3A_76 : i32
      %add3A_78 = arith.addi %multiple_of3A, %mul3A_77 : i32
      %multiple_of3A_79 = tpu.assume_multiple %add3A_78, 128 : i32
      %dma_start3A_80 = arith.constant 0 : i32
      %dma_start3A_81 = tpu.memref_slice %arg6[%multiple_of3A_79, %dma_start3A_80] : memref<40960x128xi32, #tpu.memory_space<hbm>> -> memref<128x128xi32, #tpu.memory_space<hbm>>
      %dma_start3A_82 = arith.constant 0 : i32
      %dma_start3A_83 = tpu.memref_slice %arg6[%multiple_of3A_79, %dma_start3A_82] : memref<40960x128xi32, #tpu.memory_space<hbm>> -> memref<128x128xi32, #tpu.memory_space<hbm>>
      tpu.enqueue_dma source(%arg10 : memref<128x128xi32, #tpu.memory_space<vmem>>) target(%dma_start3A_83 : memref<128x128xi32, #tpu.memory_space<hbm>>) target_semaphore(%arg19 : memref<!tpu.dma_semaphore, #tpu.memory_space<semaphore_mem>>)
      %scan3A_84 = arith.constant 0 : i32
      %scan3A_85 = arith.constant 0 : i32
      %scan3A_86 = arith.constant 16 : i32
      %scan3A_87 = arith.addi %scan3A_85, %scan3A_86 : i32
      %scan3A_88 = arith.constant 1 : i32
      scf.for %scan3A_114 = %scan3A_85 to %scan3A_87 step %scan3A_88  : i32 {
        %mul3A_115 = arith.constant 8 : i32
        %mul3A_116 = arith.muli %scan3A_114, %mul3A_115 : i32
        %add3A_117 = arith.constant 0 : i32
        %add3A_118 = arith.addi %mul3A_116, %add3A_117 : i32
        %mul3A_119 = arith.constant 8 : i32
        %mul3A_120 = arith.muli %add3A_19, %mul3A_119 : i32
        %shift_right_arithmetic3A = arith.constant 4 : i32
        %shift_right_arithmetic3A_121 = arith.shrsi %add3A_118, %shift_right_arithmetic3A : i32
        %add3A_122 = arith.addi %mul3A_120, %shift_right_arithmetic3A_121 : i32
        %get3A = arith.index_cast %add3A_118 : i32 to index
        %get3A_123 = arith.constant 0 : index
        %get3A_124 = tpu.vector_load %arg12[%get3A, %get3A_123] {strides = array<i32>} : memref<128x128xf32, #tpu.memory_space<vmem>>, vector<1x16xf32>,
        %get3A_125 = vector.shape_cast %get3A_124 : vector<1x16xf32> to vector<16xf32>
        %mul3A_126 = arith.constant 16 : i32
        %mul3A_127 = arith.muli %add3A_122, %mul3A_126 : i32
        %get3A_128 = arith.index_cast %mul3A_127 : i32 to index
        %get3A_129 = tpu.vector_load %arg13[%get3A_128] {strides = array<i32>} : memref<1280xf32, #tpu.memory_space<vmem>>, vector<16xf32>,
        %get3A_130 = vector.shape_cast %get3A_129 : vector<16xf32> to vector<16xf32>
        %sub3A = arith.subf %get3A_125, %get3A_130 : vector<16xf32>
        %swap3A = arith.index_cast %add3A_118 : i32 to index
        %swap3A_131 = arith.constant 0 : index
        %swap3A_132 = tpu.vector_load %arg12[%swap3A, %swap3A_131] {strides = array<i32>} : memref<128x128xf32, #tpu.memory_space<vmem>>, vector<1x16xf32>,
        %swap3A_133 = vector.shape_cast %swap3A_132 : vector<1x16xf32> to vector<16xf32>
        %swap3A_134 = vector.shape_cast %sub3A : vector<16xf32> to vector<1x16xf32>
        tpu.vector_store %arg12[%swap3A, %swap3A_131], %swap3A_134 {strides = array<i32>} : memref<128x128xf32, #tpu.memory_space<vmem>>, vector<1x16xf32>,
        %mul3A_135 = arith.constant 8 : i32
        %mul3A_136 = arith.muli %scan3A_114, %mul3A_135 : i32
        %add3A_137 = arith.constant 1 : i32
        %add3A_138 = arith.addi %mul3A_136, %add3A_137 : i32
        %mul3A_139 = arith.constant 8 : i32
        %mul3A_140 = arith.muli %add3A_19, %mul3A_139 : i32
        %shift_right_arithmetic3A_141 = arith.constant 4 : i32
        %shift_right_arithmetic3A_142 = arith.shrsi %add3A_138, %shift_right_arithmetic3A_141 : i32
        %add3A_143 = arith.addi %mul3A_140, %shift_right_arithmetic3A_142 : i32
        %get3A_144 = arith.index_cast %add3A_138 : i32 to index
        %get3A_145 = arith.constant 0 : index
        %get3A_146 = tpu.vector_load %arg12[%get3A_144, %get3A_145] {strides = array<i32>} : memref<128x128xf32, #tpu.memory_space<vmem>>, vector<1x16xf32>,
        %get3A_147 = vector.shape_cast %get3A_146 : vector<1x16xf32> to vector<16xf32>
        %mul3A_148 = arith.constant 16 : i32
        %mul3A_149 = arith.muli %add3A_143, %mul3A_148 : i32
        %get3A_150 = arith.index_cast %mul3A_149 : i32 to index
        %get3A_151 = tpu.vector_load %arg13[%get3A_150] {strides = array<i32>} : memref<1280xf32, #tpu.memory_space<vmem>>, vector<16xf32>,
        %get3A_152 = vector.shape_cast %get3A_151 : vector<16xf32> to vector<16xf32>
        %sub3A_153 = arith.subf %get3A_147, %get3A_152 : vector<16xf32>
        %swap3A_154 = arith.index_cast %add3A_138 : i32 to index
        %swap3A_155 = arith.constant 0 : index
        %swap3A_156 = tpu.vector_load %arg12[%swap3A_154, %swap3A_155] {strides = array<i32>} : memref<128x128xf32, #tpu.memory_space<vmem>>, vector<1x16xf32>,
        %swap3A_157 = vector.shape_cast %swap3A_156 : vector<1x16xf32> to vector<16xf32>
        %swap3A_158 = vector.shape_cast %sub3A_153 : vector<16xf32> to vector<1x16xf32>
        tpu.vector_store %arg12[%swap3A_154, %swap3A_155], %swap3A_158 {strides = array<i32>} : memref<128x128xf32, #tpu.memory_space<vmem>>, vector<1x16xf32>,
        %mul3A_159 = arith.constant 8 : i32
        %mul3A_160 = arith.muli %scan3A_114, %mul3A_159 : i32
        %add3A_161 = arith.constant 2 : i32
        %add3A_162 = arith.addi %mul3A_160, %add3A_161 : i32
        %mul3A_163 = arith.constant 8 : i32
        %mul3A_164 = arith.muli %add3A_19, %mul3A_163 : i32
        %shift_right_arithmetic3A_165 = arith.constant 4 : i32
        %shift_right_arithmetic3A_166 = arith.shrsi %add3A_162, %shift_right_arithmetic3A_165 : i32
        %add3A_167 = arith.addi %mul3A_164, %shift_right_arithmetic3A_166 : i32
        %get3A_168 = arith.index_cast %add3A_162 : i32 to index
        %get3A_169 = arith.constant 0 : index
        %get3A_170 = tpu.vector_load %arg12[%get3A_168, %get3A_169] {strides = array<i32>} : memref<128x128xf32, #tpu.memory_space<vmem>>, vector<1x16xf32>,
        %get3A_171 = vector.shape_cast %get3A_170 : vector<1x16xf32> to vector<16xf32>
        %mul3A_172 = arith.constant 16 : i32
        %mul3A_173 = arith.muli %add3A_167, %mul3A_172 : i32
        %get3A_174 = arith.index_cast %mul3A_173 : i32 to index
        %get3A_175 = tpu.vector_load %arg13[%get3A_174] {strides = array<i32>} : memref<1280xf32, #tpu.memory_space<vmem>>, vector<16xf32>,
        %get3A_176 = vector.shape_cast %get3A_175 : vector<16xf32> to vector<16xf32>
        %sub3A_177 = arith.subf %get3A_171, %get3A_176 : vector<16xf32>
        %swap3A_178 = arith.index_cast %add3A_162 : i32 to index
        %swap3A_179 = arith.constant 0 : index
        %swap3A_180 = tpu.vector_load %arg12[%swap3A_178, %swap3A_179] {strides = array<i32>} : memref<128x128xf32, #tpu.memory_space<vmem>>, vector<1x16xf32>,
        %swap3A_181 = vector.shape_cast %swap3A_180 : vector<1x16xf32> to vector<16xf32>
        %swap3A_182 = vector.shape_cast %sub3A_177 : vector<16xf32> to vector<1x16xf32>
        tpu.vector_store %arg12[%swap3A_178, %swap3A_179], %swap3A_182 {strides = array<i32>} : memref<128x128xf32, #tpu.memory_space<vmem>>, vector<1x16xf32>,
        %mul3A_183 = arith.constant 8 : i32
        %mul3A_184 = arith.muli %scan3A_114, %mul3A_183 : i32
        %add3A_185 = arith.constant 3 : i32
        %add3A_186 = arith.addi %mul3A_184, %add3A_185 : i32
        %mul3A_187 = arith.constant 8 : i32
        %mul3A_188 = arith.muli %add3A_19, %mul3A_187 : i32
        %shift_right_arithmetic3A_189 = arith.constant 4 : i32
        %shift_right_arithmetic3A_190 = arith.shrsi %add3A_186, %shift_right_arithmetic3A_189 : i32
        %add3A_191 = arith.addi %mul3A_188, %shift_right_arithmetic3A_190 : i32
        %get3A_192 = arith.index_cast %add3A_186 : i32 to index
        %get3A_193 = arith.constant 0 : index
        %get3A_194 = tpu.vector_load %arg12[%get3A_192, %get3A_193] {strides = array<i32>} : memref<128x128xf32, #tpu.memory_space<vmem>>, vector<1x16xf32>,
        %get3A_195 = vector.shape_cast %get3A_194 : vector<1x16xf32> to vector<16xf32>
        %mul3A_196 = arith.constant 16 : i32
        %mul3A_197 = arith.muli %add3A_191, %mul3A_196 : i32
        %get3A_198 = arith.index_cast %mul3A_197 : i32 to index
        %get3A_199 = tpu.vector_load %arg13[%get3A_198] {strides = array<i32>} : memref<1280xf32, #tpu.memory_space<vmem>>, vector<16xf32>,
        %get3A_200 = vector.shape_cast %get3A_199 : vector<16xf32> to vector<16xf32>
        %sub3A_201 = arith.subf %get3A_195, %get3A_200 : vector<16xf32>
        %swap3A_202 = arith.index_cast %add3A_186 : i32 to index
        %swap3A_203 = arith.constant 0 : index
        %swap3A_204 = tpu.vector_load %arg12[%swap3A_202, %swap3A_203] {strides = array<i32>} : memref<128x128xf32, #tpu.memory_space<vmem>>, vector<1x16xf32>,
        %swap3A_205 = vector.shape_cast %swap3A_204 : vector<1x16xf32> to vector<16xf32>
        %swap3A_206 = vector.shape_cast %sub3A_201 : vector<16xf32> to vector<1x16xf32>
        tpu.vector_store %arg12[%swap3A_202, %swap3A_203], %swap3A_206 {strides = array<i32>} : memref<128x128xf32, #tpu.memory_space<vmem>>, vector<1x16xf32>,
        %mul3A_207 = arith.constant 8 : i32
        %mul3A_208 = arith.muli %scan3A_114, %mul3A_207 : i32
        %add3A_209 = arith.constant 4 : i32
        %add3A_210 = arith.addi %mul3A_208, %add3A_209 : i32
        %mul3A_211 = arith.constant 8 : i32
        %mul3A_212 = arith.muli %add3A_19, %mul3A_211 : i32
        %shift_right_arithmetic3A_213 = arith.constant 4 : i32
        %shift_right_arithmetic3A_214 = arith.shrsi %add3A_210, %shift_right_arithmetic3A_213 : i32
        %add3A_215 = arith.addi %mul3A_212, %shift_right_arithmetic3A_214 : i32
        %get3A_216 = arith.index_cast %add3A_210 : i32 to index
        %get3A_217 = arith.constant 0 : index
        %get3A_218 = tpu.vector_load %arg12[%get3A_216, %get3A_217] {strides = array<i32>} : memref<128x128xf32, #tpu.memory_space<vmem>>, vector<1x16xf32>,
        %get3A_219 = vector.shape_cast %get3A_218 : vector<1x16xf32> to vector<16xf32>
        %mul3A_220 = arith.constant 16 : i32
        %mul3A_221 = arith.muli %add3A_215, %mul3A_220 : i32
        %get3A_222 = arith.index_cast %mul3A_221 : i32 to index
        %get3A_223 = tpu.vector_load %arg13[%get3A_222] {strides = array<i32>} : memref<1280xf32, #tpu.memory_space<vmem>>, vector<16xf32>,
        %get3A_224 = vector.shape_cast %get3A_223 : vector<16xf32> to vector<16xf32>
        %sub3A_225 = arith.subf %get3A_219, %get3A_224 : vector<16xf32>
        %swap3A_226 = arith.index_cast %add3A_210 : i32 to index
        %swap3A_227 = arith.constant 0 : index
        %swap3A_228 = tpu.vector_load %arg12[%swap3A_226, %swap3A_227] {strides = array<i32>} : memref<128x128xf32, #tpu.memory_space<vmem>>, vector<1x16xf32>,
        %swap3A_229 = vector.shape_cast %swap3A_228 : vector<1x16xf32> to vector<16xf32>
        %swap3A_230 = vector.shape_cast %sub3A_225 : vector<16xf32> to vector<1x16xf32>
        tpu.vector_store %arg12[%swap3A_226, %swap3A_227], %swap3A_230 {strides = array<i32>} : memref<128x128xf32, #tpu.memory_space<vmem>>, vector<1x16xf32>,
        %mul3A_231 = arith.constant 8 : i32
        %mul3A_232 = arith.muli %scan3A_114, %mul3A_231 : i32
        %add3A_233 = arith.constant 5 : i32
        %add3A_234 = arith.addi %mul3A_232, %add3A_233 : i32
        %mul3A_235 = arith.constant 8 : i32
        %mul3A_236 = arith.muli %add3A_19, %mul3A_235 : i32
        %shift_right_arithmetic3A_237 = arith.constant 4 : i32
        %shift_right_arithmetic3A_238 = arith.shrsi %add3A_234, %shift_right_arithmetic3A_237 : i32
        %add3A_239 = arith.addi %mul3A_236, %shift_right_arithmetic3A_238 : i32
        %get3A_240 = arith.index_cast %add3A_234 : i32 to index
        %get3A_241 = arith.constant 0 : index
        %get3A_242 = tpu.vector_load %arg12[%get3A_240, %get3A_241] {strides = array<i32>} : memref<128x128xf32, #tpu.memory_space<vmem>>, vector<1x16xf32>,
        %get3A_243 = vector.shape_cast %get3A_242 : vector<1x16xf32> to vector<16xf32>
        %mul3A_244 = arith.constant 16 : i32
        %mul3A_245 = arith.muli %add3A_239, %mul3A_244 : i32
        %get3A_246 = arith.index_cast %mul3A_245 : i32 to index
        %get3A_247 = tpu.vector_load %arg13[%get3A_246] {strides = array<i32>} : memref<1280xf32, #tpu.memory_space<vmem>>, vector<16xf32>,
        %get3A_248 = vector.shape_cast %get3A_247 : vector<16xf32> to vector<16xf32>
        %sub3A_249 = arith.subf %get3A_243, %get3A_248 : vector<16xf32>
        %swap3A_250 = arith.index_cast %add3A_234 : i32 to index
        %swap3A_251 = arith.constant 0 : index
        %swap3A_252 = tpu.vector_load %arg12[%swap3A_250, %swap3A_251] {strides = array<i32>} : memref<128x128xf32, #tpu.memory_space<vmem>>, vector<1x16xf32>,
        %swap3A_253 = vector.shape_cast %swap3A_252 : vector<1x16xf32> to vector<16xf32>
        %swap3A_254 = vector.shape_cast %sub3A_249 : vector<16xf32> to vector<1x16xf32>
        tpu.vector_store %arg12[%swap3A_250, %swap3A_251], %swap3A_254 {strides = array<i32>} : memref<128x128xf32, #tpu.memory_space<vmem>>, vector<1x16xf32>,
        %mul3A_255 = arith.constant 8 : i32
        %mul3A_256 = arith.muli %scan3A_114, %mul3A_255 : i32
        %add3A_257 = arith.constant 6 : i32
        %add3A_258 = arith.addi %mul3A_256, %add3A_257 : i32
        %mul3A_259 = arith.constant 8 : i32
        %mul3A_260 = arith.muli %add3A_19, %mul3A_259 : i32
        %shift_right_arithmetic3A_261 = arith.constant 4 : i32
        %shift_right_arithmetic3A_262 = arith.shrsi %add3A_258, %shift_right_arithmetic3A_261 : i32
        %add3A_263 = arith.addi %mul3A_260, %shift_right_arithmetic3A_262 : i32
        %get3A_264 = arith.index_cast %add3A_258 : i32 to index
        %get3A_265 = arith.constant 0 : index
        %get3A_266 = tpu.vector_load %arg12[%get3A_264, %get3A_265] {strides = array<i32>} : memref<128x128xf32, #tpu.memory_space<vmem>>, vector<1x16xf32>,
        %get3A_267 = vector.shape_cast %get3A_266 : vector<1x16xf32> to vector<16xf32>
        %mul3A_268 = arith.constant 16 : i32
        %mul3A_269 = arith.muli %add3A_263, %mul3A_268 : i32
        %get3A_270 = arith.index_cast %mul3A_269 : i32 to index
        %get3A_271 = tpu.vector_load %arg13[%get3A_270] {strides = array<i32>} : memref<1280xf32, #tpu.memory_space<vmem>>, vector<16xf32>,
        %get3A_272 = vector.shape_cast %get3A_271 : vector<16xf32> to vector<16xf32>
        %sub3A_273 = arith.subf %get3A_267, %get3A_272 : vector<16xf32>
        %swap3A_274 = arith.index_cast %add3A_258 : i32 to index
        %swap3A_275 = arith.constant 0 : index
        %swap3A_276 = tpu.vector_load %arg12[%swap3A_274, %swap3A_275] {strides = array<i32>} : memref<128x128xf32, #tpu.memory_space<vmem>>, vector<1x16xf32>,
        %swap3A_277 = vector.shape_cast %swap3A_276 : vector<1x16xf32> to vector<16xf32>
        %swap3A_278 = vector.shape_cast %sub3A_273 : vector<16xf32> to vector<1x16xf32>
        tpu.vector_store %arg12[%swap3A_274, %swap3A_275], %swap3A_278 {strides = array<i32>} : memref<128x128xf32, #tpu.memory_space<vmem>>, vector<1x16xf32>,
        %mul3A_279 = arith.constant 8 : i32
        %mul3A_280 = arith.muli %scan3A_114, %mul3A_279 : i32
        %add3A_281 = arith.constant 7 : i32
        %add3A_282 = arith.addi %mul3A_280, %add3A_281 : i32
        %mul3A_283 = arith.constant 8 : i32
        %mul3A_284 = arith.muli %add3A_19, %mul3A_283 : i32
        %shift_right_arithmetic3A_285 = arith.constant 4 : i32
        %shift_right_arithmetic3A_286 = arith.shrsi %add3A_282, %shift_right_arithmetic3A_285 : i32
        %add3A_287 = arith.addi %mul3A_284, %shift_right_arithmetic3A_286 : i32
        %get3A_288 = arith.index_cast %add3A_282 : i32 to index
        %get3A_289 = arith.constant 0 : index
        %get3A_290 = tpu.vector_load %arg12[%get3A_288, %get3A_289] {strides = array<i32>} : memref<128x128xf32, #tpu.memory_space<vmem>>, vector<1x16xf32>,
        %get3A_291 = vector.shape_cast %get3A_290 : vector<1x16xf32> to vector<16xf32>
        %mul3A_292 = arith.constant 16 : i32
        %mul3A_293 = arith.muli %add3A_287, %mul3A_292 : i32
        %get3A_294 = arith.index_cast %mul3A_293 : i32 to index
        %get3A_295 = tpu.vector_load %arg13[%get3A_294] {strides = array<i32>} : memref<1280xf32, #tpu.memory_space<vmem>>, vector<16xf32>,
        %get3A_296 = vector.shape_cast %get3A_295 : vector<16xf32> to vector<16xf32>
        %sub3A_297 = arith.subf %get3A_291, %get3A_296 : vector<16xf32>
        %swap3A_298 = arith.index_cast %add3A_282 : i32 to index
        %swap3A_299 = arith.constant 0 : index
        %swap3A_300 = tpu.vector_load %arg12[%swap3A_298, %swap3A_299] {strides = array<i32>} : memref<128x128xf32, #tpu.memory_space<vmem>>, vector<1x16xf32>,
        %swap3A_301 = vector.shape_cast %swap3A_300 : vector<1x16xf32> to vector<16xf32>
        %swap3A_302 = vector.shape_cast %sub3A_297 : vector<16xf32> to vector<1x16xf32>
        tpu.vector_store %arg12[%swap3A_298, %swap3A_299], %swap3A_302 {strides = array<i32>} : memref<128x128xf32, #tpu.memory_space<vmem>>, vector<1x16xf32>,
      }
      %scan3A_89 = arith.constant 16 : i32
      %mul3A_90 = arith.constant 128 : i32
      %mul3A_91 = arith.muli %add3A_19, %mul3A_90 : i32
      %add3A_92 = arith.addi %multiple_of3A, %mul3A_91 : i32
      %multiple_of3A_93 = tpu.assume_multiple %add3A_92, 128 : i32
      %dma_start3A_94 = arith.constant 0 : i32
      %dma_start3A_95 = tpu.memref_slice %arg7[%multiple_of3A_93, %dma_start3A_94] : memref<40960x128xf32, #tpu.memory_space<hbm>> -> memref<128x128xf32, #tpu.memory_space<hbm>>
      %dma_start3A_96 = arith.constant 0 : i32
      %dma_start3A_97 = tpu.memref_slice %arg7[%multiple_of3A_93, %dma_start3A_96] : memref<40960x128xf32, #tpu.memory_space<hbm>> -> memref<128x128xf32, #tpu.memory_space<hbm>>
      tpu.enqueue_dma source(%arg12 : memref<128x128xf32, #tpu.memory_space<vmem>>) target(%dma_start3A_97 : memref<128x128xf32, #tpu.memory_space<hbm>>) target_semaphore(%arg21 : memref<!tpu.dma_semaphore, #tpu.memory_space<semaphore_mem>>)
      %dma_wait3A_98 = arith.constant 0 : i32
      %dma_wait3A_99 = tpu.memref_slice %arg6[%multiple_of3A_49, %dma_wait3A_98] : memref<40960x128xi32, #tpu.memory_space<hbm>> -> memref<128x128xi32, #tpu.memory_space<hbm>>
      %dma_wait3A_100 = arith.constant 0 : i32
      %dma_wait3A_101 = tpu.memref_slice %arg6[%multiple_of3A_49, %dma_wait3A_100] : memref<40960x128xi32, #tpu.memory_space<hbm>> -> memref<128x128xi32, #tpu.memory_space<hbm>>
      tpu.wait_dma2 semaphore(%arg18 : memref<!tpu.dma_semaphore, #tpu.memory_space<semaphore_mem>>) src(%arg9 : memref<128x128xi32, #tpu.memory_space<vmem>>) dst(%dma_wait3A_101 : memref<128x128xi32, #tpu.memory_space<hbm>>)
      %dma_wait3A_102 = arith.constant 0 : i32
      %dma_wait3A_103 = tpu.memref_slice %arg7[%multiple_of3A_63, %dma_wait3A_102] : memref<40960x128xf32, #tpu.memory_space<hbm>> -> memref<128x128xf32, #tpu.memory_space<hbm>>
      %dma_wait3A_104 = arith.constant 0 : i32
      %dma_wait3A_105 = tpu.memref_slice %arg7[%multiple_of3A_63, %dma_wait3A_104] : memref<40960x128xf32, #tpu.memory_space<hbm>> -> memref<128x128xf32, #tpu.memory_space<hbm>>
      tpu.wait_dma2 semaphore(%arg20 : memref<!tpu.dma_semaphore, #tpu.memory_space<semaphore_mem>>) src(%arg11 : memref<128x128xf32, #tpu.memory_space<vmem>>) dst(%dma_wait3A_105 : memref<128x128xf32, #tpu.memory_space<hbm>>)
      %dma_wait3A_106 = arith.constant 0 : i32
      %dma_wait3A_107 = tpu.memref_slice %arg6[%multiple_of3A_79, %dma_wait3A_106] : memref<40960x128xi32, #tpu.memory_space<hbm>> -> memref<128x128xi32, #tpu.memory_space<hbm>>
      %dma_wait3A_108 = arith.constant 0 : i32
      %dma_wait3A_109 = tpu.memref_slice %arg6[%multiple_of3A_79, %dma_wait3A_108] : memref<40960x128xi32, #tpu.memory_space<hbm>> -> memref<128x128xi32, #tpu.memory_space<hbm>>
      tpu.wait_dma2 semaphore(%arg19 : memref<!tpu.dma_semaphore, #tpu.memory_space<semaphore_mem>>) src(%arg10 : memref<128x128xi32, #tpu.memory_space<vmem>>) dst(%dma_wait3A_109 : memref<128x128xi32, #tpu.memory_space<hbm>>)
      %dma_wait3A_110 = arith.constant 0 : i32
      %dma_wait3A_111 = tpu.memref_slice %arg7[%multiple_of3A_93, %dma_wait3A_110] : memref<40960x128xf32, #tpu.memory_space<hbm>> -> memref<128x128xf32, #tpu.memory_space<hbm>>
      %dma_wait3A_112 = arith.constant 0 : i32
      %dma_wait3A_113 = tpu.memref_slice %arg7[%multiple_of3A_93, %dma_wait3A_112] : memref<40960x128xf32, #tpu.memory_space<hbm>> -> memref<128x128xf32, #tpu.memory_space<hbm>>
      tpu.wait_dma2 semaphore(%arg21 : memref<!tpu.dma_semaphore, #tpu.memory_space<semaphore_mem>>) src(%arg12 : memref<128x128xf32, #tpu.memory_space<vmem>>) dst(%dma_wait3A_113 : memref<128x128xf32, #tpu.memory_space<hbm>>)
    }
    %scan3A_12 = arith.constant 5 : i32
    return
  }
}

module attributes {stable_mosaic.version = 14 : i64} {
  func.func @_tc_body(%arg0: i32, %arg1: memref<4096x128xi32, #tpu.memory_space<vmem>>, %arg2: memref<4096x128xf32, #tpu.memory_space<vmem>>, %arg3: memref<256x256xf32, #tpu.memory_space<vmem>>, %arg4: memref<8x64xf32, #tpu.memory_space<vmem>>, %arg5: memref<1x64xf32, #tpu.memory_space<vmem>>, %arg6: memref<64x32xf32, #tpu.memory_space<vmem>>, %arg7: memref<1x32xf32, #tpu.memory_space<vmem>>, %arg8: memref<8x8xf32, #tpu.memory_space<vmem>>, %arg9: memref<1x8xf32, #tpu.memory_space<vmem>>, %arg10: memref<8x8xf32, #tpu.memory_space<vmem>>, %arg11: memref<1x8xf32, #tpu.memory_space<vmem>>, %arg12: memref<8x16xf32, #tpu.memory_space<vmem>>, %arg13: memref<1x16xf32, #tpu.memory_space<vmem>>, %arg14: memref<16x256x256xf32, #tpu.memory_space<vmem>>, %arg15: memref<16x32x256xf32, #tpu.memory_space<vmem>>, %arg16: memref<1x256xf32, #tpu.memory_space<vmem>>, %arg17: memref<256x256xf32, #tpu.memory_space<vmem>>, %arg18: memref<4096x8xf32, #tpu.memory_space<vmem>>) attributes {dimension_semantics = [#tpu.dimension_semantics<arbitrary>], iteration_bounds = array<i64: 10>, scalar_prefetch = 0 : i64, scratch_operands = 0 : i64, tpu.core_type = #tpu.core_type<tc>, window_params = [{transform_indices = @transform_0, window_bounds = array<i64: 4096, 128>}, {transform_indices = @transform_1, window_bounds = array<i64: 4096, 128>}, {transform_indices = @transform_2, window_bounds = array<i64: 256, 256>}, {pipeline_mode = #tpu.pipeline_mode<synchronous>, transform_indices = @transform_3, window_bounds = array<i64: 8, 64>}, {pipeline_mode = #tpu.pipeline_mode<synchronous>, transform_indices = @transform_4, window_bounds = array<i64: 1, 64>}, {pipeline_mode = #tpu.pipeline_mode<synchronous>, transform_indices = @transform_5, window_bounds = array<i64: 64, 32>}, {pipeline_mode = #tpu.pipeline_mode<synchronous>, transform_indices = @transform_6, window_bounds = array<i64: 1, 32>}, {pipeline_mode = #tpu.pipeline_mode<synchronous>, transform_indices = @transform_7, window_bounds = array<i64: 8, 8>}, {pipeline_mode = #tpu.pipeline_mode<synchronous>, transform_indices = @transform_8, window_bounds = array<i64: 1, 8>}, {pipeline_mode = #tpu.pipeline_mode<synchronous>, transform_indices = @transform_9, window_bounds = array<i64: 8, 8>}, {pipeline_mode = #tpu.pipeline_mode<synchronous>, transform_indices = @transform_10, window_bounds = array<i64: 1, 8>}, {pipeline_mode = #tpu.pipeline_mode<synchronous>, transform_indices = @transform_11, window_bounds = array<i64: 8, 16>}, {pipeline_mode = #tpu.pipeline_mode<synchronous>, transform_indices = @transform_12, window_bounds = array<i64: 1, 16>}, {pipeline_mode = #tpu.pipeline_mode<synchronous>, transform_indices = @transform_13, window_bounds = array<i64: 16, 256, 256>}, {pipeline_mode = #tpu.pipeline_mode<synchronous>, transform_indices = @transform_14, window_bounds = array<i64: 16, 32, 256>}, {pipeline_mode = #tpu.pipeline_mode<synchronous>, transform_indices = @transform_15, window_bounds = array<i64: 1, 256>}, {transform_indices = @transform_16, window_bounds = array<i64: 256, 256>}, {transform_indices = @transform_17, window_bounds = array<i64: 4096, 8>}]} {
    %get3A = arith.constant 0 : index
    %get3A_0 = arith.constant 0 : index
    %get3A_1 = vector.load %arg2[%get3A, %get3A_0] : memref<4096x128xf32, #tpu.memory_space<vmem>>, vector<4096x128xf32>
    %slice3A = vector.extract_strided_slice %get3A_1 {offsets = [0, 0], sizes = [4096, 8], strides = [1, 1]} : vector<4096x128xf32> to vector<4096x8xf32>
    %swap3A = arith.constant 0 : index
    %swap3A_2 = arith.constant 0 : index
    %swap3A_3 = vector.load %arg18[%swap3A, %swap3A_2] : memref<4096x8xf32, #tpu.memory_space<vmem>>, vector<4096x8xf32>
    tpu.vector_store %arg18[%swap3A, %swap3A_2], %slice3A {strides = array<i32>} : memref<4096x8xf32, #tpu.memory_space<vmem>>, vector<4096x8xf32>,
    %get3A_4 = arith.constant 0 : index
    %get3A_5 = arith.constant 0 : index
    %get3A_6 = vector.load %arg4[%get3A_4, %get3A_5] : memref<8x64xf32, #tpu.memory_space<vmem>>, vector<8x64xf32>
    %dot_general3A = arith.constant dense<0.000000e+00> : vector<4096x64xf32>
    %dot_general3A_7 = tpu.matmul %slice3A, %get3A_6, %dot_general3A {dimension_numbers = #tpu.dot_dimension_numbers<[1], [0], [0], [1], [0, 0, 1, 1], [], []>, transpose_lhs_hint = false} : vector<4096x8xf32>, vector<8x64xf32>, vector<4096x64xf32> -> vector<4096x64xf32>
    %get3A_8 = arith.constant 0 : index
    %get3A_9 = arith.constant 0 : index
    %get3A_10 = vector.load %arg5[%get3A_8, %get3A_9] : memref<1x64xf32, #tpu.memory_space<vmem>>, vector<1x64xf32>
    %add3A = vector.broadcast %get3A_10 : vector<1x64xf32> to vector<4096x64xf32>
    %add3A_11 = arith.addf %dot_general3A_7, %add3A : vector<4096x64xf32>
    %max3A = arith.constant 0.000000e+00 : f32
    %max3A_12 = vector.broadcast %max3A : f32 to vector<4096x64xf32>
    %max3A_13 = arith.maximumf %add3A_11, %max3A_12 : vector<4096x64xf32>
    %get3A_14 = arith.constant 0 : index
    %get3A_15 = arith.constant 0 : index
    %get3A_16 = vector.load %arg6[%get3A_14, %get3A_15] : memref<64x32xf32, #tpu.memory_space<vmem>>, vector<64x32xf32>
    %dot_general3A_17 = arith.constant dense<0.000000e+00> : vector<4096x32xf32>
    %dot_general3A_18 = tpu.matmul %max3A_13, %get3A_16, %dot_general3A_17 {dimension_numbers = #tpu.dot_dimension_numbers<[1], [0], [0], [1], [0, 0, 1, 1], [], []>, transpose_lhs_hint = false} : vector<4096x64xf32>, vector<64x32xf32>, vector<4096x32xf32> -> vector<4096x32xf32>
    %get3A_19 = arith.constant 0 : index
    %get3A_20 = arith.constant 0 : index
    %get3A_21 = vector.load %arg7[%get3A_19, %get3A_20] : memref<1x32xf32, #tpu.memory_space<vmem>>, vector<1x32xf32>
    %add3A_22 = vector.broadcast %get3A_21 : vector<1x32xf32> to vector<4096x32xf32>
    %add3A_23 = arith.addf %dot_general3A_18, %add3A_22 : vector<4096x32xf32>
    %max3A_24 = arith.constant 0.000000e+00 : f32
    %max3A_25 = vector.broadcast %max3A_24 : f32 to vector<4096x32xf32>
    %max3A_26 = arith.maximumf %add3A_23, %max3A_25 : vector<4096x32xf32>
    %get3A_27 = arith.constant 0 : index
    %get3A_28 = arith.constant 0 : index
    %get3A_29 = vector.load %arg8[%get3A_27, %get3A_28] : memref<8x8xf32, #tpu.memory_space<vmem>>, vector<8x8xf32>
    %dot_general3A_30 = arith.constant dense<0.000000e+00> : vector<4096x8xf32>
    %dot_general3A_31 = tpu.matmul %slice3A, %get3A_29, %dot_general3A_30 {dimension_numbers = #tpu.dot_dimension_numbers<[1], [0], [0], [1], [0, 0, 1, 1], [], []>, transpose_lhs_hint = false} : vector<4096x8xf32>, vector<8x8xf32>, vector<4096x8xf32> -> vector<4096x8xf32>
    %get3A_32 = arith.constant 0 : index
    %get3A_33 = arith.constant 0 : index
    %get3A_34 = vector.load %arg9[%get3A_32, %get3A_33] : memref<1x8xf32, #tpu.memory_space<vmem>>, vector<1x8xf32>
    %add3A_35 = vector.broadcast %get3A_34 : vector<1x8xf32> to vector<4096x8xf32>
    %add3A_36 = arith.addf %dot_general3A_31, %add3A_35 : vector<4096x8xf32>
    %max3A_37 = arith.constant 0.000000e+00 : f32
    %max3A_38 = vector.broadcast %max3A_37 : f32 to vector<4096x8xf32>
    %max3A_39 = arith.maximumf %add3A_36, %max3A_38 : vector<4096x8xf32>
    %get3A_40 = arith.constant 0 : index
    %get3A_41 = arith.constant 0 : index
    %get3A_42 = vector.load %arg10[%get3A_40, %get3A_41] : memref<8x8xf32, #tpu.memory_space<vmem>>, vector<8x8xf32>
    %dot_general3A_43 = arith.constant dense<0.000000e+00> : vector<4096x8xf32>
    %dot_general3A_44 = tpu.matmul %max3A_39, %get3A_42, %dot_general3A_43 {dimension_numbers = #tpu.dot_dimension_numbers<[1], [0], [0], [1], [0, 0, 1, 1], [], []>, transpose_lhs_hint = false} : vector<4096x8xf32>, vector<8x8xf32>, vector<4096x8xf32> -> vector<4096x8xf32>
    %get3A_45 = arith.constant 0 : index
    %get3A_46 = arith.constant 0 : index
    %get3A_47 = vector.load %arg11[%get3A_45, %get3A_46] : memref<1x8xf32, #tpu.memory_space<vmem>>, vector<1x8xf32>
    %add3A_48 = vector.broadcast %get3A_47 : vector<1x8xf32> to vector<4096x8xf32>
    %add3A_49 = arith.addf %dot_general3A_44, %add3A_48 : vector<4096x8xf32>
    %max3A_50 = arith.constant 0.000000e+00 : f32
    %max3A_51 = vector.broadcast %max3A_50 : f32 to vector<4096x8xf32>
    %max3A_52 = arith.maximumf %add3A_49, %max3A_51 : vector<4096x8xf32>
    %get3A_53 = arith.constant 0 : index
    %get3A_54 = arith.constant 0 : index
    %get3A_55 = vector.load %arg12[%get3A_53, %get3A_54] : memref<8x16xf32, #tpu.memory_space<vmem>>, vector<8x16xf32>
    %dot_general3A_56 = arith.constant dense<0.000000e+00> : vector<4096x16xf32>
    %dot_general3A_57 = tpu.matmul %max3A_52, %get3A_55, %dot_general3A_56 {dimension_numbers = #tpu.dot_dimension_numbers<[1], [0], [0], [1], [0, 0, 1, 1], [], []>, transpose_lhs_hint = false} : vector<4096x8xf32>, vector<8x16xf32>, vector<4096x16xf32> -> vector<4096x16xf32>
    %get3A_58 = arith.constant 0 : index
    %get3A_59 = arith.constant 0 : index
    %get3A_60 = vector.load %arg13[%get3A_58, %get3A_59] : memref<1x16xf32, #tpu.memory_space<vmem>>, vector<1x16xf32>
    %add3A_61 = vector.broadcast %get3A_60 : vector<1x16xf32> to vector<4096x16xf32>
    %add3A_62 = arith.addf %dot_general3A_57, %add3A_61 : vector<4096x16xf32>
    %max3A_63 = arith.constant 0.000000e+00 : f32
    %max3A_64 = vector.broadcast %max3A_63 : f32 to vector<4096x16xf32>
    %max3A_65 = arith.maximumf %add3A_62, %max3A_64 : vector<4096x16xf32>
    %transpose3A = tpu.transpose %max3A_65, [1, 0] : vector<4096x16xf32> -> vector<16x4096xf32>
    %iota3A = tpu.iota {dimensions = array<i32: 1>} : vector<16x256xi32>
    %iota3A_66 = tpu.iota {dimensions = array<i32: 0>} : vector<16x256xi32>
    %jit3A = arith.constant 16 : i32
    %div3A = vector.broadcast %jit3A : i32 to vector<16x256xi32>
    %div3A_67 = arith.divsi %iota3A, %div3A : vector<16x256xi32>
    %sign3A = arith.constant 0 : i32
    %sign3A_68 = vector.broadcast %sign3A : i32 to vector<16x256xi32>
    %sign3A_69 = arith.cmpi sgt, %iota3A, %sign3A_68 : vector<16x256xi32>
    %sign3A_70 = arith.extui %sign3A_69 : vector<16x256xi1> to vector<16x256xi32>
    %sign3A_71 = arith.constant 0 : i32
    %sign3A_72 = vector.broadcast %sign3A_71 : i32 to vector<16x256xi32>
    %sign3A_73 = arith.cmpi slt, %iota3A, %sign3A_72 : vector<16x256xi32>
    %sign3A_74 = arith.extui %sign3A_73 : vector<16x256xi1> to vector<16x256xi32>
    %sign3A_75 = arith.subi %sign3A_70, %sign3A_74 : vector<16x256xi32>
    %sign3A_76 = arith.constant 0 : i32
    %sign3A_77 = arith.cmpi sgt, %jit3A, %sign3A_76 : i32
    %sign3A_78 = arith.extui %sign3A_77 : i1 to i32
    %sign3A_79 = arith.constant 0 : i32
    %sign3A_80 = arith.cmpi slt, %jit3A, %sign3A_79 : i32
    %sign3A_81 = arith.extui %sign3A_80 : i1 to i32
    %sign3A_82 = arith.subi %sign3A_78, %sign3A_81 : i32
    %ne3A = vector.broadcast %sign3A_82 : i32 to vector<16x256xi32>
    %ne3A_83 = arith.cmpi ne, %sign3A_75, %ne3A : vector<16x256xi32>
    %rem3A = vector.broadcast %jit3A : i32 to vector<16x256xi32>
    %rem3A_84 = arith.remsi %iota3A, %rem3A : vector<16x256xi32>
    %ne3A_85 = arith.constant 0 : i32
    %ne3A_86 = vector.broadcast %ne3A_85 : i32 to vector<16x256xi32>
    %ne3A_87 = arith.cmpi ne, %rem3A_84, %ne3A_86 : vector<16x256xi32>
    %and3A = arith.andi %ne3A_83, %ne3A_87 : vector<16x256xi1>
    %sub3A = arith.constant 1 : i32
    %sub3A_88 = vector.broadcast %sub3A : i32 to vector<16x256xi32>
    %sub3A_89 = arith.subi %div3A_67, %sub3A_88 : vector<16x256xi32>
    %select_n3A = arith.select %and3A, %sub3A_89, %div3A_67 : vector<16x256xi1>, vector<16x256xi32>
    %eq3A = arith.cmpi eq, %select_n3A, %iota3A_66 : vector<16x256xi32>
    %convert_element_type3A = arith.extui %eq3A : vector<16x256xi1> to vector<16x256xi32>
    %convert_element_type3A_90 = arith.sitofp %convert_element_type3A : vector<16x256xi32> to vector<16x256xf32>
    %get3A_91 = arith.constant 0 : index
    %get3A_92 = arith.constant 0 : index
    %get3A_93 = vector.load %arg1[%get3A_91, %get3A_92] : memref<4096x128xi32, #tpu.memory_space<vmem>>, vector<4096x128xi32>
    %shift_left3A = arith.constant 16 : i32
    %shift_left3A_94 = vector.broadcast %shift_left3A : i32 to vector<4096x128xi32>
    %shift_left3A_95 = arith.shli %get3A_93, %shift_left3A_94 : vector<4096x128xi32>
    %bitcast_convert_type3A = tpu.bitcast %shift_left3A_95 : vector<4096x128xi32> -> vector<4096x128xf32>
    %and3A_96 = arith.constant -65536 : i32
    %and3A_97 = vector.broadcast %and3A_96 : i32 to vector<4096x128xi32>
    %and3A_98 = arith.andi %get3A_93, %and3A_97 : vector<4096x128xi32>
    %bitcast_convert_type3A_99 = tpu.bitcast %and3A_98 : vector<4096x128xi32> -> vector<4096x128xf32>
    %concatenate3A = tpu.concatenate %bitcast_convert_type3A, %bitcast_convert_type3A_99 in 1 : vector<4096x128xf32>, vector<4096x128xf32> -> vector<4096x256xf32>
    %slice3A_100 = vector.extract_strided_slice %transpose3A {offsets = [0, 0], sizes = [16, 256], strides = [1, 1]} : vector<16x4096xf32> to vector<16x256xf32>
    %broadcast_in_dim3A = vector.shape_cast %slice3A_100 : vector<16x256xf32> to vector<16x1x256xf32>
    %broadcast_in_dim3A_101 = vector.shape_cast %convert_element_type3A_90 : vector<16x256xf32> to vector<1x16x256xf32>
    %mul3A = vector.broadcast %broadcast_in_dim3A : vector<16x1x256xf32> to vector<16x16x256xf32>
    %mul3A_102 = vector.broadcast %broadcast_in_dim3A_101 : vector<1x16x256xf32> to vector<16x16x256xf32>
    %mul3A_103 = arith.mulf %mul3A, %mul3A_102 : vector<16x16x256xf32>
    %reshape3A = vector.shape_cast %mul3A_103 : vector<16x16x256xf32> to vector<256x256xf32>
    %slice3A_104 = vector.extract_strided_slice %concatenate3A {offsets = [0, 0], sizes = [256, 256], strides = [1, 1]} : vector<4096x256xf32> to vector<256x256xf32>
    %dot_general3A_105 = arith.constant dense<0.000000e+00> : vector<256x256xf32>
    %dot_general3A_106 = tpu.matmul %reshape3A, %slice3A_104, %dot_general3A_105 {dimension_numbers = #tpu.dot_dimension_numbers<[1], [0], [0], [1], [0, 0, 1, 1], [], []>, transpose_lhs_hint = false} : vector<256x256xf32>, vector<256x256xf32>, vector<256x256xf32> -> vector<256x256xf32>
    %slice3A_107 = vector.extract_strided_slice %max3A_26 {offsets = [0, 0], sizes = [256, 32], strides = [1, 1]} : vector<4096x32xf32> to vector<256x32xf32>
    %dot_general3A_108 = arith.constant dense<0.000000e+00> : vector<256x32xf32>
    %dot_general3A_109 = tpu.matmul %reshape3A, %slice3A_107, %dot_general3A_108 {dimension_numbers = #tpu.dot_dimension_numbers<[1], [0], [0], [1], [0, 0, 1, 1], [], []>, transpose_lhs_hint = false} : vector<256x256xf32>, vector<256x32xf32>, vector<256x32xf32> -> vector<256x32xf32>
    %slice3A_110 = vector.extract_strided_slice %transpose3A {offsets = [0, 256], sizes = [16, 256], strides = [1, 1]} : vector<16x4096xf32> to vector<16x256xf32>
    %broadcast_in_dim3A_111 = vector.shape_cast %slice3A_110 : vector<16x256xf32> to vector<16x1x256xf32>
    %broadcast_in_dim3A_112 = vector.shape_cast %convert_element_type3A_90 : vector<16x256xf32> to vector<1x16x256xf32>
    %mul3A_113 = vector.broadcast %broadcast_in_dim3A_111 : vector<16x1x256xf32> to vector<16x16x256xf32>
    %mul3A_114 = vector.broadcast %broadcast_in_dim3A_112 : vector<1x16x256xf32> to vector<16x16x256xf32>
    %mul3A_115 = arith.mulf %mul3A_113, %mul3A_114 : vector<16x16x256xf32>
    %reshape3A_116 = vector.shape_cast %mul3A_115 : vector<16x16x256xf32> to vector<256x256xf32>
    %slice3A_117 = vector.extract_strided_slice %concatenate3A {offsets = [256, 0], sizes = [256, 256], strides = [1, 1]} : vector<4096x256xf32> to vector<256x256xf32>
    %dot_general3A_118 = arith.constant dense<0.000000e+00> : vector<256x256xf32>
    %dot_general3A_119 = tpu.matmul %reshape3A_116, %slice3A_117, %dot_general3A_118 {dimension_numbers = #tpu.dot_dimension_numbers<[1], [0], [0], [1], [0, 0, 1, 1], [], []>, transpose_lhs_hint = false} : vector<256x256xf32>, vector<256x256xf32>, vector<256x256xf32> -> vector<256x256xf32>
    %slice3A_120 = vector.extract_strided_slice %max3A_26 {offsets = [256, 0], sizes = [256, 32], strides = [1, 1]} : vector<4096x32xf32> to vector<256x32xf32>
    %dot_general3A_121 = arith.constant dense<0.000000e+00> : vector<256x32xf32>
    %dot_general3A_122 = tpu.matmul %reshape3A_116, %slice3A_120, %dot_general3A_121 {dimension_numbers = #tpu.dot_dimension_numbers<[1], [0], [0], [1], [0, 0, 1, 1], [], []>, transpose_lhs_hint = false} : vector<256x256xf32>, vector<256x32xf32>, vector<256x32xf32> -> vector<256x32xf32>
    %slice3A_123 = vector.extract_strided_slice %transpose3A {offsets = [0, 512], sizes = [16, 256], strides = [1, 1]} : vector<16x4096xf32> to vector<16x256xf32>
    %broadcast_in_dim3A_124 = vector.shape_cast %slice3A_123 : vector<16x256xf32> to vector<16x1x256xf32>
    %broadcast_in_dim3A_125 = vector.shape_cast %convert_element_type3A_90 : vector<16x256xf32> to vector<1x16x256xf32>
    %mul3A_126 = vector.broadcast %broadcast_in_dim3A_124 : vector<16x1x256xf32> to vector<16x16x256xf32>
    %mul3A_127 = vector.broadcast %broadcast_in_dim3A_125 : vector<1x16x256xf32> to vector<16x16x256xf32>
    %mul3A_128 = arith.mulf %mul3A_126, %mul3A_127 : vector<16x16x256xf32>
    %reshape3A_129 = vector.shape_cast %mul3A_128 : vector<16x16x256xf32> to vector<256x256xf32>
    %slice3A_130 = vector.extract_strided_slice %concatenate3A {offsets = [512, 0], sizes = [256, 256], strides = [1, 1]} : vector<4096x256xf32> to vector<256x256xf32>
    %dot_general3A_131 = arith.constant dense<0.000000e+00> : vector<256x256xf32>
    %dot_general3A_132 = tpu.matmul %reshape3A_129, %slice3A_130, %dot_general3A_131 {dimension_numbers = #tpu.dot_dimension_numbers<[1], [0], [0], [1], [0, 0, 1, 1], [], []>, transpose_lhs_hint = false} : vector<256x256xf32>, vector<256x256xf32>, vector<256x256xf32> -> vector<256x256xf32>
    %slice3A_133 = vector.extract_strided_slice %max3A_26 {offsets = [512, 0], sizes = [256, 32], strides = [1, 1]} : vector<4096x32xf32> to vector<256x32xf32>
    %dot_general3A_134 = arith.constant dense<0.000000e+00> : vector<256x32xf32>
    %dot_general3A_135 = tpu.matmul %reshape3A_129, %slice3A_133, %dot_general3A_134 {dimension_numbers = #tpu.dot_dimension_numbers<[1], [0], [0], [1], [0, 0, 1, 1], [], []>, transpose_lhs_hint = false} : vector<256x256xf32>, vector<256x32xf32>, vector<256x32xf32> -> vector<256x32xf32>
    %slice3A_136 = vector.extract_strided_slice %transpose3A {offsets = [0, 768], sizes = [16, 256], strides = [1, 1]} : vector<16x4096xf32> to vector<16x256xf32>
    %broadcast_in_dim3A_137 = vector.shape_cast %slice3A_136 : vector<16x256xf32> to vector<16x1x256xf32>
    %broadcast_in_dim3A_138 = vector.shape_cast %convert_element_type3A_90 : vector<16x256xf32> to vector<1x16x256xf32>
    %mul3A_139 = vector.broadcast %broadcast_in_dim3A_137 : vector<16x1x256xf32> to vector<16x16x256xf32>
    %mul3A_140 = vector.broadcast %broadcast_in_dim3A_138 : vector<1x16x256xf32> to vector<16x16x256xf32>
    %mul3A_141 = arith.mulf %mul3A_139, %mul3A_140 : vector<16x16x256xf32>
    %reshape3A_142 = vector.shape_cast %mul3A_141 : vector<16x16x256xf32> to vector<256x256xf32>
    %slice3A_143 = vector.extract_strided_slice %concatenate3A {offsets = [768, 0], sizes = [256, 256], strides = [1, 1]} : vector<4096x256xf32> to vector<256x256xf32>
    %dot_general3A_144 = arith.constant dense<0.000000e+00> : vector<256x256xf32>
    %dot_general3A_145 = tpu.matmul %reshape3A_142, %slice3A_143, %dot_general3A_144 {dimension_numbers = #tpu.dot_dimension_numbers<[1], [0], [0], [1], [0, 0, 1, 1], [], []>, transpose_lhs_hint = false} : vector<256x256xf32>, vector<256x256xf32>, vector<256x256xf32> -> vector<256x256xf32>
    %slice3A_146 = vector.extract_strided_slice %max3A_26 {offsets = [768, 0], sizes = [256, 32], strides = [1, 1]} : vector<4096x32xf32> to vector<256x32xf32>
    %dot_general3A_147 = arith.constant dense<0.000000e+00> : vector<256x32xf32>
    %dot_general3A_148 = tpu.matmul %reshape3A_142, %slice3A_146, %dot_general3A_147 {dimension_numbers = #tpu.dot_dimension_numbers<[1], [0], [0], [1], [0, 0, 1, 1], [], []>, transpose_lhs_hint = false} : vector<256x256xf32>, vector<256x32xf32>, vector<256x32xf32> -> vector<256x32xf32>
    %slice3A_149 = vector.extract_strided_slice %transpose3A {offsets = [0, 1024], sizes = [16, 256], strides = [1, 1]} : vector<16x4096xf32> to vector<16x256xf32>
    %broadcast_in_dim3A_150 = vector.shape_cast %slice3A_149 : vector<16x256xf32> to vector<16x1x256xf32>
    %broadcast_in_dim3A_151 = vector.shape_cast %convert_element_type3A_90 : vector<16x256xf32> to vector<1x16x256xf32>
    %mul3A_152 = vector.broadcast %broadcast_in_dim3A_150 : vector<16x1x256xf32> to vector<16x16x256xf32>
    %mul3A_153 = vector.broadcast %broadcast_in_dim3A_151 : vector<1x16x256xf32> to vector<16x16x256xf32>
    %mul3A_154 = arith.mulf %mul3A_152, %mul3A_153 : vector<16x16x256xf32>
    %reshape3A_155 = vector.shape_cast %mul3A_154 : vector<16x16x256xf32> to vector<256x256xf32>
    %slice3A_156 = vector.extract_strided_slice %concatenate3A {offsets = [1024, 0], sizes = [256, 256], strides = [1, 1]} : vector<4096x256xf32> to vector<256x256xf32>
    %dot_general3A_157 = arith.constant dense<0.000000e+00> : vector<256x256xf32>
    %dot_general3A_158 = tpu.matmul %reshape3A_155, %slice3A_156, %dot_general3A_157 {dimension_numbers = #tpu.dot_dimension_numbers<[1], [0], [0], [1], [0, 0, 1, 1], [], []>, transpose_lhs_hint = false} : vector<256x256xf32>, vector<256x256xf32>, vector<256x256xf32> -> vector<256x256xf32>
    %slice3A_159 = vector.extract_strided_slice %max3A_26 {offsets = [1024, 0], sizes = [256, 32], strides = [1, 1]} : vector<4096x32xf32> to vector<256x32xf32>
    %dot_general3A_160 = arith.constant dense<0.000000e+00> : vector<256x32xf32>
    %dot_general3A_161 = tpu.matmul %reshape3A_155, %slice3A_159, %dot_general3A_160 {dimension_numbers = #tpu.dot_dimension_numbers<[1], [0], [0], [1], [0, 0, 1, 1], [], []>, transpose_lhs_hint = false} : vector<256x256xf32>, vector<256x32xf32>, vector<256x32xf32> -> vector<256x32xf32>
    %slice3A_162 = vector.extract_strided_slice %transpose3A {offsets = [0, 1280], sizes = [16, 256], strides = [1, 1]} : vector<16x4096xf32> to vector<16x256xf32>
    %broadcast_in_dim3A_163 = vector.shape_cast %slice3A_162 : vector<16x256xf32> to vector<16x1x256xf32>
    %broadcast_in_dim3A_164 = vector.shape_cast %convert_element_type3A_90 : vector<16x256xf32> to vector<1x16x256xf32>
    %mul3A_165 = vector.broadcast %broadcast_in_dim3A_163 : vector<16x1x256xf32> to vector<16x16x256xf32>
    %mul3A_166 = vector.broadcast %broadcast_in_dim3A_164 : vector<1x16x256xf32> to vector<16x16x256xf32>
    %mul3A_167 = arith.mulf %mul3A_165, %mul3A_166 : vector<16x16x256xf32>
    %reshape3A_168 = vector.shape_cast %mul3A_167 : vector<16x16x256xf32> to vector<256x256xf32>
    %slice3A_169 = vector.extract_strided_slice %concatenate3A {offsets = [1280, 0], sizes = [256, 256], strides = [1, 1]} : vector<4096x256xf32> to vector<256x256xf32>
    %dot_general3A_170 = arith.constant dense<0.000000e+00> : vector<256x256xf32>
    %dot_general3A_171 = tpu.matmul %reshape3A_168, %slice3A_169, %dot_general3A_170 {dimension_numbers = #tpu.dot_dimension_numbers<[1], [0], [0], [1], [0, 0, 1, 1], [], []>, transpose_lhs_hint = false} : vector<256x256xf32>, vector<256x256xf32>, vector<256x256xf32> -> vector<256x256xf32>
    %slice3A_172 = vector.extract_strided_slice %max3A_26 {offsets = [1280, 0], sizes = [256, 32], strides = [1, 1]} : vector<4096x32xf32> to vector<256x32xf32>
    %dot_general3A_173 = arith.constant dense<0.000000e+00> : vector<256x32xf32>
    %dot_general3A_174 = tpu.matmul %reshape3A_168, %slice3A_172, %dot_general3A_173 {dimension_numbers = #tpu.dot_dimension_numbers<[1], [0], [0], [1], [0, 0, 1, 1], [], []>, transpose_lhs_hint = false} : vector<256x256xf32>, vector<256x32xf32>, vector<256x32xf32> -> vector<256x32xf32>
    %slice3A_175 = vector.extract_strided_slice %transpose3A {offsets = [0, 1536], sizes = [16, 256], strides = [1, 1]} : vector<16x4096xf32> to vector<16x256xf32>
    %broadcast_in_dim3A_176 = vector.shape_cast %slice3A_175 : vector<16x256xf32> to vector<16x1x256xf32>
    %broadcast_in_dim3A_177 = vector.shape_cast %convert_element_type3A_90 : vector<16x256xf32> to vector<1x16x256xf32>
    %mul3A_178 = vector.broadcast %broadcast_in_dim3A_176 : vector<16x1x256xf32> to vector<16x16x256xf32>
    %mul3A_179 = vector.broadcast %broadcast_in_dim3A_177 : vector<1x16x256xf32> to vector<16x16x256xf32>
    %mul3A_180 = arith.mulf %mul3A_178, %mul3A_179 : vector<16x16x256xf32>
    %reshape3A_181 = vector.shape_cast %mul3A_180 : vector<16x16x256xf32> to vector<256x256xf32>
    %slice3A_182 = vector.extract_strided_slice %concatenate3A {offsets = [1536, 0], sizes = [256, 256], strides = [1, 1]} : vector<4096x256xf32> to vector<256x256xf32>
    %dot_general3A_183 = arith.constant dense<0.000000e+00> : vector<256x256xf32>
    %dot_general3A_184 = tpu.matmul %reshape3A_181, %slice3A_182, %dot_general3A_183 {dimension_numbers = #tpu.dot_dimension_numbers<[1], [0], [0], [1], [0, 0, 1, 1], [], []>, transpose_lhs_hint = false} : vector<256x256xf32>, vector<256x256xf32>, vector<256x256xf32> -> vector<256x256xf32>
    %slice3A_185 = vector.extract_strided_slice %max3A_26 {offsets = [1536, 0], sizes = [256, 32], strides = [1, 1]} : vector<4096x32xf32> to vector<256x32xf32>
    %dot_general3A_186 = arith.constant dense<0.000000e+00> : vector<256x32xf32>
    %dot_general3A_187 = tpu.matmul %reshape3A_181, %slice3A_185, %dot_general3A_186 {dimension_numbers = #tpu.dot_dimension_numbers<[1], [0], [0], [1], [0, 0, 1, 1], [], []>, transpose_lhs_hint = false} : vector<256x256xf32>, vector<256x32xf32>, vector<256x32xf32> -> vector<256x32xf32>
    %slice3A_188 = vector.extract_strided_slice %transpose3A {offsets = [0, 1792], sizes = [16, 256], strides = [1, 1]} : vector<16x4096xf32> to vector<16x256xf32>
    %broadcast_in_dim3A_189 = vector.shape_cast %slice3A_188 : vector<16x256xf32> to vector<16x1x256xf32>
    %broadcast_in_dim3A_190 = vector.shape_cast %convert_element_type3A_90 : vector<16x256xf32> to vector<1x16x256xf32>
    %mul3A_191 = vector.broadcast %broadcast_in_dim3A_189 : vector<16x1x256xf32> to vector<16x16x256xf32>
    %mul3A_192 = vector.broadcast %broadcast_in_dim3A_190 : vector<1x16x256xf32> to vector<16x16x256xf32>
    %mul3A_193 = arith.mulf %mul3A_191, %mul3A_192 : vector<16x16x256xf32>
    %reshape3A_194 = vector.shape_cast %mul3A_193 : vector<16x16x256xf32> to vector<256x256xf32>
    %slice3A_195 = vector.extract_strided_slice %concatenate3A {offsets = [1792, 0], sizes = [256, 256], strides = [1, 1]} : vector<4096x256xf32> to vector<256x256xf32>
    %dot_general3A_196 = arith.constant dense<0.000000e+00> : vector<256x256xf32>
    %dot_general3A_197 = tpu.matmul %reshape3A_194, %slice3A_195, %dot_general3A_196 {dimension_numbers = #tpu.dot_dimension_numbers<[1], [0], [0], [1], [0, 0, 1, 1], [], []>, transpose_lhs_hint = false} : vector<256x256xf32>, vector<256x256xf32>, vector<256x256xf32> -> vector<256x256xf32>
    %slice3A_198 = vector.extract_strided_slice %max3A_26 {offsets = [1792, 0], sizes = [256, 32], strides = [1, 1]} : vector<4096x32xf32> to vector<256x32xf32>
    %dot_general3A_199 = arith.constant dense<0.000000e+00> : vector<256x32xf32>
    %dot_general3A_200 = tpu.matmul %reshape3A_194, %slice3A_198, %dot_general3A_199 {dimension_numbers = #tpu.dot_dimension_numbers<[1], [0], [0], [1], [0, 0, 1, 1], [], []>, transpose_lhs_hint = false} : vector<256x256xf32>, vector<256x32xf32>, vector<256x32xf32> -> vector<256x32xf32>
    %slice3A_201 = vector.extract_strided_slice %transpose3A {offsets = [0, 2048], sizes = [16, 256], strides = [1, 1]} : vector<16x4096xf32> to vector<16x256xf32>
    %broadcast_in_dim3A_202 = vector.shape_cast %slice3A_201 : vector<16x256xf32> to vector<16x1x256xf32>
    %broadcast_in_dim3A_203 = vector.shape_cast %convert_element_type3A_90 : vector<16x256xf32> to vector<1x16x256xf32>
    %mul3A_204 = vector.broadcast %broadcast_in_dim3A_202 : vector<16x1x256xf32> to vector<16x16x256xf32>
    %mul3A_205 = vector.broadcast %broadcast_in_dim3A_203 : vector<1x16x256xf32> to vector<16x16x256xf32>
    %mul3A_206 = arith.mulf %mul3A_204, %mul3A_205 : vector<16x16x256xf32>
    %reshape3A_207 = vector.shape_cast %mul3A_206 : vector<16x16x256xf32> to vector<256x256xf32>
    %slice3A_208 = vector.extract_strided_slice %concatenate3A {offsets = [2048, 0], sizes = [256, 256], strides = [1, 1]} : vector<4096x256xf32> to vector<256x256xf32>
    %dot_general3A_209 = arith.constant dense<0.000000e+00> : vector<256x256xf32>
    %dot_general3A_210 = tpu.matmul %reshape3A_207, %slice3A_208, %dot_general3A_209 {dimension_numbers = #tpu.dot_dimension_numbers<[1], [0], [0], [1], [0, 0, 1, 1], [], []>, transpose_lhs_hint = false} : vector<256x256xf32>, vector<256x256xf32>, vector<256x256xf32> -> vector<256x256xf32>
    %slice3A_211 = vector.extract_strided_slice %max3A_26 {offsets = [2048, 0], sizes = [256, 32], strides = [1, 1]} : vector<4096x32xf32> to vector<256x32xf32>
    %dot_general3A_212 = arith.constant dense<0.000000e+00> : vector<256x32xf32>
    %dot_general3A_213 = tpu.matmul %reshape3A_207, %slice3A_211, %dot_general3A_212 {dimension_numbers = #tpu.dot_dimension_numbers<[1], [0], [0], [1], [0, 0, 1, 1], [], []>, transpose_lhs_hint = false} : vector<256x256xf32>, vector<256x32xf32>, vector<256x32xf32> -> vector<256x32xf32>
    %slice3A_214 = vector.extract_strided_slice %transpose3A {offsets = [0, 2304], sizes = [16, 256], strides = [1, 1]} : vector<16x4096xf32> to vector<16x256xf32>
    %broadcast_in_dim3A_215 = vector.shape_cast %slice3A_214 : vector<16x256xf32> to vector<16x1x256xf32>
    %broadcast_in_dim3A_216 = vector.shape_cast %convert_element_type3A_90 : vector<16x256xf32> to vector<1x16x256xf32>
    %mul3A_217 = vector.broadcast %broadcast_in_dim3A_215 : vector<16x1x256xf32> to vector<16x16x256xf32>
    %mul3A_218 = vector.broadcast %broadcast_in_dim3A_216 : vector<1x16x256xf32> to vector<16x16x256xf32>
    %mul3A_219 = arith.mulf %mul3A_217, %mul3A_218 : vector<16x16x256xf32>
    %reshape3A_220 = vector.shape_cast %mul3A_219 : vector<16x16x256xf32> to vector<256x256xf32>
    %slice3A_221 = vector.extract_strided_slice %concatenate3A {offsets = [2304, 0], sizes = [256, 256], strides = [1, 1]} : vector<4096x256xf32> to vector<256x256xf32>
    %dot_general3A_222 = arith.constant dense<0.000000e+00> : vector<256x256xf32>
    %dot_general3A_223 = tpu.matmul %reshape3A_220, %slice3A_221, %dot_general3A_222 {dimension_numbers = #tpu.dot_dimension_numbers<[1], [0], [0], [1], [0, 0, 1, 1], [], []>, transpose_lhs_hint = false} : vector<256x256xf32>, vector<256x256xf32>, vector<256x256xf32> -> vector<256x256xf32>
    %slice3A_224 = vector.extract_strided_slice %max3A_26 {offsets = [2304, 0], sizes = [256, 32], strides = [1, 1]} : vector<4096x32xf32> to vector<256x32xf32>
    %dot_general3A_225 = arith.constant dense<0.000000e+00> : vector<256x32xf32>
    %dot_general3A_226 = tpu.matmul %reshape3A_220, %slice3A_224, %dot_general3A_225 {dimension_numbers = #tpu.dot_dimension_numbers<[1], [0], [0], [1], [0, 0, 1, 1], [], []>, transpose_lhs_hint = false} : vector<256x256xf32>, vector<256x32xf32>, vector<256x32xf32> -> vector<256x32xf32>
    %slice3A_227 = vector.extract_strided_slice %transpose3A {offsets = [0, 2560], sizes = [16, 256], strides = [1, 1]} : vector<16x4096xf32> to vector<16x256xf32>
    %broadcast_in_dim3A_228 = vector.shape_cast %slice3A_227 : vector<16x256xf32> to vector<16x1x256xf32>
    %broadcast_in_dim3A_229 = vector.shape_cast %convert_element_type3A_90 : vector<16x256xf32> to vector<1x16x256xf32>
    %mul3A_230 = vector.broadcast %broadcast_in_dim3A_228 : vector<16x1x256xf32> to vector<16x16x256xf32>
    %mul3A_231 = vector.broadcast %broadcast_in_dim3A_229 : vector<1x16x256xf32> to vector<16x16x256xf32>
    %mul3A_232 = arith.mulf %mul3A_230, %mul3A_231 : vector<16x16x256xf32>
    %reshape3A_233 = vector.shape_cast %mul3A_232 : vector<16x16x256xf32> to vector<256x256xf32>
    %slice3A_234 = vector.extract_strided_slice %concatenate3A {offsets = [2560, 0], sizes = [256, 256], strides = [1, 1]} : vector<4096x256xf32> to vector<256x256xf32>
    %dot_general3A_235 = arith.constant dense<0.000000e+00> : vector<256x256xf32>
    %dot_general3A_236 = tpu.matmul %reshape3A_233, %slice3A_234, %dot_general3A_235 {dimension_numbers = #tpu.dot_dimension_numbers<[1], [0], [0], [1], [0, 0, 1, 1], [], []>, transpose_lhs_hint = false} : vector<256x256xf32>, vector<256x256xf32>, vector<256x256xf32> -> vector<256x256xf32>
    %slice3A_237 = vector.extract_strided_slice %max3A_26 {offsets = [2560, 0], sizes = [256, 32], strides = [1, 1]} : vector<4096x32xf32> to vector<256x32xf32>
    %dot_general3A_238 = arith.constant dense<0.000000e+00> : vector<256x32xf32>
    %dot_general3A_239 = tpu.matmul %reshape3A_233, %slice3A_237, %dot_general3A_238 {dimension_numbers = #tpu.dot_dimension_numbers<[1], [0], [0], [1], [0, 0, 1, 1], [], []>, transpose_lhs_hint = false} : vector<256x256xf32>, vector<256x32xf32>, vector<256x32xf32> -> vector<256x32xf32>
    %slice3A_240 = vector.extract_strided_slice %transpose3A {offsets = [0, 2816], sizes = [16, 256], strides = [1, 1]} : vector<16x4096xf32> to vector<16x256xf32>
    %broadcast_in_dim3A_241 = vector.shape_cast %slice3A_240 : vector<16x256xf32> to vector<16x1x256xf32>
    %broadcast_in_dim3A_242 = vector.shape_cast %convert_element_type3A_90 : vector<16x256xf32> to vector<1x16x256xf32>
    %mul3A_243 = vector.broadcast %broadcast_in_dim3A_241 : vector<16x1x256xf32> to vector<16x16x256xf32>
    %mul3A_244 = vector.broadcast %broadcast_in_dim3A_242 : vector<1x16x256xf32> to vector<16x16x256xf32>
    %mul3A_245 = arith.mulf %mul3A_243, %mul3A_244 : vector<16x16x256xf32>
    %reshape3A_246 = vector.shape_cast %mul3A_245 : vector<16x16x256xf32> to vector<256x256xf32>
    %slice3A_247 = vector.extract_strided_slice %concatenate3A {offsets = [2816, 0], sizes = [256, 256], strides = [1, 1]} : vector<4096x256xf32> to vector<256x256xf32>
    %dot_general3A_248 = arith.constant dense<0.000000e+00> : vector<256x256xf32>
    %dot_general3A_249 = tpu.matmul %reshape3A_246, %slice3A_247, %dot_general3A_248 {dimension_numbers = #tpu.dot_dimension_numbers<[1], [0], [0], [1], [0, 0, 1, 1], [], []>, transpose_lhs_hint = false} : vector<256x256xf32>, vector<256x256xf32>, vector<256x256xf32> -> vector<256x256xf32>
    %slice3A_250 = vector.extract_strided_slice %max3A_26 {offsets = [2816, 0], sizes = [256, 32], strides = [1, 1]} : vector<4096x32xf32> to vector<256x32xf32>
    %dot_general3A_251 = arith.constant dense<0.000000e+00> : vector<256x32xf32>
    %dot_general3A_252 = tpu.matmul %reshape3A_246, %slice3A_250, %dot_general3A_251 {dimension_numbers = #tpu.dot_dimension_numbers<[1], [0], [0], [1], [0, 0, 1, 1], [], []>, transpose_lhs_hint = false} : vector<256x256xf32>, vector<256x32xf32>, vector<256x32xf32> -> vector<256x32xf32>
    %slice3A_253 = vector.extract_strided_slice %transpose3A {offsets = [0, 3072], sizes = [16, 256], strides = [1, 1]} : vector<16x4096xf32> to vector<16x256xf32>
    %broadcast_in_dim3A_254 = vector.shape_cast %slice3A_253 : vector<16x256xf32> to vector<16x1x256xf32>
    %broadcast_in_dim3A_255 = vector.shape_cast %convert_element_type3A_90 : vector<16x256xf32> to vector<1x16x256xf32>
    %mul3A_256 = vector.broadcast %broadcast_in_dim3A_254 : vector<16x1x256xf32> to vector<16x16x256xf32>
    %mul3A_257 = vector.broadcast %broadcast_in_dim3A_255 : vector<1x16x256xf32> to vector<16x16x256xf32>
    %mul3A_258 = arith.mulf %mul3A_256, %mul3A_257 : vector<16x16x256xf32>
    %reshape3A_259 = vector.shape_cast %mul3A_258 : vector<16x16x256xf32> to vector<256x256xf32>
    %slice3A_260 = vector.extract_strided_slice %concatenate3A {offsets = [3072, 0], sizes = [256, 256], strides = [1, 1]} : vector<4096x256xf32> to vector<256x256xf32>
    %dot_general3A_261 = arith.constant dense<0.000000e+00> : vector<256x256xf32>
    %dot_general3A_262 = tpu.matmul %reshape3A_259, %slice3A_260, %dot_general3A_261 {dimension_numbers = #tpu.dot_dimension_numbers<[1], [0], [0], [1], [0, 0, 1, 1], [], []>, transpose_lhs_hint = false} : vector<256x256xf32>, vector<256x256xf32>, vector<256x256xf32> -> vector<256x256xf32>
    %slice3A_263 = vector.extract_strided_slice %max3A_26 {offsets = [3072, 0], sizes = [256, 32], strides = [1, 1]} : vector<4096x32xf32> to vector<256x32xf32>
    %dot_general3A_264 = arith.constant dense<0.000000e+00> : vector<256x32xf32>
    %dot_general3A_265 = tpu.matmul %reshape3A_259, %slice3A_263, %dot_general3A_264 {dimension_numbers = #tpu.dot_dimension_numbers<[1], [0], [0], [1], [0, 0, 1, 1], [], []>, transpose_lhs_hint = false} : vector<256x256xf32>, vector<256x32xf32>, vector<256x32xf32> -> vector<256x32xf32>
    %slice3A_266 = vector.extract_strided_slice %transpose3A {offsets = [0, 3328], sizes = [16, 256], strides = [1, 1]} : vector<16x4096xf32> to vector<16x256xf32>
    %broadcast_in_dim3A_267 = vector.shape_cast %slice3A_266 : vector<16x256xf32> to vector<16x1x256xf32>
    %broadcast_in_dim3A_268 = vector.shape_cast %convert_element_type3A_90 : vector<16x256xf32> to vector<1x16x256xf32>
    %mul3A_269 = vector.broadcast %broadcast_in_dim3A_267 : vector<16x1x256xf32> to vector<16x16x256xf32>
    %mul3A_270 = vector.broadcast %broadcast_in_dim3A_268 : vector<1x16x256xf32> to vector<16x16x256xf32>
    %mul3A_271 = arith.mulf %mul3A_269, %mul3A_270 : vector<16x16x256xf32>
    %reshape3A_272 = vector.shape_cast %mul3A_271 : vector<16x16x256xf32> to vector<256x256xf32>
    %slice3A_273 = vector.extract_strided_slice %concatenate3A {offsets = [3328, 0], sizes = [256, 256], strides = [1, 1]} : vector<4096x256xf32> to vector<256x256xf32>
    %dot_general3A_274 = arith.constant dense<0.000000e+00> : vector<256x256xf32>
    %dot_general3A_275 = tpu.matmul %reshape3A_272, %slice3A_273, %dot_general3A_274 {dimension_numbers = #tpu.dot_dimension_numbers<[1], [0], [0], [1], [0, 0, 1, 1], [], []>, transpose_lhs_hint = false} : vector<256x256xf32>, vector<256x256xf32>, vector<256x256xf32> -> vector<256x256xf32>
    %slice3A_276 = vector.extract_strided_slice %max3A_26 {offsets = [3328, 0], sizes = [256, 32], strides = [1, 1]} : vector<4096x32xf32> to vector<256x32xf32>
    %dot_general3A_277 = arith.constant dense<0.000000e+00> : vector<256x32xf32>
    %dot_general3A_278 = tpu.matmul %reshape3A_272, %slice3A_276, %dot_general3A_277 {dimension_numbers = #tpu.dot_dimension_numbers<[1], [0], [0], [1], [0, 0, 1, 1], [], []>, transpose_lhs_hint = false} : vector<256x256xf32>, vector<256x32xf32>, vector<256x32xf32> -> vector<256x32xf32>
    %slice3A_279 = vector.extract_strided_slice %transpose3A {offsets = [0, 3584], sizes = [16, 256], strides = [1, 1]} : vector<16x4096xf32> to vector<16x256xf32>
    %broadcast_in_dim3A_280 = vector.shape_cast %slice3A_279 : vector<16x256xf32> to vector<16x1x256xf32>
    %broadcast_in_dim3A_281 = vector.shape_cast %convert_element_type3A_90 : vector<16x256xf32> to vector<1x16x256xf32>
    %mul3A_282 = vector.broadcast %broadcast_in_dim3A_280 : vector<16x1x256xf32> to vector<16x16x256xf32>
    %mul3A_283 = vector.broadcast %broadcast_in_dim3A_281 : vector<1x16x256xf32> to vector<16x16x256xf32>
    %mul3A_284 = arith.mulf %mul3A_282, %mul3A_283 : vector<16x16x256xf32>
    %reshape3A_285 = vector.shape_cast %mul3A_284 : vector<16x16x256xf32> to vector<256x256xf32>
    %slice3A_286 = vector.extract_strided_slice %concatenate3A {offsets = [3584, 0], sizes = [256, 256], strides = [1, 1]} : vector<4096x256xf32> to vector<256x256xf32>
    %dot_general3A_287 = arith.constant dense<0.000000e+00> : vector<256x256xf32>
    %dot_general3A_288 = tpu.matmul %reshape3A_285, %slice3A_286, %dot_general3A_287 {dimension_numbers = #tpu.dot_dimension_numbers<[1], [0], [0], [1], [0, 0, 1, 1], [], []>, transpose_lhs_hint = false} : vector<256x256xf32>, vector<256x256xf32>, vector<256x256xf32> -> vector<256x256xf32>
    %slice3A_289 = vector.extract_strided_slice %max3A_26 {offsets = [3584, 0], sizes = [256, 32], strides = [1, 1]} : vector<4096x32xf32> to vector<256x32xf32>
    %dot_general3A_290 = arith.constant dense<0.000000e+00> : vector<256x32xf32>
    %dot_general3A_291 = tpu.matmul %reshape3A_285, %slice3A_289, %dot_general3A_290 {dimension_numbers = #tpu.dot_dimension_numbers<[1], [0], [0], [1], [0, 0, 1, 1], [], []>, transpose_lhs_hint = false} : vector<256x256xf32>, vector<256x32xf32>, vector<256x32xf32> -> vector<256x32xf32>
    %slice3A_292 = vector.extract_strided_slice %transpose3A {offsets = [0, 3840], sizes = [16, 256], strides = [1, 1]} : vector<16x4096xf32> to vector<16x256xf32>
    %broadcast_in_dim3A_293 = vector.shape_cast %slice3A_292 : vector<16x256xf32> to vector<16x1x256xf32>
    %broadcast_in_dim3A_294 = vector.shape_cast %convert_element_type3A_90 : vector<16x256xf32> to vector<1x16x256xf32>
    %mul3A_295 = vector.broadcast %broadcast_in_dim3A_293 : vector<16x1x256xf32> to vector<16x16x256xf32>
    %mul3A_296 = vector.broadcast %broadcast_in_dim3A_294 : vector<1x16x256xf32> to vector<16x16x256xf32>
    %mul3A_297 = arith.mulf %mul3A_295, %mul3A_296 : vector<16x16x256xf32>
    %reshape3A_298 = vector.shape_cast %mul3A_297 : vector<16x16x256xf32> to vector<256x256xf32>
    %slice3A_299 = vector.extract_strided_slice %concatenate3A {offsets = [3840, 0], sizes = [256, 256], strides = [1, 1]} : vector<4096x256xf32> to vector<256x256xf32>
    %dot_general3A_300 = arith.constant dense<0.000000e+00> : vector<256x256xf32>
    %dot_general3A_301 = tpu.matmul %reshape3A_298, %slice3A_299, %dot_general3A_300 {dimension_numbers = #tpu.dot_dimension_numbers<[1], [0], [0], [1], [0, 0, 1, 1], [], []>, transpose_lhs_hint = false} : vector<256x256xf32>, vector<256x256xf32>, vector<256x256xf32> -> vector<256x256xf32>
    %slice3A_302 = vector.extract_strided_slice %max3A_26 {offsets = [3840, 0], sizes = [256, 32], strides = [1, 1]} : vector<4096x32xf32> to vector<256x32xf32>
    %dot_general3A_303 = arith.constant dense<0.000000e+00> : vector<256x32xf32>
    %dot_general3A_304 = tpu.matmul %reshape3A_298, %slice3A_302, %dot_general3A_303 {dimension_numbers = #tpu.dot_dimension_numbers<[1], [0], [0], [1], [0, 0, 1, 1], [], []>, transpose_lhs_hint = false} : vector<256x256xf32>, vector<256x32xf32>, vector<256x32xf32> -> vector<256x32xf32>
    %broadcast_in_dim3A_305 = arith.constant 0.000000e+00 : f32
    %broadcast_in_dim3A_306 = vector.broadcast %broadcast_in_dim3A_305 : f32 to vector<256x256xf32>
    %slice3A_307 = vector.extract_strided_slice %dot_general3A_106 {offsets = [0, 0], sizes = [16, 256], strides = [1, 1]} : vector<256x256xf32> to vector<16x256xf32>
    %slice3A_308 = vector.extract_strided_slice %dot_general3A_119 {offsets = [0, 0], sizes = [16, 256], strides = [1, 1]} : vector<256x256xf32> to vector<16x256xf32>
    %slice3A_309 = vector.extract_strided_slice %dot_general3A_132 {offsets = [0, 0], sizes = [16, 256], strides = [1, 1]} : vector<256x256xf32> to vector<16x256xf32>
    %slice3A_310 = vector.extract_strided_slice %dot_general3A_145 {offsets = [0, 0], sizes = [16, 256], strides = [1, 1]} : vector<256x256xf32> to vector<16x256xf32>
    %slice3A_311 = vector.extract_strided_slice %dot_general3A_158 {offsets = [0, 0], sizes = [16, 256], strides = [1, 1]} : vector<256x256xf32> to vector<16x256xf32>
    %slice3A_312 = vector.extract_strided_slice %dot_general3A_171 {offsets = [0, 0], sizes = [16, 256], strides = [1, 1]} : vector<256x256xf32> to vector<16x256xf32>
    %slice3A_313 = vector.extract_strided_slice %dot_general3A_184 {offsets = [0, 0], sizes = [16, 256], strides = [1, 1]} : vector<256x256xf32> to vector<16x256xf32>
    %slice3A_314 = vector.extract_strided_slice %dot_general3A_197 {offsets = [0, 0], sizes = [16, 256], strides = [1, 1]} : vector<256x256xf32> to vector<16x256xf32>
    %slice3A_315 = vector.extract_strided_slice %dot_general3A_210 {offsets = [0, 0], sizes = [16, 256], strides = [1, 1]} : vector<256x256xf32> to vector<16x256xf32>
    %slice3A_316 = vector.extract_strided_slice %dot_general3A_223 {offsets = [0, 0], sizes = [16, 256], strides = [1, 1]} : vector<256x256xf32> to vector<16x256xf32>
    %slice3A_317 = vector.extract_strided_slice %dot_general3A_236 {offsets = [0, 0], sizes = [16, 256], strides = [1, 1]} : vector<256x256xf32> to vector<16x256xf32>
    %slice3A_318 = vector.extract_strided_slice %dot_general3A_249 {offsets = [0, 0], sizes = [16, 256], strides = [1, 1]} : vector<256x256xf32> to vector<16x256xf32>
    %slice3A_319 = vector.extract_strided_slice %dot_general3A_262 {offsets = [0, 0], sizes = [16, 256], strides = [1, 1]} : vector<256x256xf32> to vector<16x256xf32>
    %slice3A_320 = vector.extract_strided_slice %dot_general3A_275 {offsets = [0, 0], sizes = [16, 256], strides = [1, 1]} : vector<256x256xf32> to vector<16x256xf32>
    %slice3A_321 = vector.extract_strided_slice %dot_general3A_288 {offsets = [0, 0], sizes = [16, 256], strides = [1, 1]} : vector<256x256xf32> to vector<16x256xf32>
    %slice3A_322 = vector.extract_strided_slice %dot_general3A_301 {offsets = [0, 0], sizes = [16, 256], strides = [1, 1]} : vector<256x256xf32> to vector<16x256xf32>
    %concatenate3A_323 = tpu.concatenate %slice3A_307, %slice3A_308, %slice3A_309, %slice3A_310, %slice3A_311, %slice3A_312, %slice3A_313, %slice3A_314, %slice3A_315, %slice3A_316, %slice3A_317, %slice3A_318, %slice3A_319, %slice3A_320, %slice3A_321, %slice3A_322 in 0 : vector<16x256xf32>, vector<16x256xf32>, vector<16x256xf32>, vector<16x256xf32>, vector<16x256xf32>, vector<16x256xf32>, vector<16x256xf32>, vector<16x256xf32>, vector<16x256xf32>, vector<16x256xf32>, vector<16x256xf32>, vector<16x256xf32>, vector<16x256xf32>, vector<16x256xf32>, vector<16x256xf32>, vector<16x256xf32> -> vector<256x256xf32>
    %slice3A_324 = vector.extract_strided_slice %dot_general3A_109 {offsets = [0, 0], sizes = [16, 32], strides = [1, 1]} : vector<256x32xf32> to vector<16x32xf32>
    %slice3A_325 = vector.extract_strided_slice %dot_general3A_122 {offsets = [0, 0], sizes = [16, 32], strides = [1, 1]} : vector<256x32xf32> to vector<16x32xf32>
    %slice3A_326 = vector.extract_strided_slice %dot_general3A_135 {offsets = [0, 0], sizes = [16, 32], strides = [1, 1]} : vector<256x32xf32> to vector<16x32xf32>
    %slice3A_327 = vector.extract_strided_slice %dot_general3A_148 {offsets = [0, 0], sizes = [16, 32], strides = [1, 1]} : vector<256x32xf32> to vector<16x32xf32>
    %slice3A_328 = vector.extract_strided_slice %dot_general3A_161 {offsets = [0, 0], sizes = [16, 32], strides = [1, 1]} : vector<256x32xf32> to vector<16x32xf32>
    %slice3A_329 = vector.extract_strided_slice %dot_general3A_174 {offsets = [0, 0], sizes = [16, 32], strides = [1, 1]} : vector<256x32xf32> to vector<16x32xf32>
    %slice3A_330 = vector.extract_strided_slice %dot_general3A_187 {offsets = [0, 0], sizes = [16, 32], strides = [1, 1]} : vector<256x32xf32> to vector<16x32xf32>
    %slice3A_331 = vector.extract_strided_slice %dot_general3A_200 {offsets = [0, 0], sizes = [16, 32], strides = [1, 1]} : vector<256x32xf32> to vector<16x32xf32>
    %slice3A_332 = vector.extract_strided_slice %dot_general3A_213 {offsets = [0, 0], sizes = [16, 32], strides = [1, 1]} : vector<256x32xf32> to vector<16x32xf32>
    %slice3A_333 = vector.extract_strided_slice %dot_general3A_226 {offsets = [0, 0], sizes = [16, 32], strides = [1, 1]} : vector<256x32xf32> to vector<16x32xf32>
    %slice3A_334 = vector.extract_strided_slice %dot_general3A_239 {offsets = [0, 0], sizes = [16, 32], strides = [1, 1]} : vector<256x32xf32> to vector<16x32xf32>
    %slice3A_335 = vector.extract_strided_slice %dot_general3A_252 {offsets = [0, 0], sizes = [16, 32], strides = [1, 1]} : vector<256x32xf32> to vector<16x32xf32>
    %slice3A_336 = vector.extract_strided_slice %dot_general3A_265 {offsets = [0, 0], sizes = [16, 32], strides = [1, 1]} : vector<256x32xf32> to vector<16x32xf32>
    %slice3A_337 = vector.extract_strided_slice %dot_general3A_278 {offsets = [0, 0], sizes = [16, 32], strides = [1, 1]} : vector<256x32xf32> to vector<16x32xf32>
    %slice3A_338 = vector.extract_strided_slice %dot_general3A_291 {offsets = [0, 0], sizes = [16, 32], strides = [1, 1]} : vector<256x32xf32> to vector<16x32xf32>
    %slice3A_339 = vector.extract_strided_slice %dot_general3A_304 {offsets = [0, 0], sizes = [16, 32], strides = [1, 1]} : vector<256x32xf32> to vector<16x32xf32>
    %concatenate3A_340 = tpu.concatenate %slice3A_324, %slice3A_325, %slice3A_326, %slice3A_327, %slice3A_328, %slice3A_329, %slice3A_330, %slice3A_331, %slice3A_332, %slice3A_333, %slice3A_334, %slice3A_335, %slice3A_336, %slice3A_337, %slice3A_338, %slice3A_339 in 0 : vector<16x32xf32>, vector<16x32xf32>, vector<16x32xf32>, vector<16x32xf32>, vector<16x32xf32>, vector<16x32xf32>, vector<16x32xf32>, vector<16x32xf32>, vector<16x32xf32>, vector<16x32xf32>, vector<16x32xf32>, vector<16x32xf32>, vector<16x32xf32>, vector<16x32xf32>, vector<16x32xf32>, vector<16x32xf32> -> vector<256x32xf32>
    %get3A_341 = arith.constant 0 : index
    %get3A_342 = arith.constant 0 : index
    %get3A_343 = arith.constant 0 : index
    %get3A_344 = vector.load %arg14[%get3A_341, %get3A_342, %get3A_343] : memref<16x256x256xf32, #tpu.memory_space<vmem>>, vector<1x256x256xf32>
    %get3A_345 = vector.shape_cast %get3A_344 : vector<1x256x256xf32> to vector<256x256xf32>
    %dot_general3A_346 = arith.constant dense<0.000000e+00> : vector<256x256xf32>
    %dot_general3A_347 = tpu.matmul %concatenate3A_323, %get3A_345, %dot_general3A_346 {dimension_numbers = #tpu.dot_dimension_numbers<[1], [0], [0], [1], [0, 0, 1, 1], [], []>, transpose_lhs_hint = false} : vector<256x256xf32>, vector<256x256xf32>, vector<256x256xf32> -> vector<256x256xf32>
    %add3A_348 = arith.addf %broadcast_in_dim3A_306, %dot_general3A_347 : vector<256x256xf32>
    %get3A_349 = arith.constant 0 : index
    %get3A_350 = arith.constant 0 : index
    %get3A_351 = arith.constant 0 : index
    %get3A_352 = vector.load %arg15[%get3A_349, %get3A_350, %get3A_351] : memref<16x32x256xf32, #tpu.memory_space<vmem>>, vector<1x32x256xf32>
    %get3A_353 = vector.shape_cast %get3A_352 : vector<1x32x256xf32> to vector<32x256xf32>
    %dot_general3A_354 = arith.constant dense<0.000000e+00> : vector<256x256xf32>
    %dot_general3A_355 = tpu.matmul %concatenate3A_340, %get3A_353, %dot_general3A_354 {dimension_numbers = #tpu.dot_dimension_numbers<[1], [0], [0], [1], [0, 0, 1, 1], [], []>, transpose_lhs_hint = false} : vector<256x32xf32>, vector<32x256xf32>, vector<256x256xf32> -> vector<256x256xf32>
    %add3A_356 = arith.addf %add3A_348, %dot_general3A_355 : vector<256x256xf32>
    %slice3A_357 = vector.extract_strided_slice %dot_general3A_106 {offsets = [16, 0], sizes = [16, 256], strides = [1, 1]} : vector<256x256xf32> to vector<16x256xf32>
    %slice3A_358 = vector.extract_strided_slice %dot_general3A_119 {offsets = [16, 0], sizes = [16, 256], strides = [1, 1]} : vector<256x256xf32> to vector<16x256xf32>
    %slice3A_359 = vector.extract_strided_slice %dot_general3A_132 {offsets = [16, 0], sizes = [16, 256], strides = [1, 1]} : vector<256x256xf32> to vector<16x256xf32>
    %slice3A_360 = vector.extract_strided_slice %dot_general3A_145 {offsets = [16, 0], sizes = [16, 256], strides = [1, 1]} : vector<256x256xf32> to vector<16x256xf32>
    %slice3A_361 = vector.extract_strided_slice %dot_general3A_158 {offsets = [16, 0], sizes = [16, 256], strides = [1, 1]} : vector<256x256xf32> to vector<16x256xf32>
    %slice3A_362 = vector.extract_strided_slice %dot_general3A_171 {offsets = [16, 0], sizes = [16, 256], strides = [1, 1]} : vector<256x256xf32> to vector<16x256xf32>
    %slice3A_363 = vector.extract_strided_slice %dot_general3A_184 {offsets = [16, 0], sizes = [16, 256], strides = [1, 1]} : vector<256x256xf32> to vector<16x256xf32>
    %slice3A_364 = vector.extract_strided_slice %dot_general3A_197 {offsets = [16, 0], sizes = [16, 256], strides = [1, 1]} : vector<256x256xf32> to vector<16x256xf32>
    %slice3A_365 = vector.extract_strided_slice %dot_general3A_210 {offsets = [16, 0], sizes = [16, 256], strides = [1, 1]} : vector<256x256xf32> to vector<16x256xf32>
    %slice3A_366 = vector.extract_strided_slice %dot_general3A_223 {offsets = [16, 0], sizes = [16, 256], strides = [1, 1]} : vector<256x256xf32> to vector<16x256xf32>
    %slice3A_367 = vector.extract_strided_slice %dot_general3A_236 {offsets = [16, 0], sizes = [16, 256], strides = [1, 1]} : vector<256x256xf32> to vector<16x256xf32>
    %slice3A_368 = vector.extract_strided_slice %dot_general3A_249 {offsets = [16, 0], sizes = [16, 256], strides = [1, 1]} : vector<256x256xf32> to vector<16x256xf32>
    %slice3A_369 = vector.extract_strided_slice %dot_general3A_262 {offsets = [16, 0], sizes = [16, 256], strides = [1, 1]} : vector<256x256xf32> to vector<16x256xf32>
    %slice3A_370 = vector.extract_strided_slice %dot_general3A_275 {offsets = [16, 0], sizes = [16, 256], strides = [1, 1]} : vector<256x256xf32> to vector<16x256xf32>
    %slice3A_371 = vector.extract_strided_slice %dot_general3A_288 {offsets = [16, 0], sizes = [16, 256], strides = [1, 1]} : vector<256x256xf32> to vector<16x256xf32>
    %slice3A_372 = vector.extract_strided_slice %dot_general3A_301 {offsets = [16, 0], sizes = [16, 256], strides = [1, 1]} : vector<256x256xf32> to vector<16x256xf32>
    %concatenate3A_373 = tpu.concatenate %slice3A_357, %slice3A_358, %slice3A_359, %slice3A_360, %slice3A_361, %slice3A_362, %slice3A_363, %slice3A_364, %slice3A_365, %slice3A_366, %slice3A_367, %slice3A_368, %slice3A_369, %slice3A_370, %slice3A_371, %slice3A_372 in 0 : vector<16x256xf32>, vector<16x256xf32>, vector<16x256xf32>, vector<16x256xf32>, vector<16x256xf32>, vector<16x256xf32>, vector<16x256xf32>, vector<16x256xf32>, vector<16x256xf32>, vector<16x256xf32>, vector<16x256xf32>, vector<16x256xf32>, vector<16x256xf32>, vector<16x256xf32>, vector<16x256xf32>, vector<16x256xf32> -> vector<256x256xf32>
    %slice3A_374 = vector.extract_strided_slice %dot_general3A_109 {offsets = [16, 0], sizes = [16, 32], strides = [1, 1]} : vector<256x32xf32> to vector<16x32xf32>
    %slice3A_375 = vector.extract_strided_slice %dot_general3A_122 {offsets = [16, 0], sizes = [16, 32], strides = [1, 1]} : vector<256x32xf32> to vector<16x32xf32>
    %slice3A_376 = vector.extract_strided_slice %dot_general3A_135 {offsets = [16, 0], sizes = [16, 32], strides = [1, 1]} : vector<256x32xf32> to vector<16x32xf32>
    %slice3A_377 = vector.extract_strided_slice %dot_general3A_148 {offsets = [16, 0], sizes = [16, 32], strides = [1, 1]} : vector<256x32xf32> to vector<16x32xf32>
    %slice3A_378 = vector.extract_strided_slice %dot_general3A_161 {offsets = [16, 0], sizes = [16, 32], strides = [1, 1]} : vector<256x32xf32> to vector<16x32xf32>
    %slice3A_379 = vector.extract_strided_slice %dot_general3A_174 {offsets = [16, 0], sizes = [16, 32], strides = [1, 1]} : vector<256x32xf32> to vector<16x32xf32>
    %slice3A_380 = vector.extract_strided_slice %dot_general3A_187 {offsets = [16, 0], sizes = [16, 32], strides = [1, 1]} : vector<256x32xf32> to vector<16x32xf32>
    %slice3A_381 = vector.extract_strided_slice %dot_general3A_200 {offsets = [16, 0], sizes = [16, 32], strides = [1, 1]} : vector<256x32xf32> to vector<16x32xf32>
    %slice3A_382 = vector.extract_strided_slice %dot_general3A_213 {offsets = [16, 0], sizes = [16, 32], strides = [1, 1]} : vector<256x32xf32> to vector<16x32xf32>
    %slice3A_383 = vector.extract_strided_slice %dot_general3A_226 {offsets = [16, 0], sizes = [16, 32], strides = [1, 1]} : vector<256x32xf32> to vector<16x32xf32>
    %slice3A_384 = vector.extract_strided_slice %dot_general3A_239 {offsets = [16, 0], sizes = [16, 32], strides = [1, 1]} : vector<256x32xf32> to vector<16x32xf32>
    %slice3A_385 = vector.extract_strided_slice %dot_general3A_252 {offsets = [16, 0], sizes = [16, 32], strides = [1, 1]} : vector<256x32xf32> to vector<16x32xf32>
    %slice3A_386 = vector.extract_strided_slice %dot_general3A_265 {offsets = [16, 0], sizes = [16, 32], strides = [1, 1]} : vector<256x32xf32> to vector<16x32xf32>
    %slice3A_387 = vector.extract_strided_slice %dot_general3A_278 {offsets = [16, 0], sizes = [16, 32], strides = [1, 1]} : vector<256x32xf32> to vector<16x32xf32>
    %slice3A_388 = vector.extract_strided_slice %dot_general3A_291 {offsets = [16, 0], sizes = [16, 32], strides = [1, 1]} : vector<256x32xf32> to vector<16x32xf32>
    %slice3A_389 = vector.extract_strided_slice %dot_general3A_304 {offsets = [16, 0], sizes = [16, 32], strides = [1, 1]} : vector<256x32xf32> to vector<16x32xf32>
    %concatenate3A_390 = tpu.concatenate %slice3A_374, %slice3A_375, %slice3A_376, %slice3A_377, %slice3A_378, %slice3A_379, %slice3A_380, %slice3A_381, %slice3A_382, %slice3A_383, %slice3A_384, %slice3A_385, %slice3A_386, %slice3A_387, %slice3A_388, %slice3A_389 in 0 : vector<16x32xf32>, vector<16x32xf32>, vector<16x32xf32>, vector<16x32xf32>, vector<16x32xf32>, vector<16x32xf32>, vector<16x32xf32>, vector<16x32xf32>, vector<16x32xf32>, vector<16x32xf32>, vector<16x32xf32>, vector<16x32xf32>, vector<16x32xf32>, vector<16x32xf32>, vector<16x32xf32>, vector<16x32xf32> -> vector<256x32xf32>
    %get3A_391 = arith.constant 1 : index
    %get3A_392 = arith.constant 0 : index
    %get3A_393 = arith.constant 0 : index
    %get3A_394 = vector.load %arg14[%get3A_391, %get3A_392, %get3A_393] : memref<16x256x256xf32, #tpu.memory_space<vmem>>, vector<1x256x256xf32>
    %get3A_395 = vector.shape_cast %get3A_394 : vector<1x256x256xf32> to vector<256x256xf32>
    %dot_general3A_396 = arith.constant dense<0.000000e+00> : vector<256x256xf32>
    %dot_general3A_397 = tpu.matmul %concatenate3A_373, %get3A_395, %dot_general3A_396 {dimension_numbers = #tpu.dot_dimension_numbers<[1], [0], [0], [1], [0, 0, 1, 1], [], []>, transpose_lhs_hint = false} : vector<256x256xf32>, vector<256x256xf32>, vector<256x256xf32> -> vector<256x256xf32>
    %add3A_398 = arith.addf %add3A_356, %dot_general3A_397 : vector<256x256xf32>
    %get3A_399 = arith.constant 1 : index
    %get3A_400 = arith.constant 0 : index
    %get3A_401 = arith.constant 0 : index
    %get3A_402 = vector.load %arg15[%get3A_399, %get3A_400, %get3A_401] : memref<16x32x256xf32, #tpu.memory_space<vmem>>, vector<1x32x256xf32>
    %get3A_403 = vector.shape_cast %get3A_402 : vector<1x32x256xf32> to vector<32x256xf32>
    %dot_general3A_404 = arith.constant dense<0.000000e+00> : vector<256x256xf32>
    %dot_general3A_405 = tpu.matmul %concatenate3A_390, %get3A_403, %dot_general3A_404 {dimension_numbers = #tpu.dot_dimension_numbers<[1], [0], [0], [1], [0, 0, 1, 1], [], []>, transpose_lhs_hint = false} : vector<256x32xf32>, vector<32x256xf32>, vector<256x256xf32> -> vector<256x256xf32>
    %add3A_406 = arith.addf %add3A_398, %dot_general3A_405 : vector<256x256xf32>
    %slice3A_407 = vector.extract_strided_slice %dot_general3A_106 {offsets = [32, 0], sizes = [16, 256], strides = [1, 1]} : vector<256x256xf32> to vector<16x256xf32>
    %slice3A_408 = vector.extract_strided_slice %dot_general3A_119 {offsets = [32, 0], sizes = [16, 256], strides = [1, 1]} : vector<256x256xf32> to vector<16x256xf32>
    %slice3A_409 = vector.extract_strided_slice %dot_general3A_132 {offsets = [32, 0], sizes = [16, 256], strides = [1, 1]} : vector<256x256xf32> to vector<16x256xf32>
    %slice3A_410 = vector.extract_strided_slice %dot_general3A_145 {offsets = [32, 0], sizes = [16, 256], strides = [1, 1]} : vector<256x256xf32> to vector<16x256xf32>
    %slice3A_411 = vector.extract_strided_slice %dot_general3A_158 {offsets = [32, 0], sizes = [16, 256], strides = [1, 1]} : vector<256x256xf32> to vector<16x256xf32>
    %slice3A_412 = vector.extract_strided_slice %dot_general3A_171 {offsets = [32, 0], sizes = [16, 256], strides = [1, 1]} : vector<256x256xf32> to vector<16x256xf32>
    %slice3A_413 = vector.extract_strided_slice %dot_general3A_184 {offsets = [32, 0], sizes = [16, 256], strides = [1, 1]} : vector<256x256xf32> to vector<16x256xf32>
    %slice3A_414 = vector.extract_strided_slice %dot_general3A_197 {offsets = [32, 0], sizes = [16, 256], strides = [1, 1]} : vector<256x256xf32> to vector<16x256xf32>
    %slice3A_415 = vector.extract_strided_slice %dot_general3A_210 {offsets = [32, 0], sizes = [16, 256], strides = [1, 1]} : vector<256x256xf32> to vector<16x256xf32>
    %slice3A_416 = vector.extract_strided_slice %dot_general3A_223 {offsets = [32, 0], sizes = [16, 256], strides = [1, 1]} : vector<256x256xf32> to vector<16x256xf32>
    %slice3A_417 = vector.extract_strided_slice %dot_general3A_236 {offsets = [32, 0], sizes = [16, 256], strides = [1, 1]} : vector<256x256xf32> to vector<16x256xf32>
    %slice3A_418 = vector.extract_strided_slice %dot_general3A_249 {offsets = [32, 0], sizes = [16, 256], strides = [1, 1]} : vector<256x256xf32> to vector<16x256xf32>
    %slice3A_419 = vector.extract_strided_slice %dot_general3A_262 {offsets = [32, 0], sizes = [16, 256], strides = [1, 1]} : vector<256x256xf32> to vector<16x256xf32>
    %slice3A_420 = vector.extract_strided_slice %dot_general3A_275 {offsets = [32, 0], sizes = [16, 256], strides = [1, 1]} : vector<256x256xf32> to vector<16x256xf32>
    %slice3A_421 = vector.extract_strided_slice %dot_general3A_288 {offsets = [32, 0], sizes = [16, 256], strides = [1, 1]} : vector<256x256xf32> to vector<16x256xf32>
    %slice3A_422 = vector.extract_strided_slice %dot_general3A_301 {offsets = [32, 0], sizes = [16, 256], strides = [1, 1]} : vector<256x256xf32> to vector<16x256xf32>
    %concatenate3A_423 = tpu.concatenate %slice3A_407, %slice3A_408, %slice3A_409, %slice3A_410, %slice3A_411, %slice3A_412, %slice3A_413, %slice3A_414, %slice3A_415, %slice3A_416, %slice3A_417, %slice3A_418, %slice3A_419, %slice3A_420, %slice3A_421, %slice3A_422 in 0 : vector<16x256xf32>, vector<16x256xf32>, vector<16x256xf32>, vector<16x256xf32>, vector<16x256xf32>, vector<16x256xf32>, vector<16x256xf32>, vector<16x256xf32>, vector<16x256xf32>, vector<16x256xf32>, vector<16x256xf32>, vector<16x256xf32>, vector<16x256xf32>, vector<16x256xf32>, vector<16x256xf32>, vector<16x256xf32> -> vector<256x256xf32>
    %slice3A_424 = vector.extract_strided_slice %dot_general3A_109 {offsets = [32, 0], sizes = [16, 32], strides = [1, 1]} : vector<256x32xf32> to vector<16x32xf32>
    %slice3A_425 = vector.extract_strided_slice %dot_general3A_122 {offsets = [32, 0], sizes = [16, 32], strides = [1, 1]} : vector<256x32xf32> to vector<16x32xf32>
    %slice3A_426 = vector.extract_strided_slice %dot_general3A_135 {offsets = [32, 0], sizes = [16, 32], strides = [1, 1]} : vector<256x32xf32> to vector<16x32xf32>
    %slice3A_427 = vector.extract_strided_slice %dot_general3A_148 {offsets = [32, 0], sizes = [16, 32], strides = [1, 1]} : vector<256x32xf32> to vector<16x32xf32>
    %slice3A_428 = vector.extract_strided_slice %dot_general3A_161 {offsets = [32, 0], sizes = [16, 32], strides = [1, 1]} : vector<256x32xf32> to vector<16x32xf32>
    %slice3A_429 = vector.extract_strided_slice %dot_general3A_174 {offsets = [32, 0], sizes = [16, 32], strides = [1, 1]} : vector<256x32xf32> to vector<16x32xf32>
    %slice3A_430 = vector.extract_strided_slice %dot_general3A_187 {offsets = [32, 0], sizes = [16, 32], strides = [1, 1]} : vector<256x32xf32> to vector<16x32xf32>
    %slice3A_431 = vector.extract_strided_slice %dot_general3A_200 {offsets = [32, 0], sizes = [16, 32], strides = [1, 1]} : vector<256x32xf32> to vector<16x32xf32>
    %slice3A_432 = vector.extract_strided_slice %dot_general3A_213 {offsets = [32, 0], sizes = [16, 32], strides = [1, 1]} : vector<256x32xf32> to vector<16x32xf32>
    %slice3A_433 = vector.extract_strided_slice %dot_general3A_226 {offsets = [32, 0], sizes = [16, 32], strides = [1, 1]} : vector<256x32xf32> to vector<16x32xf32>
    %slice3A_434 = vector.extract_strided_slice %dot_general3A_239 {offsets = [32, 0], sizes = [16, 32], strides = [1, 1]} : vector<256x32xf32> to vector<16x32xf32>
    %slice3A_435 = vector.extract_strided_slice %dot_general3A_252 {offsets = [32, 0], sizes = [16, 32], strides = [1, 1]} : vector<256x32xf32> to vector<16x32xf32>
    %slice3A_436 = vector.extract_strided_slice %dot_general3A_265 {offsets = [32, 0], sizes = [16, 32], strides = [1, 1]} : vector<256x32xf32> to vector<16x32xf32>
    %slice3A_437 = vector.extract_strided_slice %dot_general3A_278 {offsets = [32, 0], sizes = [16, 32], strides = [1, 1]} : vector<256x32xf32> to vector<16x32xf32>
    %slice3A_438 = vector.extract_strided_slice %dot_general3A_291 {offsets = [32, 0], sizes = [16, 32], strides = [1, 1]} : vector<256x32xf32> to vector<16x32xf32>
    %slice3A_439 = vector.extract_strided_slice %dot_general3A_304 {offsets = [32, 0], sizes = [16, 32], strides = [1, 1]} : vector<256x32xf32> to vector<16x32xf32>
    %concatenate3A_440 = tpu.concatenate %slice3A_424, %slice3A_425, %slice3A_426, %slice3A_427, %slice3A_428, %slice3A_429, %slice3A_430, %slice3A_431, %slice3A_432, %slice3A_433, %slice3A_434, %slice3A_435, %slice3A_436, %slice3A_437, %slice3A_438, %slice3A_439 in 0 : vector<16x32xf32>, vector<16x32xf32>, vector<16x32xf32>, vector<16x32xf32>, vector<16x32xf32>, vector<16x32xf32>, vector<16x32xf32>, vector<16x32xf32>, vector<16x32xf32>, vector<16x32xf32>, vector<16x32xf32>, vector<16x32xf32>, vector<16x32xf32>, vector<16x32xf32>, vector<16x32xf32>, vector<16x32xf32> -> vector<256x32xf32>
    %get3A_441 = arith.constant 2 : index
    %get3A_442 = arith.constant 0 : index
    %get3A_443 = arith.constant 0 : index
    %get3A_444 = vector.load %arg14[%get3A_441, %get3A_442, %get3A_443] : memref<16x256x256xf32, #tpu.memory_space<vmem>>, vector<1x256x256xf32>
    %get3A_445 = vector.shape_cast %get3A_444 : vector<1x256x256xf32> to vector<256x256xf32>
    %dot_general3A_446 = arith.constant dense<0.000000e+00> : vector<256x256xf32>
    %dot_general3A_447 = tpu.matmul %concatenate3A_423, %get3A_445, %dot_general3A_446 {dimension_numbers = #tpu.dot_dimension_numbers<[1], [0], [0], [1], [0, 0, 1, 1], [], []>, transpose_lhs_hint = false} : vector<256x256xf32>, vector<256x256xf32>, vector<256x256xf32> -> vector<256x256xf32>
    %add3A_448 = arith.addf %add3A_406, %dot_general3A_447 : vector<256x256xf32>
    %get3A_449 = arith.constant 2 : index
    %get3A_450 = arith.constant 0 : index
    %get3A_451 = arith.constant 0 : index
    %get3A_452 = vector.load %arg15[%get3A_449, %get3A_450, %get3A_451] : memref<16x32x256xf32, #tpu.memory_space<vmem>>, vector<1x32x256xf32>
    %get3A_453 = vector.shape_cast %get3A_452 : vector<1x32x256xf32> to vector<32x256xf32>
    %dot_general3A_454 = arith.constant dense<0.000000e+00> : vector<256x256xf32>
    %dot_general3A_455 = tpu.matmul %concatenate3A_440, %get3A_453, %dot_general3A_454 {dimension_numbers = #tpu.dot_dimension_numbers<[1], [0], [0], [1], [0, 0, 1, 1], [], []>, transpose_lhs_hint = false} : vector<256x32xf32>, vector<32x256xf32>, vector<256x256xf32> -> vector<256x256xf32>
    %add3A_456 = arith.addf %add3A_448, %dot_general3A_455 : vector<256x256xf32>
    %slice3A_457 = vector.extract_strided_slice %dot_general3A_106 {offsets = [48, 0], sizes = [16, 256], strides = [1, 1]} : vector<256x256xf32> to vector<16x256xf32>
    %slice3A_458 = vector.extract_strided_slice %dot_general3A_119 {offsets = [48, 0], sizes = [16, 256], strides = [1, 1]} : vector<256x256xf32> to vector<16x256xf32>
    %slice3A_459 = vector.extract_strided_slice %dot_general3A_132 {offsets = [48, 0], sizes = [16, 256], strides = [1, 1]} : vector<256x256xf32> to vector<16x256xf32>
    %slice3A_460 = vector.extract_strided_slice %dot_general3A_145 {offsets = [48, 0], sizes = [16, 256], strides = [1, 1]} : vector<256x256xf32> to vector<16x256xf32>
    %slice3A_461 = vector.extract_strided_slice %dot_general3A_158 {offsets = [48, 0], sizes = [16, 256], strides = [1, 1]} : vector<256x256xf32> to vector<16x256xf32>
    %slice3A_462 = vector.extract_strided_slice %dot_general3A_171 {offsets = [48, 0], sizes = [16, 256], strides = [1, 1]} : vector<256x256xf32> to vector<16x256xf32>
    %slice3A_463 = vector.extract_strided_slice %dot_general3A_184 {offsets = [48, 0], sizes = [16, 256], strides = [1, 1]} : vector<256x256xf32> to vector<16x256xf32>
    %slice3A_464 = vector.extract_strided_slice %dot_general3A_197 {offsets = [48, 0], sizes = [16, 256], strides = [1, 1]} : vector<256x256xf32> to vector<16x256xf32>
    %slice3A_465 = vector.extract_strided_slice %dot_general3A_210 {offsets = [48, 0], sizes = [16, 256], strides = [1, 1]} : vector<256x256xf32> to vector<16x256xf32>
    %slice3A_466 = vector.extract_strided_slice %dot_general3A_223 {offsets = [48, 0], sizes = [16, 256], strides = [1, 1]} : vector<256x256xf32> to vector<16x256xf32>
    %slice3A_467 = vector.extract_strided_slice %dot_general3A_236 {offsets = [48, 0], sizes = [16, 256], strides = [1, 1]} : vector<256x256xf32> to vector<16x256xf32>
    %slice3A_468 = vector.extract_strided_slice %dot_general3A_249 {offsets = [48, 0], sizes = [16, 256], strides = [1, 1]} : vector<256x256xf32> to vector<16x256xf32>
    %slice3A_469 = vector.extract_strided_slice %dot_general3A_262 {offsets = [48, 0], sizes = [16, 256], strides = [1, 1]} : vector<256x256xf32> to vector<16x256xf32>
    %slice3A_470 = vector.extract_strided_slice %dot_general3A_275 {offsets = [48, 0], sizes = [16, 256], strides = [1, 1]} : vector<256x256xf32> to vector<16x256xf32>
    %slice3A_471 = vector.extract_strided_slice %dot_general3A_288 {offsets = [48, 0], sizes = [16, 256], strides = [1, 1]} : vector<256x256xf32> to vector<16x256xf32>
    %slice3A_472 = vector.extract_strided_slice %dot_general3A_301 {offsets = [48, 0], sizes = [16, 256], strides = [1, 1]} : vector<256x256xf32> to vector<16x256xf32>
    %concatenate3A_473 = tpu.concatenate %slice3A_457, %slice3A_458, %slice3A_459, %slice3A_460, %slice3A_461, %slice3A_462, %slice3A_463, %slice3A_464, %slice3A_465, %slice3A_466, %slice3A_467, %slice3A_468, %slice3A_469, %slice3A_470, %slice3A_471, %slice3A_472 in 0 : vector<16x256xf32>, vector<16x256xf32>, vector<16x256xf32>, vector<16x256xf32>, vector<16x256xf32>, vector<16x256xf32>, vector<16x256xf32>, vector<16x256xf32>, vector<16x256xf32>, vector<16x256xf32>, vector<16x256xf32>, vector<16x256xf32>, vector<16x256xf32>, vector<16x256xf32>, vector<16x256xf32>, vector<16x256xf32> -> vector<256x256xf32>
    %slice3A_474 = vector.extract_strided_slice %dot_general3A_109 {offsets = [48, 0], sizes = [16, 32], strides = [1, 1]} : vector<256x32xf32> to vector<16x32xf32>
    %slice3A_475 = vector.extract_strided_slice %dot_general3A_122 {offsets = [48, 0], sizes = [16, 32], strides = [1, 1]} : vector<256x32xf32> to vector<16x32xf32>
    %slice3A_476 = vector.extract_strided_slice %dot_general3A_135 {offsets = [48, 0], sizes = [16, 32], strides = [1, 1]} : vector<256x32xf32> to vector<16x32xf32>
    %slice3A_477 = vector.extract_strided_slice %dot_general3A_148 {offsets = [48, 0], sizes = [16, 32], strides = [1, 1]} : vector<256x32xf32> to vector<16x32xf32>
    %slice3A_478 = vector.extract_strided_slice %dot_general3A_161 {offsets = [48, 0], sizes = [16, 32], strides = [1, 1]} : vector<256x32xf32> to vector<16x32xf32>
    %slice3A_479 = vector.extract_strided_slice %dot_general3A_174 {offsets = [48, 0], sizes = [16, 32], strides = [1, 1]} : vector<256x32xf32> to vector<16x32xf32>
    %slice3A_480 = vector.extract_strided_slice %dot_general3A_187 {offsets = [48, 0], sizes = [16, 32], strides = [1, 1]} : vector<256x32xf32> to vector<16x32xf32>
    %slice3A_481 = vector.extract_strided_slice %dot_general3A_200 {offsets = [48, 0], sizes = [16, 32], strides = [1, 1]} : vector<256x32xf32> to vector<16x32xf32>
    %slice3A_482 = vector.extract_strided_slice %dot_general3A_213 {offsets = [48, 0], sizes = [16, 32], strides = [1, 1]} : vector<256x32xf32> to vector<16x32xf32>
    %slice3A_483 = vector.extract_strided_slice %dot_general3A_226 {offsets = [48, 0], sizes = [16, 32], strides = [1, 1]} : vector<256x32xf32> to vector<16x32xf32>
    %slice3A_484 = vector.extract_strided_slice %dot_general3A_239 {offsets = [48, 0], sizes = [16, 32], strides = [1, 1]} : vector<256x32xf32> to vector<16x32xf32>
    %slice3A_485 = vector.extract_strided_slice %dot_general3A_252 {offsets = [48, 0], sizes = [16, 32], strides = [1, 1]} : vector<256x32xf32> to vector<16x32xf32>
    %slice3A_486 = vector.extract_strided_slice %dot_general3A_265 {offsets = [48, 0], sizes = [16, 32], strides = [1, 1]} : vector<256x32xf32> to vector<16x32xf32>
    %slice3A_487 = vector.extract_strided_slice %dot_general3A_278 {offsets = [48, 0], sizes = [16, 32], strides = [1, 1]} : vector<256x32xf32> to vector<16x32xf32>
    %slice3A_488 = vector.extract_strided_slice %dot_general3A_291 {offsets = [48, 0], sizes = [16, 32], strides = [1, 1]} : vector<256x32xf32> to vector<16x32xf32>
    %slice3A_489 = vector.extract_strided_slice %dot_general3A_304 {offsets = [48, 0], sizes = [16, 32], strides = [1, 1]} : vector<256x32xf32> to vector<16x32xf32>
    %concatenate3A_490 = tpu.concatenate %slice3A_474, %slice3A_475, %slice3A_476, %slice3A_477, %slice3A_478, %slice3A_479, %slice3A_480, %slice3A_481, %slice3A_482, %slice3A_483, %slice3A_484, %slice3A_485, %slice3A_486, %slice3A_487, %slice3A_488, %slice3A_489 in 0 : vector<16x32xf32>, vector<16x32xf32>, vector<16x32xf32>, vector<16x32xf32>, vector<16x32xf32>, vector<16x32xf32>, vector<16x32xf32>, vector<16x32xf32>, vector<16x32xf32>, vector<16x32xf32>, vector<16x32xf32>, vector<16x32xf32>, vector<16x32xf32>, vector<16x32xf32>, vector<16x32xf32>, vector<16x32xf32> -> vector<256x32xf32>
    %get3A_491 = arith.constant 3 : index
    %get3A_492 = arith.constant 0 : index
    %get3A_493 = arith.constant 0 : index
    %get3A_494 = vector.load %arg14[%get3A_491, %get3A_492, %get3A_493] : memref<16x256x256xf32, #tpu.memory_space<vmem>>, vector<1x256x256xf32>
    %get3A_495 = vector.shape_cast %get3A_494 : vector<1x256x256xf32> to vector<256x256xf32>
    %dot_general3A_496 = arith.constant dense<0.000000e+00> : vector<256x256xf32>
    %dot_general3A_497 = tpu.matmul %concatenate3A_473, %get3A_495, %dot_general3A_496 {dimension_numbers = #tpu.dot_dimension_numbers<[1], [0], [0], [1], [0, 0, 1, 1], [], []>, transpose_lhs_hint = false} : vector<256x256xf32>, vector<256x256xf32>, vector<256x256xf32> -> vector<256x256xf32>
    %add3A_498 = arith.addf %add3A_456, %dot_general3A_497 : vector<256x256xf32>
    %get3A_499 = arith.constant 3 : index
    %get3A_500 = arith.constant 0 : index
    %get3A_501 = arith.constant 0 : index
    %get3A_502 = vector.load %arg15[%get3A_499, %get3A_500, %get3A_501] : memref<16x32x256xf32, #tpu.memory_space<vmem>>, vector<1x32x256xf32>
    %get3A_503 = vector.shape_cast %get3A_502 : vector<1x32x256xf32> to vector<32x256xf32>
    %dot_general3A_504 = arith.constant dense<0.000000e+00> : vector<256x256xf32>
    %dot_general3A_505 = tpu.matmul %concatenate3A_490, %get3A_503, %dot_general3A_504 {dimension_numbers = #tpu.dot_dimension_numbers<[1], [0], [0], [1], [0, 0, 1, 1], [], []>, transpose_lhs_hint = false} : vector<256x32xf32>, vector<32x256xf32>, vector<256x256xf32> -> vector<256x256xf32>
    %add3A_506 = arith.addf %add3A_498, %dot_general3A_505 : vector<256x256xf32>
    %slice3A_507 = vector.extract_strided_slice %dot_general3A_106 {offsets = [64, 0], sizes = [16, 256], strides = [1, 1]} : vector<256x256xf32> to vector<16x256xf32>
    %slice3A_508 = vector.extract_strided_slice %dot_general3A_119 {offsets = [64, 0], sizes = [16, 256], strides = [1, 1]} : vector<256x256xf32> to vector<16x256xf32>
    %slice3A_509 = vector.extract_strided_slice %dot_general3A_132 {offsets = [64, 0], sizes = [16, 256], strides = [1, 1]} : vector<256x256xf32> to vector<16x256xf32>
    %slice3A_510 = vector.extract_strided_slice %dot_general3A_145 {offsets = [64, 0], sizes = [16, 256], strides = [1, 1]} : vector<256x256xf32> to vector<16x256xf32>
    %slice3A_511 = vector.extract_strided_slice %dot_general3A_158 {offsets = [64, 0], sizes = [16, 256], strides = [1, 1]} : vector<256x256xf32> to vector<16x256xf32>
    %slice3A_512 = vector.extract_strided_slice %dot_general3A_171 {offsets = [64, 0], sizes = [16, 256], strides = [1, 1]} : vector<256x256xf32> to vector<16x256xf32>
    %slice3A_513 = vector.extract_strided_slice %dot_general3A_184 {offsets = [64, 0], sizes = [16, 256], strides = [1, 1]} : vector<256x256xf32> to vector<16x256xf32>
    %slice3A_514 = vector.extract_strided_slice %dot_general3A_197 {offsets = [64, 0], sizes = [16, 256], strides = [1, 1]} : vector<256x256xf32> to vector<16x256xf32>
    %slice3A_515 = vector.extract_strided_slice %dot_general3A_210 {offsets = [64, 0], sizes = [16, 256], strides = [1, 1]} : vector<256x256xf32> to vector<16x256xf32>
    %slice3A_516 = vector.extract_strided_slice %dot_general3A_223 {offsets = [64, 0], sizes = [16, 256], strides = [1, 1]} : vector<256x256xf32> to vector<16x256xf32>
    %slice3A_517 = vector.extract_strided_slice %dot_general3A_236 {offsets = [64, 0], sizes = [16, 256], strides = [1, 1]} : vector<256x256xf32> to vector<16x256xf32>
    %slice3A_518 = vector.extract_strided_slice %dot_general3A_249 {offsets = [64, 0], sizes = [16, 256], strides = [1, 1]} : vector<256x256xf32> to vector<16x256xf32>
    %slice3A_519 = vector.extract_strided_slice %dot_general3A_262 {offsets = [64, 0], sizes = [16, 256], strides = [1, 1]} : vector<256x256xf32> to vector<16x256xf32>
    %slice3A_520 = vector.extract_strided_slice %dot_general3A_275 {offsets = [64, 0], sizes = [16, 256], strides = [1, 1]} : vector<256x256xf32> to vector<16x256xf32>
    %slice3A_521 = vector.extract_strided_slice %dot_general3A_288 {offsets = [64, 0], sizes = [16, 256], strides = [1, 1]} : vector<256x256xf32> to vector<16x256xf32>
    %slice3A_522 = vector.extract_strided_slice %dot_general3A_301 {offsets = [64, 0], sizes = [16, 256], strides = [1, 1]} : vector<256x256xf32> to vector<16x256xf32>
    %concatenate3A_523 = tpu.concatenate %slice3A_507, %slice3A_508, %slice3A_509, %slice3A_510, %slice3A_511, %slice3A_512, %slice3A_513, %slice3A_514, %slice3A_515, %slice3A_516, %slice3A_517, %slice3A_518, %slice3A_519, %slice3A_520, %slice3A_521, %slice3A_522 in 0 : vector<16x256xf32>, vector<16x256xf32>, vector<16x256xf32>, vector<16x256xf32>, vector<16x256xf32>, vector<16x256xf32>, vector<16x256xf32>, vector<16x256xf32>, vector<16x256xf32>, vector<16x256xf32>, vector<16x256xf32>, vector<16x256xf32>, vector<16x256xf32>, vector<16x256xf32>, vector<16x256xf32>, vector<16x256xf32> -> vector<256x256xf32>
    %slice3A_524 = vector.extract_strided_slice %dot_general3A_109 {offsets = [64, 0], sizes = [16, 32], strides = [1, 1]} : vector<256x32xf32> to vector<16x32xf32>
    %slice3A_525 = vector.extract_strided_slice %dot_general3A_122 {offsets = [64, 0], sizes = [16, 32], strides = [1, 1]} : vector<256x32xf32> to vector<16x32xf32>
    %slice3A_526 = vector.extract_strided_slice %dot_general3A_135 {offsets = [64, 0], sizes = [16, 32], strides = [1, 1]} : vector<256x32xf32> to vector<16x32xf32>
    %slice3A_527 = vector.extract_strided_slice %dot_general3A_148 {offsets = [64, 0], sizes = [16, 32], strides = [1, 1]} : vector<256x32xf32> to vector<16x32xf32>
    %slice3A_528 = vector.extract_strided_slice %dot_general3A_161 {offsets = [64, 0], sizes = [16, 32], strides = [1, 1]} : vector<256x32xf32> to vector<16x32xf32>
    %slice3A_529 = vector.extract_strided_slice %dot_general3A_174 {offsets = [64, 0], sizes = [16, 32], strides = [1, 1]} : vector<256x32xf32> to vector<16x32xf32>
    %slice3A_530 = vector.extract_strided_slice %dot_general3A_187 {offsets = [64, 0], sizes = [16, 32], strides = [1, 1]} : vector<256x32xf32> to vector<16x32xf32>
    %slice3A_531 = vector.extract_strided_slice %dot_general3A_200 {offsets = [64, 0], sizes = [16, 32], strides = [1, 1]} : vector<256x32xf32> to vector<16x32xf32>
    %slice3A_532 = vector.extract_strided_slice %dot_general3A_213 {offsets = [64, 0], sizes = [16, 32], strides = [1, 1]} : vector<256x32xf32> to vector<16x32xf32>
    %slice3A_533 = vector.extract_strided_slice %dot_general3A_226 {offsets = [64, 0], sizes = [16, 32], strides = [1, 1]} : vector<256x32xf32> to vector<16x32xf32>
    %slice3A_534 = vector.extract_strided_slice %dot_general3A_239 {offsets = [64, 0], sizes = [16, 32], strides = [1, 1]} : vector<256x32xf32> to vector<16x32xf32>
    %slice3A_535 = vector.extract_strided_slice %dot_general3A_252 {offsets = [64, 0], sizes = [16, 32], strides = [1, 1]} : vector<256x32xf32> to vector<16x32xf32>
    %slice3A_536 = vector.extract_strided_slice %dot_general3A_265 {offsets = [64, 0], sizes = [16, 32], strides = [1, 1]} : vector<256x32xf32> to vector<16x32xf32>
    %slice3A_537 = vector.extract_strided_slice %dot_general3A_278 {offsets = [64, 0], sizes = [16, 32], strides = [1, 1]} : vector<256x32xf32> to vector<16x32xf32>
    %slice3A_538 = vector.extract_strided_slice %dot_general3A_291 {offsets = [64, 0], sizes = [16, 32], strides = [1, 1]} : vector<256x32xf32> to vector<16x32xf32>
    %slice3A_539 = vector.extract_strided_slice %dot_general3A_304 {offsets = [64, 0], sizes = [16, 32], strides = [1, 1]} : vector<256x32xf32> to vector<16x32xf32>
    %concatenate3A_540 = tpu.concatenate %slice3A_524, %slice3A_525, %slice3A_526, %slice3A_527, %slice3A_528, %slice3A_529, %slice3A_530, %slice3A_531, %slice3A_532, %slice3A_533, %slice3A_534, %slice3A_535, %slice3A_536, %slice3A_537, %slice3A_538, %slice3A_539 in 0 : vector<16x32xf32>, vector<16x32xf32>, vector<16x32xf32>, vector<16x32xf32>, vector<16x32xf32>, vector<16x32xf32>, vector<16x32xf32>, vector<16x32xf32>, vector<16x32xf32>, vector<16x32xf32>, vector<16x32xf32>, vector<16x32xf32>, vector<16x32xf32>, vector<16x32xf32>, vector<16x32xf32>, vector<16x32xf32> -> vector<256x32xf32>
    %get3A_541 = arith.constant 4 : index
    %get3A_542 = arith.constant 0 : index
    %get3A_543 = arith.constant 0 : index
    %get3A_544 = vector.load %arg14[%get3A_541, %get3A_542, %get3A_543] : memref<16x256x256xf32, #tpu.memory_space<vmem>>, vector<1x256x256xf32>
    %get3A_545 = vector.shape_cast %get3A_544 : vector<1x256x256xf32> to vector<256x256xf32>
    %dot_general3A_546 = arith.constant dense<0.000000e+00> : vector<256x256xf32>
    %dot_general3A_547 = tpu.matmul %concatenate3A_523, %get3A_545, %dot_general3A_546 {dimension_numbers = #tpu.dot_dimension_numbers<[1], [0], [0], [1], [0, 0, 1, 1], [], []>, transpose_lhs_hint = false} : vector<256x256xf32>, vector<256x256xf32>, vector<256x256xf32> -> vector<256x256xf32>
    %add3A_548 = arith.addf %add3A_506, %dot_general3A_547 : vector<256x256xf32>
    %get3A_549 = arith.constant 4 : index
    %get3A_550 = arith.constant 0 : index
    %get3A_551 = arith.constant 0 : index
    %get3A_552 = vector.load %arg15[%get3A_549, %get3A_550, %get3A_551] : memref<16x32x256xf32, #tpu.memory_space<vmem>>, vector<1x32x256xf32>
    %get3A_553 = vector.shape_cast %get3A_552 : vector<1x32x256xf32> to vector<32x256xf32>
    %dot_general3A_554 = arith.constant dense<0.000000e+00> : vector<256x256xf32>
    %dot_general3A_555 = tpu.matmul %concatenate3A_540, %get3A_553, %dot_general3A_554 {dimension_numbers = #tpu.dot_dimension_numbers<[1], [0], [0], [1], [0, 0, 1, 1], [], []>, transpose_lhs_hint = false} : vector<256x32xf32>, vector<32x256xf32>, vector<256x256xf32> -> vector<256x256xf32>
    %add3A_556 = arith.addf %add3A_548, %dot_general3A_555 : vector<256x256xf32>
    %slice3A_557 = vector.extract_strided_slice %dot_general3A_106 {offsets = [80, 0], sizes = [16, 256], strides = [1, 1]} : vector<256x256xf32> to vector<16x256xf32>
    %slice3A_558 = vector.extract_strided_slice %dot_general3A_119 {offsets = [80, 0], sizes = [16, 256], strides = [1, 1]} : vector<256x256xf32> to vector<16x256xf32>
    %slice3A_559 = vector.extract_strided_slice %dot_general3A_132 {offsets = [80, 0], sizes = [16, 256], strides = [1, 1]} : vector<256x256xf32> to vector<16x256xf32>
    %slice3A_560 = vector.extract_strided_slice %dot_general3A_145 {offsets = [80, 0], sizes = [16, 256], strides = [1, 1]} : vector<256x256xf32> to vector<16x256xf32>
    %slice3A_561 = vector.extract_strided_slice %dot_general3A_158 {offsets = [80, 0], sizes = [16, 256], strides = [1, 1]} : vector<256x256xf32> to vector<16x256xf32>
    %slice3A_562 = vector.extract_strided_slice %dot_general3A_171 {offsets = [80, 0], sizes = [16, 256], strides = [1, 1]} : vector<256x256xf32> to vector<16x256xf32>
    %slice3A_563 = vector.extract_strided_slice %dot_general3A_184 {offsets = [80, 0], sizes = [16, 256], strides = [1, 1]} : vector<256x256xf32> to vector<16x256xf32>
    %slice3A_564 = vector.extract_strided_slice %dot_general3A_197 {offsets = [80, 0], sizes = [16, 256], strides = [1, 1]} : vector<256x256xf32> to vector<16x256xf32>
    %slice3A_565 = vector.extract_strided_slice %dot_general3A_210 {offsets = [80, 0], sizes = [16, 256], strides = [1, 1]} : vector<256x256xf32> to vector<16x256xf32>
    %slice3A_566 = vector.extract_strided_slice %dot_general3A_223 {offsets = [80, 0], sizes = [16, 256], strides = [1, 1]} : vector<256x256xf32> to vector<16x256xf32>
    %slice3A_567 = vector.extract_strided_slice %dot_general3A_236 {offsets = [80, 0], sizes = [16, 256], strides = [1, 1]} : vector<256x256xf32> to vector<16x256xf32>
    %slice3A_568 = vector.extract_strided_slice %dot_general3A_249 {offsets = [80, 0], sizes = [16, 256], strides = [1, 1]} : vector<256x256xf32> to vector<16x256xf32>
    %slice3A_569 = vector.extract_strided_slice %dot_general3A_262 {offsets = [80, 0], sizes = [16, 256], strides = [1, 1]} : vector<256x256xf32> to vector<16x256xf32>
    %slice3A_570 = vector.extract_strided_slice %dot_general3A_275 {offsets = [80, 0], sizes = [16, 256], strides = [1, 1]} : vector<256x256xf32> to vector<16x256xf32>
    %slice3A_571 = vector.extract_strided_slice %dot_general3A_288 {offsets = [80, 0], sizes = [16, 256], strides = [1, 1]} : vector<256x256xf32> to vector<16x256xf32>
    %slice3A_572 = vector.extract_strided_slice %dot_general3A_301 {offsets = [80, 0], sizes = [16, 256], strides = [1, 1]} : vector<256x256xf32> to vector<16x256xf32>
    %concatenate3A_573 = tpu.concatenate %slice3A_557, %slice3A_558, %slice3A_559, %slice3A_560, %slice3A_561, %slice3A_562, %slice3A_563, %slice3A_564, %slice3A_565, %slice3A_566, %slice3A_567, %slice3A_568, %slice3A_569, %slice3A_570, %slice3A_571, %slice3A_572 in 0 : vector<16x256xf32>, vector<16x256xf32>, vector<16x256xf32>, vector<16x256xf32>, vector<16x256xf32>, vector<16x256xf32>, vector<16x256xf32>, vector<16x256xf32>, vector<16x256xf32>, vector<16x256xf32>, vector<16x256xf32>, vector<16x256xf32>, vector<16x256xf32>, vector<16x256xf32>, vector<16x256xf32>, vector<16x256xf32> -> vector<256x256xf32>
    %slice3A_574 = vector.extract_strided_slice %dot_general3A_109 {offsets = [80, 0], sizes = [16, 32], strides = [1, 1]} : vector<256x32xf32> to vector<16x32xf32>
    %slice3A_575 = vector.extract_strided_slice %dot_general3A_122 {offsets = [80, 0], sizes = [16, 32], strides = [1, 1]} : vector<256x32xf32> to vector<16x32xf32>
    %slice3A_576 = vector.extract_strided_slice %dot_general3A_135 {offsets = [80, 0], sizes = [16, 32], strides = [1, 1]} : vector<256x32xf32> to vector<16x32xf32>
    %slice3A_577 = vector.extract_strided_slice %dot_general3A_148 {offsets = [80, 0], sizes = [16, 32], strides = [1, 1]} : vector<256x32xf32> to vector<16x32xf32>
    %slice3A_578 = vector.extract_strided_slice %dot_general3A_161 {offsets = [80, 0], sizes = [16, 32], strides = [1, 1]} : vector<256x32xf32> to vector<16x32xf32>
    %slice3A_579 = vector.extract_strided_slice %dot_general3A_174 {offsets = [80, 0], sizes = [16, 32], strides = [1, 1]} : vector<256x32xf32> to vector<16x32xf32>
    %slice3A_580 = vector.extract_strided_slice %dot_general3A_187 {offsets = [80, 0], sizes = [16, 32], strides = [1, 1]} : vector<256x32xf32> to vector<16x32xf32>
    %slice3A_581 = vector.extract_strided_slice %dot_general3A_200 {offsets = [80, 0], sizes = [16, 32], strides = [1, 1]} : vector<256x32xf32> to vector<16x32xf32>
    %slice3A_582 = vector.extract_strided_slice %dot_general3A_213 {offsets = [80, 0], sizes = [16, 32], strides = [1, 1]} : vector<256x32xf32> to vector<16x32xf32>
    %slice3A_583 = vector.extract_strided_slice %dot_general3A_226 {offsets = [80, 0], sizes = [16, 32], strides = [1, 1]} : vector<256x32xf32> to vector<16x32xf32>
    %slice3A_584 = vector.extract_strided_slice %dot_general3A_239 {offsets = [80, 0], sizes = [16, 32], strides = [1, 1]} : vector<256x32xf32> to vector<16x32xf32>
    %slice3A_585 = vector.extract_strided_slice %dot_general3A_252 {offsets = [80, 0], sizes = [16, 32], strides = [1, 1]} : vector<256x32xf32> to vector<16x32xf32>
    %slice3A_586 = vector.extract_strided_slice %dot_general3A_265 {offsets = [80, 0], sizes = [16, 32], strides = [1, 1]} : vector<256x32xf32> to vector<16x32xf32>
    %slice3A_587 = vector.extract_strided_slice %dot_general3A_278 {offsets = [80, 0], sizes = [16, 32], strides = [1, 1]} : vector<256x32xf32> to vector<16x32xf32>
    %slice3A_588 = vector.extract_strided_slice %dot_general3A_291 {offsets = [80, 0], sizes = [16, 32], strides = [1, 1]} : vector<256x32xf32> to vector<16x32xf32>
    %slice3A_589 = vector.extract_strided_slice %dot_general3A_304 {offsets = [80, 0], sizes = [16, 32], strides = [1, 1]} : vector<256x32xf32> to vector<16x32xf32>
    %concatenate3A_590 = tpu.concatenate %slice3A_574, %slice3A_575, %slice3A_576, %slice3A_577, %slice3A_578, %slice3A_579, %slice3A_580, %slice3A_581, %slice3A_582, %slice3A_583, %slice3A_584, %slice3A_585, %slice3A_586, %slice3A_587, %slice3A_588, %slice3A_589 in 0 : vector<16x32xf32>, vector<16x32xf32>, vector<16x32xf32>, vector<16x32xf32>, vector<16x32xf32>, vector<16x32xf32>, vector<16x32xf32>, vector<16x32xf32>, vector<16x32xf32>, vector<16x32xf32>, vector<16x32xf32>, vector<16x32xf32>, vector<16x32xf32>, vector<16x32xf32>, vector<16x32xf32>, vector<16x32xf32> -> vector<256x32xf32>
    %get3A_591 = arith.constant 5 : index
    %get3A_592 = arith.constant 0 : index
    %get3A_593 = arith.constant 0 : index
    %get3A_594 = vector.load %arg14[%get3A_591, %get3A_592, %get3A_593] : memref<16x256x256xf32, #tpu.memory_space<vmem>>, vector<1x256x256xf32>
    %get3A_595 = vector.shape_cast %get3A_594 : vector<1x256x256xf32> to vector<256x256xf32>
    %dot_general3A_596 = arith.constant dense<0.000000e+00> : vector<256x256xf32>
    %dot_general3A_597 = tpu.matmul %concatenate3A_573, %get3A_595, %dot_general3A_596 {dimension_numbers = #tpu.dot_dimension_numbers<[1], [0], [0], [1], [0, 0, 1, 1], [], []>, transpose_lhs_hint = false} : vector<256x256xf32>, vector<256x256xf32>, vector<256x256xf32> -> vector<256x256xf32>
    %add3A_598 = arith.addf %add3A_556, %dot_general3A_597 : vector<256x256xf32>
    %get3A_599 = arith.constant 5 : index
    %get3A_600 = arith.constant 0 : index
    %get3A_601 = arith.constant 0 : index
    %get3A_602 = vector.load %arg15[%get3A_599, %get3A_600, %get3A_601] : memref<16x32x256xf32, #tpu.memory_space<vmem>>, vector<1x32x256xf32>
    %get3A_603 = vector.shape_cast %get3A_602 : vector<1x32x256xf32> to vector<32x256xf32>
    %dot_general3A_604 = arith.constant dense<0.000000e+00> : vector<256x256xf32>
    %dot_general3A_605 = tpu.matmul %concatenate3A_590, %get3A_603, %dot_general3A_604 {dimension_numbers = #tpu.dot_dimension_numbers<[1], [0], [0], [1], [0, 0, 1, 1], [], []>, transpose_lhs_hint = false} : vector<256x32xf32>, vector<32x256xf32>, vector<256x256xf32> -> vector<256x256xf32>
    %add3A_606 = arith.addf %add3A_598, %dot_general3A_605 : vector<256x256xf32>
    %slice3A_607 = vector.extract_strided_slice %dot_general3A_106 {offsets = [96, 0], sizes = [16, 256], strides = [1, 1]} : vector<256x256xf32> to vector<16x256xf32>
    %slice3A_608 = vector.extract_strided_slice %dot_general3A_119 {offsets = [96, 0], sizes = [16, 256], strides = [1, 1]} : vector<256x256xf32> to vector<16x256xf32>
    %slice3A_609 = vector.extract_strided_slice %dot_general3A_132 {offsets = [96, 0], sizes = [16, 256], strides = [1, 1]} : vector<256x256xf32> to vector<16x256xf32>
    %slice3A_610 = vector.extract_strided_slice %dot_general3A_145 {offsets = [96, 0], sizes = [16, 256], strides = [1, 1]} : vector<256x256xf32> to vector<16x256xf32>
    %slice3A_611 = vector.extract_strided_slice %dot_general3A_158 {offsets = [96, 0], sizes = [16, 256], strides = [1, 1]} : vector<256x256xf32> to vector<16x256xf32>
    %slice3A_612 = vector.extract_strided_slice %dot_general3A_171 {offsets = [96, 0], sizes = [16, 256], strides = [1, 1]} : vector<256x256xf32> to vector<16x256xf32>
    %slice3A_613 = vector.extract_strided_slice %dot_general3A_184 {offsets = [96, 0], sizes = [16, 256], strides = [1, 1]} : vector<256x256xf32> to vector<16x256xf32>
    %slice3A_614 = vector.extract_strided_slice %dot_general3A_197 {offsets = [96, 0], sizes = [16, 256], strides = [1, 1]} : vector<256x256xf32> to vector<16x256xf32>
    %slice3A_615 = vector.extract_strided_slice %dot_general3A_210 {offsets = [96, 0], sizes = [16, 256], strides = [1, 1]} : vector<256x256xf32> to vector<16x256xf32>
    %slice3A_616 = vector.extract_strided_slice %dot_general3A_223 {offsets = [96, 0], sizes = [16, 256], strides = [1, 1]} : vector<256x256xf32> to vector<16x256xf32>
    %slice3A_617 = vector.extract_strided_slice %dot_general3A_236 {offsets = [96, 0], sizes = [16, 256], strides = [1, 1]} : vector<256x256xf32> to vector<16x256xf32>
    %slice3A_618 = vector.extract_strided_slice %dot_general3A_249 {offsets = [96, 0], sizes = [16, 256], strides = [1, 1]} : vector<256x256xf32> to vector<16x256xf32>
    %slice3A_619 = vector.extract_strided_slice %dot_general3A_262 {offsets = [96, 0], sizes = [16, 256], strides = [1, 1]} : vector<256x256xf32> to vector<16x256xf32>
    %slice3A_620 = vector.extract_strided_slice %dot_general3A_275 {offsets = [96, 0], sizes = [16, 256], strides = [1, 1]} : vector<256x256xf32> to vector<16x256xf32>
    %slice3A_621 = vector.extract_strided_slice %dot_general3A_288 {offsets = [96, 0], sizes = [16, 256], strides = [1, 1]} : vector<256x256xf32> to vector<16x256xf32>
    %slice3A_622 = vector.extract_strided_slice %dot_general3A_301 {offsets = [96, 0], sizes = [16, 256], strides = [1, 1]} : vector<256x256xf32> to vector<16x256xf32>
    %concatenate3A_623 = tpu.concatenate %slice3A_607, %slice3A_608, %slice3A_609, %slice3A_610, %slice3A_611, %slice3A_612, %slice3A_613, %slice3A_614, %slice3A_615, %slice3A_616, %slice3A_617, %slice3A_618, %slice3A_619, %slice3A_620, %slice3A_621, %slice3A_622 in 0 : vector<16x256xf32>, vector<16x256xf32>, vector<16x256xf32>, vector<16x256xf32>, vector<16x256xf32>, vector<16x256xf32>, vector<16x256xf32>, vector<16x256xf32>, vector<16x256xf32>, vector<16x256xf32>, vector<16x256xf32>, vector<16x256xf32>, vector<16x256xf32>, vector<16x256xf32>, vector<16x256xf32>, vector<16x256xf32> -> vector<256x256xf32>
    %slice3A_624 = vector.extract_strided_slice %dot_general3A_109 {offsets = [96, 0], sizes = [16, 32], strides = [1, 1]} : vector<256x32xf32> to vector<16x32xf32>
    %slice3A_625 = vector.extract_strided_slice %dot_general3A_122 {offsets = [96, 0], sizes = [16, 32], strides = [1, 1]} : vector<256x32xf32> to vector<16x32xf32>
    %slice3A_626 = vector.extract_strided_slice %dot_general3A_135 {offsets = [96, 0], sizes = [16, 32], strides = [1, 1]} : vector<256x32xf32> to vector<16x32xf32>
    %slice3A_627 = vector.extract_strided_slice %dot_general3A_148 {offsets = [96, 0], sizes = [16, 32], strides = [1, 1]} : vector<256x32xf32> to vector<16x32xf32>
    %slice3A_628 = vector.extract_strided_slice %dot_general3A_161 {offsets = [96, 0], sizes = [16, 32], strides = [1, 1]} : vector<256x32xf32> to vector<16x32xf32>
    %slice3A_629 = vector.extract_strided_slice %dot_general3A_174 {offsets = [96, 0], sizes = [16, 32], strides = [1, 1]} : vector<256x32xf32> to vector<16x32xf32>
    %slice3A_630 = vector.extract_strided_slice %dot_general3A_187 {offsets = [96, 0], sizes = [16, 32], strides = [1, 1]} : vector<256x32xf32> to vector<16x32xf32>
    %slice3A_631 = vector.extract_strided_slice %dot_general3A_200 {offsets = [96, 0], sizes = [16, 32], strides = [1, 1]} : vector<256x32xf32> to vector<16x32xf32>
    %slice3A_632 = vector.extract_strided_slice %dot_general3A_213 {offsets = [96, 0], sizes = [16, 32], strides = [1, 1]} : vector<256x32xf32> to vector<16x32xf32>
    %slice3A_633 = vector.extract_strided_slice %dot_general3A_226 {offsets = [96, 0], sizes = [16, 32], strides = [1, 1]} : vector<256x32xf32> to vector<16x32xf32>
    %slice3A_634 = vector.extract_strided_slice %dot_general3A_239 {offsets = [96, 0], sizes = [16, 32], strides = [1, 1]} : vector<256x32xf32> to vector<16x32xf32>
    %slice3A_635 = vector.extract_strided_slice %dot_general3A_252 {offsets = [96, 0], sizes = [16, 32], strides = [1, 1]} : vector<256x32xf32> to vector<16x32xf32>
    %slice3A_636 = vector.extract_strided_slice %dot_general3A_265 {offsets = [96, 0], sizes = [16, 32], strides = [1, 1]} : vector<256x32xf32> to vector<16x32xf32>
    %slice3A_637 = vector.extract_strided_slice %dot_general3A_278 {offsets = [96, 0], sizes = [16, 32], strides = [1, 1]} : vector<256x32xf32> to vector<16x32xf32>
    %slice3A_638 = vector.extract_strided_slice %dot_general3A_291 {offsets = [96, 0], sizes = [16, 32], strides = [1, 1]} : vector<256x32xf32> to vector<16x32xf32>
    %slice3A_639 = vector.extract_strided_slice %dot_general3A_304 {offsets = [96, 0], sizes = [16, 32], strides = [1, 1]} : vector<256x32xf32> to vector<16x32xf32>
    %concatenate3A_640 = tpu.concatenate %slice3A_624, %slice3A_625, %slice3A_626, %slice3A_627, %slice3A_628, %slice3A_629, %slice3A_630, %slice3A_631, %slice3A_632, %slice3A_633, %slice3A_634, %slice3A_635, %slice3A_636, %slice3A_637, %slice3A_638, %slice3A_639 in 0 : vector<16x32xf32>, vector<16x32xf32>, vector<16x32xf32>, vector<16x32xf32>, vector<16x32xf32>, vector<16x32xf32>, vector<16x32xf32>, vector<16x32xf32>, vector<16x32xf32>, vector<16x32xf32>, vector<16x32xf32>, vector<16x32xf32>, vector<16x32xf32>, vector<16x32xf32>, vector<16x32xf32>, vector<16x32xf32> -> vector<256x32xf32>
    %get3A_641 = arith.constant 6 : index
    %get3A_642 = arith.constant 0 : index
    %get3A_643 = arith.constant 0 : index
    %get3A_644 = vector.load %arg14[%get3A_641, %get3A_642, %get3A_643] : memref<16x256x256xf32, #tpu.memory_space<vmem>>, vector<1x256x256xf32>
    %get3A_645 = vector.shape_cast %get3A_644 : vector<1x256x256xf32> to vector<256x256xf32>
    %dot_general3A_646 = arith.constant dense<0.000000e+00> : vector<256x256xf32>
    %dot_general3A_647 = tpu.matmul %concatenate3A_623, %get3A_645, %dot_general3A_646 {dimension_numbers = #tpu.dot_dimension_numbers<[1], [0], [0], [1], [0, 0, 1, 1], [], []>, transpose_lhs_hint = false} : vector<256x256xf32>, vector<256x256xf32>, vector<256x256xf32> -> vector<256x256xf32>
    %add3A_648 = arith.addf %add3A_606, %dot_general3A_647 : vector<256x256xf32>
    %get3A_649 = arith.constant 6 : index
    %get3A_650 = arith.constant 0 : index
    %get3A_651 = arith.constant 0 : index
    %get3A_652 = vector.load %arg15[%get3A_649, %get3A_650, %get3A_651] : memref<16x32x256xf32, #tpu.memory_space<vmem>>, vector<1x32x256xf32>
    %get3A_653 = vector.shape_cast %get3A_652 : vector<1x32x256xf32> to vector<32x256xf32>
    %dot_general3A_654 = arith.constant dense<0.000000e+00> : vector<256x256xf32>
    %dot_general3A_655 = tpu.matmul %concatenate3A_640, %get3A_653, %dot_general3A_654 {dimension_numbers = #tpu.dot_dimension_numbers<[1], [0], [0], [1], [0, 0, 1, 1], [], []>, transpose_lhs_hint = false} : vector<256x32xf32>, vector<32x256xf32>, vector<256x256xf32> -> vector<256x256xf32>
    %add3A_656 = arith.addf %add3A_648, %dot_general3A_655 : vector<256x256xf32>
    %slice3A_657 = vector.extract_strided_slice %dot_general3A_106 {offsets = [112, 0], sizes = [16, 256], strides = [1, 1]} : vector<256x256xf32> to vector<16x256xf32>
    %slice3A_658 = vector.extract_strided_slice %dot_general3A_119 {offsets = [112, 0], sizes = [16, 256], strides = [1, 1]} : vector<256x256xf32> to vector<16x256xf32>
    %slice3A_659 = vector.extract_strided_slice %dot_general3A_132 {offsets = [112, 0], sizes = [16, 256], strides = [1, 1]} : vector<256x256xf32> to vector<16x256xf32>
    %slice3A_660 = vector.extract_strided_slice %dot_general3A_145 {offsets = [112, 0], sizes = [16, 256], strides = [1, 1]} : vector<256x256xf32> to vector<16x256xf32>
    %slice3A_661 = vector.extract_strided_slice %dot_general3A_158 {offsets = [112, 0], sizes = [16, 256], strides = [1, 1]} : vector<256x256xf32> to vector<16x256xf32>
    %slice3A_662 = vector.extract_strided_slice %dot_general3A_171 {offsets = [112, 0], sizes = [16, 256], strides = [1, 1]} : vector<256x256xf32> to vector<16x256xf32>
    %slice3A_663 = vector.extract_strided_slice %dot_general3A_184 {offsets = [112, 0], sizes = [16, 256], strides = [1, 1]} : vector<256x256xf32> to vector<16x256xf32>
    %slice3A_664 = vector.extract_strided_slice %dot_general3A_197 {offsets = [112, 0], sizes = [16, 256], strides = [1, 1]} : vector<256x256xf32> to vector<16x256xf32>
    %slice3A_665 = vector.extract_strided_slice %dot_general3A_210 {offsets = [112, 0], sizes = [16, 256], strides = [1, 1]} : vector<256x256xf32> to vector<16x256xf32>
    %slice3A_666 = vector.extract_strided_slice %dot_general3A_223 {offsets = [112, 0], sizes = [16, 256], strides = [1, 1]} : vector<256x256xf32> to vector<16x256xf32>
    %slice3A_667 = vector.extract_strided_slice %dot_general3A_236 {offsets = [112, 0], sizes = [16, 256], strides = [1, 1]} : vector<256x256xf32> to vector<16x256xf32>
    %slice3A_668 = vector.extract_strided_slice %dot_general3A_249 {offsets = [112, 0], sizes = [16, 256], strides = [1, 1]} : vector<256x256xf32> to vector<16x256xf32>
    %slice3A_669 = vector.extract_strided_slice %dot_general3A_262 {offsets = [112, 0], sizes = [16, 256], strides = [1, 1]} : vector<256x256xf32> to vector<16x256xf32>
    %slice3A_670 = vector.extract_strided_slice %dot_general3A_275 {offsets = [112, 0], sizes = [16, 256], strides = [1, 1]} : vector<256x256xf32> to vector<16x256xf32>
    %slice3A_671 = vector.extract_strided_slice %dot_general3A_288 {offsets = [112, 0], sizes = [16, 256], strides = [1, 1]} : vector<256x256xf32> to vector<16x256xf32>
    %slice3A_672 = vector.extract_strided_slice %dot_general3A_301 {offsets = [112, 0], sizes = [16, 256], strides = [1, 1]} : vector<256x256xf32> to vector<16x256xf32>
    %concatenate3A_673 = tpu.concatenate %slice3A_657, %slice3A_658, %slice3A_659, %slice3A_660, %slice3A_661, %slice3A_662, %slice3A_663, %slice3A_664, %slice3A_665, %slice3A_666, %slice3A_667, %slice3A_668, %slice3A_669, %slice3A_670, %slice3A_671, %slice3A_672 in 0 : vector<16x256xf32>, vector<16x256xf32>, vector<16x256xf32>, vector<16x256xf32>, vector<16x256xf32>, vector<16x256xf32>, vector<16x256xf32>, vector<16x256xf32>, vector<16x256xf32>, vector<16x256xf32>, vector<16x256xf32>, vector<16x256xf32>, vector<16x256xf32>, vector<16x256xf32>, vector<16x256xf32>, vector<16x256xf32> -> vector<256x256xf32>
    %slice3A_674 = vector.extract_strided_slice %dot_general3A_109 {offsets = [112, 0], sizes = [16, 32], strides = [1, 1]} : vector<256x32xf32> to vector<16x32xf32>
    %slice3A_675 = vector.extract_strided_slice %dot_general3A_122 {offsets = [112, 0], sizes = [16, 32], strides = [1, 1]} : vector<256x32xf32> to vector<16x32xf32>
    %slice3A_676 = vector.extract_strided_slice %dot_general3A_135 {offsets = [112, 0], sizes = [16, 32], strides = [1, 1]} : vector<256x32xf32> to vector<16x32xf32>
    %slice3A_677 = vector.extract_strided_slice %dot_general3A_148 {offsets = [112, 0], sizes = [16, 32], strides = [1, 1]} : vector<256x32xf32> to vector<16x32xf32>
    %slice3A_678 = vector.extract_strided_slice %dot_general3A_161 {offsets = [112, 0], sizes = [16, 32], strides = [1, 1]} : vector<256x32xf32> to vector<16x32xf32>
    %slice3A_679 = vector.extract_strided_slice %dot_general3A_174 {offsets = [112, 0], sizes = [16, 32], strides = [1, 1]} : vector<256x32xf32> to vector<16x32xf32>
    %slice3A_680 = vector.extract_strided_slice %dot_general3A_187 {offsets = [112, 0], sizes = [16, 32], strides = [1, 1]} : vector<256x32xf32> to vector<16x32xf32>
    %slice3A_681 = vector.extract_strided_slice %dot_general3A_200 {offsets = [112, 0], sizes = [16, 32], strides = [1, 1]} : vector<256x32xf32> to vector<16x32xf32>
    %slice3A_682 = vector.extract_strided_slice %dot_general3A_213 {offsets = [112, 0], sizes = [16, 32], strides = [1, 1]} : vector<256x32xf32> to vector<16x32xf32>
    %slice3A_683 = vector.extract_strided_slice %dot_general3A_226 {offsets = [112, 0], sizes = [16, 32], strides = [1, 1]} : vector<256x32xf32> to vector<16x32xf32>
    %slice3A_684 = vector.extract_strided_slice %dot_general3A_239 {offsets = [112, 0], sizes = [16, 32], strides = [1, 1]} : vector<256x32xf32> to vector<16x32xf32>
    %slice3A_685 = vector.extract_strided_slice %dot_general3A_252 {offsets = [112, 0], sizes = [16, 32], strides = [1, 1]} : vector<256x32xf32> to vector<16x32xf32>
    %slice3A_686 = vector.extract_strided_slice %dot_general3A_265 {offsets = [112, 0], sizes = [16, 32], strides = [1, 1]} : vector<256x32xf32> to vector<16x32xf32>
    %slice3A_687 = vector.extract_strided_slice %dot_general3A_278 {offsets = [112, 0], sizes = [16, 32], strides = [1, 1]} : vector<256x32xf32> to vector<16x32xf32>
    %slice3A_688 = vector.extract_strided_slice %dot_general3A_291 {offsets = [112, 0], sizes = [16, 32], strides = [1, 1]} : vector<256x32xf32> to vector<16x32xf32>
    %slice3A_689 = vector.extract_strided_slice %dot_general3A_304 {offsets = [112, 0], sizes = [16, 32], strides = [1, 1]} : vector<256x32xf32> to vector<16x32xf32>
    %concatenate3A_690 = tpu.concatenate %slice3A_674, %slice3A_675, %slice3A_676, %slice3A_677, %slice3A_678, %slice3A_679, %slice3A_680, %slice3A_681, %slice3A_682, %slice3A_683, %slice3A_684, %slice3A_685, %slice3A_686, %slice3A_687, %slice3A_688, %slice3A_689 in 0 : vector<16x32xf32>, vector<16x32xf32>, vector<16x32xf32>, vector<16x32xf32>, vector<16x32xf32>, vector<16x32xf32>, vector<16x32xf32>, vector<16x32xf32>, vector<16x32xf32>, vector<16x32xf32>, vector<16x32xf32>, vector<16x32xf32>, vector<16x32xf32>, vector<16x32xf32>, vector<16x32xf32>, vector<16x32xf32> -> vector<256x32xf32>
    %get3A_691 = arith.constant 7 : index
    %get3A_692 = arith.constant 0 : index
    %get3A_693 = arith.constant 0 : index
    %get3A_694 = vector.load %arg14[%get3A_691, %get3A_692, %get3A_693] : memref<16x256x256xf32, #tpu.memory_space<vmem>>, vector<1x256x256xf32>
    %get3A_695 = vector.shape_cast %get3A_694 : vector<1x256x256xf32> to vector<256x256xf32>
    %dot_general3A_696 = arith.constant dense<0.000000e+00> : vector<256x256xf32>
    %dot_general3A_697 = tpu.matmul %concatenate3A_673, %get3A_695, %dot_general3A_696 {dimension_numbers = #tpu.dot_dimension_numbers<[1], [0], [0], [1], [0, 0, 1, 1], [], []>, transpose_lhs_hint = false} : vector<256x256xf32>, vector<256x256xf32>, vector<256x256xf32> -> vector<256x256xf32>
    %add3A_698 = arith.addf %add3A_656, %dot_general3A_697 : vector<256x256xf32>
    %get3A_699 = arith.constant 7 : index
    %get3A_700 = arith.constant 0 : index
    %get3A_701 = arith.constant 0 : index
    %get3A_702 = vector.load %arg15[%get3A_699, %get3A_700, %get3A_701] : memref<16x32x256xf32, #tpu.memory_space<vmem>>, vector<1x32x256xf32>
    %get3A_703 = vector.shape_cast %get3A_702 : vector<1x32x256xf32> to vector<32x256xf32>
    %dot_general3A_704 = arith.constant dense<0.000000e+00> : vector<256x256xf32>
    %dot_general3A_705 = tpu.matmul %concatenate3A_690, %get3A_703, %dot_general3A_704 {dimension_numbers = #tpu.dot_dimension_numbers<[1], [0], [0], [1], [0, 0, 1, 1], [], []>, transpose_lhs_hint = false} : vector<256x32xf32>, vector<32x256xf32>, vector<256x256xf32> -> vector<256x256xf32>
    %add3A_706 = arith.addf %add3A_698, %dot_general3A_705 : vector<256x256xf32>
    %slice3A_707 = vector.extract_strided_slice %dot_general3A_106 {offsets = [128, 0], sizes = [16, 256], strides = [1, 1]} : vector<256x256xf32> to vector<16x256xf32>
    %slice3A_708 = vector.extract_strided_slice %dot_general3A_119 {offsets = [128, 0], sizes = [16, 256], strides = [1, 1]} : vector<256x256xf32> to vector<16x256xf32>
    %slice3A_709 = vector.extract_strided_slice %dot_general3A_132 {offsets = [128, 0], sizes = [16, 256], strides = [1, 1]} : vector<256x256xf32> to vector<16x256xf32>
    %slice3A_710 = vector.extract_strided_slice %dot_general3A_145 {offsets = [128, 0], sizes = [16, 256], strides = [1, 1]} : vector<256x256xf32> to vector<16x256xf32>
    %slice3A_711 = vector.extract_strided_slice %dot_general3A_158 {offsets = [128, 0], sizes = [16, 256], strides = [1, 1]} : vector<256x256xf32> to vector<16x256xf32>
    %slice3A_712 = vector.extract_strided_slice %dot_general3A_171 {offsets = [128, 0], sizes = [16, 256], strides = [1, 1]} : vector<256x256xf32> to vector<16x256xf32>
    %slice3A_713 = vector.extract_strided_slice %dot_general3A_184 {offsets = [128, 0], sizes = [16, 256], strides = [1, 1]} : vector<256x256xf32> to vector<16x256xf32>
    %slice3A_714 = vector.extract_strided_slice %dot_general3A_197 {offsets = [128, 0], sizes = [16, 256], strides = [1, 1]} : vector<256x256xf32> to vector<16x256xf32>
    %slice3A_715 = vector.extract_strided_slice %dot_general3A_210 {offsets = [128, 0], sizes = [16, 256], strides = [1, 1]} : vector<256x256xf32> to vector<16x256xf32>
    %slice3A_716 = vector.extract_strided_slice %dot_general3A_223 {offsets = [128, 0], sizes = [16, 256], strides = [1, 1]} : vector<256x256xf32> to vector<16x256xf32>
    %slice3A_717 = vector.extract_strided_slice %dot_general3A_236 {offsets = [128, 0], sizes = [16, 256], strides = [1, 1]} : vector<256x256xf32> to vector<16x256xf32>
    %slice3A_718 = vector.extract_strided_slice %dot_general3A_249 {offsets = [128, 0], sizes = [16, 256], strides = [1, 1]} : vector<256x256xf32> to vector<16x256xf32>
    %slice3A_719 = vector.extract_strided_slice %dot_general3A_262 {offsets = [128, 0], sizes = [16, 256], strides = [1, 1]} : vector<256x256xf32> to vector<16x256xf32>
    %slice3A_720 = vector.extract_strided_slice %dot_general3A_275 {offsets = [128, 0], sizes = [16, 256], strides = [1, 1]} : vector<256x256xf32> to vector<16x256xf32>
    %slice3A_721 = vector.extract_strided_slice %dot_general3A_288 {offsets = [128, 0], sizes = [16, 256], strides = [1, 1]} : vector<256x256xf32> to vector<16x256xf32>
    %slice3A_722 = vector.extract_strided_slice %dot_general3A_301 {offsets = [128, 0], sizes = [16, 256], strides = [1, 1]} : vector<256x256xf32> to vector<16x256xf32>
    %concatenate3A_723 = tpu.concatenate %slice3A_707, %slice3A_708, %slice3A_709, %slice3A_710, %slice3A_711, %slice3A_712, %slice3A_713, %slice3A_714, %slice3A_715, %slice3A_716, %slice3A_717, %slice3A_718, %slice3A_719, %slice3A_720, %slice3A_721, %slice3A_722 in 0 : vector<16x256xf32>, vector<16x256xf32>, vector<16x256xf32>, vector<16x256xf32>, vector<16x256xf32>, vector<16x256xf32>, vector<16x256xf32>, vector<16x256xf32>, vector<16x256xf32>, vector<16x256xf32>, vector<16x256xf32>, vector<16x256xf32>, vector<16x256xf32>, vector<16x256xf32>, vector<16x256xf32>, vector<16x256xf32> -> vector<256x256xf32>
    %slice3A_724 = vector.extract_strided_slice %dot_general3A_109 {offsets = [128, 0], sizes = [16, 32], strides = [1, 1]} : vector<256x32xf32> to vector<16x32xf32>
    %slice3A_725 = vector.extract_strided_slice %dot_general3A_122 {offsets = [128, 0], sizes = [16, 32], strides = [1, 1]} : vector<256x32xf32> to vector<16x32xf32>
    %slice3A_726 = vector.extract_strided_slice %dot_general3A_135 {offsets = [128, 0], sizes = [16, 32], strides = [1, 1]} : vector<256x32xf32> to vector<16x32xf32>
    %slice3A_727 = vector.extract_strided_slice %dot_general3A_148 {offsets = [128, 0], sizes = [16, 32], strides = [1, 1]} : vector<256x32xf32> to vector<16x32xf32>
    %slice3A_728 = vector.extract_strided_slice %dot_general3A_161 {offsets = [128, 0], sizes = [16, 32], strides = [1, 1]} : vector<256x32xf32> to vector<16x32xf32>
    %slice3A_729 = vector.extract_strided_slice %dot_general3A_174 {offsets = [128, 0], sizes = [16, 32], strides = [1, 1]} : vector<256x32xf32> to vector<16x32xf32>
    %slice3A_730 = vector.extract_strided_slice %dot_general3A_187 {offsets = [128, 0], sizes = [16, 32], strides = [1, 1]} : vector<256x32xf32> to vector<16x32xf32>
    %slice3A_731 = vector.extract_strided_slice %dot_general3A_200 {offsets = [128, 0], sizes = [16, 32], strides = [1, 1]} : vector<256x32xf32> to vector<16x32xf32>
    %slice3A_732 = vector.extract_strided_slice %dot_general3A_213 {offsets = [128, 0], sizes = [16, 32], strides = [1, 1]} : vector<256x32xf32> to vector<16x32xf32>
    %slice3A_733 = vector.extract_strided_slice %dot_general3A_226 {offsets = [128, 0], sizes = [16, 32], strides = [1, 1]} : vector<256x32xf32> to vector<16x32xf32>
    %slice3A_734 = vector.extract_strided_slice %dot_general3A_239 {offsets = [128, 0], sizes = [16, 32], strides = [1, 1]} : vector<256x32xf32> to vector<16x32xf32>
    %slice3A_735 = vector.extract_strided_slice %dot_general3A_252 {offsets = [128, 0], sizes = [16, 32], strides = [1, 1]} : vector<256x32xf32> to vector<16x32xf32>
    %slice3A_736 = vector.extract_strided_slice %dot_general3A_265 {offsets = [128, 0], sizes = [16, 32], strides = [1, 1]} : vector<256x32xf32> to vector<16x32xf32>
    %slice3A_737 = vector.extract_strided_slice %dot_general3A_278 {offsets = [128, 0], sizes = [16, 32], strides = [1, 1]} : vector<256x32xf32> to vector<16x32xf32>
    %slice3A_738 = vector.extract_strided_slice %dot_general3A_291 {offsets = [128, 0], sizes = [16, 32], strides = [1, 1]} : vector<256x32xf32> to vector<16x32xf32>
    %slice3A_739 = vector.extract_strided_slice %dot_general3A_304 {offsets = [128, 0], sizes = [16, 32], strides = [1, 1]} : vector<256x32xf32> to vector<16x32xf32>
    %concatenate3A_740 = tpu.concatenate %slice3A_724, %slice3A_725, %slice3A_726, %slice3A_727, %slice3A_728, %slice3A_729, %slice3A_730, %slice3A_731, %slice3A_732, %slice3A_733, %slice3A_734, %slice3A_735, %slice3A_736, %slice3A_737, %slice3A_738, %slice3A_739 in 0 : vector<16x32xf32>, vector<16x32xf32>, vector<16x32xf32>, vector<16x32xf32>, vector<16x32xf32>, vector<16x32xf32>, vector<16x32xf32>, vector<16x32xf32>, vector<16x32xf32>, vector<16x32xf32>, vector<16x32xf32>, vector<16x32xf32>, vector<16x32xf32>, vector<16x32xf32>, vector<16x32xf32>, vector<16x32xf32> -> vector<256x32xf32>
    %get3A_741 = arith.constant 8 : index
    %get3A_742 = arith.constant 0 : index
    %get3A_743 = arith.constant 0 : index
    %get3A_744 = vector.load %arg14[%get3A_741, %get3A_742, %get3A_743] : memref<16x256x256xf32, #tpu.memory_space<vmem>>, vector<1x256x256xf32>
    %get3A_745 = vector.shape_cast %get3A_744 : vector<1x256x256xf32> to vector<256x256xf32>
    %dot_general3A_746 = arith.constant dense<0.000000e+00> : vector<256x256xf32>
    %dot_general3A_747 = tpu.matmul %concatenate3A_723, %get3A_745, %dot_general3A_746 {dimension_numbers = #tpu.dot_dimension_numbers<[1], [0], [0], [1], [0, 0, 1, 1], [], []>, transpose_lhs_hint = false} : vector<256x256xf32>, vector<256x256xf32>, vector<256x256xf32> -> vector<256x256xf32>
    %add3A_748 = arith.addf %add3A_706, %dot_general3A_747 : vector<256x256xf32>
    %get3A_749 = arith.constant 8 : index
    %get3A_750 = arith.constant 0 : index
    %get3A_751 = arith.constant 0 : index
    %get3A_752 = vector.load %arg15[%get3A_749, %get3A_750, %get3A_751] : memref<16x32x256xf32, #tpu.memory_space<vmem>>, vector<1x32x256xf32>
    %get3A_753 = vector.shape_cast %get3A_752 : vector<1x32x256xf32> to vector<32x256xf32>
    %dot_general3A_754 = arith.constant dense<0.000000e+00> : vector<256x256xf32>
    %dot_general3A_755 = tpu.matmul %concatenate3A_740, %get3A_753, %dot_general3A_754 {dimension_numbers = #tpu.dot_dimension_numbers<[1], [0], [0], [1], [0, 0, 1, 1], [], []>, transpose_lhs_hint = false} : vector<256x32xf32>, vector<32x256xf32>, vector<256x256xf32> -> vector<256x256xf32>
    %add3A_756 = arith.addf %add3A_748, %dot_general3A_755 : vector<256x256xf32>
    %slice3A_757 = vector.extract_strided_slice %dot_general3A_106 {offsets = [144, 0], sizes = [16, 256], strides = [1, 1]} : vector<256x256xf32> to vector<16x256xf32>
    %slice3A_758 = vector.extract_strided_slice %dot_general3A_119 {offsets = [144, 0], sizes = [16, 256], strides = [1, 1]} : vector<256x256xf32> to vector<16x256xf32>
    %slice3A_759 = vector.extract_strided_slice %dot_general3A_132 {offsets = [144, 0], sizes = [16, 256], strides = [1, 1]} : vector<256x256xf32> to vector<16x256xf32>
    %slice3A_760 = vector.extract_strided_slice %dot_general3A_145 {offsets = [144, 0], sizes = [16, 256], strides = [1, 1]} : vector<256x256xf32> to vector<16x256xf32>
    %slice3A_761 = vector.extract_strided_slice %dot_general3A_158 {offsets = [144, 0], sizes = [16, 256], strides = [1, 1]} : vector<256x256xf32> to vector<16x256xf32>
    %slice3A_762 = vector.extract_strided_slice %dot_general3A_171 {offsets = [144, 0], sizes = [16, 256], strides = [1, 1]} : vector<256x256xf32> to vector<16x256xf32>
    %slice3A_763 = vector.extract_strided_slice %dot_general3A_184 {offsets = [144, 0], sizes = [16, 256], strides = [1, 1]} : vector<256x256xf32> to vector<16x256xf32>
    %slice3A_764 = vector.extract_strided_slice %dot_general3A_197 {offsets = [144, 0], sizes = [16, 256], strides = [1, 1]} : vector<256x256xf32> to vector<16x256xf32>
    %slice3A_765 = vector.extract_strided_slice %dot_general3A_210 {offsets = [144, 0], sizes = [16, 256], strides = [1, 1]} : vector<256x256xf32> to vector<16x256xf32>
    %slice3A_766 = vector.extract_strided_slice %dot_general3A_223 {offsets = [144, 0], sizes = [16, 256], strides = [1, 1]} : vector<256x256xf32> to vector<16x256xf32>
    %slice3A_767 = vector.extract_strided_slice %dot_general3A_236 {offsets = [144, 0], sizes = [16, 256], strides = [1, 1]} : vector<256x256xf32> to vector<16x256xf32>
    %slice3A_768 = vector.extract_strided_slice %dot_general3A_249 {offsets = [144, 0], sizes = [16, 256], strides = [1, 1]} : vector<256x256xf32> to vector<16x256xf32>
    %slice3A_769 = vector.extract_strided_slice %dot_general3A_262 {offsets = [144, 0], sizes = [16, 256], strides = [1, 1]} : vector<256x256xf32> to vector<16x256xf32>
    %slice3A_770 = vector.extract_strided_slice %dot_general3A_275 {offsets = [144, 0], sizes = [16, 256], strides = [1, 1]} : vector<256x256xf32> to vector<16x256xf32>
    %slice3A_771 = vector.extract_strided_slice %dot_general3A_288 {offsets = [144, 0], sizes = [16, 256], strides = [1, 1]} : vector<256x256xf32> to vector<16x256xf32>
    %slice3A_772 = vector.extract_strided_slice %dot_general3A_301 {offsets = [144, 0], sizes = [16, 256], strides = [1, 1]} : vector<256x256xf32> to vector<16x256xf32>
    %concatenate3A_773 = tpu.concatenate %slice3A_757, %slice3A_758, %slice3A_759, %slice3A_760, %slice3A_761, %slice3A_762, %slice3A_763, %slice3A_764, %slice3A_765, %slice3A_766, %slice3A_767, %slice3A_768, %slice3A_769, %slice3A_770, %slice3A_771, %slice3A_772 in 0 : vector<16x256xf32>, vector<16x256xf32>, vector<16x256xf32>, vector<16x256xf32>, vector<16x256xf32>, vector<16x256xf32>, vector<16x256xf32>, vector<16x256xf32>, vector<16x256xf32>, vector<16x256xf32>, vector<16x256xf32>, vector<16x256xf32>, vector<16x256xf32>, vector<16x256xf32>, vector<16x256xf32>, vector<16x256xf32> -> vector<256x256xf32>
    %slice3A_774 = vector.extract_strided_slice %dot_general3A_109 {offsets = [144, 0], sizes = [16, 32], strides = [1, 1]} : vector<256x32xf32> to vector<16x32xf32>
    %slice3A_775 = vector.extract_strided_slice %dot_general3A_122 {offsets = [144, 0], sizes = [16, 32], strides = [1, 1]} : vector<256x32xf32> to vector<16x32xf32>
    %slice3A_776 = vector.extract_strided_slice %dot_general3A_135 {offsets = [144, 0], sizes = [16, 32], strides = [1, 1]} : vector<256x32xf32> to vector<16x32xf32>
    %slice3A_777 = vector.extract_strided_slice %dot_general3A_148 {offsets = [144, 0], sizes = [16, 32], strides = [1, 1]} : vector<256x32xf32> to vector<16x32xf32>
    %slice3A_778 = vector.extract_strided_slice %dot_general3A_161 {offsets = [144, 0], sizes = [16, 32], strides = [1, 1]} : vector<256x32xf32> to vector<16x32xf32>
    %slice3A_779 = vector.extract_strided_slice %dot_general3A_174 {offsets = [144, 0], sizes = [16, 32], strides = [1, 1]} : vector<256x32xf32> to vector<16x32xf32>
    %slice3A_780 = vector.extract_strided_slice %dot_general3A_187 {offsets = [144, 0], sizes = [16, 32], strides = [1, 1]} : vector<256x32xf32> to vector<16x32xf32>
    %slice3A_781 = vector.extract_strided_slice %dot_general3A_200 {offsets = [144, 0], sizes = [16, 32], strides = [1, 1]} : vector<256x32xf32> to vector<16x32xf32>
    %slice3A_782 = vector.extract_strided_slice %dot_general3A_213 {offsets = [144, 0], sizes = [16, 32], strides = [1, 1]} : vector<256x32xf32> to vector<16x32xf32>
    %slice3A_783 = vector.extract_strided_slice %dot_general3A_226 {offsets = [144, 0], sizes = [16, 32], strides = [1, 1]} : vector<256x32xf32> to vector<16x32xf32>
    %slice3A_784 = vector.extract_strided_slice %dot_general3A_239 {offsets = [144, 0], sizes = [16, 32], strides = [1, 1]} : vector<256x32xf32> to vector<16x32xf32>
    %slice3A_785 = vector.extract_strided_slice %dot_general3A_252 {offsets = [144, 0], sizes = [16, 32], strides = [1, 1]} : vector<256x32xf32> to vector<16x32xf32>
    %slice3A_786 = vector.extract_strided_slice %dot_general3A_265 {offsets = [144, 0], sizes = [16, 32], strides = [1, 1]} : vector<256x32xf32> to vector<16x32xf32>
    %slice3A_787 = vector.extract_strided_slice %dot_general3A_278 {offsets = [144, 0], sizes = [16, 32], strides = [1, 1]} : vector<256x32xf32> to vector<16x32xf32>
    %slice3A_788 = vector.extract_strided_slice %dot_general3A_291 {offsets = [144, 0], sizes = [16, 32], strides = [1, 1]} : vector<256x32xf32> to vector<16x32xf32>
    %slice3A_789 = vector.extract_strided_slice %dot_general3A_304 {offsets = [144, 0], sizes = [16, 32], strides = [1, 1]} : vector<256x32xf32> to vector<16x32xf32>
    %concatenate3A_790 = tpu.concatenate %slice3A_774, %slice3A_775, %slice3A_776, %slice3A_777, %slice3A_778, %slice3A_779, %slice3A_780, %slice3A_781, %slice3A_782, %slice3A_783, %slice3A_784, %slice3A_785, %slice3A_786, %slice3A_787, %slice3A_788, %slice3A_789 in 0 : vector<16x32xf32>, vector<16x32xf32>, vector<16x32xf32>, vector<16x32xf32>, vector<16x32xf32>, vector<16x32xf32>, vector<16x32xf32>, vector<16x32xf32>, vector<16x32xf32>, vector<16x32xf32>, vector<16x32xf32>, vector<16x32xf32>, vector<16x32xf32>, vector<16x32xf32>, vector<16x32xf32>, vector<16x32xf32> -> vector<256x32xf32>
    %get3A_791 = arith.constant 9 : index
    %get3A_792 = arith.constant 0 : index
    %get3A_793 = arith.constant 0 : index
    %get3A_794 = vector.load %arg14[%get3A_791, %get3A_792, %get3A_793] : memref<16x256x256xf32, #tpu.memory_space<vmem>>, vector<1x256x256xf32>
    %get3A_795 = vector.shape_cast %get3A_794 : vector<1x256x256xf32> to vector<256x256xf32>
    %dot_general3A_796 = arith.constant dense<0.000000e+00> : vector<256x256xf32>
    %dot_general3A_797 = tpu.matmul %concatenate3A_773, %get3A_795, %dot_general3A_796 {dimension_numbers = #tpu.dot_dimension_numbers<[1], [0], [0], [1], [0, 0, 1, 1], [], []>, transpose_lhs_hint = false} : vector<256x256xf32>, vector<256x256xf32>, vector<256x256xf32> -> vector<256x256xf32>
    %add3A_798 = arith.addf %add3A_756, %dot_general3A_797 : vector<256x256xf32>
    %get3A_799 = arith.constant 9 : index
    %get3A_800 = arith.constant 0 : index
    %get3A_801 = arith.constant 0 : index
    %get3A_802 = vector.load %arg15[%get3A_799, %get3A_800, %get3A_801] : memref<16x32x256xf32, #tpu.memory_space<vmem>>, vector<1x32x256xf32>
    %get3A_803 = vector.shape_cast %get3A_802 : vector<1x32x256xf32> to vector<32x256xf32>
    %dot_general3A_804 = arith.constant dense<0.000000e+00> : vector<256x256xf32>
    %dot_general3A_805 = tpu.matmul %concatenate3A_790, %get3A_803, %dot_general3A_804 {dimension_numbers = #tpu.dot_dimension_numbers<[1], [0], [0], [1], [0, 0, 1, 1], [], []>, transpose_lhs_hint = false} : vector<256x32xf32>, vector<32x256xf32>, vector<256x256xf32> -> vector<256x256xf32>
    %add3A_806 = arith.addf %add3A_798, %dot_general3A_805 : vector<256x256xf32>
    %slice3A_807 = vector.extract_strided_slice %dot_general3A_106 {offsets = [160, 0], sizes = [16, 256], strides = [1, 1]} : vector<256x256xf32> to vector<16x256xf32>
    %slice3A_808 = vector.extract_strided_slice %dot_general3A_119 {offsets = [160, 0], sizes = [16, 256], strides = [1, 1]} : vector<256x256xf32> to vector<16x256xf32>
    %slice3A_809 = vector.extract_strided_slice %dot_general3A_132 {offsets = [160, 0], sizes = [16, 256], strides = [1, 1]} : vector<256x256xf32> to vector<16x256xf32>
    %slice3A_810 = vector.extract_strided_slice %dot_general3A_145 {offsets = [160, 0], sizes = [16, 256], strides = [1, 1]} : vector<256x256xf32> to vector<16x256xf32>
    %slice3A_811 = vector.extract_strided_slice %dot_general3A_158 {offsets = [160, 0], sizes = [16, 256], strides = [1, 1]} : vector<256x256xf32> to vector<16x256xf32>
    %slice3A_812 = vector.extract_strided_slice %dot_general3A_171 {offsets = [160, 0], sizes = [16, 256], strides = [1, 1]} : vector<256x256xf32> to vector<16x256xf32>
    %slice3A_813 = vector.extract_strided_slice %dot_general3A_184 {offsets = [160, 0], sizes = [16, 256], strides = [1, 1]} : vector<256x256xf32> to vector<16x256xf32>
    %slice3A_814 = vector.extract_strided_slice %dot_general3A_197 {offsets = [160, 0], sizes = [16, 256], strides = [1, 1]} : vector<256x256xf32> to vector<16x256xf32>
    %slice3A_815 = vector.extract_strided_slice %dot_general3A_210 {offsets = [160, 0], sizes = [16, 256], strides = [1, 1]} : vector<256x256xf32> to vector<16x256xf32>
    %slice3A_816 = vector.extract_strided_slice %dot_general3A_223 {offsets = [160, 0], sizes = [16, 256], strides = [1, 1]} : vector<256x256xf32> to vector<16x256xf32>
    %slice3A_817 = vector.extract_strided_slice %dot_general3A_236 {offsets = [160, 0], sizes = [16, 256], strides = [1, 1]} : vector<256x256xf32> to vector<16x256xf32>
    %slice3A_818 = vector.extract_strided_slice %dot_general3A_249 {offsets = [160, 0], sizes = [16, 256], strides = [1, 1]} : vector<256x256xf32> to vector<16x256xf32>
    %slice3A_819 = vector.extract_strided_slice %dot_general3A_262 {offsets = [160, 0], sizes = [16, 256], strides = [1, 1]} : vector<256x256xf32> to vector<16x256xf32>
    %slice3A_820 = vector.extract_strided_slice %dot_general3A_275 {offsets = [160, 0], sizes = [16, 256], strides = [1, 1]} : vector<256x256xf32> to vector<16x256xf32>
    %slice3A_821 = vector.extract_strided_slice %dot_general3A_288 {offsets = [160, 0], sizes = [16, 256], strides = [1, 1]} : vector<256x256xf32> to vector<16x256xf32>
    %slice3A_822 = vector.extract_strided_slice %dot_general3A_301 {offsets = [160, 0], sizes = [16, 256], strides = [1, 1]} : vector<256x256xf32> to vector<16x256xf32>
    %concatenate3A_823 = tpu.concatenate %slice3A_807, %slice3A_808, %slice3A_809, %slice3A_810, %slice3A_811, %slice3A_812, %slice3A_813, %slice3A_814, %slice3A_815, %slice3A_816, %slice3A_817, %slice3A_818, %slice3A_819, %slice3A_820, %slice3A_821, %slice3A_822 in 0 : vector<16x256xf32>, vector<16x256xf32>, vector<16x256xf32>, vector<16x256xf32>, vector<16x256xf32>, vector<16x256xf32>, vector<16x256xf32>, vector<16x256xf32>, vector<16x256xf32>, vector<16x256xf32>, vector<16x256xf32>, vector<16x256xf32>, vector<16x256xf32>, vector<16x256xf32>, vector<16x256xf32>, vector<16x256xf32> -> vector<256x256xf32>
    %slice3A_824 = vector.extract_strided_slice %dot_general3A_109 {offsets = [160, 0], sizes = [16, 32], strides = [1, 1]} : vector<256x32xf32> to vector<16x32xf32>
    %slice3A_825 = vector.extract_strided_slice %dot_general3A_122 {offsets = [160, 0], sizes = [16, 32], strides = [1, 1]} : vector<256x32xf32> to vector<16x32xf32>
    %slice3A_826 = vector.extract_strided_slice %dot_general3A_135 {offsets = [160, 0], sizes = [16, 32], strides = [1, 1]} : vector<256x32xf32> to vector<16x32xf32>
    %slice3A_827 = vector.extract_strided_slice %dot_general3A_148 {offsets = [160, 0], sizes = [16, 32], strides = [1, 1]} : vector<256x32xf32> to vector<16x32xf32>
    %slice3A_828 = vector.extract_strided_slice %dot_general3A_161 {offsets = [160, 0], sizes = [16, 32], strides = [1, 1]} : vector<256x32xf32> to vector<16x32xf32>
    %slice3A_829 = vector.extract_strided_slice %dot_general3A_174 {offsets = [160, 0], sizes = [16, 32], strides = [1, 1]} : vector<256x32xf32> to vector<16x32xf32>
    %slice3A_830 = vector.extract_strided_slice %dot_general3A_187 {offsets = [160, 0], sizes = [16, 32], strides = [1, 1]} : vector<256x32xf32> to vector<16x32xf32>
    %slice3A_831 = vector.extract_strided_slice %dot_general3A_200 {offsets = [160, 0], sizes = [16, 32], strides = [1, 1]} : vector<256x32xf32> to vector<16x32xf32>
    %slice3A_832 = vector.extract_strided_slice %dot_general3A_213 {offsets = [160, 0], sizes = [16, 32], strides = [1, 1]} : vector<256x32xf32> to vector<16x32xf32>
    %slice3A_833 = vector.extract_strided_slice %dot_general3A_226 {offsets = [160, 0], sizes = [16, 32], strides = [1, 1]} : vector<256x32xf32> to vector<16x32xf32>
    %slice3A_834 = vector.extract_strided_slice %dot_general3A_239 {offsets = [160, 0], sizes = [16, 32], strides = [1, 1]} : vector<256x32xf32> to vector<16x32xf32>
    %slice3A_835 = vector.extract_strided_slice %dot_general3A_252 {offsets = [160, 0], sizes = [16, 32], strides = [1, 1]} : vector<256x32xf32> to vector<16x32xf32>
    %slice3A_836 = vector.extract_strided_slice %dot_general3A_265 {offsets = [160, 0], sizes = [16, 32], strides = [1, 1]} : vector<256x32xf32> to vector<16x32xf32>
    %slice3A_837 = vector.extract_strided_slice %dot_general3A_278 {offsets = [160, 0], sizes = [16, 32], strides = [1, 1]} : vector<256x32xf32> to vector<16x32xf32>
    %slice3A_838 = vector.extract_strided_slice %dot_general3A_291 {offsets = [160, 0], sizes = [16, 32], strides = [1, 1]} : vector<256x32xf32> to vector<16x32xf32>
    %slice3A_839 = vector.extract_strided_slice %dot_general3A_304 {offsets = [160, 0], sizes = [16, 32], strides = [1, 1]} : vector<256x32xf32> to vector<16x32xf32>
    %concatenate3A_840 = tpu.concatenate %slice3A_824, %slice3A_825, %slice3A_826, %slice3A_827, %slice3A_828, %slice3A_829, %slice3A_830, %slice3A_831, %slice3A_832, %slice3A_833, %slice3A_834, %slice3A_835, %slice3A_836, %slice3A_837, %slice3A_838, %slice3A_839 in 0 : vector<16x32xf32>, vector<16x32xf32>, vector<16x32xf32>, vector<16x32xf32>, vector<16x32xf32>, vector<16x32xf32>, vector<16x32xf32>, vector<16x32xf32>, vector<16x32xf32>, vector<16x32xf32>, vector<16x32xf32>, vector<16x32xf32>, vector<16x32xf32>, vector<16x32xf32>, vector<16x32xf32>, vector<16x32xf32> -> vector<256x32xf32>
    %get3A_841 = arith.constant 10 : index
    %get3A_842 = arith.constant 0 : index
    %get3A_843 = arith.constant 0 : index
    %get3A_844 = vector.load %arg14[%get3A_841, %get3A_842, %get3A_843] : memref<16x256x256xf32, #tpu.memory_space<vmem>>, vector<1x256x256xf32>
    %get3A_845 = vector.shape_cast %get3A_844 : vector<1x256x256xf32> to vector<256x256xf32>
    %dot_general3A_846 = arith.constant dense<0.000000e+00> : vector<256x256xf32>
    %dot_general3A_847 = tpu.matmul %concatenate3A_823, %get3A_845, %dot_general3A_846 {dimension_numbers = #tpu.dot_dimension_numbers<[1], [0], [0], [1], [0, 0, 1, 1], [], []>, transpose_lhs_hint = false} : vector<256x256xf32>, vector<256x256xf32>, vector<256x256xf32> -> vector<256x256xf32>
    %add3A_848 = arith.addf %add3A_806, %dot_general3A_847 : vector<256x256xf32>
    %get3A_849 = arith.constant 10 : index
    %get3A_850 = arith.constant 0 : index
    %get3A_851 = arith.constant 0 : index
    %get3A_852 = vector.load %arg15[%get3A_849, %get3A_850, %get3A_851] : memref<16x32x256xf32, #tpu.memory_space<vmem>>, vector<1x32x256xf32>
    %get3A_853 = vector.shape_cast %get3A_852 : vector<1x32x256xf32> to vector<32x256xf32>
    %dot_general3A_854 = arith.constant dense<0.000000e+00> : vector<256x256xf32>
    %dot_general3A_855 = tpu.matmul %concatenate3A_840, %get3A_853, %dot_general3A_854 {dimension_numbers = #tpu.dot_dimension_numbers<[1], [0], [0], [1], [0, 0, 1, 1], [], []>, transpose_lhs_hint = false} : vector<256x32xf32>, vector<32x256xf32>, vector<256x256xf32> -> vector<256x256xf32>
    %add3A_856 = arith.addf %add3A_848, %dot_general3A_855 : vector<256x256xf32>
    %slice3A_857 = vector.extract_strided_slice %dot_general3A_106 {offsets = [176, 0], sizes = [16, 256], strides = [1, 1]} : vector<256x256xf32> to vector<16x256xf32>
    %slice3A_858 = vector.extract_strided_slice %dot_general3A_119 {offsets = [176, 0], sizes = [16, 256], strides = [1, 1]} : vector<256x256xf32> to vector<16x256xf32>
    %slice3A_859 = vector.extract_strided_slice %dot_general3A_132 {offsets = [176, 0], sizes = [16, 256], strides = [1, 1]} : vector<256x256xf32> to vector<16x256xf32>
    %slice3A_860 = vector.extract_strided_slice %dot_general3A_145 {offsets = [176, 0], sizes = [16, 256], strides = [1, 1]} : vector<256x256xf32> to vector<16x256xf32>
    %slice3A_861 = vector.extract_strided_slice %dot_general3A_158 {offsets = [176, 0], sizes = [16, 256], strides = [1, 1]} : vector<256x256xf32> to vector<16x256xf32>
    %slice3A_862 = vector.extract_strided_slice %dot_general3A_171 {offsets = [176, 0], sizes = [16, 256], strides = [1, 1]} : vector<256x256xf32> to vector<16x256xf32>
    %slice3A_863 = vector.extract_strided_slice %dot_general3A_184 {offsets = [176, 0], sizes = [16, 256], strides = [1, 1]} : vector<256x256xf32> to vector<16x256xf32>
    %slice3A_864 = vector.extract_strided_slice %dot_general3A_197 {offsets = [176, 0], sizes = [16, 256], strides = [1, 1]} : vector<256x256xf32> to vector<16x256xf32>
    %slice3A_865 = vector.extract_strided_slice %dot_general3A_210 {offsets = [176, 0], sizes = [16, 256], strides = [1, 1]} : vector<256x256xf32> to vector<16x256xf32>
    %slice3A_866 = vector.extract_strided_slice %dot_general3A_223 {offsets = [176, 0], sizes = [16, 256], strides = [1, 1]} : vector<256x256xf32> to vector<16x256xf32>
    %slice3A_867 = vector.extract_strided_slice %dot_general3A_236 {offsets = [176, 0], sizes = [16, 256], strides = [1, 1]} : vector<256x256xf32> to vector<16x256xf32>
    %slice3A_868 = vector.extract_strided_slice %dot_general3A_249 {offsets = [176, 0], sizes = [16, 256], strides = [1, 1]} : vector<256x256xf32> to vector<16x256xf32>
    %slice3A_869 = vector.extract_strided_slice %dot_general3A_262 {offsets = [176, 0], sizes = [16, 256], strides = [1, 1]} : vector<256x256xf32> to vector<16x256xf32>
    %slice3A_870 = vector.extract_strided_slice %dot_general3A_275 {offsets = [176, 0], sizes = [16, 256], strides = [1, 1]} : vector<256x256xf32> to vector<16x256xf32>
    %slice3A_871 = vector.extract_strided_slice %dot_general3A_288 {offsets = [176, 0], sizes = [16, 256], strides = [1, 1]} : vector<256x256xf32> to vector<16x256xf32>
    %slice3A_872 = vector.extract_strided_slice %dot_general3A_301 {offsets = [176, 0], sizes = [16, 256], strides = [1, 1]} : vector<256x256xf32> to vector<16x256xf32>
    %concatenate3A_873 = tpu.concatenate %slice3A_857, %slice3A_858, %slice3A_859, %slice3A_860, %slice3A_861, %slice3A_862, %slice3A_863, %slice3A_864, %slice3A_865, %slice3A_866, %slice3A_867, %slice3A_868, %slice3A_869, %slice3A_870, %slice3A_871, %slice3A_872 in 0 : vector<16x256xf32>, vector<16x256xf32>, vector<16x256xf32>, vector<16x256xf32>, vector<16x256xf32>, vector<16x256xf32>, vector<16x256xf32>, vector<16x256xf32>, vector<16x256xf32>, vector<16x256xf32>, vector<16x256xf32>, vector<16x256xf32>, vector<16x256xf32>, vector<16x256xf32>, vector<16x256xf32>, vector<16x256xf32> -> vector<256x256xf32>
    %slice3A_874 = vector.extract_strided_slice %dot_general3A_109 {offsets = [176, 0], sizes = [16, 32], strides = [1, 1]} : vector<256x32xf32> to vector<16x32xf32>
    %slice3A_875 = vector.extract_strided_slice %dot_general3A_122 {offsets = [176, 0], sizes = [16, 32], strides = [1, 1]} : vector<256x32xf32> to vector<16x32xf32>
    %slice3A_876 = vector.extract_strided_slice %dot_general3A_135 {offsets = [176, 0], sizes = [16, 32], strides = [1, 1]} : vector<256x32xf32> to vector<16x32xf32>
    %slice3A_877 = vector.extract_strided_slice %dot_general3A_148 {offsets = [176, 0], sizes = [16, 32], strides = [1, 1]} : vector<256x32xf32> to vector<16x32xf32>
    %slice3A_878 = vector.extract_strided_slice %dot_general3A_161 {offsets = [176, 0], sizes = [16, 32], strides = [1, 1]} : vector<256x32xf32> to vector<16x32xf32>
    %slice3A_879 = vector.extract_strided_slice %dot_general3A_174 {offsets = [176, 0], sizes = [16, 32], strides = [1, 1]} : vector<256x32xf32> to vector<16x32xf32>
    %slice3A_880 = vector.extract_strided_slice %dot_general3A_187 {offsets = [176, 0], sizes = [16, 32], strides = [1, 1]} : vector<256x32xf32> to vector<16x32xf32>
    %slice3A_881 = vector.extract_strided_slice %dot_general3A_200 {offsets = [176, 0], sizes = [16, 32], strides = [1, 1]} : vector<256x32xf32> to vector<16x32xf32>
    %slice3A_882 = vector.extract_strided_slice %dot_general3A_213 {offsets = [176, 0], sizes = [16, 32], strides = [1, 1]} : vector<256x32xf32> to vector<16x32xf32>
    %slice3A_883 = vector.extract_strided_slice %dot_general3A_226 {offsets = [176, 0], sizes = [16, 32], strides = [1, 1]} : vector<256x32xf32> to vector<16x32xf32>
    %slice3A_884 = vector.extract_strided_slice %dot_general3A_239 {offsets = [176, 0], sizes = [16, 32], strides = [1, 1]} : vector<256x32xf32> to vector<16x32xf32>
    %slice3A_885 = vector.extract_strided_slice %dot_general3A_252 {offsets = [176, 0], sizes = [16, 32], strides = [1, 1]} : vector<256x32xf32> to vector<16x32xf32>
    %slice3A_886 = vector.extract_strided_slice %dot_general3A_265 {offsets = [176, 0], sizes = [16, 32], strides = [1, 1]} : vector<256x32xf32> to vector<16x32xf32>
    %slice3A_887 = vector.extract_strided_slice %dot_general3A_278 {offsets = [176, 0], sizes = [16, 32], strides = [1, 1]} : vector<256x32xf32> to vector<16x32xf32>
    %slice3A_888 = vector.extract_strided_slice %dot_general3A_291 {offsets = [176, 0], sizes = [16, 32], strides = [1, 1]} : vector<256x32xf32> to vector<16x32xf32>
    %slice3A_889 = vector.extract_strided_slice %dot_general3A_304 {offsets = [176, 0], sizes = [16, 32], strides = [1, 1]} : vector<256x32xf32> to vector<16x32xf32>
    %concatenate3A_890 = tpu.concatenate %slice3A_874, %slice3A_875, %slice3A_876, %slice3A_877, %slice3A_878, %slice3A_879, %slice3A_880, %slice3A_881, %slice3A_882, %slice3A_883, %slice3A_884, %slice3A_885, %slice3A_886, %slice3A_887, %slice3A_888, %slice3A_889 in 0 : vector<16x32xf32>, vector<16x32xf32>, vector<16x32xf32>, vector<16x32xf32>, vector<16x32xf32>, vector<16x32xf32>, vector<16x32xf32>, vector<16x32xf32>, vector<16x32xf32>, vector<16x32xf32>, vector<16x32xf32>, vector<16x32xf32>, vector<16x32xf32>, vector<16x32xf32>, vector<16x32xf32>, vector<16x32xf32> -> vector<256x32xf32>
    %get3A_891 = arith.constant 11 : index
    %get3A_892 = arith.constant 0 : index
    %get3A_893 = arith.constant 0 : index
    %get3A_894 = vector.load %arg14[%get3A_891, %get3A_892, %get3A_893] : memref<16x256x256xf32, #tpu.memory_space<vmem>>, vector<1x256x256xf32>
    %get3A_895 = vector.shape_cast %get3A_894 : vector<1x256x256xf32> to vector<256x256xf32>
    %dot_general3A_896 = arith.constant dense<0.000000e+00> : vector<256x256xf32>
    %dot_general3A_897 = tpu.matmul %concatenate3A_873, %get3A_895, %dot_general3A_896 {dimension_numbers = #tpu.dot_dimension_numbers<[1], [0], [0], [1], [0, 0, 1, 1], [], []>, transpose_lhs_hint = false} : vector<256x256xf32>, vector<256x256xf32>, vector<256x256xf32> -> vector<256x256xf32>
    %add3A_898 = arith.addf %add3A_856, %dot_general3A_897 : vector<256x256xf32>
    %get3A_899 = arith.constant 11 : index
    %get3A_900 = arith.constant 0 : index
    %get3A_901 = arith.constant 0 : index
    %get3A_902 = vector.load %arg15[%get3A_899, %get3A_900, %get3A_901] : memref<16x32x256xf32, #tpu.memory_space<vmem>>, vector<1x32x256xf32>
    %get3A_903 = vector.shape_cast %get3A_902 : vector<1x32x256xf32> to vector<32x256xf32>
    %dot_general3A_904 = arith.constant dense<0.000000e+00> : vector<256x256xf32>
    %dot_general3A_905 = tpu.matmul %concatenate3A_890, %get3A_903, %dot_general3A_904 {dimension_numbers = #tpu.dot_dimension_numbers<[1], [0], [0], [1], [0, 0, 1, 1], [], []>, transpose_lhs_hint = false} : vector<256x32xf32>, vector<32x256xf32>, vector<256x256xf32> -> vector<256x256xf32>
    %add3A_906 = arith.addf %add3A_898, %dot_general3A_905 : vector<256x256xf32>
    %slice3A_907 = vector.extract_strided_slice %dot_general3A_106 {offsets = [192, 0], sizes = [16, 256], strides = [1, 1]} : vector<256x256xf32> to vector<16x256xf32>
    %slice3A_908 = vector.extract_strided_slice %dot_general3A_119 {offsets = [192, 0], sizes = [16, 256], strides = [1, 1]} : vector<256x256xf32> to vector<16x256xf32>
    %slice3A_909 = vector.extract_strided_slice %dot_general3A_132 {offsets = [192, 0], sizes = [16, 256], strides = [1, 1]} : vector<256x256xf32> to vector<16x256xf32>
    %slice3A_910 = vector.extract_strided_slice %dot_general3A_145 {offsets = [192, 0], sizes = [16, 256], strides = [1, 1]} : vector<256x256xf32> to vector<16x256xf32>
    %slice3A_911 = vector.extract_strided_slice %dot_general3A_158 {offsets = [192, 0], sizes = [16, 256], strides = [1, 1]} : vector<256x256xf32> to vector<16x256xf32>
    %slice3A_912 = vector.extract_strided_slice %dot_general3A_171 {offsets = [192, 0], sizes = [16, 256], strides = [1, 1]} : vector<256x256xf32> to vector<16x256xf32>
    %slice3A_913 = vector.extract_strided_slice %dot_general3A_184 {offsets = [192, 0], sizes = [16, 256], strides = [1, 1]} : vector<256x256xf32> to vector<16x256xf32>
    %slice3A_914 = vector.extract_strided_slice %dot_general3A_197 {offsets = [192, 0], sizes = [16, 256], strides = [1, 1]} : vector<256x256xf32> to vector<16x256xf32>
    %slice3A_915 = vector.extract_strided_slice %dot_general3A_210 {offsets = [192, 0], sizes = [16, 256], strides = [1, 1]} : vector<256x256xf32> to vector<16x256xf32>
    %slice3A_916 = vector.extract_strided_slice %dot_general3A_223 {offsets = [192, 0], sizes = [16, 256], strides = [1, 1]} : vector<256x256xf32> to vector<16x256xf32>
    %slice3A_917 = vector.extract_strided_slice %dot_general3A_236 {offsets = [192, 0], sizes = [16, 256], strides = [1, 1]} : vector<256x256xf32> to vector<16x256xf32>
    %slice3A_918 = vector.extract_strided_slice %dot_general3A_249 {offsets = [192, 0], sizes = [16, 256], strides = [1, 1]} : vector<256x256xf32> to vector<16x256xf32>
    %slice3A_919 = vector.extract_strided_slice %dot_general3A_262 {offsets = [192, 0], sizes = [16, 256], strides = [1, 1]} : vector<256x256xf32> to vector<16x256xf32>
    %slice3A_920 = vector.extract_strided_slice %dot_general3A_275 {offsets = [192, 0], sizes = [16, 256], strides = [1, 1]} : vector<256x256xf32> to vector<16x256xf32>
    %slice3A_921 = vector.extract_strided_slice %dot_general3A_288 {offsets = [192, 0], sizes = [16, 256], strides = [1, 1]} : vector<256x256xf32> to vector<16x256xf32>
    %slice3A_922 = vector.extract_strided_slice %dot_general3A_301 {offsets = [192, 0], sizes = [16, 256], strides = [1, 1]} : vector<256x256xf32> to vector<16x256xf32>
    %concatenate3A_923 = tpu.concatenate %slice3A_907, %slice3A_908, %slice3A_909, %slice3A_910, %slice3A_911, %slice3A_912, %slice3A_913, %slice3A_914, %slice3A_915, %slice3A_916, %slice3A_917, %slice3A_918, %slice3A_919, %slice3A_920, %slice3A_921, %slice3A_922 in 0 : vector<16x256xf32>, vector<16x256xf32>, vector<16x256xf32>, vector<16x256xf32>, vector<16x256xf32>, vector<16x256xf32>, vector<16x256xf32>, vector<16x256xf32>, vector<16x256xf32>, vector<16x256xf32>, vector<16x256xf32>, vector<16x256xf32>, vector<16x256xf32>, vector<16x256xf32>, vector<16x256xf32>, vector<16x256xf32> -> vector<256x256xf32>
    %slice3A_924 = vector.extract_strided_slice %dot_general3A_109 {offsets = [192, 0], sizes = [16, 32], strides = [1, 1]} : vector<256x32xf32> to vector<16x32xf32>
    %slice3A_925 = vector.extract_strided_slice %dot_general3A_122 {offsets = [192, 0], sizes = [16, 32], strides = [1, 1]} : vector<256x32xf32> to vector<16x32xf32>
    %slice3A_926 = vector.extract_strided_slice %dot_general3A_135 {offsets = [192, 0], sizes = [16, 32], strides = [1, 1]} : vector<256x32xf32> to vector<16x32xf32>
    %slice3A_927 = vector.extract_strided_slice %dot_general3A_148 {offsets = [192, 0], sizes = [16, 32], strides = [1, 1]} : vector<256x32xf32> to vector<16x32xf32>
    %slice3A_928 = vector.extract_strided_slice %dot_general3A_161 {offsets = [192, 0], sizes = [16, 32], strides = [1, 1]} : vector<256x32xf32> to vector<16x32xf32>
    %slice3A_929 = vector.extract_strided_slice %dot_general3A_174 {offsets = [192, 0], sizes = [16, 32], strides = [1, 1]} : vector<256x32xf32> to vector<16x32xf32>
    %slice3A_930 = vector.extract_strided_slice %dot_general3A_187 {offsets = [192, 0], sizes = [16, 32], strides = [1, 1]} : vector<256x32xf32> to vector<16x32xf32>
    %slice3A_931 = vector.extract_strided_slice %dot_general3A_200 {offsets = [192, 0], sizes = [16, 32], strides = [1, 1]} : vector<256x32xf32> to vector<16x32xf32>
    %slice3A_932 = vector.extract_strided_slice %dot_general3A_213 {offsets = [192, 0], sizes = [16, 32], strides = [1, 1]} : vector<256x32xf32> to vector<16x32xf32>
    %slice3A_933 = vector.extract_strided_slice %dot_general3A_226 {offsets = [192, 0], sizes = [16, 32], strides = [1, 1]} : vector<256x32xf32> to vector<16x32xf32>
    %slice3A_934 = vector.extract_strided_slice %dot_general3A_239 {offsets = [192, 0], sizes = [16, 32], strides = [1, 1]} : vector<256x32xf32> to vector<16x32xf32>
    %slice3A_935 = vector.extract_strided_slice %dot_general3A_252 {offsets = [192, 0], sizes = [16, 32], strides = [1, 1]} : vector<256x32xf32> to vector<16x32xf32>
    %slice3A_936 = vector.extract_strided_slice %dot_general3A_265 {offsets = [192, 0], sizes = [16, 32], strides = [1, 1]} : vector<256x32xf32> to vector<16x32xf32>
    %slice3A_937 = vector.extract_strided_slice %dot_general3A_278 {offsets = [192, 0], sizes = [16, 32], strides = [1, 1]} : vector<256x32xf32> to vector<16x32xf32>
    %slice3A_938 = vector.extract_strided_slice %dot_general3A_291 {offsets = [192, 0], sizes = [16, 32], strides = [1, 1]} : vector<256x32xf32> to vector<16x32xf32>
    %slice3A_939 = vector.extract_strided_slice %dot_general3A_304 {offsets = [192, 0], sizes = [16, 32], strides = [1, 1]} : vector<256x32xf32> to vector<16x32xf32>
    %concatenate3A_940 = tpu.concatenate %slice3A_924, %slice3A_925, %slice3A_926, %slice3A_927, %slice3A_928, %slice3A_929, %slice3A_930, %slice3A_931, %slice3A_932, %slice3A_933, %slice3A_934, %slice3A_935, %slice3A_936, %slice3A_937, %slice3A_938, %slice3A_939 in 0 : vector<16x32xf32>, vector<16x32xf32>, vector<16x32xf32>, vector<16x32xf32>, vector<16x32xf32>, vector<16x32xf32>, vector<16x32xf32>, vector<16x32xf32>, vector<16x32xf32>, vector<16x32xf32>, vector<16x32xf32>, vector<16x32xf32>, vector<16x32xf32>, vector<16x32xf32>, vector<16x32xf32>, vector<16x32xf32> -> vector<256x32xf32>
    %get3A_941 = arith.constant 12 : index
    %get3A_942 = arith.constant 0 : index
    %get3A_943 = arith.constant 0 : index
    %get3A_944 = vector.load %arg14[%get3A_941, %get3A_942, %get3A_943] : memref<16x256x256xf32, #tpu.memory_space<vmem>>, vector<1x256x256xf32>
    %get3A_945 = vector.shape_cast %get3A_944 : vector<1x256x256xf32> to vector<256x256xf32>
    %dot_general3A_946 = arith.constant dense<0.000000e+00> : vector<256x256xf32>
    %dot_general3A_947 = tpu.matmul %concatenate3A_923, %get3A_945, %dot_general3A_946 {dimension_numbers = #tpu.dot_dimension_numbers<[1], [0], [0], [1], [0, 0, 1, 1], [], []>, transpose_lhs_hint = false} : vector<256x256xf32>, vector<256x256xf32>, vector<256x256xf32> -> vector<256x256xf32>
    %add3A_948 = arith.addf %add3A_906, %dot_general3A_947 : vector<256x256xf32>
    %get3A_949 = arith.constant 12 : index
    %get3A_950 = arith.constant 0 : index
    %get3A_951 = arith.constant 0 : index
    %get3A_952 = vector.load %arg15[%get3A_949, %get3A_950, %get3A_951] : memref<16x32x256xf32, #tpu.memory_space<vmem>>, vector<1x32x256xf32>
    %get3A_953 = vector.shape_cast %get3A_952 : vector<1x32x256xf32> to vector<32x256xf32>
    %dot_general3A_954 = arith.constant dense<0.000000e+00> : vector<256x256xf32>
    %dot_general3A_955 = tpu.matmul %concatenate3A_940, %get3A_953, %dot_general3A_954 {dimension_numbers = #tpu.dot_dimension_numbers<[1], [0], [0], [1], [0, 0, 1, 1], [], []>, transpose_lhs_hint = false} : vector<256x32xf32>, vector<32x256xf32>, vector<256x256xf32> -> vector<256x256xf32>
    %add3A_956 = arith.addf %add3A_948, %dot_general3A_955 : vector<256x256xf32>
    %slice3A_957 = vector.extract_strided_slice %dot_general3A_106 {offsets = [208, 0], sizes = [16, 256], strides = [1, 1]} : vector<256x256xf32> to vector<16x256xf32>
    %slice3A_958 = vector.extract_strided_slice %dot_general3A_119 {offsets = [208, 0], sizes = [16, 256], strides = [1, 1]} : vector<256x256xf32> to vector<16x256xf32>
    %slice3A_959 = vector.extract_strided_slice %dot_general3A_132 {offsets = [208, 0], sizes = [16, 256], strides = [1, 1]} : vector<256x256xf32> to vector<16x256xf32>
    %slice3A_960 = vector.extract_strided_slice %dot_general3A_145 {offsets = [208, 0], sizes = [16, 256], strides = [1, 1]} : vector<256x256xf32> to vector<16x256xf32>
    %slice3A_961 = vector.extract_strided_slice %dot_general3A_158 {offsets = [208, 0], sizes = [16, 256], strides = [1, 1]} : vector<256x256xf32> to vector<16x256xf32>
    %slice3A_962 = vector.extract_strided_slice %dot_general3A_171 {offsets = [208, 0], sizes = [16, 256], strides = [1, 1]} : vector<256x256xf32> to vector<16x256xf32>
    %slice3A_963 = vector.extract_strided_slice %dot_general3A_184 {offsets = [208, 0], sizes = [16, 256], strides = [1, 1]} : vector<256x256xf32> to vector<16x256xf32>
    %slice3A_964 = vector.extract_strided_slice %dot_general3A_197 {offsets = [208, 0], sizes = [16, 256], strides = [1, 1]} : vector<256x256xf32> to vector<16x256xf32>
    %slice3A_965 = vector.extract_strided_slice %dot_general3A_210 {offsets = [208, 0], sizes = [16, 256], strides = [1, 1]} : vector<256x256xf32> to vector<16x256xf32>
    %slice3A_966 = vector.extract_strided_slice %dot_general3A_223 {offsets = [208, 0], sizes = [16, 256], strides = [1, 1]} : vector<256x256xf32> to vector<16x256xf32>
    %slice3A_967 = vector.extract_strided_slice %dot_general3A_236 {offsets = [208, 0], sizes = [16, 256], strides = [1, 1]} : vector<256x256xf32> to vector<16x256xf32>
    %slice3A_968 = vector.extract_strided_slice %dot_general3A_249 {offsets = [208, 0], sizes = [16, 256], strides = [1, 1]} : vector<256x256xf32> to vector<16x256xf32>
    %slice3A_969 = vector.extract_strided_slice %dot_general3A_262 {offsets = [208, 0], sizes = [16, 256], strides = [1, 1]} : vector<256x256xf32> to vector<16x256xf32>
    %slice3A_970 = vector.extract_strided_slice %dot_general3A_275 {offsets = [208, 0], sizes = [16, 256], strides = [1, 1]} : vector<256x256xf32> to vector<16x256xf32>
    %slice3A_971 = vector.extract_strided_slice %dot_general3A_288 {offsets = [208, 0], sizes = [16, 256], strides = [1, 1]} : vector<256x256xf32> to vector<16x256xf32>
    %slice3A_972 = vector.extract_strided_slice %dot_general3A_301 {offsets = [208, 0], sizes = [16, 256], strides = [1, 1]} : vector<256x256xf32> to vector<16x256xf32>
    %concatenate3A_973 = tpu.concatenate %slice3A_957, %slice3A_958, %slice3A_959, %slice3A_960, %slice3A_961, %slice3A_962, %slice3A_963, %slice3A_964, %slice3A_965, %slice3A_966, %slice3A_967, %slice3A_968, %slice3A_969, %slice3A_970, %slice3A_971, %slice3A_972 in 0 : vector<16x256xf32>, vector<16x256xf32>, vector<16x256xf32>, vector<16x256xf32>, vector<16x256xf32>, vector<16x256xf32>, vector<16x256xf32>, vector<16x256xf32>, vector<16x256xf32>, vector<16x256xf32>, vector<16x256xf32>, vector<16x256xf32>, vector<16x256xf32>, vector<16x256xf32>, vector<16x256xf32>, vector<16x256xf32> -> vector<256x256xf32>
    %slice3A_974 = vector.extract_strided_slice %dot_general3A_109 {offsets = [208, 0], sizes = [16, 32], strides = [1, 1]} : vector<256x32xf32> to vector<16x32xf32>
    %slice3A_975 = vector.extract_strided_slice %dot_general3A_122 {offsets = [208, 0], sizes = [16, 32], strides = [1, 1]} : vector<256x32xf32> to vector<16x32xf32>
    %slice3A_976 = vector.extract_strided_slice %dot_general3A_135 {offsets = [208, 0], sizes = [16, 32], strides = [1, 1]} : vector<256x32xf32> to vector<16x32xf32>
    %slice3A_977 = vector.extract_strided_slice %dot_general3A_148 {offsets = [208, 0], sizes = [16, 32], strides = [1, 1]} : vector<256x32xf32> to vector<16x32xf32>
    %slice3A_978 = vector.extract_strided_slice %dot_general3A_161 {offsets = [208, 0], sizes = [16, 32], strides = [1, 1]} : vector<256x32xf32> to vector<16x32xf32>
    %slice3A_979 = vector.extract_strided_slice %dot_general3A_174 {offsets = [208, 0], sizes = [16, 32], strides = [1, 1]} : vector<256x32xf32> to vector<16x32xf32>
    %slice3A_980 = vector.extract_strided_slice %dot_general3A_187 {offsets = [208, 0], sizes = [16, 32], strides = [1, 1]} : vector<256x32xf32> to vector<16x32xf32>
    %slice3A_981 = vector.extract_strided_slice %dot_general3A_200 {offsets = [208, 0], sizes = [16, 32], strides = [1, 1]} : vector<256x32xf32> to vector<16x32xf32>
    %slice3A_982 = vector.extract_strided_slice %dot_general3A_213 {offsets = [208, 0], sizes = [16, 32], strides = [1, 1]} : vector<256x32xf32> to vector<16x32xf32>
    %slice3A_983 = vector.extract_strided_slice %dot_general3A_226 {offsets = [208, 0], sizes = [16, 32], strides = [1, 1]} : vector<256x32xf32> to vector<16x32xf32>
    %slice3A_984 = vector.extract_strided_slice %dot_general3A_239 {offsets = [208, 0], sizes = [16, 32], strides = [1, 1]} : vector<256x32xf32> to vector<16x32xf32>
    %slice3A_985 = vector.extract_strided_slice %dot_general3A_252 {offsets = [208, 0], sizes = [16, 32], strides = [1, 1]} : vector<256x32xf32> to vector<16x32xf32>
    %slice3A_986 = vector.extract_strided_slice %dot_general3A_265 {offsets = [208, 0], sizes = [16, 32], strides = [1, 1]} : vector<256x32xf32> to vector<16x32xf32>
    %slice3A_987 = vector.extract_strided_slice %dot_general3A_278 {offsets = [208, 0], sizes = [16, 32], strides = [1, 1]} : vector<256x32xf32> to vector<16x32xf32>
    %slice3A_988 = vector.extract_strided_slice %dot_general3A_291 {offsets = [208, 0], sizes = [16, 32], strides = [1, 1]} : vector<256x32xf32> to vector<16x32xf32>
    %slice3A_989 = vector.extract_strided_slice %dot_general3A_304 {offsets = [208, 0], sizes = [16, 32], strides = [1, 1]} : vector<256x32xf32> to vector<16x32xf32>
    %concatenate3A_990 = tpu.concatenate %slice3A_974, %slice3A_975, %slice3A_976, %slice3A_977, %slice3A_978, %slice3A_979, %slice3A_980, %slice3A_981, %slice3A_982, %slice3A_983, %slice3A_984, %slice3A_985, %slice3A_986, %slice3A_987, %slice3A_988, %slice3A_989 in 0 : vector<16x32xf32>, vector<16x32xf32>, vector<16x32xf32>, vector<16x32xf32>, vector<16x32xf32>, vector<16x32xf32>, vector<16x32xf32>, vector<16x32xf32>, vector<16x32xf32>, vector<16x32xf32>, vector<16x32xf32>, vector<16x32xf32>, vector<16x32xf32>, vector<16x32xf32>, vector<16x32xf32>, vector<16x32xf32> -> vector<256x32xf32>
    %get3A_991 = arith.constant 13 : index
    %get3A_992 = arith.constant 0 : index
    %get3A_993 = arith.constant 0 : index
    %get3A_994 = vector.load %arg14[%get3A_991, %get3A_992, %get3A_993] : memref<16x256x256xf32, #tpu.memory_space<vmem>>, vector<1x256x256xf32>
    %get3A_995 = vector.shape_cast %get3A_994 : vector<1x256x256xf32> to vector<256x256xf32>
    %dot_general3A_996 = arith.constant dense<0.000000e+00> : vector<256x256xf32>
    %dot_general3A_997 = tpu.matmul %concatenate3A_973, %get3A_995, %dot_general3A_996 {dimension_numbers = #tpu.dot_dimension_numbers<[1], [0], [0], [1], [0, 0, 1, 1], [], []>, transpose_lhs_hint = false} : vector<256x256xf32>, vector<256x256xf32>, vector<256x256xf32> -> vector<256x256xf32>
    %add3A_998 = arith.addf %add3A_956, %dot_general3A_997 : vector<256x256xf32>
    %get3A_999 = arith.constant 13 : index
    %get3A_1000 = arith.constant 0 : index
    %get3A_1001 = arith.constant 0 : index
    %get3A_1002 = vector.load %arg15[%get3A_999, %get3A_1000, %get3A_1001] : memref<16x32x256xf32, #tpu.memory_space<vmem>>, vector<1x32x256xf32>
    %get3A_1003 = vector.shape_cast %get3A_1002 : vector<1x32x256xf32> to vector<32x256xf32>
    %dot_general3A_1004 = arith.constant dense<0.000000e+00> : vector<256x256xf32>
    %dot_general3A_1005 = tpu.matmul %concatenate3A_990, %get3A_1003, %dot_general3A_1004 {dimension_numbers = #tpu.dot_dimension_numbers<[1], [0], [0], [1], [0, 0, 1, 1], [], []>, transpose_lhs_hint = false} : vector<256x32xf32>, vector<32x256xf32>, vector<256x256xf32> -> vector<256x256xf32>
    %add3A_1006 = arith.addf %add3A_998, %dot_general3A_1005 : vector<256x256xf32>
    %slice3A_1007 = vector.extract_strided_slice %dot_general3A_106 {offsets = [224, 0], sizes = [16, 256], strides = [1, 1]} : vector<256x256xf32> to vector<16x256xf32>
    %slice3A_1008 = vector.extract_strided_slice %dot_general3A_119 {offsets = [224, 0], sizes = [16, 256], strides = [1, 1]} : vector<256x256xf32> to vector<16x256xf32>
    %slice3A_1009 = vector.extract_strided_slice %dot_general3A_132 {offsets = [224, 0], sizes = [16, 256], strides = [1, 1]} : vector<256x256xf32> to vector<16x256xf32>
    %slice3A_1010 = vector.extract_strided_slice %dot_general3A_145 {offsets = [224, 0], sizes = [16, 256], strides = [1, 1]} : vector<256x256xf32> to vector<16x256xf32>
    %slice3A_1011 = vector.extract_strided_slice %dot_general3A_158 {offsets = [224, 0], sizes = [16, 256], strides = [1, 1]} : vector<256x256xf32> to vector<16x256xf32>
    %slice3A_1012 = vector.extract_strided_slice %dot_general3A_171 {offsets = [224, 0], sizes = [16, 256], strides = [1, 1]} : vector<256x256xf32> to vector<16x256xf32>
    %slice3A_1013 = vector.extract_strided_slice %dot_general3A_184 {offsets = [224, 0], sizes = [16, 256], strides = [1, 1]} : vector<256x256xf32> to vector<16x256xf32>
    %slice3A_1014 = vector.extract_strided_slice %dot_general3A_197 {offsets = [224, 0], sizes = [16, 256], strides = [1, 1]} : vector<256x256xf32> to vector<16x256xf32>
    %slice3A_1015 = vector.extract_strided_slice %dot_general3A_210 {offsets = [224, 0], sizes = [16, 256], strides = [1, 1]} : vector<256x256xf32> to vector<16x256xf32>
    %slice3A_1016 = vector.extract_strided_slice %dot_general3A_223 {offsets = [224, 0], sizes = [16, 256], strides = [1, 1]} : vector<256x256xf32> to vector<16x256xf32>
    %slice3A_1017 = vector.extract_strided_slice %dot_general3A_236 {offsets = [224, 0], sizes = [16, 256], strides = [1, 1]} : vector<256x256xf32> to vector<16x256xf32>
    %slice3A_1018 = vector.extract_strided_slice %dot_general3A_249 {offsets = [224, 0], sizes = [16, 256], strides = [1, 1]} : vector<256x256xf32> to vector<16x256xf32>
    %slice3A_1019 = vector.extract_strided_slice %dot_general3A_262 {offsets = [224, 0], sizes = [16, 256], strides = [1, 1]} : vector<256x256xf32> to vector<16x256xf32>
    %slice3A_1020 = vector.extract_strided_slice %dot_general3A_275 {offsets = [224, 0], sizes = [16, 256], strides = [1, 1]} : vector<256x256xf32> to vector<16x256xf32>
    %slice3A_1021 = vector.extract_strided_slice %dot_general3A_288 {offsets = [224, 0], sizes = [16, 256], strides = [1, 1]} : vector<256x256xf32> to vector<16x256xf32>
    %slice3A_1022 = vector.extract_strided_slice %dot_general3A_301 {offsets = [224, 0], sizes = [16, 256], strides = [1, 1]} : vector<256x256xf32> to vector<16x256xf32>
    %concatenate3A_1023 = tpu.concatenate %slice3A_1007, %slice3A_1008, %slice3A_1009, %slice3A_1010, %slice3A_1011, %slice3A_1012, %slice3A_1013, %slice3A_1014, %slice3A_1015, %slice3A_1016, %slice3A_1017, %slice3A_1018, %slice3A_1019, %slice3A_1020, %slice3A_1021, %slice3A_1022 in 0 : vector<16x256xf32>, vector<16x256xf32>, vector<16x256xf32>, vector<16x256xf32>, vector<16x256xf32>, vector<16x256xf32>, vector<16x256xf32>, vector<16x256xf32>, vector<16x256xf32>, vector<16x256xf32>, vector<16x256xf32>, vector<16x256xf32>, vector<16x256xf32>, vector<16x256xf32>, vector<16x256xf32>, vector<16x256xf32> -> vector<256x256xf32>
    %slice3A_1024 = vector.extract_strided_slice %dot_general3A_109 {offsets = [224, 0], sizes = [16, 32], strides = [1, 1]} : vector<256x32xf32> to vector<16x32xf32>
    %slice3A_1025 = vector.extract_strided_slice %dot_general3A_122 {offsets = [224, 0], sizes = [16, 32], strides = [1, 1]} : vector<256x32xf32> to vector<16x32xf32>
    %slice3A_1026 = vector.extract_strided_slice %dot_general3A_135 {offsets = [224, 0], sizes = [16, 32], strides = [1, 1]} : vector<256x32xf32> to vector<16x32xf32>
    %slice3A_1027 = vector.extract_strided_slice %dot_general3A_148 {offsets = [224, 0], sizes = [16, 32], strides = [1, 1]} : vector<256x32xf32> to vector<16x32xf32>
    %slice3A_1028 = vector.extract_strided_slice %dot_general3A_161 {offsets = [224, 0], sizes = [16, 32], strides = [1, 1]} : vector<256x32xf32> to vector<16x32xf32>
    %slice3A_1029 = vector.extract_strided_slice %dot_general3A_174 {offsets = [224, 0], sizes = [16, 32], strides = [1, 1]} : vector<256x32xf32> to vector<16x32xf32>
    %slice3A_1030 = vector.extract_strided_slice %dot_general3A_187 {offsets = [224, 0], sizes = [16, 32], strides = [1, 1]} : vector<256x32xf32> to vector<16x32xf32>
    %slice3A_1031 = vector.extract_strided_slice %dot_general3A_200 {offsets = [224, 0], sizes = [16, 32], strides = [1, 1]} : vector<256x32xf32> to vector<16x32xf32>
    %slice3A_1032 = vector.extract_strided_slice %dot_general3A_213 {offsets = [224, 0], sizes = [16, 32], strides = [1, 1]} : vector<256x32xf32> to vector<16x32xf32>
    %slice3A_1033 = vector.extract_strided_slice %dot_general3A_226 {offsets = [224, 0], sizes = [16, 32], strides = [1, 1]} : vector<256x32xf32> to vector<16x32xf32>
    %slice3A_1034 = vector.extract_strided_slice %dot_general3A_239 {offsets = [224, 0], sizes = [16, 32], strides = [1, 1]} : vector<256x32xf32> to vector<16x32xf32>
    %slice3A_1035 = vector.extract_strided_slice %dot_general3A_252 {offsets = [224, 0], sizes = [16, 32], strides = [1, 1]} : vector<256x32xf32> to vector<16x32xf32>
    %slice3A_1036 = vector.extract_strided_slice %dot_general3A_265 {offsets = [224, 0], sizes = [16, 32], strides = [1, 1]} : vector<256x32xf32> to vector<16x32xf32>
    %slice3A_1037 = vector.extract_strided_slice %dot_general3A_278 {offsets = [224, 0], sizes = [16, 32], strides = [1, 1]} : vector<256x32xf32> to vector<16x32xf32>
    %slice3A_1038 = vector.extract_strided_slice %dot_general3A_291 {offsets = [224, 0], sizes = [16, 32], strides = [1, 1]} : vector<256x32xf32> to vector<16x32xf32>
    %slice3A_1039 = vector.extract_strided_slice %dot_general3A_304 {offsets = [224, 0], sizes = [16, 32], strides = [1, 1]} : vector<256x32xf32> to vector<16x32xf32>
    %concatenate3A_1040 = tpu.concatenate %slice3A_1024, %slice3A_1025, %slice3A_1026, %slice3A_1027, %slice3A_1028, %slice3A_1029, %slice3A_1030, %slice3A_1031, %slice3A_1032, %slice3A_1033, %slice3A_1034, %slice3A_1035, %slice3A_1036, %slice3A_1037, %slice3A_1038, %slice3A_1039 in 0 : vector<16x32xf32>, vector<16x32xf32>, vector<16x32xf32>, vector<16x32xf32>, vector<16x32xf32>, vector<16x32xf32>, vector<16x32xf32>, vector<16x32xf32>, vector<16x32xf32>, vector<16x32xf32>, vector<16x32xf32>, vector<16x32xf32>, vector<16x32xf32>, vector<16x32xf32>, vector<16x32xf32>, vector<16x32xf32> -> vector<256x32xf32>
    %get3A_1041 = arith.constant 14 : index
    %get3A_1042 = arith.constant 0 : index
    %get3A_1043 = arith.constant 0 : index
    %get3A_1044 = vector.load %arg14[%get3A_1041, %get3A_1042, %get3A_1043] : memref<16x256x256xf32, #tpu.memory_space<vmem>>, vector<1x256x256xf32>
    %get3A_1045 = vector.shape_cast %get3A_1044 : vector<1x256x256xf32> to vector<256x256xf32>
    %dot_general3A_1046 = arith.constant dense<0.000000e+00> : vector<256x256xf32>
    %dot_general3A_1047 = tpu.matmul %concatenate3A_1023, %get3A_1045, %dot_general3A_1046 {dimension_numbers = #tpu.dot_dimension_numbers<[1], [0], [0], [1], [0, 0, 1, 1], [], []>, transpose_lhs_hint = false} : vector<256x256xf32>, vector<256x256xf32>, vector<256x256xf32> -> vector<256x256xf32>
    %add3A_1048 = arith.addf %add3A_1006, %dot_general3A_1047 : vector<256x256xf32>
    %get3A_1049 = arith.constant 14 : index
    %get3A_1050 = arith.constant 0 : index
    %get3A_1051 = arith.constant 0 : index
    %get3A_1052 = vector.load %arg15[%get3A_1049, %get3A_1050, %get3A_1051] : memref<16x32x256xf32, #tpu.memory_space<vmem>>, vector<1x32x256xf32>
    %get3A_1053 = vector.shape_cast %get3A_1052 : vector<1x32x256xf32> to vector<32x256xf32>
    %dot_general3A_1054 = arith.constant dense<0.000000e+00> : vector<256x256xf32>
    %dot_general3A_1055 = tpu.matmul %concatenate3A_1040, %get3A_1053, %dot_general3A_1054 {dimension_numbers = #tpu.dot_dimension_numbers<[1], [0], [0], [1], [0, 0, 1, 1], [], []>, transpose_lhs_hint = false} : vector<256x32xf32>, vector<32x256xf32>, vector<256x256xf32> -> vector<256x256xf32>
    %add3A_1056 = arith.addf %add3A_1048, %dot_general3A_1055 : vector<256x256xf32>
    %slice3A_1057 = vector.extract_strided_slice %dot_general3A_106 {offsets = [240, 0], sizes = [16, 256], strides = [1, 1]} : vector<256x256xf32> to vector<16x256xf32>
    %slice3A_1058 = vector.extract_strided_slice %dot_general3A_119 {offsets = [240, 0], sizes = [16, 256], strides = [1, 1]} : vector<256x256xf32> to vector<16x256xf32>
    %slice3A_1059 = vector.extract_strided_slice %dot_general3A_132 {offsets = [240, 0], sizes = [16, 256], strides = [1, 1]} : vector<256x256xf32> to vector<16x256xf32>
    %slice3A_1060 = vector.extract_strided_slice %dot_general3A_145 {offsets = [240, 0], sizes = [16, 256], strides = [1, 1]} : vector<256x256xf32> to vector<16x256xf32>
    %slice3A_1061 = vector.extract_strided_slice %dot_general3A_158 {offsets = [240, 0], sizes = [16, 256], strides = [1, 1]} : vector<256x256xf32> to vector<16x256xf32>
    %slice3A_1062 = vector.extract_strided_slice %dot_general3A_171 {offsets = [240, 0], sizes = [16, 256], strides = [1, 1]} : vector<256x256xf32> to vector<16x256xf32>
    %slice3A_1063 = vector.extract_strided_slice %dot_general3A_184 {offsets = [240, 0], sizes = [16, 256], strides = [1, 1]} : vector<256x256xf32> to vector<16x256xf32>
    %slice3A_1064 = vector.extract_strided_slice %dot_general3A_197 {offsets = [240, 0], sizes = [16, 256], strides = [1, 1]} : vector<256x256xf32> to vector<16x256xf32>
    %slice3A_1065 = vector.extract_strided_slice %dot_general3A_210 {offsets = [240, 0], sizes = [16, 256], strides = [1, 1]} : vector<256x256xf32> to vector<16x256xf32>
    %slice3A_1066 = vector.extract_strided_slice %dot_general3A_223 {offsets = [240, 0], sizes = [16, 256], strides = [1, 1]} : vector<256x256xf32> to vector<16x256xf32>
    %slice3A_1067 = vector.extract_strided_slice %dot_general3A_236 {offsets = [240, 0], sizes = [16, 256], strides = [1, 1]} : vector<256x256xf32> to vector<16x256xf32>
    %slice3A_1068 = vector.extract_strided_slice %dot_general3A_249 {offsets = [240, 0], sizes = [16, 256], strides = [1, 1]} : vector<256x256xf32> to vector<16x256xf32>
    %slice3A_1069 = vector.extract_strided_slice %dot_general3A_262 {offsets = [240, 0], sizes = [16, 256], strides = [1, 1]} : vector<256x256xf32> to vector<16x256xf32>
    %slice3A_1070 = vector.extract_strided_slice %dot_general3A_275 {offsets = [240, 0], sizes = [16, 256], strides = [1, 1]} : vector<256x256xf32> to vector<16x256xf32>
    %slice3A_1071 = vector.extract_strided_slice %dot_general3A_288 {offsets = [240, 0], sizes = [16, 256], strides = [1, 1]} : vector<256x256xf32> to vector<16x256xf32>
    %slice3A_1072 = vector.extract_strided_slice %dot_general3A_301 {offsets = [240, 0], sizes = [16, 256], strides = [1, 1]} : vector<256x256xf32> to vector<16x256xf32>
    %concatenate3A_1073 = tpu.concatenate %slice3A_1057, %slice3A_1058, %slice3A_1059, %slice3A_1060, %slice3A_1061, %slice3A_1062, %slice3A_1063, %slice3A_1064, %slice3A_1065, %slice3A_1066, %slice3A_1067, %slice3A_1068, %slice3A_1069, %slice3A_1070, %slice3A_1071, %slice3A_1072 in 0 : vector<16x256xf32>, vector<16x256xf32>, vector<16x256xf32>, vector<16x256xf32>, vector<16x256xf32>, vector<16x256xf32>, vector<16x256xf32>, vector<16x256xf32>, vector<16x256xf32>, vector<16x256xf32>, vector<16x256xf32>, vector<16x256xf32>, vector<16x256xf32>, vector<16x256xf32>, vector<16x256xf32>, vector<16x256xf32> -> vector<256x256xf32>
    %slice3A_1074 = vector.extract_strided_slice %dot_general3A_109 {offsets = [240, 0], sizes = [16, 32], strides = [1, 1]} : vector<256x32xf32> to vector<16x32xf32>
    %slice3A_1075 = vector.extract_strided_slice %dot_general3A_122 {offsets = [240, 0], sizes = [16, 32], strides = [1, 1]} : vector<256x32xf32> to vector<16x32xf32>
    %slice3A_1076 = vector.extract_strided_slice %dot_general3A_135 {offsets = [240, 0], sizes = [16, 32], strides = [1, 1]} : vector<256x32xf32> to vector<16x32xf32>
    %slice3A_1077 = vector.extract_strided_slice %dot_general3A_148 {offsets = [240, 0], sizes = [16, 32], strides = [1, 1]} : vector<256x32xf32> to vector<16x32xf32>
    %slice3A_1078 = vector.extract_strided_slice %dot_general3A_161 {offsets = [240, 0], sizes = [16, 32], strides = [1, 1]} : vector<256x32xf32> to vector<16x32xf32>
    %slice3A_1079 = vector.extract_strided_slice %dot_general3A_174 {offsets = [240, 0], sizes = [16, 32], strides = [1, 1]} : vector<256x32xf32> to vector<16x32xf32>
    %slice3A_1080 = vector.extract_strided_slice %dot_general3A_187 {offsets = [240, 0], sizes = [16, 32], strides = [1, 1]} : vector<256x32xf32> to vector<16x32xf32>
    %slice3A_1081 = vector.extract_strided_slice %dot_general3A_200 {offsets = [240, 0], sizes = [16, 32], strides = [1, 1]} : vector<256x32xf32> to vector<16x32xf32>
    %slice3A_1082 = vector.extract_strided_slice %dot_general3A_213 {offsets = [240, 0], sizes = [16, 32], strides = [1, 1]} : vector<256x32xf32> to vector<16x32xf32>
    %slice3A_1083 = vector.extract_strided_slice %dot_general3A_226 {offsets = [240, 0], sizes = [16, 32], strides = [1, 1]} : vector<256x32xf32> to vector<16x32xf32>
    %slice3A_1084 = vector.extract_strided_slice %dot_general3A_239 {offsets = [240, 0], sizes = [16, 32], strides = [1, 1]} : vector<256x32xf32> to vector<16x32xf32>
    %slice3A_1085 = vector.extract_strided_slice %dot_general3A_252 {offsets = [240, 0], sizes = [16, 32], strides = [1, 1]} : vector<256x32xf32> to vector<16x32xf32>
    %slice3A_1086 = vector.extract_strided_slice %dot_general3A_265 {offsets = [240, 0], sizes = [16, 32], strides = [1, 1]} : vector<256x32xf32> to vector<16x32xf32>
    %slice3A_1087 = vector.extract_strided_slice %dot_general3A_278 {offsets = [240, 0], sizes = [16, 32], strides = [1, 1]} : vector<256x32xf32> to vector<16x32xf32>
    %slice3A_1088 = vector.extract_strided_slice %dot_general3A_291 {offsets = [240, 0], sizes = [16, 32], strides = [1, 1]} : vector<256x32xf32> to vector<16x32xf32>
    %slice3A_1089 = vector.extract_strided_slice %dot_general3A_304 {offsets = [240, 0], sizes = [16, 32], strides = [1, 1]} : vector<256x32xf32> to vector<16x32xf32>
    %concatenate3A_1090 = tpu.concatenate %slice3A_1074, %slice3A_1075, %slice3A_1076, %slice3A_1077, %slice3A_1078, %slice3A_1079, %slice3A_1080, %slice3A_1081, %slice3A_1082, %slice3A_1083, %slice3A_1084, %slice3A_1085, %slice3A_1086, %slice3A_1087, %slice3A_1088, %slice3A_1089 in 0 : vector<16x32xf32>, vector<16x32xf32>, vector<16x32xf32>, vector<16x32xf32>, vector<16x32xf32>, vector<16x32xf32>, vector<16x32xf32>, vector<16x32xf32>, vector<16x32xf32>, vector<16x32xf32>, vector<16x32xf32>, vector<16x32xf32>, vector<16x32xf32>, vector<16x32xf32>, vector<16x32xf32>, vector<16x32xf32> -> vector<256x32xf32>
    %get3A_1091 = arith.constant 15 : index
    %get3A_1092 = arith.constant 0 : index
    %get3A_1093 = arith.constant 0 : index
    %get3A_1094 = vector.load %arg14[%get3A_1091, %get3A_1092, %get3A_1093] : memref<16x256x256xf32, #tpu.memory_space<vmem>>, vector<1x256x256xf32>
    %get3A_1095 = vector.shape_cast %get3A_1094 : vector<1x256x256xf32> to vector<256x256xf32>
    %dot_general3A_1096 = arith.constant dense<0.000000e+00> : vector<256x256xf32>
    %dot_general3A_1097 = tpu.matmul %concatenate3A_1073, %get3A_1095, %dot_general3A_1096 {dimension_numbers = #tpu.dot_dimension_numbers<[1], [0], [0], [1], [0, 0, 1, 1], [], []>, transpose_lhs_hint = false} : vector<256x256xf32>, vector<256x256xf32>, vector<256x256xf32> -> vector<256x256xf32>
    %add3A_1098 = arith.addf %add3A_1056, %dot_general3A_1097 : vector<256x256xf32>
    %get3A_1099 = arith.constant 15 : index
    %get3A_1100 = arith.constant 0 : index
    %get3A_1101 = arith.constant 0 : index
    %get3A_1102 = vector.load %arg15[%get3A_1099, %get3A_1100, %get3A_1101] : memref<16x32x256xf32, #tpu.memory_space<vmem>>, vector<1x32x256xf32>
    %get3A_1103 = vector.shape_cast %get3A_1102 : vector<1x32x256xf32> to vector<32x256xf32>
    %dot_general3A_1104 = arith.constant dense<0.000000e+00> : vector<256x256xf32>
    %dot_general3A_1105 = tpu.matmul %concatenate3A_1090, %get3A_1103, %dot_general3A_1104 {dimension_numbers = #tpu.dot_dimension_numbers<[1], [0], [0], [1], [0, 0, 1, 1], [], []>, transpose_lhs_hint = false} : vector<256x32xf32>, vector<32x256xf32>, vector<256x256xf32> -> vector<256x256xf32>
    %add3A_1106 = arith.addf %add3A_1098, %dot_general3A_1105 : vector<256x256xf32>
    %get3A_1107 = arith.constant 0 : index
    %get3A_1108 = arith.constant 0 : index
    %get3A_1109 = vector.load %arg16[%get3A_1107, %get3A_1108] : memref<1x256xf32, #tpu.memory_space<vmem>>, vector<1x256xf32>
    %add3A_1110 = vector.broadcast %get3A_1109 : vector<1x256xf32> to vector<256x256xf32>
    %add3A_1111 = arith.addf %add3A_1106, %add3A_1110 : vector<256x256xf32>
    %max3A_1112 = arith.constant 0.000000e+00 : f32
    %max3A_1113 = vector.broadcast %max3A_1112 : f32 to vector<256x256xf32>
    %max3A_1114 = arith.maximumf %add3A_1111, %max3A_1113 : vector<256x256xf32>
    %get3A_1115 = arith.constant 0 : index
    %get3A_1116 = arith.constant 0 : index
    %get3A_1117 = vector.load %arg3[%get3A_1115, %get3A_1116] : memref<256x256xf32, #tpu.memory_space<vmem>>, vector<256x256xf32>
    %add3A_1118 = arith.addf %max3A_1114, %get3A_1117 : vector<256x256xf32>
    %swap3A_1119 = arith.constant 0 : index
    %swap3A_1120 = arith.constant 0 : index
    %swap3A_1121 = vector.load %arg17[%swap3A_1119, %swap3A_1120] : memref<256x256xf32, #tpu.memory_space<vmem>>, vector<256x256xf32>
    tpu.vector_store %arg17[%swap3A_1119, %swap3A_1120], %add3A_1118 {strides = array<i32>} : memref<256x256xf32, #tpu.memory_space<vmem>>, vector<256x256xf32>,
    return
  }
  func.func @transform_0(%arg0: i32) -> (i32, i32) {
    %c0_i32 = arith.constant 0 : i32
    %c0_i32_0 = arith.constant 0 : i32
    return %arg0, %c0_i32 : i32, i32
  }
  func.func @transform_1(%arg0: i32) -> (i32, i32) {
    %c0_i32 = arith.constant 0 : i32
    %c0_i32_0 = arith.constant 0 : i32
    return %arg0, %c0_i32 : i32, i32
  }
  func.func @transform_2(%arg0: i32) -> (i32, i32) {
    %c0_i32 = arith.constant 0 : i32
    %c0_i32_0 = arith.constant 0 : i32
    return %arg0, %c0_i32 : i32, i32
  }
  func.func @transform_3(%arg0: i32) -> (i32, i32) {
    %c0_i32 = arith.constant 0 : i32
    %c0_i32_0 = arith.constant 0 : i32
    %c0_i32_1 = arith.constant 0 : i32
    return %c0_i32, %c0_i32_0 : i32, i32
  }
  func.func @transform_4(%arg0: i32) -> (i32, i32) {
    %c0_i32 = arith.constant 0 : i32
    %c0_i32_0 = arith.constant 0 : i32
    %c0_i32_1 = arith.constant 0 : i32
    return %c0_i32, %c0_i32_0 : i32, i32
  }
  func.func @transform_5(%arg0: i32) -> (i32, i32) {
    %c0_i32 = arith.constant 0 : i32
    %c0_i32_0 = arith.constant 0 : i32
    %c0_i32_1 = arith.constant 0 : i32
    return %c0_i32, %c0_i32_0 : i32, i32
  }
  func.func @transform_6(%arg0: i32) -> (i32, i32) {
    %c0_i32 = arith.constant 0 : i32
    %c0_i32_0 = arith.constant 0 : i32
    %c0_i32_1 = arith.constant 0 : i32
    return %c0_i32, %c0_i32_0 : i32, i32
  }
  func.func @transform_7(%arg0: i32) -> (i32, i32) {
    %c0_i32 = arith.constant 0 : i32
    %c0_i32_0 = arith.constant 0 : i32
    %c0_i32_1 = arith.constant 0 : i32
    return %c0_i32, %c0_i32_0 : i32, i32
  }
  func.func @transform_8(%arg0: i32) -> (i32, i32) {
    %c0_i32 = arith.constant 0 : i32
    %c0_i32_0 = arith.constant 0 : i32
    %c0_i32_1 = arith.constant 0 : i32
    return %c0_i32, %c0_i32_0 : i32, i32
  }
  func.func @transform_9(%arg0: i32) -> (i32, i32) {
    %c0_i32 = arith.constant 0 : i32
    %c0_i32_0 = arith.constant 0 : i32
    %c0_i32_1 = arith.constant 0 : i32
    return %c0_i32, %c0_i32_0 : i32, i32
  }
  func.func @transform_10(%arg0: i32) -> (i32, i32) {
    %c0_i32 = arith.constant 0 : i32
    %c0_i32_0 = arith.constant 0 : i32
    %c0_i32_1 = arith.constant 0 : i32
    return %c0_i32, %c0_i32_0 : i32, i32
  }
  func.func @transform_11(%arg0: i32) -> (i32, i32) {
    %c0_i32 = arith.constant 0 : i32
    %c0_i32_0 = arith.constant 0 : i32
    %c0_i32_1 = arith.constant 0 : i32
    return %c0_i32, %c0_i32_0 : i32, i32
  }
  func.func @transform_12(%arg0: i32) -> (i32, i32) {
    %c0_i32 = arith.constant 0 : i32
    %c0_i32_0 = arith.constant 0 : i32
    %c0_i32_1 = arith.constant 0 : i32
    return %c0_i32, %c0_i32_0 : i32, i32
  }
  func.func @transform_13(%arg0: i32) -> (i32, i32, i32) {
    %c0_i32 = arith.constant 0 : i32
    %c0_i32_0 = arith.constant 0 : i32
    %c0_i32_1 = arith.constant 0 : i32
    %c0_i32_2 = arith.constant 0 : i32
    return %c0_i32, %c0_i32_0, %c0_i32_1 : i32, i32, i32
  }
  func.func @transform_14(%arg0: i32) -> (i32, i32, i32) {
    %c0_i32 = arith.constant 0 : i32
    %c0_i32_0 = arith.constant 0 : i32
    %c0_i32_1 = arith.constant 0 : i32
    %c0_i32_2 = arith.constant 0 : i32
    return %c0_i32, %c0_i32_0, %c0_i32_1 : i32, i32, i32
  }
  func.func @transform_15(%arg0: i32) -> (i32, i32) {
    %c0_i32 = arith.constant 0 : i32
    %c0_i32_0 = arith.constant 0 : i32
    %c0_i32_1 = arith.constant 0 : i32
    return %c0_i32, %c0_i32_0 : i32, i32
  }
  func.func @transform_16(%arg0: i32) -> (i32, i32) {
    %c0_i32 = arith.constant 0 : i32
    %c0_i32_0 = arith.constant 0 : i32
    return %arg0, %c0_i32 : i32, i32
  }
  func.func @transform_17(%arg0: i32) -> (i32, i32) {
    %c0_i32 = arith.constant 0 : i32
    %c0_i32_0 = arith.constant 0 : i32
    return %arg0, %c0_i32 : i32, i32
  }
}

</mosaic_0001>

<sc_bundles>
// kernel: kernel.10.cloned.1.call-start
scs
__scs_entry_jumppad:
0x0: {  	(pc) =	sbr.rel $0x88, $3  }
0x1: {  	(tag) =	ssettag $0x0;
	lr =	simm.s32 $0x1  }
0x2: {  	[smem:$0x3F90] =	sst lr;
	_ =	strace $0xD0000000  }
0x3: {  	_ = 	snop  }
0x4: {  	_ = 	snop  }
0x5: {  	_ = 	snop  }
0x6: {  	_ = 	snop  }
0x7: {  	_ = 	snop  }
__scs_overlays_trampoline_lowered:
0x8: {  	[smem:$0x3F9F] =	sst s0  }
0x9: {  	[smem:$0x3FA0] =	sst s1  }
0xa: {  	[smem:$0x3FA1] =	sst s2  }
0xb: {  	[smem:$0x3FA2] =	sst s3  }
0xc: {  	[smem:$0x3FA3] =	sst s4  }
0xd: {  	[smem:$0x3FA4] =	sst s5  }
0xe: {  	[smem:$0x3FA5] =	sst s6  }
0xf: {  	[smem:$0x3FA6] =	sst s7  }
0x10: {  	[smem:$0x3FA7] =	sst s8  }
0x11: {  	[smem:$0x3FA8] =	sst s9;
	s0 =	simm.s32 @!p0 $0x0  }
0x12: {  	s1 =	sld [smem:$0x3F8E];
	s0 =	simm.s32 @p0 $0x1  }
0x13: {  	[smem:$0x3FA9] =	sst s0;
	s0 =	simm.s32 @!p1 $0x0  }
0x14: {  	s2 =	sld [smem:$0x3F8D];
	s0 =	simm.s32 @p1 $0x1  }
0x15: {  	[smem:$0x3FAA] =	sst s0;
	s0 =	simm.s32 @!p2 $0x0  }
0x16: {  	s3 =	sld [smem:$0x3FDB];
	s0 =	simm.s32 @p2 $0x1  }
0x17: {  	s4 =	simm.s32 $0x1BF5;
	[smem:$0x3FAC] =	sst s0  }
0x18: {  	s0 =	sld [smem:$0x3F8F];
	_ =	swait.ge [sflag:s4], $0x0  }
0x19: {  	s7 =	sld [smem:$0x3F90]  }
0x1a: {  	s8 =	sadd.s32 $0xFFFFE003, lr  }
0x1b: {  	s9 =	sadd.s32 $0xFFFFFEF7, lr;
	s5 =	simm.s32 $0xFFFFFFFF;
	p2 =	slt.u32 s8, $0xFFFFF086  }
0x1c: {  	p1 =	slt.u32 s9, $0xF7A;
	s5 =	simm.s32 @!p2 $0x0  }
0x1d: {  	s5 =	simm.s32 @p1 $0x1;
	p0 =	seq.s32 s7, s2  }
0x1e: {  	s7 =	smul.u32 @!p0 $0xF7A, s2;
	p2 =	seq.s32 @!p0 s5, $0x0  }
0x1f: {  	s9 =	smul.u32 $0xF7A, s1;
	s8 =	simm.s32 @!p0 $0x1BF5;
	p2 =	por !p2, p0  }
0x20: {  	[sflag:s8] =	ssyncset.s32 @!p0 $0xFFFFF086;
	s6 =	sadd.s32 @!p0 s3, s7;
	s7 =	simm.s32 @!p0 $0x108  }
0x21: {  	s3 =	sadd.s32 s3, s9;
	s6 =	sadd.s32 @!p0 $0x88, s6;
	s7 =	simm.s32 @p2 $0x1082  }
0x22: {  	[simem:s7], [sflag:s8] =	dma.local @!p0 [hbm:s6], $0xF7A  }
0x23: {  	s9 =	sor.u32 $0xD0000000, s2;
	s6 =	simm.s32 $0x108;
	_ =	swait.ge @!p0 [sflag:s8], $0x0  }
0x24: {  	s3 =	sadd.s32 $0x88, s3;
	s6 =	simm.s32 @!p1 $0x1082;
	[sflag:s4] =	ssyncset.s32 $0xFFFFF086  }
0x25: {  	[simem:s6], [sflag:s4] =	dma.local [hbm:s3], $0xF7A  }
0x26: {  	[smem:$0x3F90] =	sst s1;
	(tag) =	ssettag s2;
	_ =	strace s9  }
0x27: {  	s1 =	sld [smem:$0x3FA0]  }
0x28: {  	s2 =	sld [smem:$0x3FA1]  }
0x29: {  	s4 =	sld [smem:$0x3FA3]  }
0x2a: {  	p0 =	seq.s32 s5, $0x0;
	s5 =	sld [smem:$0x3FA4]  }
0x2b: {  	s6 =	sld [smem:$0x3FA5]  }
0x2c: {  	s7 =	sld [smem:$0x3FA6]  }
0x2d: {  	s3 =	simm.s32 $0x108;
	s8 =	sld [smem:$0x3FA7]  }
0x2e: {  	s3 =	simm.s32 @!p0 $0x1082;
	s9 =	sld [smem:$0x3FA8]  }
0x2f: {  	lr =	sadd.s32 s0, s3;
	s0 =	sld [smem:$0x3F9F]  }
0x30: {  	s3 =	sld [smem:$0x3FA2]  }
0x31: {  	[smem:$0x3FAB] =	sst s10  }
0x32: {  	s10 =	sld [smem:$0x3FA9];
	_ =	sdelay $0x3  }
0x33: {  	p0 =	seq.s32 s10, $0x1;
	s10 =	sld [smem:$0x3FAB];
	_ =	sdelay $0x3  }
0x34: {  	[smem:$0x3FAB] =	sst s10  }
0x35: {  	s10 =	sld [smem:$0x3FAA];
	_ =	sdelay $0x3  }
0x36: {  	p1 =	seq.s32 s10, $0x1;
	s10 =	sld [smem:$0x3FAB];
	_ =	sdelay $0x3  }
0x37: {  	[smem:$0x3FAB] =	sst s10  }
0x38: {  	s10 =	sld [smem:$0x3FAC]  }
0x39: {  	_ = 	snop;
	(pc) =	sbr.ind lr, $3  }
0x3a: {  	_ = 	snop  }
0x3b: {  	_ = 	snop  }
0x3c: {  	p2 =	seq.s32 s10, $0x1;
	s10 =	sld [smem:$0x3FAB]  }
0x3d: {  	_ =	shalt  }
0x3e: {  	_ =	shalt  }
0x3f: {  	_ =	shalt  }
0x40: {  	_ =	shalt  }
0x41: {  	_ =	shalt  }
0x42: {  	_ =	shalt  }
0x43: {  	_ =	shalt  }
0x44: {  	_ =	shalt  }
0x45: {  	_ =	shalt  }
0x46: {  	_ =	shalt  }
0x47: {  	_ =	shalt  }
0x48: {  	_ =	shalt  }
0x49: {  	_ =	shalt  }
0x4a: {  	_ =	shalt  }
0x4b: {  	_ =	shalt  }
0x4c: {  	_ =	shalt  }
0x4d: {  	_ =	shalt  }
0x4e: {  	_ =	shalt  }
0x4f: {  	_ =	shalt  }
0x50: {  	_ =	shalt  }
0x51: {  	_ =	shalt  }
0x52: {  	_ =	shalt  }
0x53: {  	_ =	shalt  }
0x54: {  	_ =	shalt  }
0x55: {  	_ =	shalt  }
0x56: {  	_ =	shalt  }
0x57: {  	_ =	shalt  }
0x58: {  	_ =	shalt  }
0x59: {  	_ =	shalt  }
0x5a: {  	_ =	shalt  }
0x5b: {  	_ =	shalt  }
0x5c: {  	_ =	shalt  }
0x5d: {  	_ =	shalt  }
0x5e: {  	_ =	shalt  }
0x5f: {  	_ =	shalt  }
0x60: {  	_ =	shalt  }
0x61: {  	_ =	shalt  }
0x62: {  	_ =	shalt  }
0x63: {  	_ =	shalt  }
0x64: {  	_ =	shalt  }
0x65: {  	_ =	shalt  }
0x66: {  	_ =	shalt  }
0x67: {  	_ =	shalt  }
0x68: {  	_ =	shalt  }
0x69: {  	_ =	shalt  }
0x6a: {  	_ =	shalt  }
0x6b: {  	_ =	shalt  }
0x6c: {  	_ =	shalt  }
0x6d: {  	_ =	shalt  }
0x6e: {  	_ =	shalt  }
0x6f: {  	_ =	shalt  }
0x70: {  	_ =	shalt  }
0x71: {  	_ =	shalt  }
0x72: {  	_ =	shalt  }
0x73: {  	_ =	shalt  }
0x74: {  	_ =	shalt  }
0x75: {  	_ =	shalt  }
0x76: {  	_ =	shalt  }
0x77: {  	_ =	shalt  }
0x78: {  	_ =	shalt  }
0x79: {  	_ =	shalt  }
0x7a: {  	_ =	shalt  }
0x7b: {  	_ =	shalt  }
0x7c: {  	_ =	shalt  }
0x7d: {  	_ =	shalt  }
0x7e: {  	_ =	shalt  }
0x7f: {  	_ =	shalt  }
0x80: {  	_ =	shalt  }
0x81: {  	_ =	shalt  }
0x82: {  	_ =	shalt  }
0x83: {  	_ =	shalt  }
0x84: {  	_ =	shalt  }
0x85: {  	_ =	shalt  }
0x86: {  	_ =	shalt  }
0x87: {  	_ =	shalt  }
.Lfunc_end0:
.L_simem_size_0:
called_computation_lowered:
.L_overlay_start_0:
0x88: {  	s2 =	sld [smem:$0x3FD9]  }
0x89: {  	s3 =	sld [smem:$0x3FFE];
	_ =	sdelay $0x1  }
0x8a: {  	s1 =	srdreg.scid  }
0x8b: {  	s0 =	sand.u32 $0x1, s1  }
0x8c: {  	s15 =	sshll.u32 s0, $0xA;
	s2 =	sadd.s32 s3, s2  }
0x8d: {  	s2 =	sadd.s32 s2, s15  }
0x8e: {  	[smem:$0x3FB7] =	sst s2  }
0x8f: {  	_ = 	snop  }
0x90: {  	s2 =	sld [smem:$0x3FD0];
	_ =	sdelay $0x2  }
0x91: {  	s4 =	simm.s32 $0xB;
	s16 =	simm.s32 $0x10  }
0x92: {  	[smem:s16], [sflag:s4] =	dma.local [hbm:s2], $0x1  }
0x93: {  	_ =	swait.eq [sflag:s4], $0x1  }
0x94: {  	[sflag:s4] =	ssyncset.done $0x0  }
0x95: {  	s17 =	sld [smem:$0x10];
	[sflag:s4] =	ssyncadd.s32 $0xFFFFFFFF  }
0x96: {  	s18 =	sld [smem:$0x11];
	(tm) =	ssettm $0x1  }
0x97: {  	s19 =	sld [smem:$0x3FFB];
	_ =	sdelay $0x3  }
0x98: {  	_ =	strace s19  }
0x99: {  	s2 =	sld [smem:$0x3FFC];
	_ =	sdelay $0x3  }
0x9a: {  	_ =	strace s2  }
0x9b: {  	s2 =	sld [smem:$0x3FFD];
	_ =	sdelay $0x3  }
0x9c: {  	_ =	strace s2  }
0x9d: {  	_ =	strace $0x8FFFFFFF  }
0x9e: {  	s20 =	sld [smem:$0x3FDB];
	_ =	sdelay $0x1  }
0x9f: {  	s5 =	simm.s32 $_scs_section_size  }
0xa0: {  	s6 =	simm.s32 $_size__tile_overlayer_lowered;
	s7 =	simm.s32 $_tile_overlayer_lowered  }
0xa1: {  	s8 =	simm.s32 $0x1BFF;
	s21 =	sshll.u32 s7, $0x1;
	s5 =	sadd.s32 s5, s20  }
0xa2: {  	s22 =	simm.s32 $0x0;
	s6 =	sshll.u32 s6, $0x1;
	s7 =	sadd.s32 s21, s5  }
0xa3: {  	[timem:s22], [sflag:s8] =	dma.local [hbm:s7], s6  }
0xa4: {  	_ =	swait.ge [sflag:s8], s6  }
0xa5: {  	s6 =	ssub.s32 $0x0, s6;
	[sflag:s8] =	ssyncset.done $0x0  }
0xa6: {  	[sflag:s8] =	ssyncadd.s32 s6;
	_ =	sdelay $0x1  }
0xa7: {  	s23 =	simm.s32 $0x1B8B  }
0xa8: {  	_ =	swait.ge [sflag:s23], $0x1  }
0xa9: {  	[sflag:s23] =	ssyncset.done $0x0  }
0xaa: {  	[sflag:s23] =	ssyncadd.s32 $0xFFFFFFFF  }
0xab: {  	s6 =	sld [smem:$0x0]  }
0xac: {  	s7 =	sand.u32 $0xFFFFFFFE, s1  }
0xad: {  	p0 =	sne.s32 s1, s7  }
0xae: {  	s7 =	sshll.u32 @p0 s7, $0xE  }
0xaf: {  	s7 =	sadd.s32 @p0 $0x11B8D, s7;
	s8 =	sshll.u32 @p0 s6, $0x11  }
0xb0: {  	s7 =	sor.u32 @p0 s8, s7  }
0xb1: {  	[sflag:s7] =	ssyncadd.remote.s32 @p0 $0x1;
	_ =	sdelay $0x1  }
0xb2: {  	s7 =	simm.s32 @p0 $0x1B8D  }
0xb3: {  	_ =	swait.eq @p0 [sflag:s7], $0x1  }
0xb4: {  	[sflag:s7] =	ssyncadd.s32 @p0 $0xFFFFFFFF  }
0xb5: {  	s8 =	sshll.u32 @!p0 s1, $0xE  }
0xb6: {  	s8 =	sor.u32 @!p0 $0x4000, s8;
	s7 =	simm.s32 @!p0 $0x1B8D  }
0xb7: {  	s6 =	sshll.u32 @!p0 s6, $0x11;
	s8 =	sadd.s32 @!p0 $0x11B8D, s8;
	_ =	swait.eq @!p0 [sflag:s7], $0x1  }
0xb8: {  	s6 =	sor.u32 @!p0 s6, s8;
	[sflag:s7] =	ssyncadd.s32 @!p0 $0xFFFFFFFF  }
0xb9: {  	s25 =	simm.s32 $0x1B8E;
	s24 =	sld [smem:$0x3FFE];
	[sflag:s6] =	ssyncadd.remote.s32 @!p0 $0x1  }
0xba: {  	s26 =	simm.s32 $execute0_lowered;
	[smem:$0x3FD2] =	sst s25  }
0xbb: {  	s7 =	sshll.u32 s26, $0x1;
	_ =	strace $0x80000049;
	[dreg:$0x1] =	wrdreg $0xFFFFFFFF  }
0xbc: {  	s28 =	simm.s32 $_size_execute0_lowered;
	s5 =	sadd.s32 s5, s7;
	[dreg:$0x0] =	wrdreg $0x0  }
0xbd: {  	s7 =	sshll.u32 s28, $0x1;
	[dreg:$0x2] =	wrdreg s5  }
0xbe: {  	[dreg:$0x3] =	wrdreg s7  }
0xbf: {  	[dreg:$0x4] =	wrdreg $0xC0  }
0xc0: {  	_ =	task [dreg:s22], $0x5FFFF  }
0xc1: {  	[dreg:$0x1] =	wrdreg $0xFFFFFFFF  }
0xc2: {  	[dreg:$0x0] =	wrdreg $0x60  }
0xc3: {  	[dreg:$0x2] =	wrdreg s18  }
0xc4: {  	[dreg:$0x3] =	wrdreg s17  }
0xc5: {  	[dreg:$0x4] =	wrdreg s24  }
0xc6: {  	[dreg:$0x5] =	wrdreg $0x9  }
0xc7: {  	_ =	task.clear_ibuf [dreg:s22], $0x6FFFF;
	_ =	strace $0x90000049  }
0xc8: {  	s29 =	simm.s32 $0x9;
	_ =	strace $0x8000004B  }
0xc9: {  	_ =	swait.ge [sflag:s29], $0x1  }
0xca: {  	[sflag:s29] =	ssyncadd.s32 $0xFFFFFFFF  }
0xcb: {  	_ =	strace $0x9000004B  }
0xcc: {  	_ =	sfence  }
0xcd: {  	s30 =	sld [smem:$0x0];
	_ =	sdelay $0x2  }
0xce: {  	s31 =	sshll.u32 s1, $0xD;
	s1 =	sshrl.u32 s1, $0x2  }
0xcf: {  	s4 =	sand.u32 $0x4000, s31;
	s1 =	sadd.s32 s1, s30  }
0xd0: {  	s0 =	sor.u32 s4, s0;
	s1 =	sshll.u32 s1, $0x11  }
0xd1: {  	s0 =	sor.u32 s1, s0  }
0xd2: {  	s0 =	sadd.s32 $0x8F2B, s0  }
0xd3: {  	[sflag:s0] =	ssyncadd.remote.s32 $0x1  }
0xd4: {  	_ =	sfence.sel $0xFFFF  }
0xd5: {  	[dreg:$0x0] =	wrdreg $0xFFFFFFFF;
	(pc) =	sbr.abs _section_cstart, $3  }
0xd6: {  	[dreg:$0x1] =	wrdreg $0xFFFFFFFF  }
0xd7: {  	_ =	task.clear_ibuf [dreg:s22], $0x2FFFF;
	_ =	strace $0x9FFFFFFF  }
0xd8: {  	(tm) =	ssettm $0x7FFFFFFF  }
0xd9: {  	_ =	shalt  }
tec
execute0_lowered:
.L_overlay_start_1:
0x0: {  	(tag) =	ssettag $0x1  }
0x1: {  	s1 =	rddreg [dreg:$0x0]  }
0x2: {  	s0 =	srdreg.scid;
	s3 =	rddreg [dreg:$0x1]  }
0x3: {  	s2 =	stileid.u32;
	s7 =	rddreg [dreg:$0x2];
	s5 =	simm.s32 $0x0  }
0x4: {  	s12 =	simm.s32 $0x9;
	s14 =	simm.s32 $0x80;
	s15 =	simm.s32 $0x500  }
0x5: {  	s16 =	simm.s32 $0x8500;
	s17 =	simm.s32 $0x4500;
	s18 =	simm.s32 $0xC500  }
0x6: {  	s19 =	simm.s32 $0x1;
	s20 =	simm.s32 $0x3;
	s21 =	simm.s32 $0x2  }
0x7: {  	s22 =	simm.s32 $0x4;
	s0 =	sand.u32 $0x1, s0;
	s2 =	sshll.u32 s2, $0x1  }
0x8: {  	s23 =	simm.s32 $0x5;
	s24 =	simm.s32 $0x7;
	s2 =	sor.u32 s0, s2  }
0x9: {  	s25 =	simm.s32 $0x6;
	s26 =	simm.s32 $0x8;
	s4 =	smul.u32 $0x500, s2  }
0xa: {  	s28 =	simm.s32 $0x0;
	[smem:$0x7FF] =	sst s5;
	s0 =	ssub.s32 $0x2, s0  }
0xb: {  	_ =	strace $0x8000004A;
	s9 =	sshrl.u32 s0, $0x1;
	s6 =	sshrl.u32 s4, $0x3  }
0xc: {  	s10 =	smul.u32 $0x28000, s2;
	s0 =	ssub.s32 s0, s9;
	s8 =	sadd.s32 s6, s7  }
0xd: {  	s11 =	smax.u32 s0, $0x1;
	s6 =	sadd.s32 $0x151200, s7;
	s31 =	sadd.s32 $0x14EA00, s8  }
0xe: {  	s7 =	sadd.s32 $0x1F1200, s7;
	s9 =	sadd.s32 $0x14FE00, s8;
	[dreg:$0x4] =	wrdreg s31  }
.LBB2_1:
0xf: {  	s0 =	rddreg [dreg:$0x4]  }
0x10: {  	[tilespmem:s5], [sflag:$0x9] =	stream.linear.gather [hbm4b:s0+s5], $0x500, $0x38;
	[tilespmem:$0x10A00] =	vst v63  }
0x11: {  	_ =	swait.ge [sflag:s12], $0x500  }
0x12: {  	[sflag:s12] =	ssyncset.done $0x0  }
0x13: {  	s31 =	simm.s32 $0x10500;
	[sflag:s12] =	ssyncadd.s32 $0xFFFFFB00  }
0x14: {  	[tilespmem:s31], [sflag:$0x9] =	stream.linear.gather [hbm4b:s9+s5], $0x500, $0x38;
	[tilespmem:$0x10A00] =	vst v63  }
0x15: {  	_ =	swait.ge [sflag:s12], $0x500  }
0x16: {  	[sflag:s12] =	ssyncset.done $0x0  }
0x17: {  	s29 =	simm.s32 $0x0;
	[sflag:s12] =	ssyncadd.s32 $0xFFFFFB00  }
.LBB2_2:
0x18: {  	s0 =	sshll.u32 s29, $0x8;
	s30 =	sshllo.u32 s29, $0x1  }
0x19: {  	[tilespmem:s15], [sflag:$0x1] =	stream.indirect.gather [hbm4b:s1+s14], $0x80, s0, s14, $0xb8;
	[tilespmem:$0x10A00] =	vst v63  }
0x1a: {  	s2 =	sshll.u32 s30, $0x9  }
0x1b: {  	[tilespmem:s16], [sflag:$0x3] =	stream.indirect.gather [hbm4b:s3+s14], $0x80, s0, s14, $0xb8;
	[tilespmem:$0x10A00] =	vst v63  }
0x1c: {  	s31 =	sshrl.u32 s2, $0x2  }
0x1d: {  	[tilespmem:s17], [sflag:$0x2] =	stream.indirect.gather [hbm4b:s1+s14], $0x80, s31, s14, $0xb8;
	[tilespmem:$0x10A00] =	vst v63  }
0x1e: {  	_ = 	snop  }
0x1f: {  	[tilespmem:s18], [sflag:$0x4] =	stream.indirect.gather [hbm4b:s3+s14], $0x80, s31, s14, $0xb8;
	[tilespmem:$0x10A00] =	vst v63  }
0x20: {  	_ =	swait.ge [sflag:s19], $0x4000  }
0x21: {  	s8 =	sand.u32 $0x3FFFFF00, s0;
	[sflag:s19] =	ssyncset.done $0x0  }
0x22: {  	s2 =	sadd.s32 $0x10500, s8;
	[sflag:s19] =	ssyncadd.s32 $0xFFFFC000  }
0x23: {  	s0 =	sadd.s32 s4, s0;
	v0 =	vmov s2;
	_ =	swait.ge [sflag:s20], $0x4000  }
0x24: {  	s2 =	sshll.u32 s0, $0x4;
	[sflag:s20] =	ssyncset.done $0x0  }
0x25: {  	s8 =	simm.s32 $0x0;
	s0 =	sadd.s32 s6, s2;
	[sflag:s20] =	ssyncadd.s32 $0xFFFFC000  }
0x26: {  	[hbm4b:s0+s8] =	stream.linear.scatter [tilespmem:s15], [sflag:$0x5], $0x4000, $0x38;
	[tilespmem:$0x10A00] =	vst v63  }
0x27: {  	s8 =	sand.u32 $0x70, s8  }
0x28: {  	s0 =	simm.s32 $0x8700;
	v1 =	vld.idx.msk [tilespmem:v0+s8+$0x0 ss:$0x1], $0xffff  }
0x29: {  	v2 =	vld [tilespmem:s0+$0xFFFFFE00];
	_ =	sdelay $0x4  }
0x2a: {  	v1 =	vsub.f32 v2, v1;
	_ =	sdelay $0x1  }
0x2b: {  	v2 =	vld [tilespmem:s0+$0xFFFFFE80];
	[tilespmem:s0+$0xFFFFFE00] =	vst v1  }
0x2c: {  	v1 =	vld.idx.msk [tilespmem:v0+s8+$0x0 ss:$0x1], $0xffff;
	_ =	sdelay $0x4  }
0x2d: {  	v1 =	vsub.f32 v2, v1;
	_ =	sdelay $0x1  }
0x2e: {  	v2 =	vld [tilespmem:s0+$0xFFFFFF00];
	[tilespmem:s0+$0xFFFFFE80] =	vst v1  }
0x2f: {  	v1 =	vld.idx.msk [tilespmem:v0+s8+$0x0 ss:$0x1], $0xffff;
	_ =	sdelay $0x4  }
0x30: {  	v1 =	vsub.f32 v2, v1;
	_ =	sdelay $0x1  }
0x31: {  	v2 =	vld [tilespmem:s0+$0xFFFFFF80];
	[tilespmem:s0+$0xFFFFFF00] =	vst v1  }
0x32: {  	v1 =	vld.idx.msk [tilespmem:v0+s8+$0x0 ss:$0x1], $0xffff;
	_ =	sdelay $0x4  }
0x33: {  	v1 =	vsub.f32 v2, v1;
	_ =	sdelay $0x1  }
0x34: {  	v2 =	vld [tilespmem:s0+$0x0];
	[tilespmem:s0+$0xFFFFFF80] =	vst v1  }
0x35: {  	v1 =	vld.idx.msk [tilespmem:v0+s8+$0x0 ss:$0x1], $0xffff;
	_ =	sdelay $0x4  }
0x36: {  	v1 =	vsub.f32 v2, v1;
	_ =	sdelay $0x1  }
0x37: {  	v2 =	vld [tilespmem:s0+$0x80];
	[tilespmem:s0+$0x0] =	vst v1  }
0x38: {  	v1 =	vld.idx.msk [tilespmem:v0+s8+$0x0 ss:$0x1], $0xffff;
	_ =	sdelay $0x4  }
0x39: {  	v1 =	vsub.f32 v2, v1;
	_ =	sdelay $0x1  }
0x3a: {  	v2 =	vld [tilespmem:s0+$0x100];
	[tilespmem:s0+$0x80] =	vst v1  }
0x3b: {  	v1 =	vld.idx.msk [tilespmem:v0+s8+$0x0 ss:$0x1], $0xffff;
	_ =	sdelay $0x4  }
0x3c: {  	v1 =	vsub.f32 v2, v1;
	_ =	sdelay $0x1  }
0x3d: {  	v2 =	vld [tilespmem:s0+$0x180];
	[tilespmem:s0+$0x100] =	vst v1  }
0x3e: {  	v1 =	vld.idx.msk [tilespmem:v0+s8+$0x0 ss:$0x1], $0xffff;
	_ =	sdelay $0x4  }
0x3f: {  	v1 =	vsub.f32 v2, v1  }
0x40: {  	s13 =	simm.s32 $0x8  }
0x41: {  	s13 =	sand.u32 $0x70, s13;
	s8 =	simm.s32 $0x10;
	[tilespmem:s0+$0x180] =	vst v1  }
.LBB2_3:
0x42: {  	p0 =	sne.s32 s8, $0x78;
	v1 =	vld.idx.msk [tilespmem:v0+s13+$0x0 ss:$0x1], $0xffff;
	s0 =	sadd.s32 $0x400, s0  }
0x43: {  	v2 =	vld [tilespmem:s0+$0xFFFFFE00];
	_ =	sdelay $0x4  }
0x44: {  	v1 =	vsub.f32 v2, v1;
	_ =	sdelay $0x1  }
0x45: {  	[tilespmem:s0+$0xFFFFFE00] =	vst v1  }
0x46: {  	v1 =	vld.idx.msk [tilespmem:v0+s13+$0x0 ss:$0x1], $0xffff  }
0x47: {  	v2 =	vld [tilespmem:s0+$0xFFFFFE80];
	_ =	sdelay $0x4  }
0x48: {  	v1 =	vsub.f32 v2, v1;
	_ =	sdelay $0x1  }
0x49: {  	[tilespmem:s0+$0xFFFFFE80] =	vst v1  }
0x4a: {  	v1 =	vld.idx.msk [tilespmem:v0+s13+$0x0 ss:$0x1], $0xffff  }
0x4b: {  	v2 =	vld [tilespmem:s0+$0xFFFFFF00];
	_ =	sdelay $0x4  }
0x4c: {  	v1 =	vsub.f32 v2, v1;
	_ =	sdelay $0x1  }
0x4d: {  	[tilespmem:s0+$0xFFFFFF00] =	vst v1  }
0x4e: {  	v1 =	vld.idx.msk [tilespmem:v0+s13+$0x0 ss:$0x1], $0xffff  }
0x4f: {  	v2 =	vld [tilespmem:s0+$0xFFFFFF80];
	_ =	sdelay $0x4  }
0x50: {  	v1 =	vsub.f32 v2, v1;
	_ =	sdelay $0x1  }
0x51: {  	[tilespmem:s0+$0xFFFFFF80] =	vst v1  }
0x52: {  	v1 =	vld.idx.msk [tilespmem:v0+s13+$0x0 ss:$0x1], $0xffff  }
0x53: {  	v2 =	vld [tilespmem:s0+$0x0];
	_ =	sdelay $0x4  }
0x54: {  	v1 =	vsub.f32 v2, v1;
	_ =	sdelay $0x1  }
0x55: {  	[tilespmem:s0+$0x0] =	vst v1  }
0x56: {  	v1 =	vld.idx.msk [tilespmem:v0+s13+$0x0 ss:$0x1], $0xffff  }
0x57: {  	v2 =	vld [tilespmem:s0+$0x80];
	_ =	sdelay $0x4  }
0x58: {  	v1 =	vsub.f32 v2, v1;
	_ =	sdelay $0x1  }
0x59: {  	[tilespmem:s0+$0x80] =	vst v1  }
0x5a: {  	v1 =	vld.idx.msk [tilespmem:v0+s13+$0x0 ss:$0x1], $0xffff  }
0x5b: {  	v2 =	vld [tilespmem:s0+$0x100];
	_ =	sdelay $0x4  }
0x5c: {  	v1 =	vsub.f32 v2, v1;
	_ =	sdelay $0x1  }
0x5d: {  	[tilespmem:s0+$0x100] =	vst v1  }
0x5e: {  	v1 =	vld.idx.msk [tilespmem:v0+s13+$0x0 ss:$0x1], $0xffff  }
0x5f: {  	v2 =	vld [tilespmem:s0+$0x180];
	_ =	sdelay $0x2  }
.Ltmp0:
0x60: {  	(pc) =	sbr.rel @p0 .LBB2_3-.Ltmp0, $3  }
0x61: {  	_ = 	snop  }
0x62: {  	v1 =	vsub.f32 v2, v1;
	_ =	sdelay $0x1  }
0x63: {  	s13 =	sand.u32 $0x70, s8;
	s8 =	sadd.s32 $0x8, s8;
	[tilespmem:s0+$0x180] =	vst v1  }
0x64: {  	_ =	sdelay $0x3  }
0x65: {  	v1 =	vld.idx.msk [tilespmem:v0+s13+$0x0 ss:$0x1], $0xffff;
	s0 =	sadd.s32 $0x400, s0  }
0x66: {  	v2 =	vld [tilespmem:s0+$0xFFFFFE00];
	_ =	sdelay $0x4  }
0x67: {  	v1 =	vsub.f32 v2, v1;
	_ =	sdelay $0x1  }
0x68: {  	v2 =	vld [tilespmem:s0+$0xFFFFFE80];
	[tilespmem:s0+$0xFFFFFE00] =	vst v1  }
0x69: {  	v1 =	vld.idx.msk [tilespmem:v0+s13+$0x0 ss:$0x1], $0xffff;
	_ =	sdelay $0x4  }
0x6a: {  	v1 =	vsub.f32 v2, v1;
	_ =	sdelay $0x1  }
0x6b: {  	v2 =	vld [tilespmem:s0+$0xFFFFFF00];
	[tilespmem:s0+$0xFFFFFE80] =	vst v1  }
0x6c: {  	v1 =	vld.idx.msk [tilespmem:v0+s13+$0x0 ss:$0x1], $0xffff;
	_ =	sdelay $0x4  }
0x6d: {  	v1 =	vsub.f32 v2, v1;
	_ =	sdelay $0x1  }
0x6e: {  	v2 =	vld [tilespmem:s0+$0xFFFFFF80];
	[tilespmem:s0+$0xFFFFFF00] =	vst v1  }
0x6f: {  	v1 =	vld.idx.msk [tilespmem:v0+s13+$0x0 ss:$0x1], $0xffff;
	_ =	sdelay $0x4  }
0x70: {  	v1 =	vsub.f32 v2, v1;
	_ =	sdelay $0x1  }
0x71: {  	v2 =	vld [tilespmem:s0+$0x0];
	[tilespmem:s0+$0xFFFFFF80] =	vst v1  }
0x72: {  	v1 =	vld.idx.msk [tilespmem:v0+s13+$0x0 ss:$0x1], $0xffff;
	_ =	sdelay $0x4  }
0x73: {  	v1 =	vsub.f32 v2, v1;
	_ =	sdelay $0x1  }
0x74: {  	v2 =	vld [tilespmem:s0+$0x80];
	[tilespmem:s0+$0x0] =	vst v1  }
0x75: {  	v1 =	vld.idx.msk [tilespmem:v0+s13+$0x0 ss:$0x1], $0xffff;
	_ =	sdelay $0x4  }
0x76: {  	v1 =	vsub.f32 v2, v1;
	_ =	sdelay $0x1  }
0x77: {  	v2 =	vld [tilespmem:s0+$0x100];
	[tilespmem:s0+$0x80] =	vst v1  }
0x78: {  	v1 =	vld.idx.msk [tilespmem:v0+s13+$0x0 ss:$0x1], $0xffff;
	_ =	sdelay $0x4  }
0x79: {  	v1 =	vsub.f32 v2, v1;
	_ =	sdelay $0x1  }
0x7a: {  	[tilespmem:s0+$0x100] =	vst v1;
	v1 =	vld [tilespmem:s0+$0x180]  }
0x7b: {  	v0 =	vld.idx.msk [tilespmem:v0+s13+$0x0 ss:$0x1], $0xffff;
	_ =	sdelay $0x4  }
0x7c: {  	v0 =	vsub.f32 v1, v0;
	_ =	sdelay $0x1  }
0x7d: {  	s2 =	sadd.s32 s7, s2;
	s8 =	simm.s32 $0x0;
	[tilespmem:s0+$0x180] =	vst v0  }
0x7e: {  	[hbm4b:s2+s8] =	stream.linear.scatter [tilespmem:s16], [sflag:$0x7], $0x4000, $0x38;
	[tilespmem:$0x10A00] =	vst v63  }
0x7f: {  	_ =	swait.ge [sflag:s21], $0x4000  }
0x80: {  	[sflag:s21] =	ssyncset.done $0x0  }
0x81: {  	s13 =	sshll.u32 s30, $0xE;
	s30 =	sadd.s32 $0x10500, s31;
	[sflag:s21] =	ssyncadd.s32 $0xFFFFC000  }
0x82: {  	s0 =	sadd.s32 s10, s13;
	v0 =	vmov s30;
	_ =	swait.ge [sflag:s22], $0x4000  }
0x83: {  	s2 =	sshrl.u32 s0, $0x3;
	[sflag:s22] =	ssyncset.done $0x0  }
0x84: {  	s0 =	sadd.s32 s6, s2;
	[sflag:s22] =	ssyncadd.s32 $0xFFFFC000  }
0x85: {  	[hbm4b:s0+s8] =	stream.linear.scatter [tilespmem:s17], [sflag:$0x6], $0x4000, $0x38;
	[tilespmem:$0x10A00] =	vst v63  }
0x86: {  	s8 =	sand.u32 $0x70, s8  }
0x87: {  	s0 =	simm.s32 $0xC700;
	v1 =	vld.idx.msk [tilespmem:v0+s8+$0x0 ss:$0x1], $0xffff  }
0x88: {  	v2 =	vld [tilespmem:s0+$0xFFFFFE00];
	_ =	sdelay $0x4  }
0x89: {  	v1 =	vsub.f32 v2, v1;
	_ =	sdelay $0x1  }
0x8a: {  	v2 =	vld [tilespmem:s0+$0xFFFFFE80];
	[tilespmem:s0+$0xFFFFFE00] =	vst v1  }
0x8b: {  	v1 =	vld.idx.msk [tilespmem:v0+s8+$0x0 ss:$0x1], $0xffff;
	_ =	sdelay $0x4  }
0x8c: {  	v1 =	vsub.f32 v2, v1;
	_ =	sdelay $0x1  }
0x8d: {  	v2 =	vld [tilespmem:s0+$0xFFFFFF00];
	[tilespmem:s0+$0xFFFFFE80] =	vst v1  }
0x8e: {  	v1 =	vld.idx.msk [tilespmem:v0+s8+$0x0 ss:$0x1], $0xffff;
	_ =	sdelay $0x4  }
0x8f: {  	v1 =	vsub.f32 v2, v1;
	_ =	sdelay $0x1  }
0x90: {  	v2 =	vld [tilespmem:s0+$0xFFFFFF80];
	[tilespmem:s0+$0xFFFFFF00] =	vst v1  }
0x91: {  	v1 =	vld.idx.msk [tilespmem:v0+s8+$0x0 ss:$0x1], $0xffff;
	_ =	sdelay $0x4  }
0x92: {  	v1 =	vsub.f32 v2, v1;
	_ =	sdelay $0x1  }
0x93: {  	v2 =	vld [tilespmem:s0+$0x0];
	[tilespmem:s0+$0xFFFFFF80] =	vst v1  }
0x94: {  	v1 =	vld.idx.msk [tilespmem:v0+s8+$0x0 ss:$0x1], $0xffff;
	_ =	sdelay $0x4  }
0x95: {  	v1 =	vsub.f32 v2, v1;
	_ =	sdelay $0x1  }
0x96: {  	v2 =	vld [tilespmem:s0+$0x80];
	[tilespmem:s0+$0x0] =	vst v1  }
0x97: {  	v1 =	vld.idx.msk [tilespmem:v0+s8+$0x0 ss:$0x1], $0xffff;
	_ =	sdelay $0x4  }
0x98: {  	v1 =	vsub.f32 v2, v1;
	_ =	sdelay $0x1  }
0x99: {  	v2 =	vld [tilespmem:s0+$0x100];
	[tilespmem:s0+$0x80] =	vst v1  }
0x9a: {  	v1 =	vld.idx.msk [tilespmem:v0+s8+$0x0 ss:$0x1], $0xffff;
	_ =	sdelay $0x4  }
0x9b: {  	v1 =	vsub.f32 v2, v1;
	_ =	sdelay $0x1  }
0x9c: {  	v2 =	vld [tilespmem:s0+$0x180];
	[tilespmem:s0+$0x100] =	vst v1  }
0x9d: {  	v1 =	vld.idx.msk [tilespmem:v0+s8+$0x0 ss:$0x1], $0xffff;
	_ =	sdelay $0x4  }
0x9e: {  	v1 =	vsub.f32 v2, v1  }
0x9f: {  	s31 =	simm.s32 $0x8  }
0xa0: {  	s13 =	sand.u32 $0x70, s31;
	s8 =	simm.s32 $0x10;
	[tilespmem:s0+$0x180] =	vst v1  }
.LBB2_5:
0xa1: {  	p0 =	sne.s32 s8, $0x78;
	v1 =	vld.idx.msk [tilespmem:v0+s13+$0x0 ss:$0x1], $0xffff;
	s0 =	sadd.s32 $0x400, s0  }
0xa2: {  	v2 =	vld [tilespmem:s0+$0xFFFFFE00];
	_ =	sdelay $0x4  }
0xa3: {  	v1 =	vsub.f32 v2, v1;
	_ =	sdelay $0x1  }
0xa4: {  	[tilespmem:s0+$0xFFFFFE00] =	vst v1  }
0xa5: {  	v1 =	vld.idx.msk [tilespmem:v0+s13+$0x0 ss:$0x1], $0xffff  }
0xa6: {  	v2 =	vld [tilespmem:s0+$0xFFFFFE80];
	_ =	sdelay $0x4  }
0xa7: {  	v1 =	vsub.f32 v2, v1;
	_ =	sdelay $0x1  }
0xa8: {  	[tilespmem:s0+$0xFFFFFE80] =	vst v1  }
0xa9: {  	v1 =	vld.idx.msk [tilespmem:v0+s13+$0x0 ss:$0x1], $0xffff  }
0xaa: {  	v2 =	vld [tilespmem:s0+$0xFFFFFF00];
	_ =	sdelay $0x4  }
0xab: {  	v1 =	vsub.f32 v2, v1;
	_ =	sdelay $0x1  }
0xac: {  	[tilespmem:s0+$0xFFFFFF00] =	vst v1  }
0xad: {  	v1 =	vld.idx.msk [tilespmem:v0+s13+$0x0 ss:$0x1], $0xffff  }
0xae: {  	v2 =	vld [tilespmem:s0+$0xFFFFFF80];
	_ =	sdelay $0x4  }
0xaf: {  	v1 =	vsub.f32 v2, v1;
	_ =	sdelay $0x1  }
0xb0: {  	[tilespmem:s0+$0xFFFFFF80] =	vst v1  }
0xb1: {  	v1 =	vld.idx.msk [tilespmem:v0+s13+$0x0 ss:$0x1], $0xffff  }
0xb2: {  	v2 =	vld [tilespmem:s0+$0x0];
	_ =	sdelay $0x4  }
0xb3: {  	v1 =	vsub.f32 v2, v1;
	_ =	sdelay $0x1  }
0xb4: {  	[tilespmem:s0+$0x0] =	vst v1  }
0xb5: {  	v1 =	vld.idx.msk [tilespmem:v0+s13+$0x0 ss:$0x1], $0xffff  }
0xb6: {  	v2 =	vld [tilespmem:s0+$0x80];
	_ =	sdelay $0x4  }
0xb7: {  	v1 =	vsub.f32 v2, v1;
	_ =	sdelay $0x1  }
0xb8: {  	[tilespmem:s0+$0x80] =	vst v1  }
0xb9: {  	v1 =	vld.idx.msk [tilespmem:v0+s13+$0x0 ss:$0x1], $0xffff  }
0xba: {  	v2 =	vld [tilespmem:s0+$0x100];
	_ =	sdelay $0x4  }
0xbb: {  	v1 =	vsub.f32 v2, v1;
	_ =	sdelay $0x1  }
0xbc: {  	[tilespmem:s0+$0x100] =	vst v1  }
0xbd: {  	v1 =	vld.idx.msk [tilespmem:v0+s13+$0x0 ss:$0x1], $0xffff  }
0xbe: {  	v2 =	vld [tilespmem:s0+$0x180];
	_ =	sdelay $0x2  }
.Ltmp1:
0xbf: {  	(pc) =	sbr.rel @p0 .LBB2_5-.Ltmp1, $3  }
0xc0: {  	_ = 	snop  }
0xc1: {  	v1 =	vsub.f32 v2, v1;
	_ =	sdelay $0x1  }
0xc2: {  	s13 =	sand.u32 $0x70, s8;
	s8 =	sadd.s32 $0x8, s8;
	[tilespmem:s0+$0x180] =	vst v1  }
0xc3: {  	_ =	sdelay $0x3  }
0xc4: {  	v1 =	vld.idx.msk [tilespmem:v0+s13+$0x0 ss:$0x1], $0xffff;
	s0 =	sadd.s32 $0x400, s0  }
0xc5: {  	v2 =	vld [tilespmem:s0+$0xFFFFFE00];
	_ =	sdelay $0x4  }
0xc6: {  	v1 =	vsub.f32 v2, v1;
	_ =	sdelay $0x1  }
0xc7: {  	v56 =	vld [tilespmem:s0+$0xFFFFFE80];
	[tilespmem:s0+$0xFFFFFE00] =	vst v1  }
0xc8: {  	v1 =	vld.idx.msk [tilespmem:v0+s13+$0x0 ss:$0x1], $0xffff;
	_ =	sdelay $0x4  }
0xc9: {  	v1 =	vsub.f32 v56, v1;
	_ =	sdelay $0x1  }
0xca: {  	v57 =	vld [tilespmem:s0+$0xFFFFFF00];
	[tilespmem:s0+$0xFFFFFE80] =	vst v1  }
0xcb: {  	v1 =	vld.idx.msk [tilespmem:v0+s13+$0x0 ss:$0x1], $0xffff;
	_ =	sdelay $0x4  }
0xcc: {  	v1 =	vsub.f32 v57, v1;
	_ =	sdelay $0x1  }
0xcd: {  	v58 =	vld [tilespmem:s0+$0xFFFFFF80];
	[tilespmem:s0+$0xFFFFFF00] =	vst v1  }
0xce: {  	v1 =	vld.idx.msk [tilespmem:v0+s13+$0x0 ss:$0x1], $0xffff;
	_ =	sdelay $0x4  }
0xcf: {  	v1 =	vsub.f32 v58, v1;
	_ =	sdelay $0x1  }
0xd0: {  	v59 =	vld [tilespmem:s0+$0x0];
	[tilespmem:s0+$0xFFFFFF80] =	vst v1  }
0xd1: {  	v1 =	vld.idx.msk [tilespmem:v0+s13+$0x0 ss:$0x1], $0xffff;
	_ =	sdelay $0x4  }
0xd2: {  	v1 =	vsub.f32 v59, v1;
	_ =	sdelay $0x1  }
0xd3: {  	v60 =	vld [tilespmem:s0+$0x80];
	[tilespmem:s0+$0x0] =	vst v1  }
0xd4: {  	v1 =	vld.idx.msk [tilespmem:v0+s13+$0x0 ss:$0x1], $0xffff;
	_ =	sdelay $0x4  }
0xd5: {  	v1 =	vsub.f32 v60, v1;
	_ =	sdelay $0x1  }
0xd6: {  	v61 =	vld [tilespmem:s0+$0x100];
	[tilespmem:s0+$0x80] =	vst v1  }
0xd7: {  	v1 =	vld.idx.msk [tilespmem:v0+s13+$0x0 ss:$0x1], $0xffff;
	_ =	sdelay $0x4  }
0xd8: {  	v1 =	vsub.f32 v61, v1;
	_ =	sdelay $0x1  }
0xd9: {  	v63 =	vld [tilespmem:s0+$0x180];
	[tilespmem:s0+$0x100] =	vst v1  }
0xda: {  	v62 =	vld.idx.msk [tilespmem:v0+s13+$0x0 ss:$0x1], $0xffff;
	_ =	sdelay $0x4  }
0xdb: {  	v0 =	vsub.f32 v63, v62;
	_ =	sdelay $0x1  }
0xdc: {  	s31 =	sadd.s32 s7, s2;
	[tilespmem:s0+$0x180] =	vst v0  }
0xdd: {  	[hbm4b:s31+s5] =	stream.linear.scatter [tilespmem:s18], [sflag:$0x8], $0x4000, $0x38;
	[tilespmem:$0x10A00] =	vst v63  }
0xde: {  	_ =	swait.ge [sflag:s23], $0x4000  }
0xdf: {  	[sflag:s23] =	ssyncset.done $0x0  }
0xe0: {  	[sflag:s23] =	ssyncadd.s32 $0xFFFFC000  }
0xe1: {  	_ =	swait.ge [sflag:s24], $0x4000  }
0xe2: {  	[sflag:s24] =	ssyncset.done $0x0  }
0xe3: {  	s29 =	sadd.s32 $0x1, s29;
	[sflag:s24] =	ssyncadd.s32 $0xFFFFC000  }
0xe4: {  	p0 =	sne.s32 s29, $0x5;
	_ =	swait.ge [sflag:s25], $0x4000  }
.Ltmp2:
0xe5: {  	[sflag:s25] =	ssyncset.done $0x0;
	(pc) =	sbr.rel @p0 .LBB2_2-.Ltmp2, $4  }
0xe6: {  	[sflag:s25] =	ssyncadd.s32 $0xFFFFC000  }
0xe7: {  	_ =	swait.ge [sflag:s26], $0x4000  }
0xe8: {  	[sflag:s26] =	ssyncset.done $0x0  }
0xe9: {  	[sflag:s26] =	ssyncadd.s32 $0xFFFFC000  }
0xea: {  	s28 =	sadd.s32 $0x1, s28  }
0xeb: {  	p0 =	sne.s32 s28, s11  }
.Ltmp3:
0xec: {  	_ = 	snop;
	(pc) =	sbr.rel @p0 .LBB2_1-.Ltmp3, $1  }
0xed: {  	_ =	sdelay $0x3  }
0xee: {  	_ =	sfence.sel $0x180000  }
0xef: {  	[bflag:$0x0] =	sbarrier.arrive $0xFFFF  }
0xf0: {  	_ =	strace $0x9000004A  }
0xf1: {  	s0 =	stileid.u32;
	[bflag:$0x2] =	sbarrier.arrive $0xFFFF  }
0xf2: {  	p0 =	sne.s32 s0, $0x0;
	s0 =	rddreg [dreg:$0x3]  }
0xf3: {  	s0 =	sadd.s32 @!p0 $0x100000, s0  }
0xf4: {  	[sflag:s0] =	ssyncadd.tile.s32 @!p0 $0x1;
	_ =	shalt  }
.Lfunc_end2:
_tile_overlayer_lowered:
.L_overlay_start_2:
0xf5: {  	(tag) =	ssettag $0x2  }
0xf6: {  	s0 =	rddreg [dreg:$0x0];
	s2 =	stileid.u32  }
0xf7: {  	s1 =	rddreg [dreg:$0x1];
	p0 =	sne.s32 s2, $0x0  }
0xf8: {  	s3 =	rddreg [dreg:$0x2];
	[bflag:$0x3] =	sbarrier.arrive $0xFFFF;
	s2 =	simm.s32 @!p0 $0x1C09  }
0xf9: {  	[timem:s3], [sflag:s2] =	dma.local @!p0 [hbm:s0], s1  }
0xfa: {  	s0 =	simm.s32 @!p0 $0x9  }
0xfb: {  	_ =	swait.ge @!p0 [sflag:s0], s1  }
0xfc: {  	s1 =	ssub.s32 @!p0 $0x0, s1;
	[sflag:s0] =	ssyncset.done @!p0 $0x0  }
0xfd: {  	[sflag:s0] =	ssyncadd.s32 @!p0 s1  }
0xfe: {  	[bflag:$0x3] =	sbarrier.arrive $0xFFFF  }
0xff: {  	_ =	shalt  }

// kernel: kernel.13.cloned.1.call-start
scs
__scs_entry_jumppad:
0x0: {  	(pc) =	sbr.rel $0x88, $3  }
0x1: {  	(tag) =	ssettag $0x0;
	lr =	simm.s32 $0x1  }
0x2: {  	[smem:$0x3F90] =	sst lr;
	_ =	strace $0xD0000000  }
0x3: {  	_ = 	snop  }
0x4: {  	_ = 	snop  }
0x5: {  	_ = 	snop  }
0x6: {  	_ = 	snop  }
0x7: {  	_ = 	snop  }
__scs_overlays_trampoline_lowered:
0x8: {  	[smem:$0x3F9F] =	sst s0  }
0x9: {  	[smem:$0x3FA0] =	sst s1  }
0xa: {  	[smem:$0x3FA1] =	sst s2  }
0xb: {  	[smem:$0x3FA2] =	sst s3  }
0xc: {  	[smem:$0x3FA3] =	sst s4  }
0xd: {  	[smem:$0x3FA4] =	sst s5  }
0xe: {  	[smem:$0x3FA5] =	sst s6  }
0xf: {  	[smem:$0x3FA6] =	sst s7  }
0x10: {  	[smem:$0x3FA7] =	sst s8  }
0x11: {  	[smem:$0x3FA8] =	sst s9;
	s0 =	simm.s32 @!p0 $0x0  }
0x12: {  	s1 =	sld [smem:$0x3F8E];
	s0 =	simm.s32 @p0 $0x1  }
0x13: {  	[smem:$0x3FA9] =	sst s0;
	s0 =	simm.s32 @!p1 $0x0  }
0x14: {  	s2 =	sld [smem:$0x3F8D];
	s0 =	simm.s32 @p1 $0x1  }
0x15: {  	[smem:$0x3FAA] =	sst s0;
	s0 =	simm.s32 @!p2 $0x0  }
0x16: {  	s3 =	sld [smem:$0x3FDB];
	s0 =	simm.s32 @p2 $0x1  }
0x17: {  	s4 =	simm.s32 $0x1BF5;
	[smem:$0x3FAC] =	sst s0  }
0x18: {  	s0 =	sld [smem:$0x3F8F];
	_ =	swait.ge [sflag:s4], $0x0  }
0x19: {  	s7 =	sld [smem:$0x3F90]  }
0x1a: {  	s8 =	sadd.s32 $0xFFFFE003, lr  }
0x1b: {  	s9 =	sadd.s32 $0xFFFFFEF7, lr;
	s5 =	simm.s32 $0xFFFFFFFF;
	p2 =	slt.u32 s8, $0xFFFFF086  }
0x1c: {  	p1 =	slt.u32 s9, $0xF7A;
	s5 =	simm.s32 @!p2 $0x0  }
0x1d: {  	s5 =	simm.s32 @p1 $0x1;
	p0 =	seq.s32 s7, s2  }
0x1e: {  	s7 =	smul.u32 @!p0 $0xF7A, s2;
	p2 =	seq.s32 @!p0 s5, $0x0  }
0x1f: {  	s9 =	smul.u32 $0xF7A, s1;
	s8 =	simm.s32 @!p0 $0x1BF5;
	p2 =	por !p2, p0  }
0x20: {  	[sflag:s8] =	ssyncset.s32 @!p0 $0xFFFFF086;
	s6 =	sadd.s32 @!p0 s3, s7;
	s7 =	simm.s32 @!p0 $0x108  }
0x21: {  	s3 =	sadd.s32 s3, s9;
	s6 =	sadd.s32 @!p0 $0x88, s6;
	s7 =	simm.s32 @p2 $0x1082  }
0x22: {  	[simem:s7], [sflag:s8] =	dma.local @!p0 [hbm:s6], $0xF7A  }
0x23: {  	s9 =	sor.u32 $0xD0000000, s2;
	s6 =	simm.s32 $0x108;
	_ =	swait.ge @!p0 [sflag:s8], $0x0  }
0x24: {  	s3 =	sadd.s32 $0x88, s3;
	s6 =	simm.s32 @!p1 $0x1082;
	[sflag:s4] =	ssyncset.s32 $0xFFFFF086  }
0x25: {  	[simem:s6], [sflag:s4] =	dma.local [hbm:s3], $0xF7A  }
0x26: {  	[smem:$0x3F90] =	sst s1;
	(tag) =	ssettag s2;
	_ =	strace s9  }
0x27: {  	s1 =	sld [smem:$0x3FA0]  }
0x28: {  	s2 =	sld [smem:$0x3FA1]  }
0x29: {  	s4 =	sld [smem:$0x3FA3]  }
0x2a: {  	p0 =	seq.s32 s5, $0x0;
	s5 =	sld [smem:$0x3FA4]  }
0x2b: {  	s6 =	sld [smem:$0x3FA5]  }
0x2c: {  	s7 =	sld [smem:$0x3FA6]  }
0x2d: {  	s3 =	simm.s32 $0x108;
	s8 =	sld [smem:$0x3FA7]  }
0x2e: {  	s3 =	simm.s32 @!p0 $0x1082;
	s9 =	sld [smem:$0x3FA8]  }
0x2f: {  	lr =	sadd.s32 s0, s3;
	s0 =	sld [smem:$0x3F9F]  }
0x30: {  	s3 =	sld [smem:$0x3FA2]  }
0x31: {  	[smem:$0x3FAB] =	sst s10  }
0x32: {  	s10 =	sld [smem:$0x3FA9];
	_ =	sdelay $0x3  }
0x33: {  	p0 =	seq.s32 s10, $0x1;
	s10 =	sld [smem:$0x3FAB];
	_ =	sdelay $0x3  }
0x34: {  	[smem:$0x3FAB] =	sst s10  }
0x35: {  	s10 =	sld [smem:$0x3FAA];
	_ =	sdelay $0x3  }
0x36: {  	p1 =	seq.s32 s10, $0x1;
	s10 =	sld [smem:$0x3FAB];
	_ =	sdelay $0x3  }
0x37: {  	[smem:$0x3FAB] =	sst s10  }
0x38: {  	s10 =	sld [smem:$0x3FAC]  }
0x39: {  	_ = 	snop;
	(pc) =	sbr.ind lr, $3  }
0x3a: {  	_ = 	snop  }
0x3b: {  	_ = 	snop  }
0x3c: {  	p2 =	seq.s32 s10, $0x1;
	s10 =	sld [smem:$0x3FAB]  }
0x3d: {  	_ =	shalt  }
0x3e: {  	_ =	shalt  }
0x3f: {  	_ =	shalt  }
0x40: {  	_ =	shalt  }
0x41: {  	_ =	shalt  }
0x42: {  	_ =	shalt  }
0x43: {  	_ =	shalt  }
0x44: {  	_ =	shalt  }
0x45: {  	_ =	shalt  }
0x46: {  	_ =	shalt  }
0x47: {  	_ =	shalt  }
0x48: {  	_ =	shalt  }
0x49: {  	_ =	shalt  }
0x4a: {  	_ =	shalt  }
0x4b: {  	_ =	shalt  }
0x4c: {  	_ =	shalt  }
0x4d: {  	_ =	shalt  }
0x4e: {  	_ =	shalt  }
0x4f: {  	_ =	shalt  }
0x50: {  	_ =	shalt  }
0x51: {  	_ =	shalt  }
0x52: {  	_ =	shalt  }
0x53: {  	_ =	shalt  }
0x54: {  	_ =	shalt  }
0x55: {  	_ =	shalt  }
0x56: {  	_ =	shalt  }
0x57: {  	_ =	shalt  }
0x58: {  	_ =	shalt  }
0x59: {  	_ =	shalt  }
0x5a: {  	_ =	shalt  }
0x5b: {  	_ =	shalt  }
0x5c: {  	_ =	shalt  }
0x5d: {  	_ =	shalt  }
0x5e: {  	_ =	shalt  }
0x5f: {  	_ =	shalt  }
0x60: {  	_ =	shalt  }
0x61: {  	_ =	shalt  }
0x62: {  	_ =	shalt  }
0x63: {  	_ =	shalt  }
0x64: {  	_ =	shalt  }
0x65: {  	_ =	shalt  }
0x66: {  	_ =	shalt  }
0x67: {  	_ =	shalt  }
0x68: {  	_ =	shalt  }
0x69: {  	_ =	shalt  }
0x6a: {  	_ =	shalt  }
0x6b: {  	_ =	shalt  }
0x6c: {  	_ =	shalt  }
0x6d: {  	_ =	shalt  }
0x6e: {  	_ =	shalt  }
0x6f: {  	_ =	shalt  }
0x70: {  	_ =	shalt  }
0x71: {  	_ =	shalt  }
0x72: {  	_ =	shalt  }
0x73: {  	_ =	shalt  }
0x74: {  	_ =	shalt  }
0x75: {  	_ =	shalt  }
0x76: {  	_ =	shalt  }
0x77: {  	_ =	shalt  }
0x78: {  	_ =	shalt  }
0x79: {  	_ =	shalt  }
0x7a: {  	_ =	shalt  }
0x7b: {  	_ =	shalt  }
0x7c: {  	_ =	shalt  }
0x7d: {  	_ =	shalt  }
0x7e: {  	_ =	shalt  }
0x7f: {  	_ =	shalt  }
0x80: {  	_ =	shalt  }
0x81: {  	_ =	shalt  }
0x82: {  	_ =	shalt  }
0x83: {  	_ =	shalt  }
0x84: {  	_ =	shalt  }
0x85: {  	_ =	shalt  }
0x86: {  	_ =	shalt  }
0x87: {  	_ =	shalt  }
.Lfunc_end0:
.L_simem_size_0:
called_computation.1_lowered:
.L_overlay_start_0:
0x88: {  	s2 =	sld [smem:$0x3FD9]  }
0x89: {  	s3 =	sld [smem:$0x3FFE];
	_ =	sdelay $0x1  }
0x8a: {  	s1 =	srdreg.scid  }
0x8b: {  	s0 =	sand.u32 $0x1, s1  }
0x8c: {  	s14 =	sshll.u32 s0, $0xA;
	s2 =	sadd.s32 s3, s2  }
0x8d: {  	s2 =	sadd.s32 s2, s14  }
0x8e: {  	[smem:$0x3FB7] =	sst s2  }
0x8f: {  	_ = 	snop  }
0x90: {  	s2 =	sld [smem:$0x3FD0];
	_ =	sdelay $0x2  }
0x91: {  	s15 =	simm.s32 $0xB;
	s4 =	simm.s32 $0x10  }
0x92: {  	[smem:s4], [sflag:s15] =	dma.local [hbm:s2], $0x1  }
0x93: {  	_ =	swait.eq [sflag:s15], $0x1  }
0x94: {  	[sflag:s15] =	ssyncset.done $0x0  }
0x95: {  	s16 =	sld [smem:$0x10];
	[sflag:s15] =	ssyncadd.s32 $0xFFFFFFFF  }
0x96: {  	s17 =	sld [smem:$0x11];
	(tm) =	ssettm $0x1  }
0x97: {  	s18 =	sld [smem:$0x3FFB];
	_ =	sdelay $0x3  }
0x98: {  	_ =	strace s18  }
0x99: {  	s4 =	sld [smem:$0x3FFC];
	_ =	sdelay $0x3  }
0x9a: {  	_ =	strace s4  }
0x9b: {  	s4 =	sld [smem:$0x3FFD];
	_ =	sdelay $0x3  }
0x9c: {  	_ =	strace s4  }
0x9d: {  	_ =	strace $0x8FFFFFFF  }
0x9e: {  	s19 =	sld [smem:$0x3FDB];
	_ =	sdelay $0x1  }
0x9f: {  	s5 =	simm.s32 $_scs_section_size  }
0xa0: {  	s6 =	simm.s32 $_size__tile_overlayer_lowered;
	s7 =	simm.s32 $_tile_overlayer_lowered  }
0xa1: {  	s22 =	simm.s32 $0x1BFF;
	s21 =	sshll.u32 s7, $0x1;
	s4 =	sadd.s32 s5, s19  }
0xa2: {  	s8 =	simm.s32 $0x0;
	s20 =	sshll.u32 s6, $0x1;
	s6 =	sadd.s32 s21, s4  }
0xa3: {  	[timem:s8], [sflag:s22] =	dma.local [hbm:s6], s20  }
0xa4: {  	_ =	swait.ge [sflag:s22], s20  }
0xa5: {  	s5 =	ssub.s32 $0x0, s20;
	[sflag:s22] =	ssyncset.done $0x0  }
0xa6: {  	[sflag:s22] =	ssyncadd.s32 s5;
	_ =	sdelay $0x1  }
0xa7: {  	s23 =	simm.s32 $0x1B8B  }
0xa8: {  	_ =	swait.ge [sflag:s23], $0x1  }
0xa9: {  	[sflag:s23] =	ssyncset.done $0x0  }
0xaa: {  	s25 =	simm.s32 $0x1B8E;
	s24 =	sld [smem:$0x3FFE];
	[sflag:s23] =	ssyncadd.s32 $0xFFFFFFFF  }
0xab: {  	s26 =	simm.s32 $execute0_lowered;
	[smem:$0x3FD2] =	sst s25  }
0xac: {  	s6 =	sshll.u32 s26, $0x1;
	_ =	strace $0x80000046;
	[dreg:$0x1] =	wrdreg $0xFFFFFFFF  }
0xad: {  	s28 =	simm.s32 $_size_execute0_lowered;
	s4 =	sadd.s32 s4, s6;
	[dreg:$0x0] =	wrdreg $0x0  }
0xae: {  	s6 =	sshll.u32 s28, $0x1;
	[dreg:$0x2] =	wrdreg s4  }
0xaf: {  	[dreg:$0x3] =	wrdreg s6  }
0xb0: {  	[dreg:$0x4] =	wrdreg $0xC0  }
0xb1: {  	_ =	task [dreg:s8], $0x5FFFF  }
0xb2: {  	[dreg:$0x1] =	wrdreg $0xFFFFFFFF  }
0xb3: {  	[dreg:$0x0] =	wrdreg $0x60  }
0xb4: {  	[dreg:$0x2] =	wrdreg s17  }
0xb5: {  	[dreg:$0x3] =	wrdreg s16  }
0xb6: {  	[dreg:$0x4] =	wrdreg s24  }
0xb7: {  	[dreg:$0x5] =	wrdreg $0xA  }
0xb8: {  	_ =	task.clear_ibuf [dreg:s8], $0x6FFFF;
	_ =	strace $0x90000046  }
0xb9: {  	s29 =	simm.s32 $0xA;
	_ =	strace $0x80000048  }
0xba: {  	_ =	swait.ge [sflag:s29], $0x1  }
0xbb: {  	[sflag:s29] =	ssyncadd.s32 $0xFFFFFFFF  }
0xbc: {  	_ =	strace $0x90000048  }
0xbd: {  	_ =	sfence  }
0xbe: {  	s30 =	sld [smem:$0x0];
	_ =	sdelay $0x2  }
0xbf: {  	s31 =	sshll.u32 s1, $0xD;
	s1 =	sshrl.u32 s1, $0x2  }
0xc0: {  	s3 =	sand.u32 $0x4000, s31;
	s1 =	sadd.s32 s1, s30  }
0xc1: {  	s0 =	sor.u32 s3, s0;
	s1 =	sshll.u32 s1, $0x11  }
0xc2: {  	s0 =	sor.u32 s1, s0  }
0xc3: {  	s0 =	sadd.s32 $0x8F2B, s0  }
0xc4: {  	[sflag:s0] =	ssyncadd.remote.s32 $0x1  }
0xc5: {  	_ =	sfence.sel $0xFFFF  }
0xc6: {  	[dreg:$0x0] =	wrdreg $0xFFFFFFFF;
	(pc) =	sbr.abs _section_cstart, $3  }
0xc7: {  	[dreg:$0x1] =	wrdreg $0xFFFFFFFF  }
0xc8: {  	_ =	task.clear_ibuf [dreg:s8], $0x2FFFF;
	_ =	strace $0x9FFFFFFF  }
0xc9: {  	(tm) =	ssettm $0x7FFFFFFF  }
tec
execute0_lowered:
.L_overlay_start_1:
0x0: {  	(tag) =	ssettag $0x1  }
0x1: {  	s1 =	rddreg [dreg:$0x0]  }
0x2: {  	s0 =	srdreg.scid;
	s3 =	rddreg [dreg:$0x1]  }
0x3: {  	s2 =	stileid.u32;
	s7 =	rddreg [dreg:$0x2];
	s5 =	simm.s32 $0x0  }
0x4: {  	s12 =	simm.s32 $0x9;
	s14 =	simm.s32 $0x80;
	s15 =	simm.s32 $0x500  }
0x5: {  	s16 =	simm.s32 $0x8500;
	s17 =	simm.s32 $0x4500;
	s18 =	simm.s32 $0xC500  }
0x6: {  	s19 =	simm.s32 $0x1;
	s20 =	simm.s32 $0x3;
	s21 =	simm.s32 $0x2  }
0x7: {  	s22 =	simm.s32 $0x4;
	s0 =	sand.u32 $0x1, s0;
	s2 =	sshll.u32 s2, $0x1  }
0x8: {  	s23 =	simm.s32 $0x5;
	s24 =	simm.s32 $0x7;
	s2 =	sor.u32 s0, s2  }
0x9: {  	s25 =	simm.s32 $0x6;
	s26 =	simm.s32 $0x8;
	s4 =	smul.u32 $0x500, s2  }
0xa: {  	s28 =	simm.s32 $0x0;
	[smem:$0x7FF] =	sst s5;
	s0 =	ssub.s32 $0x2, s0  }
0xb: {  	_ =	strace $0x80000047;
	s9 =	sshrl.u32 s0, $0x1;
	s6 =	sshrl.u32 s4, $0x3  }
0xc: {  	s10 =	smul.u32 $0x28000, s2;
	s0 =	ssub.s32 s0, s9;
	s8 =	sadd.s32 s6, s7  }
0xd: {  	s11 =	smax.u32 s0, $0x1;
	s6 =	sadd.s32 $0xEA00, s7;
	s31 =	sadd.s32 $0xAE00, s8  }
0xe: {  	s7 =	sadd.s32 $0xAEA00, s7;
	s9 =	sadd.s32 $0x7200, s8;
	[dreg:$0x4] =	wrdreg s31  }
.LBB2_1:
0xf: {  	s0 =	rddreg [dreg:$0x4]  }
0x10: {  	[tilespmem:s5], [sflag:$0x9] =	stream.linear.gather [hbm4b:s0+s5], $0x500, $0x38;
	[tilespmem:$0x10A00] =	vst v63  }
0x11: {  	_ =	swait.ge [sflag:s12], $0x500  }
0x12: {  	[sflag:s12] =	ssyncset.done $0x0  }
0x13: {  	s31 =	simm.s32 $0x10500;
	[sflag:s12] =	ssyncadd.s32 $0xFFFFFB00  }
0x14: {  	[tilespmem:s31], [sflag:$0x9] =	stream.linear.gather [hbm4b:s9+s5], $0x500, $0x38;
	[tilespmem:$0x10A00] =	vst v63  }
0x15: {  	_ =	swait.ge [sflag:s12], $0x500  }
0x16: {  	[sflag:s12] =	ssyncset.done $0x0  }
0x17: {  	s29 =	simm.s32 $0x0;
	[sflag:s12] =	ssyncadd.s32 $0xFFFFFB00  }
.LBB2_2:
0x18: {  	s0 =	sshll.u32 s29, $0x8;
	s30 =	sshllo.u32 s29, $0x1  }
0x19: {  	[tilespmem:s15], [sflag:$0x1] =	stream.indirect.gather [hbm4b:s1+s14], $0x80, s0, s14, $0xb8;
	[tilespmem:$0x10A00] =	vst v63  }
0x1a: {  	s2 =	sshll.u32 s30, $0x9  }
0x1b: {  	[tilespmem:s16], [sflag:$0x3] =	stream.indirect.gather [hbm4b:s3+s14], $0x80, s0, s14, $0xb8;
	[tilespmem:$0x10A00] =	vst v63  }
0x1c: {  	s31 =	sshrl.u32 s2, $0x2  }
0x1d: {  	[tilespmem:s17], [sflag:$0x2] =	stream.indirect.gather [hbm4b:s1+s14], $0x80, s31, s14, $0xb8;
	[tilespmem:$0x10A00] =	vst v63  }
0x1e: {  	_ = 	snop  }
0x1f: {  	[tilespmem:s18], [sflag:$0x4] =	stream.indirect.gather [hbm4b:s3+s14], $0x80, s31, s14, $0xb8;
	[tilespmem:$0x10A00] =	vst v63  }
0x20: {  	_ =	swait.ge [sflag:s19], $0x4000  }
0x21: {  	s8 =	sand.u32 $0x3FFFFF00, s0;
	[sflag:s19] =	ssyncset.done $0x0  }
0x22: {  	s2 =	sadd.s32 $0x10500, s8;
	[sflag:s19] =	ssyncadd.s32 $0xFFFFC000  }
0x23: {  	s0 =	sadd.s32 s4, s0;
	v0 =	vmov s2;
	_ =	swait.ge [sflag:s20], $0x4000  }
0x24: {  	s2 =	sshll.u32 s0, $0x4;
	[sflag:s20] =	ssyncset.done $0x0  }
0x25: {  	s8 =	simm.s32 $0x0;
	s0 =	sadd.s32 s6, s2;
	[sflag:s20] =	ssyncadd.s32 $0xFFFFC000  }
0x26: {  	[hbm4b:s0+s8] =	stream.linear.scatter [tilespmem:s15], [sflag:$0x5], $0x4000, $0x38;
	[tilespmem:$0x10A00] =	vst v63  }
0x27: {  	s8 =	sand.u32 $0x70, s8  }
0x28: {  	s0 =	simm.s32 $0x8700;
	v1 =	vld.idx.msk [tilespmem:v0+s8+$0x0 ss:$0x1], $0xffff  }
0x29: {  	v2 =	vld [tilespmem:s0+$0xFFFFFE00];
	_ =	sdelay $0x4  }
0x2a: {  	v1 =	vsub.f32 v2, v1;
	_ =	sdelay $0x1  }
0x2b: {  	v2 =	vld [tilespmem:s0+$0xFFFFFE80];
	[tilespmem:s0+$0xFFFFFE00] =	vst v1  }
0x2c: {  	v1 =	vld.idx.msk [tilespmem:v0+s8+$0x0 ss:$0x1], $0xffff;
	_ =	sdelay $0x4  }
0x2d: {  	v1 =	vsub.f32 v2, v1;
	_ =	sdelay $0x1  }
0x2e: {  	v2 =	vld [tilespmem:s0+$0xFFFFFF00];
	[tilespmem:s0+$0xFFFFFE80] =	vst v1  }
0x2f: {  	v1 =	vld.idx.msk [tilespmem:v0+s8+$0x0 ss:$0x1], $0xffff;
	_ =	sdelay $0x4  }
0x30: {  	v1 =	vsub.f32 v2, v1;
	_ =	sdelay $0x1  }
0x31: {  	v2 =	vld [tilespmem:s0+$0xFFFFFF80];
	[tilespmem:s0+$0xFFFFFF00] =	vst v1  }
0x32: {  	v1 =	vld.idx.msk [tilespmem:v0+s8+$0x0 ss:$0x1], $0xffff;
	_ =	sdelay $0x4  }
0x33: {  	v1 =	vsub.f32 v2, v1;
	_ =	sdelay $0x1  }
0x34: {  	v2 =	vld [tilespmem:s0+$0x0];
	[tilespmem:s0+$0xFFFFFF80] =	vst v1  }
0x35: {  	v1 =	vld.idx.msk [tilespmem:v0+s8+$0x0 ss:$0x1], $0xffff;
	_ =	sdelay $0x4  }
0x36: {  	v1 =	vsub.f32 v2, v1;
	_ =	sdelay $0x1  }
0x37: {  	v2 =	vld [tilespmem:s0+$0x80];
	[tilespmem:s0+$0x0] =	vst v1  }
0x38: {  	v1 =	vld.idx.msk [tilespmem:v0+s8+$0x0 ss:$0x1], $0xffff;
	_ =	sdelay $0x4  }
0x39: {  	v1 =	vsub.f32 v2, v1;
	_ =	sdelay $0x1  }
0x3a: {  	v2 =	vld [tilespmem:s0+$0x100];
	[tilespmem:s0+$0x80] =	vst v1  }
0x3b: {  	v1 =	vld.idx.msk [tilespmem:v0+s8+$0x0 ss:$0x1], $0xffff;
	_ =	sdelay $0x4  }
0x3c: {  	v1 =	vsub.f32 v2, v1;
	_ =	sdelay $0x1  }
0x3d: {  	v2 =	vld [tilespmem:s0+$0x180];
	[tilespmem:s0+$0x100] =	vst v1  }
0x3e: {  	v1 =	vld.idx.msk [tilespmem:v0+s8+$0x0 ss:$0x1], $0xffff;
	_ =	sdelay $0x4  }
0x3f: {  	v1 =	vsub.f32 v2, v1  }
0x40: {  	s13 =	simm.s32 $0x8  }
0x41: {  	s13 =	sand.u32 $0x70, s13;
	s8 =	simm.s32 $0x10;
	[tilespmem:s0+$0x180] =	vst v1  }
.LBB2_3:
0x42: {  	p0 =	sne.s32 s8, $0x78;
	v1 =	vld.idx.msk [tilespmem:v0+s13+$0x0 ss:$0x1], $0xffff;
	s0 =	sadd.s32 $0x400, s0  }
0x43: {  	v2 =	vld [tilespmem:s0+$0xFFFFFE00];
	_ =	sdelay $0x4  }
0x44: {  	v1 =	vsub.f32 v2, v1;
	_ =	sdelay $0x1  }
0x45: {  	[tilespmem:s0+$0xFFFFFE00] =	vst v1  }
0x46: {  	v1 =	vld.idx.msk [tilespmem:v0+s13+$0x0 ss:$0x1], $0xffff  }
0x47: {  	v2 =	vld [tilespmem:s0+$0xFFFFFE80];
	_ =	sdelay $0x4  }
0x48: {  	v1 =	vsub.f32 v2, v1;
	_ =	sdelay $0x1  }
0x49: {  	[tilespmem:s0+$0xFFFFFE80] =	vst v1  }
0x4a: {  	v1 =	vld.idx.msk [tilespmem:v0+s13+$0x0 ss:$0x1], $0xffff  }
0x4b: {  	v2 =	vld [tilespmem:s0+$0xFFFFFF00];
	_ =	sdelay $0x4  }
0x4c: {  	v1 =	vsub.f32 v2, v1;
	_ =	sdelay $0x1  }
0x4d: {  	[tilespmem:s0+$0xFFFFFF00] =	vst v1  }
0x4e: {  	v1 =	vld.idx.msk [tilespmem:v0+s13+$0x0 ss:$0x1], $0xffff  }
0x4f: {  	v2 =	vld [tilespmem:s0+$0xFFFFFF80];
	_ =	sdelay $0x4  }
0x50: {  	v1 =	vsub.f32 v2, v1;
	_ =	sdelay $0x1  }
0x51: {  	[tilespmem:s0+$0xFFFFFF80] =	vst v1  }
0x52: {  	v1 =	vld.idx.msk [tilespmem:v0+s13+$0x0 ss:$0x1], $0xffff  }
0x53: {  	v2 =	vld [tilespmem:s0+$0x0];
	_ =	sdelay $0x4  }
0x54: {  	v1 =	vsub.f32 v2, v1;
	_ =	sdelay $0x1  }
0x55: {  	[tilespmem:s0+$0x0] =	vst v1  }
0x56: {  	v1 =	vld.idx.msk [tilespmem:v0+s13+$0x0 ss:$0x1], $0xffff  }
0x57: {  	v2 =	vld [tilespmem:s0+$0x80];
	_ =	sdelay $0x4  }
0x58: {  	v1 =	vsub.f32 v2, v1;
	_ =	sdelay $0x1  }
0x59: {  	[tilespmem:s0+$0x80] =	vst v1  }
0x5a: {  	v1 =	vld.idx.msk [tilespmem:v0+s13+$0x0 ss:$0x1], $0xffff  }
0x5b: {  	v2 =	vld [tilespmem:s0+$0x100];
	_ =	sdelay $0x4  }
0x5c: {  	v1 =	vsub.f32 v2, v1;
	_ =	sdelay $0x1  }
0x5d: {  	[tilespmem:s0+$0x100] =	vst v1  }
0x5e: {  	v1 =	vld.idx.msk [tilespmem:v0+s13+$0x0 ss:$0x1], $0xffff  }
0x5f: {  	v2 =	vld [tilespmem:s0+$0x180];
	_ =	sdelay $0x2  }
.Ltmp0:
0x60: {  	(pc) =	sbr.rel @p0 .LBB2_3-.Ltmp0, $3  }
0x61: {  	_ = 	snop  }
0x62: {  	v1 =	vsub.f32 v2, v1;
	_ =	sdelay $0x1  }
0x63: {  	s13 =	sand.u32 $0x70, s8;
	s8 =	sadd.s32 $0x8, s8;
	[tilespmem:s0+$0x180] =	vst v1  }
0x64: {  	_ =	sdelay $0x3  }
0x65: {  	v1 =	vld.idx.msk [tilespmem:v0+s13+$0x0 ss:$0x1], $0xffff;
	s0 =	sadd.s32 $0x400, s0  }
0x66: {  	v2 =	vld [tilespmem:s0+$0xFFFFFE00];
	_ =	sdelay $0x4  }
0x67: {  	v1 =	vsub.f32 v2, v1;
	_ =	sdelay $0x1  }
0x68: {  	v2 =	vld [tilespmem:s0+$0xFFFFFE80];
	[tilespmem:s0+$0xFFFFFE00] =	vst v1  }
0x69: {  	v1 =	vld.idx.msk [tilespmem:v0+s13+$0x0 ss:$0x1], $0xffff;
	_ =	sdelay $0x4  }
0x6a: {  	v1 =	vsub.f32 v2, v1;
	_ =	sdelay $0x1  }
0x6b: {  	v2 =	vld [tilespmem:s0+$0xFFFFFF00];
	[tilespmem:s0+$0xFFFFFE80] =	vst v1  }
0x6c: {  	v1 =	vld.idx.msk [tilespmem:v0+s13+$0x0 ss:$0x1], $0xffff;
	_ =	sdelay $0x4  }
0x6d: {  	v1 =	vsub.f32 v2, v1;
	_ =	sdelay $0x1  }
0x6e: {  	v2 =	vld [tilespmem:s0+$0xFFFFFF80];
	[tilespmem:s0+$0xFFFFFF00] =	vst v1  }
0x6f: {  	v1 =	vld.idx.msk [tilespmem:v0+s13+$0x0 ss:$0x1], $0xffff;
	_ =	sdelay $0x4  }
0x70: {  	v1 =	vsub.f32 v2, v1;
	_ =	sdelay $0x1  }
0x71: {  	v2 =	vld [tilespmem:s0+$0x0];
	[tilespmem:s0+$0xFFFFFF80] =	vst v1  }
0x72: {  	v1 =	vld.idx.msk [tilespmem:v0+s13+$0x0 ss:$0x1], $0xffff;
	_ =	sdelay $0x4  }
0x73: {  	v1 =	vsub.f32 v2, v1;
	_ =	sdelay $0x1  }
0x74: {  	v2 =	vld [tilespmem:s0+$0x80];
	[tilespmem:s0+$0x0] =	vst v1  }
0x75: {  	v1 =	vld.idx.msk [tilespmem:v0+s13+$0x0 ss:$0x1], $0xffff;
	_ =	sdelay $0x4  }
0x76: {  	v1 =	vsub.f32 v2, v1;
	_ =	sdelay $0x1  }
0x77: {  	v2 =	vld [tilespmem:s0+$0x100];
	[tilespmem:s0+$0x80] =	vst v1  }
0x78: {  	v1 =	vld.idx.msk [tilespmem:v0+s13+$0x0 ss:$0x1], $0xffff;
	_ =	sdelay $0x4  }
0x79: {  	v1 =	vsub.f32 v2, v1;
	_ =	sdelay $0x1  }
0x7a: {  	[tilespmem:s0+$0x100] =	vst v1;
	v1 =	vld [tilespmem:s0+$0x180]  }
0x7b: {  	v0 =	vld.idx.msk [tilespmem:v0+s13+$0x0 ss:$0x1], $0xffff;
	_ =	sdelay $0x4  }
0x7c: {  	v0 =	vsub.f32 v1, v0;
	_ =	sdelay $0x1  }
0x7d: {  	s2 =	sadd.s32 s7, s2;
	s8 =	simm.s32 $0x0;
	[tilespmem:s0+$0x180] =	vst v0  }
0x7e: {  	[hbm4b:s2+s8] =	stream.linear.scatter [tilespmem:s16], [sflag:$0x7], $0x4000, $0x38;
	[tilespmem:$0x10A00] =	vst v63  }
0x7f: {  	_ =	swait.ge [sflag:s21], $0x4000  }
0x80: {  	[sflag:s21] =	ssyncset.done $0x0  }
0x81: {  	s13 =	sshll.u32 s30, $0xE;
	s30 =	sadd.s32 $0x10500, s31;
	[sflag:s21] =	ssyncadd.s32 $0xFFFFC000  }
0x82: {  	s0 =	sadd.s32 s10, s13;
	v0 =	vmov s30;
	_ =	swait.ge [sflag:s22], $0x4000  }
0x83: {  	s2 =	sshrl.u32 s0, $0x3;
	[sflag:s22] =	ssyncset.done $0x0  }
0x84: {  	s0 =	sadd.s32 s6, s2;
	[sflag:s22] =	ssyncadd.s32 $0xFFFFC000  }
0x85: {  	[hbm4b:s0+s8] =	stream.linear.scatter [tilespmem:s17], [sflag:$0x6], $0x4000, $0x38;
	[tilespmem:$0x10A00] =	vst v63  }
0x86: {  	s8 =	sand.u32 $0x70, s8  }
0x87: {  	s0 =	simm.s32 $0xC700;
	v1 =	vld.idx.msk [tilespmem:v0+s8+$0x0 ss:$0x1], $0xffff  }
0x88: {  	v2 =	vld [tilespmem:s0+$0xFFFFFE00];
	_ =	sdelay $0x4  }
0x89: {  	v1 =	vsub.f32 v2, v1;
	_ =	sdelay $0x1  }
0x8a: {  	v2 =	vld [tilespmem:s0+$0xFFFFFE80];
	[tilespmem:s0+$0xFFFFFE00] =	vst v1  }
0x8b: {  	v1 =	vld.idx.msk [tilespmem:v0+s8+$0x0 ss:$0x1], $0xffff;
	_ =	sdelay $0x4  }
0x8c: {  	v1 =	vsub.f32 v2, v1;
	_ =	sdelay $0x1  }
0x8d: {  	v2 =	vld [tilespmem:s0+$0xFFFFFF00];
	[tilespmem:s0+$0xFFFFFE80] =	vst v1  }
0x8e: {  	v1 =	vld.idx.msk [tilespmem:v0+s8+$0x0 ss:$0x1], $0xffff;
	_ =	sdelay $0x4  }
0x8f: {  	v1 =	vsub.f32 v2, v1;
	_ =	sdelay $0x1  }
0x90: {  	v2 =	vld [tilespmem:s0+$0xFFFFFF80];
	[tilespmem:s0+$0xFFFFFF00] =	vst v1  }
0x91: {  	v1 =	vld.idx.msk [tilespmem:v0+s8+$0x0 ss:$0x1], $0xffff;
	_ =	sdelay $0x4  }
0x92: {  	v1 =	vsub.f32 v2, v1;
	_ =	sdelay $0x1  }
0x93: {  	v2 =	vld [tilespmem:s0+$0x0];
	[tilespmem:s0+$0xFFFFFF80] =	vst v1  }
0x94: {  	v1 =	vld.idx.msk [tilespmem:v0+s8+$0x0 ss:$0x1], $0xffff;
	_ =	sdelay $0x4  }
0x95: {  	v1 =	vsub.f32 v2, v1;
	_ =	sdelay $0x1  }
0x96: {  	v2 =	vld [tilespmem:s0+$0x80];
	[tilespmem:s0+$0x0] =	vst v1  }
0x97: {  	v1 =	vld.idx.msk [tilespmem:v0+s8+$0x0 ss:$0x1], $0xffff;
	_ =	sdelay $0x4  }
0x98: {  	v1 =	vsub.f32 v2, v1;
	_ =	sdelay $0x1  }
0x99: {  	v2 =	vld [tilespmem:s0+$0x100];
	[tilespmem:s0+$0x80] =	vst v1  }
0x9a: {  	v1 =	vld.idx.msk [tilespmem:v0+s8+$0x0 ss:$0x1], $0xffff;
	_ =	sdelay $0x4  }
0x9b: {  	v1 =	vsub.f32 v2, v1;
	_ =	sdelay $0x1  }
0x9c: {  	v2 =	vld [tilespmem:s0+$0x180];
	[tilespmem:s0+$0x100] =	vst v1  }
0x9d: {  	v1 =	vld.idx.msk [tilespmem:v0+s8+$0x0 ss:$0x1], $0xffff;
	_ =	sdelay $0x4  }
0x9e: {  	v1 =	vsub.f32 v2, v1  }
0x9f: {  	s31 =	simm.s32 $0x8  }
0xa0: {  	s13 =	sand.u32 $0x70, s31;
	s8 =	simm.s32 $0x10;
	[tilespmem:s0+$0x180] =	vst v1  }
.LBB2_5:
0xa1: {  	p0 =	sne.s32 s8, $0x78;
	v1 =	vld.idx.msk [tilespmem:v0+s13+$0x0 ss:$0x1], $0xffff;
	s0 =	sadd.s32 $0x400, s0  }
0xa2: {  	v2 =	vld [tilespmem:s0+$0xFFFFFE00];
	_ =	sdelay $0x4  }
0xa3: {  	v1 =	vsub.f32 v2, v1;
	_ =	sdelay $0x1  }
0xa4: {  	[tilespmem:s0+$0xFFFFFE00] =	vst v1  }
0xa5: {  	v1 =	vld.idx.msk [tilespmem:v0+s13+$0x0 ss:$0x1], $0xffff  }
0xa6: {  	v2 =	vld [tilespmem:s0+$0xFFFFFE80];
	_ =	sdelay $0x4  }
0xa7: {  	v1 =	vsub.f32 v2, v1;
	_ =	sdelay $0x1  }
0xa8: {  	[tilespmem:s0+$0xFFFFFE80] =	vst v1  }
0xa9: {  	v1 =	vld.idx.msk [tilespmem:v0+s13+$0x0 ss:$0x1], $0xffff  }
0xaa: {  	v2 =	vld [tilespmem:s0+$0xFFFFFF00];
	_ =	sdelay $0x4  }
0xab: {  	v1 =	vsub.f32 v2, v1;
	_ =	sdelay $0x1  }
0xac: {  	[tilespmem:s0+$0xFFFFFF00] =	vst v1  }
0xad: {  	v1 =	vld.idx.msk [tilespmem:v0+s13+$0x0 ss:$0x1], $0xffff  }
0xae: {  	v2 =	vld [tilespmem:s0+$0xFFFFFF80];
	_ =	sdelay $0x4  }
0xaf: {  	v1 =	vsub.f32 v2, v1;
	_ =	sdelay $0x1  }
0xb0: {  	[tilespmem:s0+$0xFFFFFF80] =	vst v1  }
0xb1: {  	v1 =	vld.idx.msk [tilespmem:v0+s13+$0x0 ss:$0x1], $0xffff  }
0xb2: {  	v2 =	vld [tilespmem:s0+$0x0];
	_ =	sdelay $0x4  }
0xb3: {  	v1 =	vsub.f32 v2, v1;
	_ =	sdelay $0x1  }
0xb4: {  	[tilespmem:s0+$0x0] =	vst v1  }
0xb5: {  	v1 =	vld.idx.msk [tilespmem:v0+s13+$0x0 ss:$0x1], $0xffff  }
0xb6: {  	v2 =	vld [tilespmem:s0+$0x80];
	_ =	sdelay $0x4  }
0xb7: {  	v1 =	vsub.f32 v2, v1;
	_ =	sdelay $0x1  }
0xb8: {  	[tilespmem:s0+$0x80] =	vst v1  }
0xb9: {  	v1 =	vld.idx.msk [tilespmem:v0+s13+$0x0 ss:$0x1], $0xffff  }
0xba: {  	v2 =	vld [tilespmem:s0+$0x100];
	_ =	sdelay $0x4  }
0xbb: {  	v1 =	vsub.f32 v2, v1;
	_ =	sdelay $0x1  }
0xbc: {  	[tilespmem:s0+$0x100] =	vst v1  }
0xbd: {  	v1 =	vld.idx.msk [tilespmem:v0+s13+$0x0 ss:$0x1], $0xffff  }
0xbe: {  	v2 =	vld [tilespmem:s0+$0x180];
	_ =	sdelay $0x2  }
.Ltmp1:
0xbf: {  	(pc) =	sbr.rel @p0 .LBB2_5-.Ltmp1, $3  }
0xc0: {  	_ = 	snop  }
0xc1: {  	v1 =	vsub.f32 v2, v1;
	_ =	sdelay $0x1  }
0xc2: {  	s13 =	sand.u32 $0x70, s8;
	s8 =	sadd.s32 $0x8, s8;
	[tilespmem:s0+$0x180] =	vst v1  }
0xc3: {  	_ =	sdelay $0x3  }
0xc4: {  	v1 =	vld.idx.msk [tilespmem:v0+s13+$0x0 ss:$0x1], $0xffff;
	s0 =	sadd.s32 $0x400, s0  }
0xc5: {  	v2 =	vld [tilespmem:s0+$0xFFFFFE00];
	_ =	sdelay $0x4  }
0xc6: {  	v1 =	vsub.f32 v2, v1;
	_ =	sdelay $0x1  }
0xc7: {  	v56 =	vld [tilespmem:s0+$0xFFFFFE80];
	[tilespmem:s0+$0xFFFFFE00] =	vst v1  }
0xc8: {  	v1 =	vld.idx.msk [tilespmem:v0+s13+$0x0 ss:$0x1], $0xffff;
	_ =	sdelay $0x4  }
0xc9: {  	v1 =	vsub.f32 v56, v1;
	_ =	sdelay $0x1  }
0xca: {  	v57 =	vld [tilespmem:s0+$0xFFFFFF00];
	[tilespmem:s0+$0xFFFFFE80] =	vst v1  }
0xcb: {  	v1 =	vld.idx.msk [tilespmem:v0+s13+$0x0 ss:$0x1], $0xffff;
	_ =	sdelay $0x4  }
0xcc: {  	v1 =	vsub.f32 v57, v1;
	_ =	sdelay $0x1  }
0xcd: {  	v58 =	vld [tilespmem:s0+$0xFFFFFF80];
	[tilespmem:s0+$0xFFFFFF00] =	vst v1  }
0xce: {  	v1 =	vld.idx.msk [tilespmem:v0+s13+$0x0 ss:$0x1], $0xffff;
	_ =	sdelay $0x4  }
0xcf: {  	v1 =	vsub.f32 v58, v1;
	_ =	sdelay $0x1  }
0xd0: {  	v59 =	vld [tilespmem:s0+$0x0];
	[tilespmem:s0+$0xFFFFFF80] =	vst v1  }
0xd1: {  	v1 =	vld.idx.msk [tilespmem:v0+s13+$0x0 ss:$0x1], $0xffff;
	_ =	sdelay $0x4  }
0xd2: {  	v1 =	vsub.f32 v59, v1;
	_ =	sdelay $0x1  }
0xd3: {  	v60 =	vld [tilespmem:s0+$0x80];
	[tilespmem:s0+$0x0] =	vst v1  }
0xd4: {  	v1 =	vld.idx.msk [tilespmem:v0+s13+$0x0 ss:$0x1], $0xffff;
	_ =	sdelay $0x4  }
0xd5: {  	v1 =	vsub.f32 v60, v1;
	_ =	sdelay $0x1  }
0xd6: {  	v61 =	vld [tilespmem:s0+$0x100];
	[tilespmem:s0+$0x80] =	vst v1  }
0xd7: {  	v1 =	vld.idx.msk [tilespmem:v0+s13+$0x0 ss:$0x1], $0xffff;
	_ =	sdelay $0x4  }
0xd8: {  	v1 =	vsub.f32 v61, v1;
	_ =	sdelay $0x1  }
0xd9: {  	v63 =	vld [tilespmem:s0+$0x180];
	[tilespmem:s0+$0x100] =	vst v1  }
0xda: {  	v62 =	vld.idx.msk [tilespmem:v0+s13+$0x0 ss:$0x1], $0xffff;
	_ =	sdelay $0x4  }
0xdb: {  	v0 =	vsub.f32 v63, v62;
	_ =	sdelay $0x1  }
0xdc: {  	s31 =	sadd.s32 s7, s2;
	[tilespmem:s0+$0x180] =	vst v0  }
0xdd: {  	[hbm4b:s31+s5] =	stream.linear.scatter [tilespmem:s18], [sflag:$0x8], $0x4000, $0x38;
	[tilespmem:$0x10A00] =	vst v63  }
0xde: {  	_ =	swait.ge [sflag:s23], $0x4000  }
0xdf: {  	[sflag:s23] =	ssyncset.done $0x0  }
0xe0: {  	[sflag:s23] =	ssyncadd.s32 $0xFFFFC000  }
0xe1: {  	_ =	swait.ge [sflag:s24], $0x4000  }
0xe2: {  	[sflag:s24] =	ssyncset.done $0x0  }
0xe3: {  	s29 =	sadd.s32 $0x1, s29;
	[sflag:s24] =	ssyncadd.s32 $0xFFFFC000  }
0xe4: {  	p0 =	sne.s32 s29, $0x5;
	_ =	swait.ge [sflag:s25], $0x4000  }
.Ltmp2:
0xe5: {  	[sflag:s25] =	ssyncset.done $0x0;
	(pc) =	sbr.rel @p0 .LBB2_2-.Ltmp2, $4  }
0xe6: {  	[sflag:s25] =	ssyncadd.s32 $0xFFFFC000  }
0xe7: {  	_ =	swait.ge [sflag:s26], $0x4000  }
0xe8: {  	[sflag:s26] =	ssyncset.done $0x0  }
0xe9: {  	[sflag:s26] =	ssyncadd.s32 $0xFFFFC000  }
0xea: {  	s28 =	sadd.s32 $0x1, s28  }
0xeb: {  	p0 =	sne.s32 s28, s11  }
.Ltmp3:
0xec: {  	_ = 	snop;
	(pc) =	sbr.rel @p0 .LBB2_1-.Ltmp3, $1  }
0xed: {  	_ =	sdelay $0x3  }
0xee: {  	_ =	sfence.sel $0x180000  }
0xef: {  	[bflag:$0x0] =	sbarrier.arrive $0xFFFF  }
0xf0: {  	_ =	strace $0x90000047  }
0xf1: {  	s0 =	stileid.u32;
	[bflag:$0x2] =	sbarrier.arrive $0xFFFF  }
0xf2: {  	p0 =	sne.s32 s0, $0x0;
	s0 =	rddreg [dreg:$0x3]  }
0xf3: {  	s0 =	sadd.s32 @!p0 $0x100000, s0  }
0xf4: {  	[sflag:s0] =	ssyncadd.tile.s32 @!p0 $0x1;
	_ =	shalt  }
.Lfunc_end2:
_tile_overlayer_lowered:
.L_overlay_start_2:
0xf5: {  	(tag) =	ssettag $0x2  }
0xf6: {  	s0 =	rddreg [dreg:$0x0];
	s2 =	stileid.u32  }
0xf7: {  	s1 =	rddreg [dreg:$0x1];
	p0 =	sne.s32 s2, $0x0  }
0xf8: {  	s3 =	rddreg [dreg:$0x2];
	[bflag:$0x3] =	sbarrier.arrive $0xFFFF;
	s2 =	simm.s32 @!p0 $0x1C09  }
0xf9: {  	[timem:s3], [sflag:s2] =	dma.local @!p0 [hbm:s0], s1  }
0xfa: {  	s0 =	simm.s32 @!p0 $0x9  }
0xfb: {  	_ =	swait.ge @!p0 [sflag:s0], s1  }
0xfc: {  	s1 =	ssub.s32 @!p0 $0x0, s1;
	[sflag:s0] =	ssyncset.done @!p0 $0x0  }
0xfd: {  	[sflag:s0] =	ssyncadd.s32 @!p0 s1  }
0xfe: {  	[bflag:$0x3] =	sbarrier.arrive $0xFFFF  }
0xff: {  	_ =	shalt  }

// kernel: kernel.16.cloned.1.call-start
scs
__scs_entry_jumppad:
0x0: {  	(pc) =	sbr.rel $0x88, $3  }
0x1: {  	(tag) =	ssettag $0x0;
	lr =	simm.s32 $0x1  }
0x2: {  	[smem:$0x3F90] =	sst lr;
	_ =	strace $0xD0000000  }
0x3: {  	_ = 	snop  }
0x4: {  	_ = 	snop  }
0x5: {  	_ = 	snop  }
0x6: {  	_ = 	snop  }
0x7: {  	_ = 	snop  }
__scs_overlays_trampoline_lowered:
0x8: {  	[smem:$0x3F9F] =	sst s0  }
0x9: {  	[smem:$0x3FA0] =	sst s1  }
0xa: {  	[smem:$0x3FA1] =	sst s2  }
0xb: {  	[smem:$0x3FA2] =	sst s3  }
0xc: {  	[smem:$0x3FA3] =	sst s4  }
0xd: {  	[smem:$0x3FA4] =	sst s5  }
0xe: {  	[smem:$0x3FA5] =	sst s6  }
0xf: {  	[smem:$0x3FA6] =	sst s7  }
0x10: {  	[smem:$0x3FA7] =	sst s8  }
0x11: {  	[smem:$0x3FA8] =	sst s9;
	s0 =	simm.s32 @!p0 $0x0  }
0x12: {  	s1 =	sld [smem:$0x3F8E];
	s0 =	simm.s32 @p0 $0x1  }
0x13: {  	[smem:$0x3FA9] =	sst s0;
	s0 =	simm.s32 @!p1 $0x0  }
0x14: {  	s2 =	sld [smem:$0x3F8D];
	s0 =	simm.s32 @p1 $0x1  }
0x15: {  	[smem:$0x3FAA] =	sst s0;
	s0 =	simm.s32 @!p2 $0x0  }
0x16: {  	s3 =	sld [smem:$0x3FDB];
	s0 =	simm.s32 @p2 $0x1  }
0x17: {  	s4 =	simm.s32 $0x1BF5;
	[smem:$0x3FAC] =	sst s0  }
0x18: {  	s0 =	sld [smem:$0x3F8F];
	_ =	swait.ge [sflag:s4], $0x0  }
0x19: {  	s7 =	sld [smem:$0x3F90]  }
0x1a: {  	s8 =	sadd.s32 $0xFFFFE003, lr  }
0x1b: {  	s9 =	sadd.s32 $0xFFFFFEF7, lr;
	s5 =	simm.s32 $0xFFFFFFFF;
	p2 =	slt.u32 s8, $0xFFFFF086  }
0x1c: {  	p1 =	slt.u32 s9, $0xF7A;
	s5 =	simm.s32 @!p2 $0x0  }
0x1d: {  	s5 =	simm.s32 @p1 $0x1;
	p0 =	seq.s32 s7, s2  }
0x1e: {  	s7 =	smul.u32 @!p0 $0xF7A, s2;
	p2 =	seq.s32 @!p0 s5, $0x0  }
0x1f: {  	s9 =	smul.u32 $0xF7A, s1;
	s8 =	simm.s32 @!p0 $0x1BF5;
	p2 =	por !p2, p0  }
0x20: {  	[sflag:s8] =	ssyncset.s32 @!p0 $0xFFFFF086;
	s6 =	sadd.s32 @!p0 s3, s7;
	s7 =	simm.s32 @!p0 $0x108  }
0x21: {  	s3 =	sadd.s32 s3, s9;
	s6 =	sadd.s32 @!p0 $0x88, s6;
	s7 =	simm.s32 @p2 $0x1082  }
0x22: {  	[simem:s7], [sflag:s8] =	dma.local @!p0 [hbm:s6], $0xF7A  }
0x23: {  	s9 =	sor.u32 $0xD0000000, s2;
	s6 =	simm.s32 $0x108;
	_ =	swait.ge @!p0 [sflag:s8], $0x0  }
0x24: {  	s3 =	sadd.s32 $0x88, s3;
	s6 =	simm.s32 @!p1 $0x1082;
	[sflag:s4] =	ssyncset.s32 $0xFFFFF086  }
0x25: {  	[simem:s6], [sflag:s4] =	dma.local [hbm:s3], $0xF7A  }
0x26: {  	[smem:$0x3F90] =	sst s1;
	(tag) =	ssettag s2;
	_ =	strace s9  }
0x27: {  	s1 =	sld [smem:$0x3FA0]  }
0x28: {  	s2 =	sld [smem:$0x3FA1]  }
0x29: {  	s4 =	sld [smem:$0x3FA3]  }
0x2a: {  	p0 =	seq.s32 s5, $0x0;
	s5 =	sld [smem:$0x3FA4]  }
0x2b: {  	s6 =	sld [smem:$0x3FA5]  }
0x2c: {  	s7 =	sld [smem:$0x3FA6]  }
0x2d: {  	s3 =	simm.s32 $0x108;
	s8 =	sld [smem:$0x3FA7]  }
0x2e: {  	s3 =	simm.s32 @!p0 $0x1082;
	s9 =	sld [smem:$0x3FA8]  }
0x2f: {  	lr =	sadd.s32 s0, s3;
	s0 =	sld [smem:$0x3F9F]  }
0x30: {  	s3 =	sld [smem:$0x3FA2]  }
0x31: {  	[smem:$0x3FAB] =	sst s10  }
0x32: {  	s10 =	sld [smem:$0x3FA9];
	_ =	sdelay $0x3  }
0x33: {  	p0 =	seq.s32 s10, $0x1;
	s10 =	sld [smem:$0x3FAB];
	_ =	sdelay $0x3  }
0x34: {  	[smem:$0x3FAB] =	sst s10  }
0x35: {  	s10 =	sld [smem:$0x3FAA];
	_ =	sdelay $0x3  }
0x36: {  	p1 =	seq.s32 s10, $0x1;
	s10 =	sld [smem:$0x3FAB];
	_ =	sdelay $0x3  }
0x37: {  	[smem:$0x3FAB] =	sst s10  }
0x38: {  	s10 =	sld [smem:$0x3FAC]  }
0x39: {  	_ = 	snop;
	(pc) =	sbr.ind lr, $3  }
0x3a: {  	_ = 	snop  }
0x3b: {  	_ = 	snop  }
0x3c: {  	p2 =	seq.s32 s10, $0x1;
	s10 =	sld [smem:$0x3FAB]  }
0x3d: {  	_ =	shalt  }
0x3e: {  	_ =	shalt  }
0x3f: {  	_ =	shalt  }
0x40: {  	_ =	shalt  }
0x41: {  	_ =	shalt  }
0x42: {  	_ =	shalt  }
0x43: {  	_ =	shalt  }
0x44: {  	_ =	shalt  }
0x45: {  	_ =	shalt  }
0x46: {  	_ =	shalt  }
0x47: {  	_ =	shalt  }
0x48: {  	_ =	shalt  }
0x49: {  	_ =	shalt  }
0x4a: {  	_ =	shalt  }
0x4b: {  	_ =	shalt  }
0x4c: {  	_ =	shalt  }
0x4d: {  	_ =	shalt  }
0x4e: {  	_ =	shalt  }
0x4f: {  	_ =	shalt  }
0x50: {  	_ =	shalt  }
0x51: {  	_ =	shalt  }
0x52: {  	_ =	shalt  }
0x53: {  	_ =	shalt  }
0x54: {  	_ =	shalt  }
0x55: {  	_ =	shalt  }
0x56: {  	_ =	shalt  }
0x57: {  	_ =	shalt  }
0x58: {  	_ =	shalt  }
0x59: {  	_ =	shalt  }
0x5a: {  	_ =	shalt  }
0x5b: {  	_ =	shalt  }
0x5c: {  	_ =	shalt  }
0x5d: {  	_ =	shalt  }
0x5e: {  	_ =	shalt  }
0x5f: {  	_ =	shalt  }
0x60: {  	_ =	shalt  }
0x61: {  	_ =	shalt  }
0x62: {  	_ =	shalt  }
0x63: {  	_ =	shalt  }
0x64: {  	_ =	shalt  }
0x65: {  	_ =	shalt  }
0x66: {  	_ =	shalt  }
0x67: {  	_ =	shalt  }
0x68: {  	_ =	shalt  }
0x69: {  	_ =	shalt  }
0x6a: {  	_ =	shalt  }
0x6b: {  	_ =	shalt  }
0x6c: {  	_ =	shalt  }
0x6d: {  	_ =	shalt  }
0x6e: {  	_ =	shalt  }
0x6f: {  	_ =	shalt  }
0x70: {  	_ =	shalt  }
0x71: {  	_ =	shalt  }
0x72: {  	_ =	shalt  }
0x73: {  	_ =	shalt  }
0x74: {  	_ =	shalt  }
0x75: {  	_ =	shalt  }
0x76: {  	_ =	shalt  }
0x77: {  	_ =	shalt  }
0x78: {  	_ =	shalt  }
0x79: {  	_ =	shalt  }
0x7a: {  	_ =	shalt  }
0x7b: {  	_ =	shalt  }
0x7c: {  	_ =	shalt  }
0x7d: {  	_ =	shalt  }
0x7e: {  	_ =	shalt  }
0x7f: {  	_ =	shalt  }
0x80: {  	_ =	shalt  }
0x81: {  	_ =	shalt  }
0x82: {  	_ =	shalt  }
0x83: {  	_ =	shalt  }
0x84: {  	_ =	shalt  }
0x85: {  	_ =	shalt  }
0x86: {  	_ =	shalt  }
0x87: {  	_ =	shalt  }
.Lfunc_end0:
.L_simem_size_0:
called_computation.2_lowered:
.L_overlay_start_0:
0x88: {  	s2 =	sld [smem:$0x3FD9]  }
0x89: {  	s3 =	sld [smem:$0x3FFE];
	_ =	sdelay $0x1  }
0x8a: {  	s1 =	srdreg.scid  }
0x8b: {  	s0 =	sand.u32 $0x1, s1  }
0x8c: {  	s15 =	sshll.u32 s0, $0xA;
	s2 =	sadd.s32 s3, s2  }
0x8d: {  	s2 =	sadd.s32 s2, s15  }
0x8e: {  	[smem:$0x3FB7] =	sst s2  }
0x8f: {  	_ = 	snop  }
0x90: {  	s2 =	sld [smem:$0x3FD0];
	_ =	sdelay $0x2  }
0x91: {  	s4 =	simm.s32 $0xB;
	s16 =	simm.s32 $0x10  }
0x92: {  	[smem:s16], [sflag:s4] =	dma.local [hbm:s2], $0x1  }
0x93: {  	_ =	swait.eq [sflag:s4], $0x1  }
0x94: {  	[sflag:s4] =	ssyncset.done $0x0  }
0x95: {  	s17 =	sld [smem:$0x10];
	[sflag:s4] =	ssyncadd.s32 $0xFFFFFFFF  }
0x96: {  	s18 =	sld [smem:$0x11];
	(tm) =	ssettm $0x1  }
0x97: {  	s19 =	sld [smem:$0x3FFB];
	_ =	sdelay $0x3  }
0x98: {  	_ =	strace s19  }
0x99: {  	s2 =	sld [smem:$0x3FFC];
	_ =	sdelay $0x3  }
0x9a: {  	_ =	strace s2  }
0x9b: {  	s2 =	sld [smem:$0x3FFD];
	_ =	sdelay $0x3  }
0x9c: {  	_ =	strace s2  }
0x9d: {  	_ =	strace $0x8FFFFFFF  }
0x9e: {  	s20 =	sld [smem:$0x3FDB];
	_ =	sdelay $0x1  }
0x9f: {  	s5 =	simm.s32 $_scs_section_size  }
0xa0: {  	s6 =	simm.s32 $_size__tile_overlayer_lowered;
	s7 =	simm.s32 $_tile_overlayer_lowered  }
0xa1: {  	s8 =	simm.s32 $0x1BFF;
	s21 =	sshll.u32 s7, $0x1;
	s5 =	sadd.s32 s5, s20  }
0xa2: {  	s22 =	simm.s32 $0x0;
	s6 =	sshll.u32 s6, $0x1;
	s7 =	sadd.s32 s21, s5  }
0xa3: {  	[timem:s22], [sflag:s8] =	dma.local [hbm:s7], s6  }
0xa4: {  	_ =	swait.ge [sflag:s8], s6  }
0xa5: {  	s6 =	ssub.s32 $0x0, s6;
	[sflag:s8] =	ssyncset.done $0x0  }
0xa6: {  	[sflag:s8] =	ssyncadd.s32 s6;
	_ =	sdelay $0x1  }
0xa7: {  	s23 =	simm.s32 $0x1B8B  }
0xa8: {  	_ =	swait.ge [sflag:s23], $0x1  }
0xa9: {  	[sflag:s23] =	ssyncset.done $0x0  }
0xaa: {  	[sflag:s23] =	ssyncadd.s32 $0xFFFFFFFF  }
0xab: {  	s6 =	sld [smem:$0x0]  }
0xac: {  	s7 =	sand.u32 $0xFFFFFFFE, s1  }
0xad: {  	p0 =	sne.s32 s1, s7  }
0xae: {  	s7 =	sshll.u32 @p0 s7, $0xE  }
0xaf: {  	s7 =	sadd.s32 @p0 $0x11B8D, s7;
	s8 =	sshll.u32 @p0 s6, $0x11  }
0xb0: {  	s7 =	sor.u32 @p0 s8, s7  }
0xb1: {  	[sflag:s7] =	ssyncadd.remote.s32 @p0 $0x1;
	_ =	sdelay $0x1  }
0xb2: {  	s7 =	simm.s32 @p0 $0x1B8D  }
0xb3: {  	_ =	swait.eq @p0 [sflag:s7], $0x1  }
0xb4: {  	[sflag:s7] =	ssyncadd.s32 @p0 $0xFFFFFFFF  }
0xb5: {  	s8 =	sshll.u32 @!p0 s1, $0xE  }
0xb6: {  	s8 =	sor.u32 @!p0 $0x4000, s8;
	s7 =	simm.s32 @!p0 $0x1B8D  }
0xb7: {  	s6 =	sshll.u32 @!p0 s6, $0x11;
	s8 =	sadd.s32 @!p0 $0x11B8D, s8;
	_ =	swait.eq @!p0 [sflag:s7], $0x1  }
0xb8: {  	s6 =	sor.u32 @!p0 s6, s8;
	[sflag:s7] =	ssyncadd.s32 @!p0 $0xFFFFFFFF  }
0xb9: {  	s25 =	simm.s32 $0x1B8E;
	s24 =	sld [smem:$0x3FFE];
	[sflag:s6] =	ssyncadd.remote.s32 @!p0 $0x1  }
0xba: {  	s26 =	simm.s32 $execute0_lowered;
	[smem:$0x3FD2] =	sst s25  }
0xbb: {  	s7 =	sshll.u32 s26, $0x1;
	_ =	strace $0x8000004F;
	[dreg:$0x1] =	wrdreg $0xFFFFFFFF  }
0xbc: {  	s28 =	simm.s32 $_size_execute0_lowered;
	s5 =	sadd.s32 s5, s7;
	[dreg:$0x0] =	wrdreg $0x0  }
0xbd: {  	s7 =	sshll.u32 s28, $0x1;
	[dreg:$0x2] =	wrdreg s5  }
0xbe: {  	[dreg:$0x3] =	wrdreg s7  }
0xbf: {  	[dreg:$0x4] =	wrdreg $0xC0  }
0xc0: {  	_ =	task [dreg:s22], $0x5FFFF  }
0xc1: {  	[dreg:$0x1] =	wrdreg $0xFFFFFFFF  }
0xc2: {  	[dreg:$0x0] =	wrdreg $0x60  }
0xc3: {  	[dreg:$0x2] =	wrdreg s18  }
0xc4: {  	[dreg:$0x3] =	wrdreg s17  }
0xc5: {  	[dreg:$0x4] =	wrdreg s24  }
0xc6: {  	[dreg:$0x5] =	wrdreg $0x9  }
0xc7: {  	_ =	task.clear_ibuf [dreg:s22], $0x6FFFF;
	_ =	strace $0x9000004F  }
0xc8: {  	s29 =	simm.s32 $0x9;
	_ =	strace $0x80000051  }
0xc9: {  	_ =	swait.ge [sflag:s29], $0x1  }
0xca: {  	[sflag:s29] =	ssyncadd.s32 $0xFFFFFFFF  }
0xcb: {  	_ =	strace $0x90000051  }
0xcc: {  	_ =	sfence  }
0xcd: {  	s30 =	sld [smem:$0x0];
	_ =	sdelay $0x2  }
0xce: {  	s31 =	sshll.u32 s1, $0xD;
	s1 =	sshrl.u32 s1, $0x2  }
0xcf: {  	s4 =	sand.u32 $0x4000, s31;
	s1 =	sadd.s32 s1, s30  }
0xd0: {  	s0 =	sor.u32 s4, s0;
	s1 =	sshll.u32 s1, $0x11  }
0xd1: {  	s0 =	sor.u32 s1, s0  }
0xd2: {  	s0 =	sadd.s32 $0x8F2B, s0  }
0xd3: {  	[sflag:s0] =	ssyncadd.remote.s32 $0x1  }
0xd4: {  	_ =	sfence.sel $0xFFFF  }
0xd5: {  	[dreg:$0x0] =	wrdreg $0xFFFFFFFF;
	(pc) =	sbr.abs _section_cstart, $3  }
0xd6: {  	[dreg:$0x1] =	wrdreg $0xFFFFFFFF  }
0xd7: {  	_ =	task.clear_ibuf [dreg:s22], $0x2FFFF;
	_ =	strace $0x9FFFFFFF  }
0xd8: {  	(tm) =	ssettm $0x7FFFFFFF  }
0xd9: {  	_ =	shalt  }
tec
execute0_lowered:
.L_overlay_start_1:
0x0: {  	(tag) =	ssettag $0x1  }
0x1: {  	s1 =	rddreg [dreg:$0x0]  }
0x2: {  	s0 =	srdreg.scid;
	s3 =	rddreg [dreg:$0x1]  }
0x3: {  	s2 =	stileid.u32;
	s7 =	rddreg [dreg:$0x2];
	s5 =	simm.s32 $0x0  }
0x4: {  	s12 =	simm.s32 $0x9;
	s14 =	simm.s32 $0x80;
	s15 =	simm.s32 $0x500  }
0x5: {  	s16 =	simm.s32 $0x8500;
	s17 =	simm.s32 $0x4500;
	s18 =	simm.s32 $0xC500  }
0x6: {  	s19 =	simm.s32 $0x1;
	s20 =	simm.s32 $0x3;
	s21 =	simm.s32 $0x2  }
0x7: {  	s22 =	simm.s32 $0x4;
	s0 =	sand.u32 $0x1, s0;
	s2 =	sshll.u32 s2, $0x1  }
0x8: {  	s23 =	simm.s32 $0x5;
	s24 =	simm.s32 $0x7;
	s2 =	sor.u32 s0, s2  }
0x9: {  	s25 =	simm.s32 $0x6;
	s26 =	simm.s32 $0x8;
	s4 =	smul.u32 $0x500, s2  }
0xa: {  	s28 =	simm.s32 $0x0;
	[smem:$0x7FF] =	sst s5;
	s0 =	ssub.s32 $0x2, s0  }
0xb: {  	_ =	strace $0x80000050;
	s9 =	sshrl.u32 s0, $0x1;
	s6 =	sshrl.u32 s4, $0x3  }
0xc: {  	s10 =	smul.u32 $0x28000, s2;
	s0 =	ssub.s32 s0, s9;
	s8 =	sadd.s32 s6, s7  }
0xd: {  	s11 =	smax.u32 s0, $0x1;
	s6 =	sadd.s32 $0x14EA00, s7;
	s31 =	sadd.s32 $0xD600, s8  }
0xe: {  	s7 =	sadd.s32 $0x1EEA00, s7;
	s9 =	sadd.s32 $0x9A00, s8;
	[dreg:$0x4] =	wrdreg s31  }
.LBB2_1:
0xf: {  	s0 =	rddreg [dreg:$0x4]  }
0x10: {  	[tilespmem:s5], [sflag:$0x9] =	stream.linear.gather [hbm4b:s0+s5], $0x500, $0x38;
	[tilespmem:$0x10A00] =	vst v63  }
0x11: {  	_ =	swait.ge [sflag:s12], $0x500  }
0x12: {  	[sflag:s12] =	ssyncset.done $0x0  }
0x13: {  	s31 =	simm.s32 $0x10500;
	[sflag:s12] =	ssyncadd.s32 $0xFFFFFB00  }
0x14: {  	[tilespmem:s31], [sflag:$0x9] =	stream.linear.gather [hbm4b:s9+s5], $0x500, $0x38;
	[tilespmem:$0x10A00] =	vst v63  }
0x15: {  	_ =	swait.ge [sflag:s12], $0x500  }
0x16: {  	[sflag:s12] =	ssyncset.done $0x0  }
0x17: {  	s29 =	simm.s32 $0x0;
	[sflag:s12] =	ssyncadd.s32 $0xFFFFFB00  }
.LBB2_2:
0x18: {  	s0 =	sshll.u32 s29, $0x8;
	s30 =	sshllo.u32 s29, $0x1  }
0x19: {  	[tilespmem:s15], [sflag:$0x1] =	stream.indirect.gather [hbm4b:s1+s14], $0x80, s0, s14, $0xb8;
	[tilespmem:$0x10A00] =	vst v63  }
0x1a: {  	s2 =	sshll.u32 s30, $0x9  }
0x1b: {  	[tilespmem:s16], [sflag:$0x3] =	stream.indirect.gather [hbm4b:s3+s14], $0x80, s0, s14, $0xb8;
	[tilespmem:$0x10A00] =	vst v63  }
0x1c: {  	s31 =	sshrl.u32 s2, $0x2  }
0x1d: {  	[tilespmem:s17], [sflag:$0x2] =	stream.indirect.gather [hbm4b:s1+s14], $0x80, s31, s14, $0xb8;
	[tilespmem:$0x10A00] =	vst v63  }
0x1e: {  	_ = 	snop  }
0x1f: {  	[tilespmem:s18], [sflag:$0x4] =	stream.indirect.gather [hbm4b:s3+s14], $0x80, s31, s14, $0xb8;
	[tilespmem:$0x10A00] =	vst v63  }
0x20: {  	_ =	swait.ge [sflag:s19], $0x4000  }
0x21: {  	s8 =	sand.u32 $0x3FFFFF00, s0;
	[sflag:s19] =	ssyncset.done $0x0  }
0x22: {  	s2 =	sadd.s32 $0x10500, s8;
	[sflag:s19] =	ssyncadd.s32 $0xFFFFC000  }
0x23: {  	s0 =	sadd.s32 s4, s0;
	v0 =	vmov s2;
	_ =	swait.ge [sflag:s20], $0x4000  }
0x24: {  	s2 =	sshll.u32 s0, $0x4;
	[sflag:s20] =	ssyncset.done $0x0  }
0x25: {  	s8 =	simm.s32 $0x0;
	s0 =	sadd.s32 s6, s2;
	[sflag:s20] =	ssyncadd.s32 $0xFFFFC000  }
0x26: {  	[hbm4b:s0+s8] =	stream.linear.scatter [tilespmem:s15], [sflag:$0x5], $0x4000, $0x38;
	[tilespmem:$0x10A00] =	vst v63  }
0x27: {  	s8 =	sand.u32 $0x70, s8  }
0x28: {  	s0 =	simm.s32 $0x8700;
	v1 =	vld.idx.msk [tilespmem:v0+s8+$0x0 ss:$0x1], $0xffff  }
0x29: {  	v2 =	vld [tilespmem:s0+$0xFFFFFE00];
	_ =	sdelay $0x4  }
0x2a: {  	v1 =	vsub.f32 v2, v1;
	_ =	sdelay $0x1  }
0x2b: {  	v2 =	vld [tilespmem:s0+$0xFFFFFE80];
	[tilespmem:s0+$0xFFFFFE00] =	vst v1  }
0x2c: {  	v1 =	vld.idx.msk [tilespmem:v0+s8+$0x0 ss:$0x1], $0xffff;
	_ =	sdelay $0x4  }
0x2d: {  	v1 =	vsub.f32 v2, v1;
	_ =	sdelay $0x1  }
0x2e: {  	v2 =	vld [tilespmem:s0+$0xFFFFFF00];
	[tilespmem:s0+$0xFFFFFE80] =	vst v1  }
0x2f: {  	v1 =	vld.idx.msk [tilespmem:v0+s8+$0x0 ss:$0x1], $0xffff;
	_ =	sdelay $0x4  }
0x30: {  	v1 =	vsub.f32 v2, v1;
	_ =	sdelay $0x1  }
0x31: {  	v2 =	vld [tilespmem:s0+$0xFFFFFF80];
	[tilespmem:s0+$0xFFFFFF00] =	vst v1  }
0x32: {  	v1 =	vld.idx.msk [tilespmem:v0+s8+$0x0 ss:$0x1], $0xffff;
	_ =	sdelay $0x4  }
0x33: {  	v1 =	vsub.f32 v2, v1;
	_ =	sdelay $0x1  }
0x34: {  	v2 =	vld [tilespmem:s0+$0x0];
	[tilespmem:s0+$0xFFFFFF80] =	vst v1  }
0x35: {  	v1 =	vld.idx.msk [tilespmem:v0+s8+$0x0 ss:$0x1], $0xffff;
	_ =	sdelay $0x4  }
0x36: {  	v1 =	vsub.f32 v2, v1;
	_ =	sdelay $0x1  }
0x37: {  	v2 =	vld [tilespmem:s0+$0x80];
	[tilespmem:s0+$0x0] =	vst v1  }
0x38: {  	v1 =	vld.idx.msk [tilespmem:v0+s8+$0x0 ss:$0x1], $0xffff;
	_ =	sdelay $0x4  }
0x39: {  	v1 =	vsub.f32 v2, v1;
	_ =	sdelay $0x1  }
0x3a: {  	v2 =	vld [tilespmem:s0+$0x100];
	[tilespmem:s0+$0x80] =	vst v1  }
0x3b: {  	v1 =	vld.idx.msk [tilespmem:v0+s8+$0x0 ss:$0x1], $0xffff;
	_ =	sdelay $0x4  }
0x3c: {  	v1 =	vsub.f32 v2, v1;
	_ =	sdelay $0x1  }
0x3d: {  	v2 =	vld [tilespmem:s0+$0x180];
	[tilespmem:s0+$0x100] =	vst v1  }
0x3e: {  	v1 =	vld.idx.msk [tilespmem:v0+s8+$0x0 ss:$0x1], $0xffff;
	_ =	sdelay $0x4  }
0x3f: {  	v1 =	vsub.f32 v2, v1  }
0x40: {  	s13 =	simm.s32 $0x8  }
0x41: {  	s13 =	sand.u32 $0x70, s13;
	s8 =	simm.s32 $0x10;
	[tilespmem:s0+$0x180] =	vst v1  }
.LBB2_3:
0x42: {  	p0 =	sne.s32 s8, $0x78;
	v1 =	vld.idx.msk [tilespmem:v0+s13+$0x0 ss:$0x1], $0xffff;
	s0 =	sadd.s32 $0x400, s0  }
0x43: {  	v2 =	vld [tilespmem:s0+$0xFFFFFE00];
	_ =	sdelay $0x4  }
0x44: {  	v1 =	vsub.f32 v2, v1;
	_ =	sdelay $0x1  }
0x45: {  	[tilespmem:s0+$0xFFFFFE00] =	vst v1  }
0x46: {  	v1 =	vld.idx.msk [tilespmem:v0+s13+$0x0 ss:$0x1], $0xffff  }
0x47: {  	v2 =	vld [tilespmem:s0+$0xFFFFFE80];
	_ =	sdelay $0x4  }
0x48: {  	v1 =	vsub.f32 v2, v1;
	_ =	sdelay $0x1  }
0x49: {  	[tilespmem:s0+$0xFFFFFE80] =	vst v1  }
0x4a: {  	v1 =	vld.idx.msk [tilespmem:v0+s13+$0x0 ss:$0x1], $0xffff  }
0x4b: {  	v2 =	vld [tilespmem:s0+$0xFFFFFF00];
	_ =	sdelay $0x4  }
0x4c: {  	v1 =	vsub.f32 v2, v1;
	_ =	sdelay $0x1  }
0x4d: {  	[tilespmem:s0+$0xFFFFFF00] =	vst v1  }
0x4e: {  	v1 =	vld.idx.msk [tilespmem:v0+s13+$0x0 ss:$0x1], $0xffff  }
0x4f: {  	v2 =	vld [tilespmem:s0+$0xFFFFFF80];
	_ =	sdelay $0x4  }
0x50: {  	v1 =	vsub.f32 v2, v1;
	_ =	sdelay $0x1  }
0x51: {  	[tilespmem:s0+$0xFFFFFF80] =	vst v1  }
0x52: {  	v1 =	vld.idx.msk [tilespmem:v0+s13+$0x0 ss:$0x1], $0xffff  }
0x53: {  	v2 =	vld [tilespmem:s0+$0x0];
	_ =	sdelay $0x4  }
0x54: {  	v1 =	vsub.f32 v2, v1;
	_ =	sdelay $0x1  }
0x55: {  	[tilespmem:s0+$0x0] =	vst v1  }
0x56: {  	v1 =	vld.idx.msk [tilespmem:v0+s13+$0x0 ss:$0x1], $0xffff  }
0x57: {  	v2 =	vld [tilespmem:s0+$0x80];
	_ =	sdelay $0x4  }
0x58: {  	v1 =	vsub.f32 v2, v1;
	_ =	sdelay $0x1  }
0x59: {  	[tilespmem:s0+$0x80] =	vst v1  }
0x5a: {  	v1 =	vld.idx.msk [tilespmem:v0+s13+$0x0 ss:$0x1], $0xffff  }
0x5b: {  	v2 =	vld [tilespmem:s0+$0x100];
	_ =	sdelay $0x4  }
0x5c: {  	v1 =	vsub.f32 v2, v1;
	_ =	sdelay $0x1  }
0x5d: {  	[tilespmem:s0+$0x100] =	vst v1  }
0x5e: {  	v1 =	vld.idx.msk [tilespmem:v0+s13+$0x0 ss:$0x1], $0xffff  }
0x5f: {  	v2 =	vld [tilespmem:s0+$0x180];
	_ =	sdelay $0x2  }
.Ltmp0:
0x60: {  	(pc) =	sbr.rel @p0 .LBB2_3-.Ltmp0, $3  }
0x61: {  	_ = 	snop  }
0x62: {  	v1 =	vsub.f32 v2, v1;
	_ =	sdelay $0x1  }
0x63: {  	s13 =	sand.u32 $0x70, s8;
	s8 =	sadd.s32 $0x8, s8;
	[tilespmem:s0+$0x180] =	vst v1  }
0x64: {  	_ =	sdelay $0x3  }
0x65: {  	v1 =	vld.idx.msk [tilespmem:v0+s13+$0x0 ss:$0x1], $0xffff;
	s0 =	sadd.s32 $0x400, s0  }
0x66: {  	v2 =	vld [tilespmem:s0+$0xFFFFFE00];
	_ =	sdelay $0x4  }
0x67: {  	v1 =	vsub.f32 v2, v1;
	_ =	sdelay $0x1  }
0x68: {  	v2 =	vld [tilespmem:s0+$0xFFFFFE80];
	[tilespmem:s0+$0xFFFFFE00] =	vst v1  }
0x69: {  	v1 =	vld.idx.msk [tilespmem:v0+s13+$0x0 ss:$0x1], $0xffff;
	_ =	sdelay $0x4  }
0x6a: {  	v1 =	vsub.f32 v2, v1;
	_ =	sdelay $0x1  }
0x6b: {  	v2 =	vld [tilespmem:s0+$0xFFFFFF00];
	[tilespmem:s0+$0xFFFFFE80] =	vst v1  }
0x6c: {  	v1 =	vld.idx.msk [tilespmem:v0+s13+$0x0 ss:$0x1], $0xffff;
	_ =	sdelay $0x4  }
0x6d: {  	v1 =	vsub.f32 v2, v1;
	_ =	sdelay $0x1  }
0x6e: {  	v2 =	vld [tilespmem:s0+$0xFFFFFF80];
	[tilespmem:s0+$0xFFFFFF00] =	vst v1  }
0x6f: {  	v1 =	vld.idx.msk [tilespmem:v0+s13+$0x0 ss:$0x1], $0xffff;
	_ =	sdelay $0x4  }
0x70: {  	v1 =	vsub.f32 v2, v1;
	_ =	sdelay $0x1  }
0x71: {  	v2 =	vld [tilespmem:s0+$0x0];
	[tilespmem:s0+$0xFFFFFF80] =	vst v1  }
0x72: {  	v1 =	vld.idx.msk [tilespmem:v0+s13+$0x0 ss:$0x1], $0xffff;
	_ =	sdelay $0x4  }
0x73: {  	v1 =	vsub.f32 v2, v1;
	_ =	sdelay $0x1  }
0x74: {  	v2 =	vld [tilespmem:s0+$0x80];
	[tilespmem:s0+$0x0] =	vst v1  }
0x75: {  	v1 =	vld.idx.msk [tilespmem:v0+s13+$0x0 ss:$0x1], $0xffff;
	_ =	sdelay $0x4  }
0x76: {  	v1 =	vsub.f32 v2, v1;
	_ =	sdelay $0x1  }
0x77: {  	v2 =	vld [tilespmem:s0+$0x100];
	[tilespmem:s0+$0x80] =	vst v1  }
0x78: {  	v1 =	vld.idx.msk [tilespmem:v0+s13+$0x0 ss:$0x1], $0xffff;
	_ =	sdelay $0x4  }
0x79: {  	v1 =	vsub.f32 v2, v1;
	_ =	sdelay $0x1  }
0x7a: {  	[tilespmem:s0+$0x100] =	vst v1;
	v1 =	vld [tilespmem:s0+$0x180]  }
0x7b: {  	v0 =	vld.idx.msk [tilespmem:v0+s13+$0x0 ss:$0x1], $0xffff;
	_ =	sdelay $0x4  }
0x7c: {  	v0 =	vsub.f32 v1, v0;
	_ =	sdelay $0x1  }
0x7d: {  	s2 =	sadd.s32 s7, s2;
	s8 =	simm.s32 $0x0;
	[tilespmem:s0+$0x180] =	vst v0  }
0x7e: {  	[hbm4b:s2+s8] =	stream.linear.scatter [tilespmem:s16], [sflag:$0x7], $0x4000, $0x38;
	[tilespmem:$0x10A00] =	vst v63  }
0x7f: {  	_ =	swait.ge [sflag:s21], $0x4000  }
0x80: {  	[sflag:s21] =	ssyncset.done $0x0  }
0x81: {  	s13 =	sshll.u32 s30, $0xE;
	s30 =	sadd.s32 $0x10500, s31;
	[sflag:s21] =	ssyncadd.s32 $0xFFFFC000  }
0x82: {  	s0 =	sadd.s32 s10, s13;
	v0 =	vmov s30;
	_ =	swait.ge [sflag:s22], $0x4000  }
0x83: {  	s2 =	sshrl.u32 s0, $0x3;
	[sflag:s22] =	ssyncset.done $0x0  }
0x84: {  	s0 =	sadd.s32 s6, s2;
	[sflag:s22] =	ssyncadd.s32 $0xFFFFC000  }
0x85: {  	[hbm4b:s0+s8] =	stream.linear.scatter [tilespmem:s17], [sflag:$0x6], $0x4000, $0x38;
	[tilespmem:$0x10A00] =	vst v63  }
0x86: {  	s8 =	sand.u32 $0x70, s8  }
0x87: {  	s0 =	simm.s32 $0xC700;
	v1 =	vld.idx.msk [tilespmem:v0+s8+$0x0 ss:$0x1], $0xffff  }
0x88: {  	v2 =	vld [tilespmem:s0+$0xFFFFFE00];
	_ =	sdelay $0x4  }
0x89: {  	v1 =	vsub.f32 v2, v1;
	_ =	sdelay $0x1  }
0x8a: {  	v2 =	vld [tilespmem:s0+$0xFFFFFE80];
	[tilespmem:s0+$0xFFFFFE00] =	vst v1  }
0x8b: {  	v1 =	vld.idx.msk [tilespmem:v0+s8+$0x0 ss:$0x1], $0xffff;
	_ =	sdelay $0x4  }
0x8c: {  	v1 =	vsub.f32 v2, v1;
	_ =	sdelay $0x1  }
0x8d: {  	v2 =	vld [tilespmem:s0+$0xFFFFFF00];
	[tilespmem:s0+$0xFFFFFE80] =	vst v1  }
0x8e: {  	v1 =	vld.idx.msk [tilespmem:v0+s8+$0x0 ss:$0x1], $0xffff;
	_ =	sdelay $0x4  }
0x8f: {  	v1 =	vsub.f32 v2, v1;
	_ =	sdelay $0x1  }
0x90: {  	v2 =	vld [tilespmem:s0+$0xFFFFFF80];
	[tilespmem:s0+$0xFFFFFF00] =	vst v1  }
0x91: {  	v1 =	vld.idx.msk [tilespmem:v0+s8+$0x0 ss:$0x1], $0xffff;
	_ =	sdelay $0x4  }
0x92: {  	v1 =	vsub.f32 v2, v1;
	_ =	sdelay $0x1  }
0x93: {  	v2 =	vld [tilespmem:s0+$0x0];
	[tilespmem:s0+$0xFFFFFF80] =	vst v1  }
0x94: {  	v1 =	vld.idx.msk [tilespmem:v0+s8+$0x0 ss:$0x1], $0xffff;
	_ =	sdelay $0x4  }
0x95: {  	v1 =	vsub.f32 v2, v1;
	_ =	sdelay $0x1  }
0x96: {  	v2 =	vld [tilespmem:s0+$0x80];
	[tilespmem:s0+$0x0] =	vst v1  }
0x97: {  	v1 =	vld.idx.msk [tilespmem:v0+s8+$0x0 ss:$0x1], $0xffff;
	_ =	sdelay $0x4  }
0x98: {  	v1 =	vsub.f32 v2, v1;
	_ =	sdelay $0x1  }
0x99: {  	v2 =	vld [tilespmem:s0+$0x100];
	[tilespmem:s0+$0x80] =	vst v1  }
0x9a: {  	v1 =	vld.idx.msk [tilespmem:v0+s8+$0x0 ss:$0x1], $0xffff;
	_ =	sdelay $0x4  }
0x9b: {  	v1 =	vsub.f32 v2, v1;
	_ =	sdelay $0x1  }
0x9c: {  	v2 =	vld [tilespmem:s0+$0x180];
	[tilespmem:s0+$0x100] =	vst v1  }
0x9d: {  	v1 =	vld.idx.msk [tilespmem:v0+s8+$0x0 ss:$0x1], $0xffff;
	_ =	sdelay $0x4  }
0x9e: {  	v1 =	vsub.f32 v2, v1  }
0x9f: {  	s31 =	simm.s32 $0x8  }
0xa0: {  	s13 =	sand.u32 $0x70, s31;
	s8 =	simm.s32 $0x10;
	[tilespmem:s0+$0x180] =	vst v1  }
.LBB2_5:
0xa1: {  	p0 =	sne.s32 s8, $0x78;
	v1 =	vld.idx.msk [tilespmem:v0+s13+$0x0 ss:$0x1], $0xffff;
	s0 =	sadd.s32 $0x400, s0  }
0xa2: {  	v2 =	vld [tilespmem:s0+$0xFFFFFE00];
	_ =	sdelay $0x4  }
0xa3: {  	v1 =	vsub.f32 v2, v1;
	_ =	sdelay $0x1  }
0xa4: {  	[tilespmem:s0+$0xFFFFFE00] =	vst v1  }
0xa5: {  	v1 =	vld.idx.msk [tilespmem:v0+s13+$0x0 ss:$0x1], $0xffff  }
0xa6: {  	v2 =	vld [tilespmem:s0+$0xFFFFFE80];
	_ =	sdelay $0x4  }
0xa7: {  	v1 =	vsub.f32 v2, v1;
	_ =	sdelay $0x1  }
0xa8: {  	[tilespmem:s0+$0xFFFFFE80] =	vst v1  }
0xa9: {  	v1 =	vld.idx.msk [tilespmem:v0+s13+$0x0 ss:$0x1], $0xffff  }
0xaa: {  	v2 =	vld [tilespmem:s0+$0xFFFFFF00];
	_ =	sdelay $0x4  }
0xab: {  	v1 =	vsub.f32 v2, v1;
	_ =	sdelay $0x1  }
0xac: {  	[tilespmem:s0+$0xFFFFFF00] =	vst v1  }
0xad: {  	v1 =	vld.idx.msk [tilespmem:v0+s13+$0x0 ss:$0x1], $0xffff  }
0xae: {  	v2 =	vld [tilespmem:s0+$0xFFFFFF80];
	_ =	sdelay $0x4  }
0xaf: {  	v1 =	vsub.f32 v2, v1;
	_ =	sdelay $0x1  }
0xb0: {  	[tilespmem:s0+$0xFFFFFF80] =	vst v1  }
0xb1: {  	v1 =	vld.idx.msk [tilespmem:v0+s13+$0x0 ss:$0x1], $0xffff  }
0xb2: {  	v2 =	vld [tilespmem:s0+$0x0];
	_ =	sdelay $0x4  }
0xb3: {  	v1 =	vsub.f32 v2, v1;
	_ =	sdelay $0x1  }
0xb4: {  	[tilespmem:s0+$0x0] =	vst v1  }
0xb5: {  	v1 =	vld.idx.msk [tilespmem:v0+s13+$0x0 ss:$0x1], $0xffff  }
0xb6: {  	v2 =	vld [tilespmem:s0+$0x80];
	_ =	sdelay $0x4  }
0xb7: {  	v1 =	vsub.f32 v2, v1;
	_ =	sdelay $0x1  }
0xb8: {  	[tilespmem:s0+$0x80] =	vst v1  }
0xb9: {  	v1 =	vld.idx.msk [tilespmem:v0+s13+$0x0 ss:$0x1], $0xffff  }
0xba: {  	v2 =	vld [tilespmem:s0+$0x100];
	_ =	sdelay $0x4  }
0xbb: {  	v1 =	vsub.f32 v2, v1;
	_ =	sdelay $0x1  }
0xbc: {  	[tilespmem:s0+$0x100] =	vst v1  }
0xbd: {  	v1 =	vld.idx.msk [tilespmem:v0+s13+$0x0 ss:$0x1], $0xffff  }
0xbe: {  	v2 =	vld [tilespmem:s0+$0x180];
	_ =	sdelay $0x2  }
.Ltmp1:
0xbf: {  	(pc) =	sbr.rel @p0 .LBB2_5-.Ltmp1, $3  }
0xc0: {  	_ = 	snop  }
0xc1: {  	v1 =	vsub.f32 v2, v1;
	_ =	sdelay $0x1  }
0xc2: {  	s13 =	sand.u32 $0x70, s8;
	s8 =	sadd.s32 $0x8, s8;
	[tilespmem:s0+$0x180] =	vst v1  }
0xc3: {  	_ =	sdelay $0x3  }
0xc4: {  	v1 =	vld.idx.msk [tilespmem:v0+s13+$0x0 ss:$0x1], $0xffff;
	s0 =	sadd.s32 $0x400, s0  }
0xc5: {  	v2 =	vld [tilespmem:s0+$0xFFFFFE00];
	_ =	sdelay $0x4  }
0xc6: {  	v1 =	vsub.f32 v2, v1;
	_ =	sdelay $0x1  }
0xc7: {  	v56 =	vld [tilespmem:s0+$0xFFFFFE80];
	[tilespmem:s0+$0xFFFFFE00] =	vst v1  }
0xc8: {  	v1 =	vld.idx.msk [tilespmem:v0+s13+$0x0 ss:$0x1], $0xffff;
	_ =	sdelay $0x4  }
0xc9: {  	v1 =	vsub.f32 v56, v1;
	_ =	sdelay $0x1  }
0xca: {  	v57 =	vld [tilespmem:s0+$0xFFFFFF00];
	[tilespmem:s0+$0xFFFFFE80] =	vst v1  }
0xcb: {  	v1 =	vld.idx.msk [tilespmem:v0+s13+$0x0 ss:$0x1], $0xffff;
	_ =	sdelay $0x4  }
0xcc: {  	v1 =	vsub.f32 v57, v1;
	_ =	sdelay $0x1  }
0xcd: {  	v58 =	vld [tilespmem:s0+$0xFFFFFF80];
	[tilespmem:s0+$0xFFFFFF00] =	vst v1  }
0xce: {  	v1 =	vld.idx.msk [tilespmem:v0+s13+$0x0 ss:$0x1], $0xffff;
	_ =	sdelay $0x4  }
0xcf: {  	v1 =	vsub.f32 v58, v1;
	_ =	sdelay $0x1  }
0xd0: {  	v59 =	vld [tilespmem:s0+$0x0];
	[tilespmem:s0+$0xFFFFFF80] =	vst v1  }
0xd1: {  	v1 =	vld.idx.msk [tilespmem:v0+s13+$0x0 ss:$0x1], $0xffff;
	_ =	sdelay $0x4  }
0xd2: {  	v1 =	vsub.f32 v59, v1;
	_ =	sdelay $0x1  }
0xd3: {  	v60 =	vld [tilespmem:s0+$0x80];
	[tilespmem:s0+$0x0] =	vst v1  }
0xd4: {  	v1 =	vld.idx.msk [tilespmem:v0+s13+$0x0 ss:$0x1], $0xffff;
	_ =	sdelay $0x4  }
0xd5: {  	v1 =	vsub.f32 v60, v1;
	_ =	sdelay $0x1  }
0xd6: {  	v61 =	vld [tilespmem:s0+$0x100];
	[tilespmem:s0+$0x80] =	vst v1  }
0xd7: {  	v1 =	vld.idx.msk [tilespmem:v0+s13+$0x0 ss:$0x1], $0xffff;
	_ =	sdelay $0x4  }
0xd8: {  	v1 =	vsub.f32 v61, v1;
	_ =	sdelay $0x1  }
0xd9: {  	v63 =	vld [tilespmem:s0+$0x180];
	[tilespmem:s0+$0x100] =	vst v1  }
0xda: {  	v62 =	vld.idx.msk [tilespmem:v0+s13+$0x0 ss:$0x1], $0xffff;
	_ =	sdelay $0x4  }
0xdb: {  	v0 =	vsub.f32 v63, v62;
	_ =	sdelay $0x1  }
0xdc: {  	s31 =	sadd.s32 s7, s2;
	[tilespmem:s0+$0x180] =	vst v0  }
0xdd: {  	[hbm4b:s31+s5] =	stream.linear.scatter [tilespmem:s18], [sflag:$0x8], $0x4000, $0x38;
	[tilespmem:$0x10A00] =	vst v63  }
0xde: {  	_ =	swait.ge [sflag:s23], $0x4000  }
0xdf: {  	[sflag:s23] =	ssyncset.done $0x0  }
0xe0: {  	[sflag:s23] =	ssyncadd.s32 $0xFFFFC000  }
0xe1: {  	_ =	swait.ge [sflag:s24], $0x4000  }
0xe2: {  	[sflag:s24] =	ssyncset.done $0x0  }
0xe3: {  	s29 =	sadd.s32 $0x1, s29;
	[sflag:s24] =	ssyncadd.s32 $0xFFFFC000  }
0xe4: {  	p0 =	sne.s32 s29, $0x5;
	_ =	swait.ge [sflag:s25], $0x4000  }
.Ltmp2:
0xe5: {  	[sflag:s25] =	ssyncset.done $0x0;
	(pc) =	sbr.rel @p0 .LBB2_2-.Ltmp2, $4  }
0xe6: {  	[sflag:s25] =	ssyncadd.s32 $0xFFFFC000  }
0xe7: {  	_ =	swait.ge [sflag:s26], $0x4000  }
0xe8: {  	[sflag:s26] =	ssyncset.done $0x0  }
0xe9: {  	[sflag:s26] =	ssyncadd.s32 $0xFFFFC000  }
0xea: {  	s28 =	sadd.s32 $0x1, s28  }
0xeb: {  	p0 =	sne.s32 s28, s11  }
.Ltmp3:
0xec: {  	_ = 	snop;
	(pc) =	sbr.rel @p0 .LBB2_1-.Ltmp3, $1  }
0xed: {  	_ =	sdelay $0x3  }
0xee: {  	_ =	sfence.sel $0x180000  }
0xef: {  	[bflag:$0x0] =	sbarrier.arrive $0xFFFF  }
0xf0: {  	_ =	strace $0x90000050  }
0xf1: {  	s0 =	stileid.u32;
	[bflag:$0x2] =	sbarrier.arrive $0xFFFF  }
0xf2: {  	p0 =	sne.s32 s0, $0x0;
	s0 =	rddreg [dreg:$0x3]  }
0xf3: {  	s0 =	sadd.s32 @!p0 $0x100000, s0  }
0xf4: {  	[sflag:s0] =	ssyncadd.tile.s32 @!p0 $0x1;
	_ =	shalt  }
.Lfunc_end2:
_tile_overlayer_lowered:
.L_overlay_start_2:
0xf5: {  	(tag) =	ssettag $0x2  }
0xf6: {  	s0 =	rddreg [dreg:$0x0];
	s2 =	stileid.u32  }
0xf7: {  	s1 =	rddreg [dreg:$0x1];
	p0 =	sne.s32 s2, $0x0  }
0xf8: {  	s3 =	rddreg [dreg:$0x2];
	[bflag:$0x3] =	sbarrier.arrive $0xFFFF;
	s2 =	simm.s32 @!p0 $0x1C09  }
0xf9: {  	[timem:s3], [sflag:s2] =	dma.local @!p0 [hbm:s0], s1  }
0xfa: {  	s0 =	simm.s32 @!p0 $0x9  }
0xfb: {  	_ =	swait.ge @!p0 [sflag:s0], s1  }
0xfc: {  	s1 =	ssub.s32 @!p0 $0x0, s1;
	[sflag:s0] =	ssyncset.done @!p0 $0x0  }
0xfd: {  	[sflag:s0] =	ssyncadd.s32 @!p0 s1  }
0xfe: {  	[bflag:$0x3] =	sbarrier.arrive $0xFFFF  }
0xff: {  	_ =	shalt  }

// kernel: kernel.19.cloned.1.call-start
scs
__scs_entry_jumppad:
0x0: {  	(pc) =	sbr.rel $0x88, $3  }
0x1: {  	(tag) =	ssettag $0x0;
	lr =	simm.s32 $0x1  }
0x2: {  	[smem:$0x3F90] =	sst lr;
	_ =	strace $0xD0000000  }
0x3: {  	_ = 	snop  }
0x4: {  	_ = 	snop  }
0x5: {  	_ = 	snop  }
0x6: {  	_ = 	snop  }
0x7: {  	_ = 	snop  }
__scs_overlays_trampoline_lowered:
0x8: {  	[smem:$0x3F9F] =	sst s0  }
0x9: {  	[smem:$0x3FA0] =	sst s1  }
0xa: {  	[smem:$0x3FA1] =	sst s2  }
0xb: {  	[smem:$0x3FA2] =	sst s3  }
0xc: {  	[smem:$0x3FA3] =	sst s4  }
0xd: {  	[smem:$0x3FA4] =	sst s5  }
0xe: {  	[smem:$0x3FA5] =	sst s6  }
0xf: {  	[smem:$0x3FA6] =	sst s7  }
0x10: {  	[smem:$0x3FA7] =	sst s8  }
0x11: {  	[smem:$0x3FA8] =	sst s9;
	s0 =	simm.s32 @!p0 $0x0  }
0x12: {  	s1 =	sld [smem:$0x3F8E];
	s0 =	simm.s32 @p0 $0x1  }
0x13: {  	[smem:$0x3FA9] =	sst s0;
	s0 =	simm.s32 @!p1 $0x0  }
0x14: {  	s2 =	sld [smem:$0x3F8D];
	s0 =	simm.s32 @p1 $0x1  }
0x15: {  	[smem:$0x3FAA] =	sst s0;
	s0 =	simm.s32 @!p2 $0x0  }
0x16: {  	s3 =	sld [smem:$0x3FDB];
	s0 =	simm.s32 @p2 $0x1  }
0x17: {  	s4 =	simm.s32 $0x1BF5;
	[smem:$0x3FAC] =	sst s0  }
0x18: {  	s0 =	sld [smem:$0x3F8F];
	_ =	swait.ge [sflag:s4], $0x0  }
0x19: {  	s7 =	sld [smem:$0x3F90]  }
0x1a: {  	s8 =	sadd.s32 $0xFFFFE003, lr  }
0x1b: {  	s9 =	sadd.s32 $0xFFFFFEF7, lr;
	s5 =	simm.s32 $0xFFFFFFFF;
	p2 =	slt.u32 s8, $0xFFFFF086  }
0x1c: {  	p1 =	slt.u32 s9, $0xF7A;
	s5 =	simm.s32 @!p2 $0x0  }
0x1d: {  	s5 =	simm.s32 @p1 $0x1;
	p0 =	seq.s32 s7, s2  }
0x1e: {  	s7 =	smul.u32 @!p0 $0xF7A, s2;
	p2 =	seq.s32 @!p0 s5, $0x0  }
0x1f: {  	s9 =	smul.u32 $0xF7A, s1;
	s8 =	simm.s32 @!p0 $0x1BF5;
	p2 =	por !p2, p0  }
0x20: {  	[sflag:s8] =	ssyncset.s32 @!p0 $0xFFFFF086;
	s6 =	sadd.s32 @!p0 s3, s7;
	s7 =	simm.s32 @!p0 $0x108  }
0x21: {  	s3 =	sadd.s32 s3, s9;
	s6 =	sadd.s32 @!p0 $0x88, s6;
	s7 =	simm.s32 @p2 $0x1082  }
0x22: {  	[simem:s7], [sflag:s8] =	dma.local @!p0 [hbm:s6], $0xF7A  }
0x23: {  	s9 =	sor.u32 $0xD0000000, s2;
	s6 =	simm.s32 $0x108;
	_ =	swait.ge @!p0 [sflag:s8], $0x0  }
0x24: {  	s3 =	sadd.s32 $0x88, s3;
	s6 =	simm.s32 @!p1 $0x1082;
	[sflag:s4] =	ssyncset.s32 $0xFFFFF086  }
0x25: {  	[simem:s6], [sflag:s4] =	dma.local [hbm:s3], $0xF7A  }
0x26: {  	[smem:$0x3F90] =	sst s1;
	(tag) =	ssettag s2;
	_ =	strace s9  }
0x27: {  	s1 =	sld [smem:$0x3FA0]  }
0x28: {  	s2 =	sld [smem:$0x3FA1]  }
0x29: {  	s4 =	sld [smem:$0x3FA3]  }
0x2a: {  	p0 =	seq.s32 s5, $0x0;
	s5 =	sld [smem:$0x3FA4]  }
0x2b: {  	s6 =	sld [smem:$0x3FA5]  }
0x2c: {  	s7 =	sld [smem:$0x3FA6]  }
0x2d: {  	s3 =	simm.s32 $0x108;
	s8 =	sld [smem:$0x3FA7]  }
0x2e: {  	s3 =	simm.s32 @!p0 $0x1082;
	s9 =	sld [smem:$0x3FA8]  }
0x2f: {  	lr =	sadd.s32 s0, s3;
	s0 =	sld [smem:$0x3F9F]  }
0x30: {  	s3 =	sld [smem:$0x3FA2]  }
0x31: {  	[smem:$0x3FAB] =	sst s10  }
0x32: {  	s10 =	sld [smem:$0x3FA9];
	_ =	sdelay $0x3  }
0x33: {  	p0 =	seq.s32 s10, $0x1;
	s10 =	sld [smem:$0x3FAB];
	_ =	sdelay $0x3  }
0x34: {  	[smem:$0x3FAB] =	sst s10  }
0x35: {  	s10 =	sld [smem:$0x3FAA];
	_ =	sdelay $0x3  }
0x36: {  	p1 =	seq.s32 s10, $0x1;
	s10 =	sld [smem:$0x3FAB];
	_ =	sdelay $0x3  }
0x37: {  	[smem:$0x3FAB] =	sst s10  }
0x38: {  	s10 =	sld [smem:$0x3FAC]  }
0x39: {  	_ = 	snop;
	(pc) =	sbr.ind lr, $3  }
0x3a: {  	_ = 	snop  }
0x3b: {  	_ = 	snop  }
0x3c: {  	p2 =	seq.s32 s10, $0x1;
	s10 =	sld [smem:$0x3FAB]  }
0x3d: {  	_ =	shalt  }
0x3e: {  	_ =	shalt  }
0x3f: {  	_ =	shalt  }
0x40: {  	_ =	shalt  }
0x41: {  	_ =	shalt  }
0x42: {  	_ =	shalt  }
0x43: {  	_ =	shalt  }
0x44: {  	_ =	shalt  }
0x45: {  	_ =	shalt  }
0x46: {  	_ =	shalt  }
0x47: {  	_ =	shalt  }
0x48: {  	_ =	shalt  }
0x49: {  	_ =	shalt  }
0x4a: {  	_ =	shalt  }
0x4b: {  	_ =	shalt  }
0x4c: {  	_ =	shalt  }
0x4d: {  	_ =	shalt  }
0x4e: {  	_ =	shalt  }
0x4f: {  	_ =	shalt  }
0x50: {  	_ =	shalt  }
0x51: {  	_ =	shalt  }
0x52: {  	_ =	shalt  }
0x53: {  	_ =	shalt  }
0x54: {  	_ =	shalt  }
0x55: {  	_ =	shalt  }
0x56: {  	_ =	shalt  }
0x57: {  	_ =	shalt  }
0x58: {  	_ =	shalt  }
0x59: {  	_ =	shalt  }
0x5a: {  	_ =	shalt  }
0x5b: {  	_ =	shalt  }
0x5c: {  	_ =	shalt  }
0x5d: {  	_ =	shalt  }
0x5e: {  	_ =	shalt  }
0x5f: {  	_ =	shalt  }
0x60: {  	_ =	shalt  }
0x61: {  	_ =	shalt  }
0x62: {  	_ =	shalt  }
0x63: {  	_ =	shalt  }
0x64: {  	_ =	shalt  }
0x65: {  	_ =	shalt  }
0x66: {  	_ =	shalt  }
0x67: {  	_ =	shalt  }
0x68: {  	_ =	shalt  }
0x69: {  	_ =	shalt  }
0x6a: {  	_ =	shalt  }
0x6b: {  	_ =	shalt  }
0x6c: {  	_ =	shalt  }
0x6d: {  	_ =	shalt  }
0x6e: {  	_ =	shalt  }
0x6f: {  	_ =	shalt  }
0x70: {  	_ =	shalt  }
0x71: {  	_ =	shalt  }
0x72: {  	_ =	shalt  }
0x73: {  	_ =	shalt  }
0x74: {  	_ =	shalt  }
0x75: {  	_ =	shalt  }
0x76: {  	_ =	shalt  }
0x77: {  	_ =	shalt  }
0x78: {  	_ =	shalt  }
0x79: {  	_ =	shalt  }
0x7a: {  	_ =	shalt  }
0x7b: {  	_ =	shalt  }
0x7c: {  	_ =	shalt  }
0x7d: {  	_ =	shalt  }
0x7e: {  	_ =	shalt  }
0x7f: {  	_ =	shalt  }
0x80: {  	_ =	shalt  }
0x81: {  	_ =	shalt  }
0x82: {  	_ =	shalt  }
0x83: {  	_ =	shalt  }
0x84: {  	_ =	shalt  }
0x85: {  	_ =	shalt  }
0x86: {  	_ =	shalt  }
0x87: {  	_ =	shalt  }
.Lfunc_end0:
.L_simem_size_0:
called_computation.3_lowered:
.L_overlay_start_0:
0x88: {  	s2 =	sld [smem:$0x3FD9]  }
0x89: {  	s3 =	sld [smem:$0x3FFE];
	_ =	sdelay $0x1  }
0x8a: {  	s1 =	srdreg.scid  }
0x8b: {  	s0 =	sand.u32 $0x1, s1  }
0x8c: {  	s15 =	sshll.u32 s0, $0xA;
	s2 =	sadd.s32 s3, s2  }
0x8d: {  	s2 =	sadd.s32 s2, s15  }
0x8e: {  	[smem:$0x3FB7] =	sst s2  }
0x8f: {  	_ = 	snop  }
0x90: {  	s2 =	sld [smem:$0x3FD0];
	_ =	sdelay $0x2  }
0x91: {  	s4 =	simm.s32 $0xB;
	s16 =	simm.s32 $0x10  }
0x92: {  	[smem:s16], [sflag:s4] =	dma.local [hbm:s2], $0x1  }
0x93: {  	_ =	swait.eq [sflag:s4], $0x1  }
0x94: {  	[sflag:s4] =	ssyncset.done $0x0  }
0x95: {  	s17 =	sld [smem:$0x10];
	[sflag:s4] =	ssyncadd.s32 $0xFFFFFFFF  }
0x96: {  	s18 =	sld [smem:$0x11];
	(tm) =	ssettm $0x1  }
0x97: {  	s19 =	sld [smem:$0x3FFB];
	_ =	sdelay $0x3  }
0x98: {  	_ =	strace s19  }
0x99: {  	s2 =	sld [smem:$0x3FFC];
	_ =	sdelay $0x3  }
0x9a: {  	_ =	strace s2  }
0x9b: {  	s2 =	sld [smem:$0x3FFD];
	_ =	sdelay $0x3  }
0x9c: {  	_ =	strace s2  }
0x9d: {  	_ =	strace $0x8FFFFFFF  }
0x9e: {  	s20 =	sld [smem:$0x3FDB];
	_ =	sdelay $0x1  }
0x9f: {  	s5 =	simm.s32 $_scs_section_size  }
0xa0: {  	s6 =	simm.s32 $_size__tile_overlayer_lowered;
	s7 =	simm.s32 $_tile_overlayer_lowered  }
0xa1: {  	s8 =	simm.s32 $0x1BFF;
	s21 =	sshll.u32 s7, $0x1;
	s5 =	sadd.s32 s5, s20  }
0xa2: {  	s22 =	simm.s32 $0x0;
	s6 =	sshll.u32 s6, $0x1;
	s7 =	sadd.s32 s21, s5  }
0xa3: {  	[timem:s22], [sflag:s8] =	dma.local [hbm:s7], s6  }
0xa4: {  	_ =	swait.ge [sflag:s8], s6  }
0xa5: {  	s6 =	ssub.s32 $0x0, s6;
	[sflag:s8] =	ssyncset.done $0x0  }
0xa6: {  	[sflag:s8] =	ssyncadd.s32 s6;
	_ =	sdelay $0x1  }
0xa7: {  	s23 =	simm.s32 $0x1B8B  }
0xa8: {  	_ =	swait.ge [sflag:s23], $0x1  }
0xa9: {  	[sflag:s23] =	ssyncset.done $0x0  }
0xaa: {  	[sflag:s23] =	ssyncadd.s32 $0xFFFFFFFF  }
0xab: {  	s6 =	sld [smem:$0x0]  }
0xac: {  	s7 =	sand.u32 $0xFFFFFFFE, s1  }
0xad: {  	p0 =	sne.s32 s1, s7  }
0xae: {  	s7 =	sshll.u32 @p0 s7, $0xE  }
0xaf: {  	s7 =	sadd.s32 @p0 $0x11B8D, s7;
	s8 =	sshll.u32 @p0 s6, $0x11  }
0xb0: {  	s7 =	sor.u32 @p0 s8, s7  }
0xb1: {  	[sflag:s7] =	ssyncadd.remote.s32 @p0 $0x1;
	_ =	sdelay $0x1  }
0xb2: {  	s7 =	simm.s32 @p0 $0x1B8D  }
0xb3: {  	_ =	swait.eq @p0 [sflag:s7], $0x1  }
0xb4: {  	[sflag:s7] =	ssyncadd.s32 @p0 $0xFFFFFFFF  }
0xb5: {  	s8 =	sshll.u32 @!p0 s1, $0xE  }
0xb6: {  	s8 =	sor.u32 @!p0 $0x4000, s8;
	s7 =	simm.s32 @!p0 $0x1B8D  }
0xb7: {  	s6 =	sshll.u32 @!p0 s6, $0x11;
	s8 =	sadd.s32 @!p0 $0x11B8D, s8;
	_ =	swait.eq @!p0 [sflag:s7], $0x1  }
0xb8: {  	s6 =	sor.u32 @!p0 s6, s8;
	[sflag:s7] =	ssyncadd.s32 @!p0 $0xFFFFFFFF  }
0xb9: {  	s25 =	simm.s32 $0x1B8E;
	s24 =	sld [smem:$0x3FFE];
	[sflag:s6] =	ssyncadd.remote.s32 @!p0 $0x1  }
0xba: {  	s26 =	simm.s32 $execute0_lowered;
	[smem:$0x3FD2] =	sst s25  }
0xbb: {  	s7 =	sshll.u32 s26, $0x1;
	_ =	strace $0x8000004C;
	[dreg:$0x1] =	wrdreg $0xFFFFFFFF  }
0xbc: {  	s28 =	simm.s32 $_size_execute0_lowered;
	s5 =	sadd.s32 s5, s7;
	[dreg:$0x0] =	wrdreg $0x0  }
0xbd: {  	s7 =	sshll.u32 s28, $0x1;
	[dreg:$0x2] =	wrdreg s5  }
0xbe: {  	[dreg:$0x3] =	wrdreg s7  }
0xbf: {  	[dreg:$0x4] =	wrdreg $0xC0  }
0xc0: {  	_ =	task [dreg:s22], $0x5FFFF  }
0xc1: {  	[dreg:$0x1] =	wrdreg $0xFFFFFFFF  }
0xc2: {  	[dreg:$0x0] =	wrdreg $0x60  }
0xc3: {  	[dreg:$0x2] =	wrdreg s18  }
0xc4: {  	[dreg:$0x3] =	wrdreg s17  }
0xc5: {  	[dreg:$0x4] =	wrdreg s24  }
0xc6: {  	[dreg:$0x5] =	wrdreg $0xA  }
0xc7: {  	_ =	task.clear_ibuf [dreg:s22], $0x6FFFF;
	_ =	strace $0x9000004C  }
0xc8: {  	s29 =	simm.s32 $0xA;
	_ =	strace $0x8000004E  }
0xc9: {  	_ =	swait.ge [sflag:s29], $0x1  }
0xca: {  	[sflag:s29] =	ssyncadd.s32 $0xFFFFFFFF  }
0xcb: {  	_ =	strace $0x9000004E  }
0xcc: {  	_ =	sfence  }
0xcd: {  	s30 =	sld [smem:$0x0];
	_ =	sdelay $0x2  }
0xce: {  	s31 =	sshll.u32 s1, $0xD;
	s1 =	sshrl.u32 s1, $0x2  }
0xcf: {  	s4 =	sand.u32 $0x4000, s31;
	s1 =	sadd.s32 s1, s30  }
0xd0: {  	s0 =	sor.u32 s4, s0;
	s1 =	sshll.u32 s1, $0x11  }
0xd1: {  	s0 =	sor.u32 s1, s0  }
0xd2: {  	s0 =	sadd.s32 $0x8F2B, s0  }
0xd3: {  	[sflag:s0] =	ssyncadd.remote.s32 $0x1  }
0xd4: {  	_ =	sfence.sel $0xFFFF  }
0xd5: {  	[dreg:$0x0] =	wrdreg $0xFFFFFFFF;
	(pc) =	sbr.abs _section_cstart, $3  }
0xd6: {  	[dreg:$0x1] =	wrdreg $0xFFFFFFFF  }
0xd7: {  	_ =	task.clear_ibuf [dreg:s22], $0x2FFFF;
	_ =	strace $0x9FFFFFFF  }
0xd8: {  	(tm) =	ssettm $0x7FFFFFFF  }
0xd9: {  	_ =	shalt  }
tec
execute0_lowered:
.L_overlay_start_1:
0x0: {  	(tag) =	ssettag $0x1  }
0x1: {  	s1 =	rddreg [dreg:$0x0]  }
0x2: {  	s0 =	srdreg.scid;
	s3 =	rddreg [dreg:$0x1]  }
0x3: {  	s2 =	stileid.u32;
	s7 =	rddreg [dreg:$0x2];
	s5 =	simm.s32 $0x0  }
0x4: {  	s12 =	simm.s32 $0x9;
	s14 =	simm.s32 $0x80;
	s15 =	simm.s32 $0x500  }
0x5: {  	s16 =	simm.s32 $0x8500;
	s17 =	simm.s32 $0x4500;
	s18 =	simm.s32 $0xC500  }
0x6: {  	s19 =	simm.s32 $0x1;
	s20 =	simm.s32 $0x3;
	s21 =	simm.s32 $0x2  }
0x7: {  	s22 =	simm.s32 $0x4;
	s0 =	sand.u32 $0x1, s0;
	s2 =	sshll.u32 s2, $0x1  }
0x8: {  	s23 =	simm.s32 $0x5;
	s24 =	simm.s32 $0x7;
	s2 =	sor.u32 s0, s2  }
0x9: {  	s25 =	simm.s32 $0x6;
	s26 =	simm.s32 $0x8;
	s4 =	smul.u32 $0x500, s2  }
0xa: {  	s28 =	simm.s32 $0x0;
	[smem:$0x7FF] =	sst s5;
	s0 =	ssub.s32 $0x2, s0  }
0xb: {  	_ =	strace $0x8000004D;
	s9 =	sshrl.u32 s0, $0x1;
	s6 =	sshrl.u32 s4, $0x3  }
0xc: {  	s10 =	smul.u32 $0x28000, s2;
	s0 =	ssub.s32 s0, s9;
	s8 =	sadd.s32 s6, s7  }
0xd: {  	s11 =	smax.u32 s0, $0x1;
	s6 =	sadd.s32 $0xEA00, s7;
	s31 =	sadd.s32 $0xC200, s8  }
0xe: {  	s7 =	sadd.s32 $0xAEA00, s7;
	s9 =	sadd.s32 $0x8600, s8;
	[dreg:$0x4] =	wrdreg s31  }
.LBB2_1:
0xf: {  	s0 =	rddreg [dreg:$0x4]  }
0x10: {  	[tilespmem:s5], [sflag:$0x9] =	stream.linear.gather [hbm4b:s0+s5], $0x500, $0x38;
	[tilespmem:$0x10A00] =	vst v63  }
0x11: {  	_ =	swait.ge [sflag:s12], $0x500  }
0x12: {  	[sflag:s12] =	ssyncset.done $0x0  }
0x13: {  	s31 =	simm.s32 $0x10500;
	[sflag:s12] =	ssyncadd.s32 $0xFFFFFB00  }
0x14: {  	[tilespmem:s31], [sflag:$0x9] =	stream.linear.gather [hbm4b:s9+s5], $0x500, $0x38;
	[tilespmem:$0x10A00] =	vst v63  }
0x15: {  	_ =	swait.ge [sflag:s12], $0x500  }
0x16: {  	[sflag:s12] =	ssyncset.done $0x0  }
0x17: {  	s29 =	simm.s32 $0x0;
	[sflag:s12] =	ssyncadd.s32 $0xFFFFFB00  }
.LBB2_2:
0x18: {  	s0 =	sshll.u32 s29, $0x8;
	s30 =	sshllo.u32 s29, $0x1  }
0x19: {  	[tilespmem:s15], [sflag:$0x1] =	stream.indirect.gather [hbm4b:s1+s14], $0x80, s0, s14, $0xb8;
	[tilespmem:$0x10A00] =	vst v63  }
0x1a: {  	s2 =	sshll.u32 s30, $0x9  }
0x1b: {  	[tilespmem:s16], [sflag:$0x3] =	stream.indirect.gather [hbm4b:s3+s14], $0x80, s0, s14, $0xb8;
	[tilespmem:$0x10A00] =	vst v63  }
0x1c: {  	s31 =	sshrl.u32 s2, $0x2  }
0x1d: {  	[tilespmem:s17], [sflag:$0x2] =	stream.indirect.gather [hbm4b:s1+s14], $0x80, s31, s14, $0xb8;
	[tilespmem:$0x10A00] =	vst v63  }
0x1e: {  	_ = 	snop  }
0x1f: {  	[tilespmem:s18], [sflag:$0x4] =	stream.indirect.gather [hbm4b:s3+s14], $0x80, s31, s14, $0xb8;
	[tilespmem:$0x10A00] =	vst v63  }
0x20: {  	_ =	swait.ge [sflag:s19], $0x4000  }
0x21: {  	s8 =	sand.u32 $0x3FFFFF00, s0;
	[sflag:s19] =	ssyncset.done $0x0  }
0x22: {  	s2 =	sadd.s32 $0x10500, s8;
	[sflag:s19] =	ssyncadd.s32 $0xFFFFC000  }
0x23: {  	s0 =	sadd.s32 s4, s0;
	v0 =	vmov s2;
	_ =	swait.ge [sflag:s20], $0x4000  }
0x24: {  	s2 =	sshll.u32 s0, $0x4;
	[sflag:s20] =	ssyncset.done $0x0  }
0x25: {  	s8 =	simm.s32 $0x0;
	s0 =	sadd.s32 s6, s2;
	[sflag:s20] =	ssyncadd.s32 $0xFFFFC000  }
0x26: {  	[hbm4b:s0+s8] =	stream.linear.scatter [tilespmem:s15], [sflag:$0x5], $0x4000, $0x38;
	[tilespmem:$0x10A00] =	vst v63  }
0x27: {  	s8 =	sand.u32 $0x70, s8  }
0x28: {  	s0 =	simm.s32 $0x8700;
	v1 =	vld.idx.msk [tilespmem:v0+s8+$0x0 ss:$0x1], $0xffff  }
0x29: {  	v2 =	vld [tilespmem:s0+$0xFFFFFE00];
	_ =	sdelay $0x4  }
0x2a: {  	v1 =	vsub.f32 v2, v1;
	_ =	sdelay $0x1  }
0x2b: {  	v2 =	vld [tilespmem:s0+$0xFFFFFE80];
	[tilespmem:s0+$0xFFFFFE00] =	vst v1  }
0x2c: {  	v1 =	vld.idx.msk [tilespmem:v0+s8+$0x0 ss:$0x1], $0xffff;
	_ =	sdelay $0x4  }
0x2d: {  	v1 =	vsub.f32 v2, v1;
	_ =	sdelay $0x1  }
0x2e: {  	v2 =	vld [tilespmem:s0+$0xFFFFFF00];
	[tilespmem:s0+$0xFFFFFE80] =	vst v1  }
0x2f: {  	v1 =	vld.idx.msk [tilespmem:v0+s8+$0x0 ss:$0x1], $0xffff;
	_ =	sdelay $0x4  }
0x30: {  	v1 =	vsub.f32 v2, v1;
	_ =	sdelay $0x1  }
0x31: {  	v2 =	vld [tilespmem:s0+$0xFFFFFF80];
	[tilespmem:s0+$0xFFFFFF00] =	vst v1  }
0x32: {  	v1 =	vld.idx.msk [tilespmem:v0+s8+$0x0 ss:$0x1], $0xffff;
	_ =	sdelay $0x4  }
0x33: {  	v1 =	vsub.f32 v2, v1;
	_ =	sdelay $0x1  }
0x34: {  	v2 =	vld [tilespmem:s0+$0x0];
	[tilespmem:s0+$0xFFFFFF80] =	vst v1  }
0x35: {  	v1 =	vld.idx.msk [tilespmem:v0+s8+$0x0 ss:$0x1], $0xffff;
	_ =	sdelay $0x4  }
0x36: {  	v1 =	vsub.f32 v2, v1;
	_ =	sdelay $0x1  }
0x37: {  	v2 =	vld [tilespmem:s0+$0x80];
	[tilespmem:s0+$0x0] =	vst v1  }
0x38: {  	v1 =	vld.idx.msk [tilespmem:v0+s8+$0x0 ss:$0x1], $0xffff;
	_ =	sdelay $0x4  }
0x39: {  	v1 =	vsub.f32 v2, v1;
	_ =	sdelay $0x1  }
0x3a: {  	v2 =	vld [tilespmem:s0+$0x100];
	[tilespmem:s0+$0x80] =	vst v1  }
0x3b: {  	v1 =	vld.idx.msk [tilespmem:v0+s8+$0x0 ss:$0x1], $0xffff;
	_ =	sdelay $0x4  }
0x3c: {  	v1 =	vsub.f32 v2, v1;
	_ =	sdelay $0x1  }
0x3d: {  	v2 =	vld [tilespmem:s0+$0x180];
	[tilespmem:s0+$0x100] =	vst v1  }
0x3e: {  	v1 =	vld.idx.msk [tilespmem:v0+s8+$0x0 ss:$0x1], $0xffff;
	_ =	sdelay $0x4  }
0x3f: {  	v1 =	vsub.f32 v2, v1  }
0x40: {  	s13 =	simm.s32 $0x8  }
0x41: {  	s13 =	sand.u32 $0x70, s13;
	s8 =	simm.s32 $0x10;
	[tilespmem:s0+$0x180] =	vst v1  }
.LBB2_3:
0x42: {  	p0 =	sne.s32 s8, $0x78;
	v1 =	vld.idx.msk [tilespmem:v0+s13+$0x0 ss:$0x1], $0xffff;
	s0 =	sadd.s32 $0x400, s0  }
0x43: {  	v2 =	vld [tilespmem:s0+$0xFFFFFE00];
	_ =	sdelay $0x4  }
0x44: {  	v1 =	vsub.f32 v2, v1;
	_ =	sdelay $0x1  }
0x45: {  	[tilespmem:s0+$0xFFFFFE00] =	vst v1  }
0x46: {  	v1 =	vld.idx.msk [tilespmem:v0+s13+$0x0 ss:$0x1], $0xffff  }
0x47: {  	v2 =	vld [tilespmem:s0+$0xFFFFFE80];
	_ =	sdelay $0x4  }
0x48: {  	v1 =	vsub.f32 v2, v1;
	_ =	sdelay $0x1  }
0x49: {  	[tilespmem:s0+$0xFFFFFE80] =	vst v1  }
0x4a: {  	v1 =	vld.idx.msk [tilespmem:v0+s13+$0x0 ss:$0x1], $0xffff  }
0x4b: {  	v2 =	vld [tilespmem:s0+$0xFFFFFF00];
	_ =	sdelay $0x4  }
0x4c: {  	v1 =	vsub.f32 v2, v1;
	_ =	sdelay $0x1  }
0x4d: {  	[tilespmem:s0+$0xFFFFFF00] =	vst v1  }
0x4e: {  	v1 =	vld.idx.msk [tilespmem:v0+s13+$0x0 ss:$0x1], $0xffff  }
0x4f: {  	v2 =	vld [tilespmem:s0+$0xFFFFFF80];
	_ =	sdelay $0x4  }
0x50: {  	v1 =	vsub.f32 v2, v1;
	_ =	sdelay $0x1  }
0x51: {  	[tilespmem:s0+$0xFFFFFF80] =	vst v1  }
0x52: {  	v1 =	vld.idx.msk [tilespmem:v0+s13+$0x0 ss:$0x1], $0xffff  }
0x53: {  	v2 =	vld [tilespmem:s0+$0x0];
	_ =	sdelay $0x4  }
0x54: {  	v1 =	vsub.f32 v2, v1;
	_ =	sdelay $0x1  }
0x55: {  	[tilespmem:s0+$0x0] =	vst v1  }
0x56: {  	v1 =	vld.idx.msk [tilespmem:v0+s13+$0x0 ss:$0x1], $0xffff  }
0x57: {  	v2 =	vld [tilespmem:s0+$0x80];
	_ =	sdelay $0x4  }
0x58: {  	v1 =	vsub.f32 v2, v1;
	_ =	sdelay $0x1  }
0x59: {  	[tilespmem:s0+$0x80] =	vst v1  }
0x5a: {  	v1 =	vld.idx.msk [tilespmem:v0+s13+$0x0 ss:$0x1], $0xffff  }
0x5b: {  	v2 =	vld [tilespmem:s0+$0x100];
	_ =	sdelay $0x4  }
0x5c: {  	v1 =	vsub.f32 v2, v1;
	_ =	sdelay $0x1  }
0x5d: {  	[tilespmem:s0+$0x100] =	vst v1  }
0x5e: {  	v1 =	vld.idx.msk [tilespmem:v0+s13+$0x0 ss:$0x1], $0xffff  }
0x5f: {  	v2 =	vld [tilespmem:s0+$0x180];
	_ =	sdelay $0x2  }
.Ltmp0:
0x60: {  	(pc) =	sbr.rel @p0 .LBB2_3-.Ltmp0, $3  }
0x61: {  	_ = 	snop  }
0x62: {  	v1 =	vsub.f32 v2, v1;
	_ =	sdelay $0x1  }
0x63: {  	s13 =	sand.u32 $0x70, s8;
	s8 =	sadd.s32 $0x8, s8;
	[tilespmem:s0+$0x180] =	vst v1  }
0x64: {  	_ =	sdelay $0x3  }
0x65: {  	v1 =	vld.idx.msk [tilespmem:v0+s13+$0x0 ss:$0x1], $0xffff;
	s0 =	sadd.s32 $0x400, s0  }
0x66: {  	v2 =	vld [tilespmem:s0+$0xFFFFFE00];
	_ =	sdelay $0x4  }
0x67: {  	v1 =	vsub.f32 v2, v1;
	_ =	sdelay $0x1  }
0x68: {  	v2 =	vld [tilespmem:s0+$0xFFFFFE80];
	[tilespmem:s0+$0xFFFFFE00] =	vst v1  }
0x69: {  	v1 =	vld.idx.msk [tilespmem:v0+s13+$0x0 ss:$0x1], $0xffff;
	_ =	sdelay $0x4  }
0x6a: {  	v1 =	vsub.f32 v2, v1;
	_ =	sdelay $0x1  }
0x6b: {  	v2 =	vld [tilespmem:s0+$0xFFFFFF00];
	[tilespmem:s0+$0xFFFFFE80] =	vst v1  }
0x6c: {  	v1 =	vld.idx.msk [tilespmem:v0+s13+$0x0 ss:$0x1], $0xffff;
	_ =	sdelay $0x4  }
0x6d: {  	v1 =	vsub.f32 v2, v1;
	_ =	sdelay $0x1  }
0x6e: {  	v2 =	vld [tilespmem:s0+$0xFFFFFF80];
	[tilespmem:s0+$0xFFFFFF00] =	vst v1  }
0x6f: {  	v1 =	vld.idx.msk [tilespmem:v0+s13+$0x0 ss:$0x1], $0xffff;
	_ =	sdelay $0x4  }
0x70: {  	v1 =	vsub.f32 v2, v1;
	_ =	sdelay $0x1  }
0x71: {  	v2 =	vld [tilespmem:s0+$0x0];
	[tilespmem:s0+$0xFFFFFF80] =	vst v1  }
0x72: {  	v1 =	vld.idx.msk [tilespmem:v0+s13+$0x0 ss:$0x1], $0xffff;
	_ =	sdelay $0x4  }
0x73: {  	v1 =	vsub.f32 v2, v1;
	_ =	sdelay $0x1  }
0x74: {  	v2 =	vld [tilespmem:s0+$0x80];
	[tilespmem:s0+$0x0] =	vst v1  }
0x75: {  	v1 =	vld.idx.msk [tilespmem:v0+s13+$0x0 ss:$0x1], $0xffff;
	_ =	sdelay $0x4  }
0x76: {  	v1 =	vsub.f32 v2, v1;
	_ =	sdelay $0x1  }
0x77: {  	v2 =	vld [tilespmem:s0+$0x100];
	[tilespmem:s0+$0x80] =	vst v1  }
0x78: {  	v1 =	vld.idx.msk [tilespmem:v0+s13+$0x0 ss:$0x1], $0xffff;
	_ =	sdelay $0x4  }
0x79: {  	v1 =	vsub.f32 v2, v1;
	_ =	sdelay $0x1  }
0x7a: {  	[tilespmem:s0+$0x100] =	vst v1;
	v1 =	vld [tilespmem:s0+$0x180]  }
0x7b: {  	v0 =	vld.idx.msk [tilespmem:v0+s13+$0x0 ss:$0x1], $0xffff;
	_ =	sdelay $0x4  }
0x7c: {  	v0 =	vsub.f32 v1, v0;
	_ =	sdelay $0x1  }
0x7d: {  	s2 =	sadd.s32 s7, s2;
	s8 =	simm.s32 $0x0;
	[tilespmem:s0+$0x180] =	vst v0  }
0x7e: {  	[hbm4b:s2+s8] =	stream.linear.scatter [tilespmem:s16], [sflag:$0x7], $0x4000, $0x38;
	[tilespmem:$0x10A00] =	vst v63  }
0x7f: {  	_ =	swait.ge [sflag:s21], $0x4000  }
0x80: {  	[sflag:s21] =	ssyncset.done $0x0  }
0x81: {  	s13 =	sshll.u32 s30, $0xE;
	s30 =	sadd.s32 $0x10500, s31;
	[sflag:s21] =	ssyncadd.s32 $0xFFFFC000  }
0x82: {  	s0 =	sadd.s32 s10, s13;
	v0 =	vmov s30;
	_ =	swait.ge [sflag:s22], $0x4000  }
0x83: {  	s2 =	sshrl.u32 s0, $0x3;
	[sflag:s22] =	ssyncset.done $0x0  }
0x84: {  	s0 =	sadd.s32 s6, s2;
	[sflag:s22] =	ssyncadd.s32 $0xFFFFC000  }
0x85: {  	[hbm4b:s0+s8] =	stream.linear.scatter [tilespmem:s17], [sflag:$0x6], $0x4000, $0x38;
	[tilespmem:$0x10A00] =	vst v63  }
0x86: {  	s8 =	sand.u32 $0x70, s8  }
0x87: {  	s0 =	simm.s32 $0xC700;
	v1 =	vld.idx.msk [tilespmem:v0+s8+$0x0 ss:$0x1], $0xffff  }
0x88: {  	v2 =	vld [tilespmem:s0+$0xFFFFFE00];
	_ =	sdelay $0x4  }
0x89: {  	v1 =	vsub.f32 v2, v1;
	_ =	sdelay $0x1  }
0x8a: {  	v2 =	vld [tilespmem:s0+$0xFFFFFE80];
	[tilespmem:s0+$0xFFFFFE00] =	vst v1  }
0x8b: {  	v1 =	vld.idx.msk [tilespmem:v0+s8+$0x0 ss:$0x1], $0xffff;
	_ =	sdelay $0x4  }
0x8c: {  	v1 =	vsub.f32 v2, v1;
	_ =	sdelay $0x1  }
0x8d: {  	v2 =	vld [tilespmem:s0+$0xFFFFFF00];
	[tilespmem:s0+$0xFFFFFE80] =	vst v1  }
0x8e: {  	v1 =	vld.idx.msk [tilespmem:v0+s8+$0x0 ss:$0x1], $0xffff;
	_ =	sdelay $0x4  }
0x8f: {  	v1 =	vsub.f32 v2, v1;
	_ =	sdelay $0x1  }
0x90: {  	v2 =	vld [tilespmem:s0+$0xFFFFFF80];
	[tilespmem:s0+$0xFFFFFF00] =	vst v1  }
0x91: {  	v1 =	vld.idx.msk [tilespmem:v0+s8+$0x0 ss:$0x1], $0xffff;
	_ =	sdelay $0x4  }
0x92: {  	v1 =	vsub.f32 v2, v1;
	_ =	sdelay $0x1  }
0x93: {  	v2 =	vld [tilespmem:s0+$0x0];
	[tilespmem:s0+$0xFFFFFF80] =	vst v1  }
0x94: {  	v1 =	vld.idx.msk [tilespmem:v0+s8+$0x0 ss:$0x1], $0xffff;
	_ =	sdelay $0x4  }
0x95: {  	v1 =	vsub.f32 v2, v1;
	_ =	sdelay $0x1  }
0x96: {  	v2 =	vld [tilespmem:s0+$0x80];
	[tilespmem:s0+$0x0] =	vst v1  }
0x97: {  	v1 =	vld.idx.msk [tilespmem:v0+s8+$0x0 ss:$0x1], $0xffff;
	_ =	sdelay $0x4  }
0x98: {  	v1 =	vsub.f32 v2, v1;
	_ =	sdelay $0x1  }
0x99: {  	v2 =	vld [tilespmem:s0+$0x100];
	[tilespmem:s0+$0x80] =	vst v1  }
0x9a: {  	v1 =	vld.idx.msk [tilespmem:v0+s8+$0x0 ss:$0x1], $0xffff;
	_ =	sdelay $0x4  }
0x9b: {  	v1 =	vsub.f32 v2, v1;
	_ =	sdelay $0x1  }
0x9c: {  	v2 =	vld [tilespmem:s0+$0x180];
	[tilespmem:s0+$0x100] =	vst v1  }
0x9d: {  	v1 =	vld.idx.msk [tilespmem:v0+s8+$0x0 ss:$0x1], $0xffff;
	_ =	sdelay $0x4  }
0x9e: {  	v1 =	vsub.f32 v2, v1  }
0x9f: {  	s31 =	simm.s32 $0x8  }
0xa0: {  	s13 =	sand.u32 $0x70, s31;
	s8 =	simm.s32 $0x10;
	[tilespmem:s0+$0x180] =	vst v1  }
.LBB2_5:
0xa1: {  	p0 =	sne.s32 s8, $0x78;
	v1 =	vld.idx.msk [tilespmem:v0+s13+$0x0 ss:$0x1], $0xffff;
	s0 =	sadd.s32 $0x400, s0  }
0xa2: {  	v2 =	vld [tilespmem:s0+$0xFFFFFE00];
	_ =	sdelay $0x4  }
0xa3: {  	v1 =	vsub.f32 v2, v1;
	_ =	sdelay $0x1  }
0xa4: {  	[tilespmem:s0+$0xFFFFFE00] =	vst v1  }
0xa5: {  	v1 =	vld.idx.msk [tilespmem:v0+s13+$0x0 ss:$0x1], $0xffff  }
0xa6: {  	v2 =	vld [tilespmem:s0+$0xFFFFFE80];
	_ =	sdelay $0x4  }
0xa7: {  	v1 =	vsub.f32 v2, v1;
	_ =	sdelay $0x1  }
0xa8: {  	[tilespmem:s0+$0xFFFFFE80] =	vst v1  }
0xa9: {  	v1 =	vld.idx.msk [tilespmem:v0+s13+$0x0 ss:$0x1], $0xffff  }
0xaa: {  	v2 =	vld [tilespmem:s0+$0xFFFFFF00];
	_ =	sdelay $0x4  }
0xab: {  	v1 =	vsub.f32 v2, v1;
	_ =	sdelay $0x1  }
0xac: {  	[tilespmem:s0+$0xFFFFFF00] =	vst v1  }
0xad: {  	v1 =	vld.idx.msk [tilespmem:v0+s13+$0x0 ss:$0x1], $0xffff  }
0xae: {  	v2 =	vld [tilespmem:s0+$0xFFFFFF80];
	_ =	sdelay $0x4  }
0xaf: {  	v1 =	vsub.f32 v2, v1;
	_ =	sdelay $0x1  }
0xb0: {  	[tilespmem:s0+$0xFFFFFF80] =	vst v1  }
0xb1: {  	v1 =	vld.idx.msk [tilespmem:v0+s13+$0x0 ss:$0x1], $0xffff  }
0xb2: {  	v2 =	vld [tilespmem:s0+$0x0];
	_ =	sdelay $0x4  }
0xb3: {  	v1 =	vsub.f32 v2, v1;
	_ =	sdelay $0x1  }
0xb4: {  	[tilespmem:s0+$0x0] =	vst v1  }
0xb5: {  	v1 =	vld.idx.msk [tilespmem:v0+s13+$0x0 ss:$0x1], $0xffff  }
0xb6: {  	v2 =	vld [tilespmem:s0+$0x80];
	_ =	sdelay $0x4  }
0xb7: {  	v1 =	vsub.f32 v2, v1;
	_ =	sdelay $0x1  }
0xb8: {  	[tilespmem:s0+$0x80] =	vst v1  }
0xb9: {  	v1 =	vld.idx.msk [tilespmem:v0+s13+$0x0 ss:$0x1], $0xffff  }
0xba: {  	v2 =	vld [tilespmem:s0+$0x100];
	_ =	sdelay $0x4  }
0xbb: {  	v1 =	vsub.f32 v2, v1;
	_ =	sdelay $0x1  }
0xbc: {  	[tilespmem:s0+$0x100] =	vst v1  }
0xbd: {  	v1 =	vld.idx.msk [tilespmem:v0+s13+$0x0 ss:$0x1], $0xffff  }
0xbe: {  	v2 =	vld [tilespmem:s0+$0x180];
	_ =	sdelay $0x2  }
.Ltmp1:
0xbf: {  	(pc) =	sbr.rel @p0 .LBB2_5-.Ltmp1, $3  }
0xc0: {  	_ = 	snop  }
0xc1: {  	v1 =	vsub.f32 v2, v1;
	_ =	sdelay $0x1  }
0xc2: {  	s13 =	sand.u32 $0x70, s8;
	s8 =	sadd.s32 $0x8, s8;
	[tilespmem:s0+$0x180] =	vst v1  }
0xc3: {  	_ =	sdelay $0x3  }
0xc4: {  	v1 =	vld.idx.msk [tilespmem:v0+s13+$0x0 ss:$0x1], $0xffff;
	s0 =	sadd.s32 $0x400, s0  }
0xc5: {  	v2 =	vld [tilespmem:s0+$0xFFFFFE00];
	_ =	sdelay $0x4  }
0xc6: {  	v1 =	vsub.f32 v2, v1;
	_ =	sdelay $0x1  }
0xc7: {  	v56 =	vld [tilespmem:s0+$0xFFFFFE80];
	[tilespmem:s0+$0xFFFFFE00] =	vst v1  }
0xc8: {  	v1 =	vld.idx.msk [tilespmem:v0+s13+$0x0 ss:$0x1], $0xffff;
	_ =	sdelay $0x4  }
0xc9: {  	v1 =	vsub.f32 v56, v1;
	_ =	sdelay $0x1  }
0xca: {  	v57 =	vld [tilespmem:s0+$0xFFFFFF00];
	[tilespmem:s0+$0xFFFFFE80] =	vst v1  }
0xcb: {  	v1 =	vld.idx.msk [tilespmem:v0+s13+$0x0 ss:$0x1], $0xffff;
	_ =	sdelay $0x4  }
0xcc: {  	v1 =	vsub.f32 v57, v1;
	_ =	sdelay $0x1  }
0xcd: {  	v58 =	vld [tilespmem:s0+$0xFFFFFF80];
	[tilespmem:s0+$0xFFFFFF00] =	vst v1  }
0xce: {  	v1 =	vld.idx.msk [tilespmem:v0+s13+$0x0 ss:$0x1], $0xffff;
	_ =	sdelay $0x4  }
0xcf: {  	v1 =	vsub.f32 v58, v1;
	_ =	sdelay $0x1  }
0xd0: {  	v59 =	vld [tilespmem:s0+$0x0];
	[tilespmem:s0+$0xFFFFFF80] =	vst v1  }
0xd1: {  	v1 =	vld.idx.msk [tilespmem:v0+s13+$0x0 ss:$0x1], $0xffff;
	_ =	sdelay $0x4  }
0xd2: {  	v1 =	vsub.f32 v59, v1;
	_ =	sdelay $0x1  }
0xd3: {  	v60 =	vld [tilespmem:s0+$0x80];
	[tilespmem:s0+$0x0] =	vst v1  }
0xd4: {  	v1 =	vld.idx.msk [tilespmem:v0+s13+$0x0 ss:$0x1], $0xffff;
	_ =	sdelay $0x4  }
0xd5: {  	v1 =	vsub.f32 v60, v1;
	_ =	sdelay $0x1  }
0xd6: {  	v61 =	vld [tilespmem:s0+$0x100];
	[tilespmem:s0+$0x80] =	vst v1  }
0xd7: {  	v1 =	vld.idx.msk [tilespmem:v0+s13+$0x0 ss:$0x1], $0xffff;
	_ =	sdelay $0x4  }
0xd8: {  	v1 =	vsub.f32 v61, v1;
	_ =	sdelay $0x1  }
0xd9: {  	v63 =	vld [tilespmem:s0+$0x180];
	[tilespmem:s0+$0x100] =	vst v1  }
0xda: {  	v62 =	vld.idx.msk [tilespmem:v0+s13+$0x0 ss:$0x1], $0xffff;
	_ =	sdelay $0x4  }
0xdb: {  	v0 =	vsub.f32 v63, v62;
	_ =	sdelay $0x1  }
0xdc: {  	s31 =	sadd.s32 s7, s2;
	[tilespmem:s0+$0x180] =	vst v0  }
0xdd: {  	[hbm4b:s31+s5] =	stream.linear.scatter [tilespmem:s18], [sflag:$0x8], $0x4000, $0x38;
	[tilespmem:$0x10A00] =	vst v63  }
0xde: {  	_ =	swait.ge [sflag:s23], $0x4000  }
0xdf: {  	[sflag:s23] =	ssyncset.done $0x0  }
0xe0: {  	[sflag:s23] =	ssyncadd.s32 $0xFFFFC000  }
0xe1: {  	_ =	swait.ge [sflag:s24], $0x4000  }
0xe2: {  	[sflag:s24] =	ssyncset.done $0x0  }
0xe3: {  	s29 =	sadd.s32 $0x1, s29;
	[sflag:s24] =	ssyncadd.s32 $0xFFFFC000  }
0xe4: {  	p0 =	sne.s32 s29, $0x5;
	_ =	swait.ge [sflag:s25], $0x4000  }
.Ltmp2:
0xe5: {  	[sflag:s25] =	ssyncset.done $0x0;
	(pc) =	sbr.rel @p0 .LBB2_2-.Ltmp2, $4  }
0xe6: {  	[sflag:s25] =	ssyncadd.s32 $0xFFFFC000  }
0xe7: {  	_ =	swait.ge [sflag:s26], $0x4000  }
0xe8: {  	[sflag:s26] =	ssyncset.done $0x0  }
0xe9: {  	[sflag:s26] =	ssyncadd.s32 $0xFFFFC000  }
0xea: {  	s28 =	sadd.s32 $0x1, s28  }
0xeb: {  	p0 =	sne.s32 s28, s11  }
.Ltmp3:
0xec: {  	_ = 	snop;
	(pc) =	sbr.rel @p0 .LBB2_1-.Ltmp3, $1  }
0xed: {  	_ =	sdelay $0x3  }
0xee: {  	_ =	sfence.sel $0x180000  }
0xef: {  	[bflag:$0x0] =	sbarrier.arrive $0xFFFF  }
0xf0: {  	_ =	strace $0x9000004D  }
0xf1: {  	s0 =	stileid.u32;
	[bflag:$0x2] =	sbarrier.arrive $0xFFFF  }
0xf2: {  	p0 =	sne.s32 s0, $0x0;
	s0 =	rddreg [dreg:$0x3]  }
0xf3: {  	s0 =	sadd.s32 @!p0 $0x100000, s0  }
0xf4: {  	[sflag:s0] =	ssyncadd.tile.s32 @!p0 $0x1;
	_ =	shalt  }
.Lfunc_end2:
_tile_overlayer_lowered:
.L_overlay_start_2:
0xf5: {  	(tag) =	ssettag $0x2  }
0xf6: {  	s0 =	rddreg [dreg:$0x0];
	s2 =	stileid.u32  }
0xf7: {  	s1 =	rddreg [dreg:$0x1];
	p0 =	sne.s32 s2, $0x0  }
0xf8: {  	s3 =	rddreg [dreg:$0x2];
	[bflag:$0x3] =	sbarrier.arrive $0xFFFF;
	s2 =	simm.s32 @!p0 $0x1C09  }
0xf9: {  	[timem:s3], [sflag:s2] =	dma.local @!p0 [hbm:s0], s1  }
0xfa: {  	s0 =	simm.s32 @!p0 $0x9  }
0xfb: {  	_ =	swait.ge @!p0 [sflag:s0], s1  }
0xfc: {  	s1 =	ssub.s32 @!p0 $0x0, s1;
	[sflag:s0] =	ssyncset.done @!p0 $0x0  }
0xfd: {  	[sflag:s0] =	ssyncadd.s32 @!p0 s1  }
0xfe: {  	[bflag:$0x3] =	sbarrier.arrive $0xFFFF  }
0xff: {  	_ =	shalt  }

</sc_bundles>
